<compile_context>
chip_gen: v7x
topology: tpu7x:2x2x1
jax: 0.10.2.dev20260603
libtpu: 0.0.44.dev20260713+nightly
codegen_flags: <defaults>
</compile_context>

<pallas_src>
import jax
import jax.numpy as jnp
from jax import lax
from jax.experimental import pallas as pl
from jax.experimental.pallas import tpu as pltpu
from jax.experimental.pallas import tpu_sc as plsc

L = 16
NC, NS = 2, 16
NW = NC * NS
EMBED2 = 256
DEG = 64
NREL = 3
CHUNKS = EMBED2 // L


def _kernel_body(nodes_hbm, feat_hbm, n1_hbm, n2_hbm, n3_hbm,
                 alphat_hbm, out_hbm, nodes_v, n1_v, n2_v, n3_v, alphat_v,
                 w1_v, g0, g1, g2, seed_v, stage_v, s0, s1, s2, s_seed):
    npw = nodes_v.shape[0]
    wid = lax.axis_index("s") * NC + lax.axis_index("c")
    base = wid * npw
    gbufs = (g0, g1, g2)
    sems = (s0, s1, s2)
    slabs = (n1_v, n2_v, n3_v)

    pltpu.sync_copy(nodes_hbm.at[pl.ds(base, npw)], nodes_v)
    pltpu.sync_copy(n1_hbm.at[pl.ds(base, npw)], n1_v)
    pltpu.sync_copy(n2_hbm.at[pl.ds(base, npw)], n2_v)
    pltpu.sync_copy(n3_hbm.at[pl.ds(base, npw)], n3_v)
    pltpu.sync_copy(alphat_hbm, alphat_v)

    pltpu.async_copy(feat_hbm.at[nodes_v], seed_v, s_seed)

    def fire(i, r):
        pltpu.async_copy(feat_hbm.at[slabs[r].at[i]], gbufs[r], sems[r])

    for r in range(NREL):
        fire(0, r)

    inv_deg = jnp.float32(1.0 / DEG)
    for c in range(CHUNKS):
        a0 = alphat_v[0, pl.ds(c * L, L)]
        a1 = alphat_v[1, pl.ds(c * L, L)]
        a2 = alphat_v[2, pl.ds(c * L, L)]
        m = jnp.maximum(jnp.maximum(a0, a1), a2)
        e0 = jnp.exp(a0 - m)
        e1 = jnp.exp(a1 - m)
        e2 = jnp.exp(a2 - m)
        w1_v[pl.ds(c * L, L)] = (e1 / (e0 + e1 + e2)) * inv_deg

    pltpu.make_async_copy(feat_hbm.at[nodes_v], seed_v, s_seed).wait()

    def node_body(i, carry):
        accs = [jnp.zeros((L,), jnp.float32) for _ in range(CHUNKS)]
        for r in range(NREL):
            pltpu.make_async_copy(feat_hbm.at[slabs[r].at[i]], gbufs[r],
                                  sems[r]).wait()
            buf = gbufs[r]

            def red_body(t, acc, buf=buf):
                acc = list(acc)
                for rr in range(8):
                    row = t * 8 + rr
                    for c in range(CHUNKS):
                        acc[c] = acc[c] + buf[row, pl.ds(c * L, L)]
                return tuple(acc)

            accs = list(lax.fori_loop(0, DEG // 8, red_body, tuple(accs)))

            @pl.when(i + 1 < npw)
            def _():
                fire(i + 1, r)

        for c in range(CHUNKS):
            stage_v[i, pl.ds(c * L, L)] = seed_v[i, pl.ds(c * L, L)]
            stage_v[i, pl.ds(EMBED2 + c * L, L)] = (
                accs[c] * w1_v[pl.ds(c * L, L)])
        return carry

    lax.fori_loop(0, npw, node_body, 0)

    pltpu.sync_copy(stage_v, out_hbm.at[pl.ds(base, npw)])


def kernel(nodes, features, neigh_r1, neigh_r2, neigh_r3, alpha):
    batch = nodes.shape[0]
    npw = batch // NW
    alphat = jnp.transpose(alpha)

    k = pl.kernel(
        _kernel_body,
        out_type=jax.ShapeDtypeStruct((batch, 2 * EMBED2), jnp.float32),
        mesh=plsc.VectorSubcoreMesh(core_axis_name="c", subcore_axis_name="s"),
        scratch_types=[
            pltpu.VMEM((npw,), jnp.int32),
            pltpu.VMEM((npw, DEG), jnp.int32),
            pltpu.VMEM((npw, DEG), jnp.int32),
            pltpu.VMEM((npw, DEG), jnp.int32),
            pltpu.VMEM((NREL, EMBED2), jnp.float32),
            pltpu.VMEM((EMBED2,), jnp.float32),
            pltpu.VMEM((DEG, EMBED2), jnp.float32),
            pltpu.VMEM((DEG, EMBED2), jnp.float32),
            pltpu.VMEM((DEG, EMBED2), jnp.float32),
            pltpu.VMEM((npw, EMBED2), jnp.float32),
            pltpu.VMEM((npw, 2 * EMBED2), jnp.float32),
            pltpu.SemaphoreType.DMA,
            pltpu.SemaphoreType.DMA,
            pltpu.SemaphoreType.DMA,
            pltpu.SemaphoreType.DMA,
        ],
    )
    return k(nodes, features, neigh_r1, neigh_r2, neigh_r3, alphat)

# --- scband reference (transcript-rebuilt; emitter-appended) ---
"""Pipeline reference for scband-inter-agg-30202210025901 (READ-ONLY COPY).

The authoritative reference and input builder live on the scoring server;
editing this copy changes nothing except your own understanding.
"""

import jax, jax.numpy as jnp
import numpy as np

EMBED_DIM = 128
ED2 = 2 * EMBED_DIM
N_NODES = 50000
BATCH = 1024
DEG = 64
NUM_RELATIONS = 3


def setup_inputs(seed: int = 0) -> dict:
    key = jax.random.key(seed)
    k1, k2, k3, k4, k5, k6 = jax.random.split(key, 6)
    features = jax.random.normal(k1, (N_NODES, ED2), dtype=jnp.float32)
    nodes = jax.random.randint(k2, (BATCH,), 0, N_NODES, dtype=jnp.int32)
    neigh_r1 = jax.random.randint(k3, (BATCH, DEG), 0, N_NODES, dtype=jnp.int32)
    neigh_r2 = jax.random.randint(k4, (BATCH, DEG), 0, N_NODES, dtype=jnp.int32)
    neigh_r3 = jax.random.randint(k5, (BATCH, DEG), 0, N_NODES, dtype=jnp.int32)
    # alpha parameter, glorot-uniform init like the keras layer: shape (embed_dim*2, 3)
    lim = float(np.sqrt(6.0 / (ED2 + NUM_RELATIONS)))
    alpha = jax.random.uniform(k6, (ED2, NUM_RELATIONS), minval=-lim, maxval=lim, dtype=jnp.float32)
    return {"nodes": nodes, "features": features, "neigh_r1": neigh_r1,
            "neigh_r2": neigh_r2, "neigh_r3": neigh_r3, "alpha": alpha}


def _weight_inter_agg(num_relations, neighbor_features, embed_dim, alpha, batch_size):
    # Faithful translation of weight_inter_agg, INCLUDING the original's use of
    # W[:, 1] inside the loop for every relation (a quirk of the source code).
    neighbor_features_T = jnp.transpose(neighbor_features)  # (embed_dim, 3*B)
    W = jax.nn.softmax(alpha, axis=1)  # (embed_dim, 3)
    weighted_sum = jnp.zeros((embed_dim, batch_size), dtype=jnp.float32)
    for r in range(num_relations):
        temp = jnp.repeat(jnp.reshape(W[:, 1], (embed_dim, 1)), repeats=batch_size, axis=1)
        weighted_sum = weighted_sum + temp * neighbor_features_T[:, r * batch_size:(r + 1) * batch_size]
    return jnp.transpose(weighted_sum)  # (B, embed_dim)


def _intra_agg(features, neigh_idx):
    # Mean aggregation of gathered neighbor features (SparseCore-friendly gather + reduce).
    neigh_feats = jnp.take(features, neigh_idx, axis=0)  # (B, DEG, ED2)
    return jnp.mean(neigh_feats, axis=1)  # (B, ED2)


def reference(nodes, features, neigh_r1, neigh_r2, neigh_r3, alpha):
    batch_size = nodes.shape[0]
    ed2 = alpha.shape[0]
    # gather seed-node features
    batch_nodes_features = jnp.take(features, nodes, axis=0)  # (B, ED2)
    # per-relation intra aggregation
    r1 = _intra_agg(features, neigh_r1)
    r2 = _intra_agg(features, neigh_r2)
    r3 = _intra_agg(features, neigh_r3)
    neighbors_concat = jnp.concatenate((r1, r2, r3), axis=0)  # (3*B, ED2)
    inter = _weight_inter_agg(NUM_RELATIONS, neighbors_concat, ed2, alpha, batch_size)
    result = jnp.concatenate((batch_nodes_features, inter), axis=1)  # (B, 2*ED2)
    return result

if __name__ == "__main__":
    import jax
    _d = setup_inputs()
    print(jax.jit(kernel)(*tuple(_d.values())))

</pallas_src>

<mosaic_0001>
#map = affine_map<(d0, d1) -> (0)>
#map1 = affine_map<(d0, d1) -> (0, 0)>
module attributes {stable_mosaic.version = 14 : i64} {
  func.func @_kernel_body(%arg0: i32, %arg1: i32, %arg2: memref<1024xi32, #tpu.memory_space<hbm>>, %arg3: memref<50000x256xf32, #tpu.memory_space<hbm>>, %arg4: memref<1024x64xi32, #tpu.memory_space<hbm>>, %arg5: memref<1024x64xi32, #tpu.memory_space<hbm>>, %arg6: memref<1024x64xi32, #tpu.memory_space<hbm>>, %arg7: memref<3x256xf32, #tpu.memory_space<hbm>>, %arg8: memref<1024x512xf32, #tpu.memory_space<hbm>>, %arg9: memref<32xi32, #tpu.memory_space<vmem>>, %arg10: memref<32x64xi32, #tpu.memory_space<vmem>>, %arg11: memref<32x64xi32, #tpu.memory_space<vmem>>, %arg12: memref<32x64xi32, #tpu.memory_space<vmem>>, %arg13: memref<3x256xf32, #tpu.memory_space<vmem>>, %arg14: memref<256xf32, #tpu.memory_space<vmem>>, %arg15: memref<64x256xf32, #tpu.memory_space<vmem>>, %arg16: memref<64x256xf32, #tpu.memory_space<vmem>>, %arg17: memref<64x256xf32, #tpu.memory_space<vmem>>, %arg18: memref<32x256xf32, #tpu.memory_space<vmem>>, %arg19: memref<32x512xf32, #tpu.memory_space<vmem>>, %arg20: memref<!tpu.dma_semaphore, #tpu.memory_space<semaphore_mem>>, %arg21: memref<!tpu.dma_semaphore, #tpu.memory_space<semaphore_mem>>, %arg22: memref<!tpu.dma_semaphore, #tpu.memory_space<semaphore_mem>>, %arg23: memref<!tpu.dma_semaphore, #tpu.memory_space<semaphore_mem>>) attributes {dimension_semantics = [#tpu.dimension_semantics<core_parallel>, #tpu.dimension_semantics<subcore_parallel>], iteration_bounds = array<i64: 2, 16>, scalar_prefetch = 0 : i64, scratch_operands = 15 : i64, tpu.core_type = #tpu.core_type<sc_vector_subcore>, window_params = [{transform_indices = #map}, {transform_indices = #map1}, {transform_indices = #map1}, {transform_indices = #map1}, {transform_indices = #map1}, {transform_indices = #map1}, {transform_indices = #map1}]} {
    %mul3A = arith.constant 2 : i32
    %mul3A_0 = arith.muli %arg1, %mul3A : i32
    %add3A = arith.addi %mul3A_0, %arg0 : i32
    %mul3A_1 = arith.constant 32 : i32
    %mul3A_2 = arith.muli %add3A, %mul3A_1 : i32
    "tpu.region"() ({
      %run_scoped3A = tpu.sem_alloc : memref<!tpu.dma_semaphore, #tpu.memory_space<semaphore_mem>>
      %dma_start3A_555 = tpu.memref_slice %arg2[%mul3A_2] : memref<1024xi32, #tpu.memory_space<hbm>> -> memref<32xi32, #tpu.memory_space<hbm>>
      %dma_start3A_556 = tpu.memref_slice %arg2[%mul3A_2] : memref<1024xi32, #tpu.memory_space<hbm>> -> memref<32xi32, #tpu.memory_space<hbm>>
      tpu.enqueue_dma source(%dma_start3A_556 : memref<32xi32, #tpu.memory_space<hbm>>) target(%arg9 : memref<32xi32, #tpu.memory_space<vmem>>) target_semaphore(%run_scoped3A : memref<!tpu.dma_semaphore, #tpu.memory_space<semaphore_mem>>)
      %dma_wait3A_557 = tpu.memref_slice %arg2[%mul3A_2] : memref<1024xi32, #tpu.memory_space<hbm>> -> memref<32xi32, #tpu.memory_space<hbm>>
      %dma_wait3A_558 = tpu.memref_slice %arg2[%mul3A_2] : memref<1024xi32, #tpu.memory_space<hbm>> -> memref<32xi32, #tpu.memory_space<hbm>>
      tpu.wait_dma2 semaphore(%run_scoped3A : memref<!tpu.dma_semaphore, #tpu.memory_space<semaphore_mem>>) src(%dma_wait3A_558 : memref<32xi32, #tpu.memory_space<hbm>>) dst(%arg9 : memref<32xi32, #tpu.memory_space<vmem>>)
      tpu.yield
    }) : () -> ()
    "tpu.region"() ({
      %run_scoped3A = tpu.sem_alloc : memref<!tpu.dma_semaphore, #tpu.memory_space<semaphore_mem>>
      %dma_start3A_555 = arith.constant 0 : i32
      %dma_start3A_556 = tpu.memref_slice %arg4[%mul3A_2, %dma_start3A_555] : memref<1024x64xi32, #tpu.memory_space<hbm>> -> memref<32x64xi32, #tpu.memory_space<hbm>>
      %dma_start3A_557 = arith.constant 0 : i32
      %dma_start3A_558 = tpu.memref_slice %arg4[%mul3A_2, %dma_start3A_557] : memref<1024x64xi32, #tpu.memory_space<hbm>> -> memref<32x64xi32, #tpu.memory_space<hbm>>
      tpu.enqueue_dma source(%dma_start3A_558 : memref<32x64xi32, #tpu.memory_space<hbm>>) target(%arg10 : memref<32x64xi32, #tpu.memory_space<vmem>>) target_semaphore(%run_scoped3A : memref<!tpu.dma_semaphore, #tpu.memory_space<semaphore_mem>>)
      %dma_wait3A_559 = arith.constant 0 : i32
      %dma_wait3A_560 = tpu.memref_slice %arg4[%mul3A_2, %dma_wait3A_559] : memref<1024x64xi32, #tpu.memory_space<hbm>> -> memref<32x64xi32, #tpu.memory_space<hbm>>
      %dma_wait3A_561 = arith.constant 0 : i32
      %dma_wait3A_562 = tpu.memref_slice %arg4[%mul3A_2, %dma_wait3A_561] : memref<1024x64xi32, #tpu.memory_space<hbm>> -> memref<32x64xi32, #tpu.memory_space<hbm>>
      tpu.wait_dma2 semaphore(%run_scoped3A : memref<!tpu.dma_semaphore, #tpu.memory_space<semaphore_mem>>) src(%dma_wait3A_562 : memref<32x64xi32, #tpu.memory_space<hbm>>) dst(%arg10 : memref<32x64xi32, #tpu.memory_space<vmem>>)
      tpu.yield
    }) : () -> ()
    "tpu.region"() ({
      %run_scoped3A = tpu.sem_alloc : memref<!tpu.dma_semaphore, #tpu.memory_space<semaphore_mem>>
      %dma_start3A_555 = arith.constant 0 : i32
      %dma_start3A_556 = tpu.memref_slice %arg5[%mul3A_2, %dma_start3A_555] : memref<1024x64xi32, #tpu.memory_space<hbm>> -> memref<32x64xi32, #tpu.memory_space<hbm>>
      %dma_start3A_557 = arith.constant 0 : i32
      %dma_start3A_558 = tpu.memref_slice %arg5[%mul3A_2, %dma_start3A_557] : memref<1024x64xi32, #tpu.memory_space<hbm>> -> memref<32x64xi32, #tpu.memory_space<hbm>>
      tpu.enqueue_dma source(%dma_start3A_558 : memref<32x64xi32, #tpu.memory_space<hbm>>) target(%arg11 : memref<32x64xi32, #tpu.memory_space<vmem>>) target_semaphore(%run_scoped3A : memref<!tpu.dma_semaphore, #tpu.memory_space<semaphore_mem>>)
      %dma_wait3A_559 = arith.constant 0 : i32
      %dma_wait3A_560 = tpu.memref_slice %arg5[%mul3A_2, %dma_wait3A_559] : memref<1024x64xi32, #tpu.memory_space<hbm>> -> memref<32x64xi32, #tpu.memory_space<hbm>>
      %dma_wait3A_561 = arith.constant 0 : i32
      %dma_wait3A_562 = tpu.memref_slice %arg5[%mul3A_2, %dma_wait3A_561] : memref<1024x64xi32, #tpu.memory_space<hbm>> -> memref<32x64xi32, #tpu.memory_space<hbm>>
      tpu.wait_dma2 semaphore(%run_scoped3A : memref<!tpu.dma_semaphore, #tpu.memory_space<semaphore_mem>>) src(%dma_wait3A_562 : memref<32x64xi32, #tpu.memory_space<hbm>>) dst(%arg11 : memref<32x64xi32, #tpu.memory_space<vmem>>)
      tpu.yield
    }) : () -> ()
    "tpu.region"() ({
      %run_scoped3A = tpu.sem_alloc : memref<!tpu.dma_semaphore, #tpu.memory_space<semaphore_mem>>
      %dma_start3A_555 = arith.constant 0 : i32
      %dma_start3A_556 = tpu.memref_slice %arg6[%mul3A_2, %dma_start3A_555] : memref<1024x64xi32, #tpu.memory_space<hbm>> -> memref<32x64xi32, #tpu.memory_space<hbm>>
      %dma_start3A_557 = arith.constant 0 : i32
      %dma_start3A_558 = tpu.memref_slice %arg6[%mul3A_2, %dma_start3A_557] : memref<1024x64xi32, #tpu.memory_space<hbm>> -> memref<32x64xi32, #tpu.memory_space<hbm>>
      tpu.enqueue_dma source(%dma_start3A_558 : memref<32x64xi32, #tpu.memory_space<hbm>>) target(%arg12 : memref<32x64xi32, #tpu.memory_space<vmem>>) target_semaphore(%run_scoped3A : memref<!tpu.dma_semaphore, #tpu.memory_space<semaphore_mem>>)
      %dma_wait3A_559 = arith.constant 0 : i32
      %dma_wait3A_560 = tpu.memref_slice %arg6[%mul3A_2, %dma_wait3A_559] : memref<1024x64xi32, #tpu.memory_space<hbm>> -> memref<32x64xi32, #tpu.memory_space<hbm>>
      %dma_wait3A_561 = arith.constant 0 : i32
      %dma_wait3A_562 = tpu.memref_slice %arg6[%mul3A_2, %dma_wait3A_561] : memref<1024x64xi32, #tpu.memory_space<hbm>> -> memref<32x64xi32, #tpu.memory_space<hbm>>
      tpu.wait_dma2 semaphore(%run_scoped3A : memref<!tpu.dma_semaphore, #tpu.memory_space<semaphore_mem>>) src(%dma_wait3A_562 : memref<32x64xi32, #tpu.memory_space<hbm>>) dst(%arg12 : memref<32x64xi32, #tpu.memory_space<vmem>>)
      tpu.yield
    }) : () -> ()
    "tpu.region"() ({
      %run_scoped3A = tpu.sem_alloc : memref<!tpu.dma_semaphore, #tpu.memory_space<semaphore_mem>>
      tpu.enqueue_dma source(%arg7 : memref<3x256xf32, #tpu.memory_space<hbm>>) target(%arg13 : memref<3x256xf32, #tpu.memory_space<vmem>>) target_semaphore(%run_scoped3A : memref<!tpu.dma_semaphore, #tpu.memory_space<semaphore_mem>>)
      tpu.wait_dma2 semaphore(%run_scoped3A : memref<!tpu.dma_semaphore, #tpu.memory_space<semaphore_mem>>) src(%arg7 : memref<3x256xf32, #tpu.memory_space<hbm>>) dst(%arg13 : memref<3x256xf32, #tpu.memory_space<vmem>>)
      tpu.yield
    }) : () -> ()
    %dma_start3A = arith.constant 0 : i32
    %dma_start3A_3 = arith.constant 0 : i32
    %dma_start3A_4 = tpu.memref_slice %arg3[%dma_start3A, %dma_start3A_3] : memref<50000x256xf32, #tpu.memory_space<hbm>> -> memref<50000x256xf32, #tpu.memory_space<hbm>>
    tpu.enqueue_indirect_dma source(%dma_start3A_4 : memref<50000x256xf32, #tpu.memory_space<hbm>>) target(%arg18 : memref<32x256xf32, #tpu.memory_space<vmem>>) offsets(%arg9 : memref<32xi32, #tpu.memory_space<vmem>>) semaphore(%arg23 : memref<!tpu.dma_semaphore, #tpu.memory_space<semaphore_mem>>)
    %dma_start3A_5 = arith.constant 0 : i32
    %dma_start3A_6 = arith.constant 0 : i32
    %dma_start3A_7 = tpu.memref_slice %arg10[%dma_start3A_5, %dma_start3A_6] : memref<32x64xi32, #tpu.memory_space<vmem>> -> memref<1x64xi32, #tpu.memory_space<vmem>>
    %dma_start3A_8 = tpu.memref_squeeze %dma_start3A_7 : memref<1x64xi32, #tpu.memory_space<vmem>> -> memref<64xi32, #tpu.memory_space<vmem>>
    %dma_start3A_9 = arith.constant 0 : i32
    %dma_start3A_10 = arith.constant 0 : i32
    %dma_start3A_11 = tpu.memref_slice %arg3[%dma_start3A_9, %dma_start3A_10] : memref<50000x256xf32, #tpu.memory_space<hbm>> -> memref<50000x256xf32, #tpu.memory_space<hbm>>
    tpu.enqueue_indirect_dma source(%dma_start3A_11 : memref<50000x256xf32, #tpu.memory_space<hbm>>) target(%arg15 : memref<64x256xf32, #tpu.memory_space<vmem>>) offsets(%dma_start3A_8 : memref<64xi32, #tpu.memory_space<vmem>>) semaphore(%arg20 : memref<!tpu.dma_semaphore, #tpu.memory_space<semaphore_mem>>)
    %dma_start3A_12 = arith.constant 0 : i32
    %dma_start3A_13 = arith.constant 0 : i32
    %dma_start3A_14 = tpu.memref_slice %arg11[%dma_start3A_12, %dma_start3A_13] : memref<32x64xi32, #tpu.memory_space<vmem>> -> memref<1x64xi32, #tpu.memory_space<vmem>>
    %dma_start3A_15 = tpu.memref_squeeze %dma_start3A_14 : memref<1x64xi32, #tpu.memory_space<vmem>> -> memref<64xi32, #tpu.memory_space<vmem>>
    %dma_start3A_16 = arith.constant 0 : i32
    %dma_start3A_17 = arith.constant 0 : i32
    %dma_start3A_18 = tpu.memref_slice %arg3[%dma_start3A_16, %dma_start3A_17] : memref<50000x256xf32, #tpu.memory_space<hbm>> -> memref<50000x256xf32, #tpu.memory_space<hbm>>
    tpu.enqueue_indirect_dma source(%dma_start3A_18 : memref<50000x256xf32, #tpu.memory_space<hbm>>) target(%arg16 : memref<64x256xf32, #tpu.memory_space<vmem>>) offsets(%dma_start3A_15 : memref<64xi32, #tpu.memory_space<vmem>>) semaphore(%arg21 : memref<!tpu.dma_semaphore, #tpu.memory_space<semaphore_mem>>)
    %dma_start3A_19 = arith.constant 0 : i32
    %dma_start3A_20 = arith.constant 0 : i32
    %dma_start3A_21 = tpu.memref_slice %arg12[%dma_start3A_19, %dma_start3A_20] : memref<32x64xi32, #tpu.memory_space<vmem>> -> memref<1x64xi32, #tpu.memory_space<vmem>>
    %dma_start3A_22 = tpu.memref_squeeze %dma_start3A_21 : memref<1x64xi32, #tpu.memory_space<vmem>> -> memref<64xi32, #tpu.memory_space<vmem>>
    %dma_start3A_23 = arith.constant 0 : i32
    %dma_start3A_24 = arith.constant 0 : i32
    %dma_start3A_25 = tpu.memref_slice %arg3[%dma_start3A_23, %dma_start3A_24] : memref<50000x256xf32, #tpu.memory_space<hbm>> -> memref<50000x256xf32, #tpu.memory_space<hbm>>
    tpu.enqueue_indirect_dma source(%dma_start3A_25 : memref<50000x256xf32, #tpu.memory_space<hbm>>) target(%arg17 : memref<64x256xf32, #tpu.memory_space<vmem>>) offsets(%dma_start3A_22 : memref<64xi32, #tpu.memory_space<vmem>>) semaphore(%arg22 : memref<!tpu.dma_semaphore, #tpu.memory_space<semaphore_mem>>)
    %get3A = arith.constant 0 : i32
    %get3A_26 = arith.index_cast %get3A : i32 to index
    %get3A_27 = arith.constant 0 : index
    %get3A_28 = tpu.vector_load %arg13[%get3A_26, %get3A_27] {strides = array<i32>} : memref<3x256xf32, #tpu.memory_space<vmem>>, vector<1x16xf32>,
    %get3A_29 = vector.shape_cast %get3A_28 : vector<1x16xf32> to vector<16xf32>
    %get3A_30 = arith.constant 1 : i32
    %get3A_31 = arith.index_cast %get3A_30 : i32 to index
    %get3A_32 = arith.constant 0 : index
    %get3A_33 = tpu.vector_load %arg13[%get3A_31, %get3A_32] {strides = array<i32>} : memref<3x256xf32, #tpu.memory_space<vmem>>, vector<1x16xf32>,
    %get3A_34 = vector.shape_cast %get3A_33 : vector<1x16xf32> to vector<16xf32>
    %get3A_35 = arith.constant 2 : i32
    %get3A_36 = arith.index_cast %get3A_35 : i32 to index
    %get3A_37 = arith.constant 0 : index
    %get3A_38 = tpu.vector_load %arg13[%get3A_36, %get3A_37] {strides = array<i32>} : memref<3x256xf32, #tpu.memory_space<vmem>>, vector<1x16xf32>,
    %get3A_39 = vector.shape_cast %get3A_38 : vector<1x16xf32> to vector<16xf32>
    %max3A = arith.maximumf %get3A_29, %get3A_34 : vector<16xf32>
    %max3A_40 = arith.maximumf %max3A, %get3A_39 : vector<16xf32>
    %sub3A = arith.subf %get3A_29, %max3A_40 : vector<16xf32>
    %exp3A = math.exp %sub3A : vector<16xf32>
    %sub3A_41 = arith.subf %get3A_34, %max3A_40 : vector<16xf32>
    %exp3A_42 = math.exp %sub3A_41 : vector<16xf32>
    %sub3A_43 = arith.subf %get3A_39, %max3A_40 : vector<16xf32>
    %exp3A_44 = math.exp %sub3A_43 : vector<16xf32>
    %add3A_45 = arith.addf %exp3A, %exp3A_42 : vector<16xf32>
    %add3A_46 = arith.addf %add3A_45, %exp3A_44 : vector<16xf32>
    %div3A = arith.divf %exp3A_42, %add3A_46 : vector<16xf32>
    %mul3A_47 = arith.constant 1.562500e-02 : f32
    %mul3A_48 = vector.broadcast %mul3A_47 : f32 to vector<16xf32>
    %mul3A_49 = arith.mulf %div3A, %mul3A_48 : vector<16xf32>
    %swap3A = arith.constant 0 : index
    %swap3A_50 = tpu.vector_load %arg14[%swap3A] {strides = array<i32>} : memref<256xf32, #tpu.memory_space<vmem>>, vector<16xf32>,
    %swap3A_51 = vector.shape_cast %swap3A_50 : vector<16xf32> to vector<16xf32>
    %swap3A_52 = vector.shape_cast %mul3A_49 : vector<16xf32> to vector<16xf32>
    tpu.vector_store %arg14[%swap3A], %swap3A_52 {strides = array<i32>} : memref<256xf32, #tpu.memory_space<vmem>>, vector<16xf32>,
    %get3A_53 = arith.constant 0 : i32
    %get3A_54 = arith.index_cast %get3A_53 : i32 to index
    %get3A_55 = arith.constant 16 : index
    %get3A_56 = tpu.vector_load %arg13[%get3A_54, %get3A_55] {strides = array<i32>} : memref<3x256xf32, #tpu.memory_space<vmem>>, vector<1x16xf32>,
    %get3A_57 = vector.shape_cast %get3A_56 : vector<1x16xf32> to vector<16xf32>
    %get3A_58 = arith.constant 1 : i32
    %get3A_59 = arith.index_cast %get3A_58 : i32 to index
    %get3A_60 = arith.constant 16 : index
    %get3A_61 = tpu.vector_load %arg13[%get3A_59, %get3A_60] {strides = array<i32>} : memref<3x256xf32, #tpu.memory_space<vmem>>, vector<1x16xf32>,
    %get3A_62 = vector.shape_cast %get3A_61 : vector<1x16xf32> to vector<16xf32>
    %get3A_63 = arith.constant 2 : i32
    %get3A_64 = arith.index_cast %get3A_63 : i32 to index
    %get3A_65 = arith.constant 16 : index
    %get3A_66 = tpu.vector_load %arg13[%get3A_64, %get3A_65] {strides = array<i32>} : memref<3x256xf32, #tpu.memory_space<vmem>>, vector<1x16xf32>,
    %get3A_67 = vector.shape_cast %get3A_66 : vector<1x16xf32> to vector<16xf32>
    %max3A_68 = arith.maximumf %get3A_57, %get3A_62 : vector<16xf32>
    %max3A_69 = arith.maximumf %max3A_68, %get3A_67 : vector<16xf32>
    %sub3A_70 = arith.subf %get3A_57, %max3A_69 : vector<16xf32>
    %exp3A_71 = math.exp %sub3A_70 : vector<16xf32>
    %sub3A_72 = arith.subf %get3A_62, %max3A_69 : vector<16xf32>
    %exp3A_73 = math.exp %sub3A_72 : vector<16xf32>
    %sub3A_74 = arith.subf %get3A_67, %max3A_69 : vector<16xf32>
    %exp3A_75 = math.exp %sub3A_74 : vector<16xf32>
    %add3A_76 = arith.addf %exp3A_71, %exp3A_73 : vector<16xf32>
    %add3A_77 = arith.addf %add3A_76, %exp3A_75 : vector<16xf32>
    %div3A_78 = arith.divf %exp3A_73, %add3A_77 : vector<16xf32>
    %mul3A_79 = arith.constant 1.562500e-02 : f32
    %mul3A_80 = vector.broadcast %mul3A_79 : f32 to vector<16xf32>
    %mul3A_81 = arith.mulf %div3A_78, %mul3A_80 : vector<16xf32>
    %swap3A_82 = arith.constant 16 : index
    %swap3A_83 = tpu.vector_load %arg14[%swap3A_82] {strides = array<i32>} : memref<256xf32, #tpu.memory_space<vmem>>, vector<16xf32>,
    %swap3A_84 = vector.shape_cast %swap3A_83 : vector<16xf32> to vector<16xf32>
    %swap3A_85 = vector.shape_cast %mul3A_81 : vector<16xf32> to vector<16xf32>
    tpu.vector_store %arg14[%swap3A_82], %swap3A_85 {strides = array<i32>} : memref<256xf32, #tpu.memory_space<vmem>>, vector<16xf32>,
    %get3A_86 = arith.constant 0 : i32
    %get3A_87 = arith.index_cast %get3A_86 : i32 to index
    %get3A_88 = arith.constant 32 : index
    %get3A_89 = tpu.vector_load %arg13[%get3A_87, %get3A_88] {strides = array<i32>} : memref<3x256xf32, #tpu.memory_space<vmem>>, vector<1x16xf32>,
    %get3A_90 = vector.shape_cast %get3A_89 : vector<1x16xf32> to vector<16xf32>
    %get3A_91 = arith.constant 1 : i32
    %get3A_92 = arith.index_cast %get3A_91 : i32 to index
    %get3A_93 = arith.constant 32 : index
    %get3A_94 = tpu.vector_load %arg13[%get3A_92, %get3A_93] {strides = array<i32>} : memref<3x256xf32, #tpu.memory_space<vmem>>, vector<1x16xf32>,
    %get3A_95 = vector.shape_cast %get3A_94 : vector<1x16xf32> to vector<16xf32>
    %get3A_96 = arith.constant 2 : i32
    %get3A_97 = arith.index_cast %get3A_96 : i32 to index
    %get3A_98 = arith.constant 32 : index
    %get3A_99 = tpu.vector_load %arg13[%get3A_97, %get3A_98] {strides = array<i32>} : memref<3x256xf32, #tpu.memory_space<vmem>>, vector<1x16xf32>,
    %get3A_100 = vector.shape_cast %get3A_99 : vector<1x16xf32> to vector<16xf32>
    %max3A_101 = arith.maximumf %get3A_90, %get3A_95 : vector<16xf32>
    %max3A_102 = arith.maximumf %max3A_101, %get3A_100 : vector<16xf32>
    %sub3A_103 = arith.subf %get3A_90, %max3A_102 : vector<16xf32>
    %exp3A_104 = math.exp %sub3A_103 : vector<16xf32>
    %sub3A_105 = arith.subf %get3A_95, %max3A_102 : vector<16xf32>
    %exp3A_106 = math.exp %sub3A_105 : vector<16xf32>
    %sub3A_107 = arith.subf %get3A_100, %max3A_102 : vector<16xf32>
    %exp3A_108 = math.exp %sub3A_107 : vector<16xf32>
    %add3A_109 = arith.addf %exp3A_104, %exp3A_106 : vector<16xf32>
    %add3A_110 = arith.addf %add3A_109, %exp3A_108 : vector<16xf32>
    %div3A_111 = arith.divf %exp3A_106, %add3A_110 : vector<16xf32>
    %mul3A_112 = arith.constant 1.562500e-02 : f32
    %mul3A_113 = vector.broadcast %mul3A_112 : f32 to vector<16xf32>
    %mul3A_114 = arith.mulf %div3A_111, %mul3A_113 : vector<16xf32>
    %swap3A_115 = arith.constant 32 : index
    %swap3A_116 = tpu.vector_load %arg14[%swap3A_115] {strides = array<i32>} : memref<256xf32, #tpu.memory_space<vmem>>, vector<16xf32>,
    %swap3A_117 = vector.shape_cast %swap3A_116 : vector<16xf32> to vector<16xf32>
    %swap3A_118 = vector.shape_cast %mul3A_114 : vector<16xf32> to vector<16xf32>
    tpu.vector_store %arg14[%swap3A_115], %swap3A_118 {strides = array<i32>} : memref<256xf32, #tpu.memory_space<vmem>>, vector<16xf32>,
    %get3A_119 = arith.constant 0 : i32
    %get3A_120 = arith.index_cast %get3A_119 : i32 to index
    %get3A_121 = arith.constant 48 : index
    %get3A_122 = tpu.vector_load %arg13[%get3A_120, %get3A_121] {strides = array<i32>} : memref<3x256xf32, #tpu.memory_space<vmem>>, vector<1x16xf32>,
    %get3A_123 = vector.shape_cast %get3A_122 : vector<1x16xf32> to vector<16xf32>
    %get3A_124 = arith.constant 1 : i32
    %get3A_125 = arith.index_cast %get3A_124 : i32 to index
    %get3A_126 = arith.constant 48 : index
    %get3A_127 = tpu.vector_load %arg13[%get3A_125, %get3A_126] {strides = array<i32>} : memref<3x256xf32, #tpu.memory_space<vmem>>, vector<1x16xf32>,
    %get3A_128 = vector.shape_cast %get3A_127 : vector<1x16xf32> to vector<16xf32>
    %get3A_129 = arith.constant 2 : i32
    %get3A_130 = arith.index_cast %get3A_129 : i32 to index
    %get3A_131 = arith.constant 48 : index
    %get3A_132 = tpu.vector_load %arg13[%get3A_130, %get3A_131] {strides = array<i32>} : memref<3x256xf32, #tpu.memory_space<vmem>>, vector<1x16xf32>,
    %get3A_133 = vector.shape_cast %get3A_132 : vector<1x16xf32> to vector<16xf32>
    %max3A_134 = arith.maximumf %get3A_123, %get3A_128 : vector<16xf32>
    %max3A_135 = arith.maximumf %max3A_134, %get3A_133 : vector<16xf32>
    %sub3A_136 = arith.subf %get3A_123, %max3A_135 : vector<16xf32>
    %exp3A_137 = math.exp %sub3A_136 : vector<16xf32>
    %sub3A_138 = arith.subf %get3A_128, %max3A_135 : vector<16xf32>
    %exp3A_139 = math.exp %sub3A_138 : vector<16xf32>
    %sub3A_140 = arith.subf %get3A_133, %max3A_135 : vector<16xf32>
    %exp3A_141 = math.exp %sub3A_140 : vector<16xf32>
    %add3A_142 = arith.addf %exp3A_137, %exp3A_139 : vector<16xf32>
    %add3A_143 = arith.addf %add3A_142, %exp3A_141 : vector<16xf32>
    %div3A_144 = arith.divf %exp3A_139, %add3A_143 : vector<16xf32>
    %mul3A_145 = arith.constant 1.562500e-02 : f32
    %mul3A_146 = vector.broadcast %mul3A_145 : f32 to vector<16xf32>
    %mul3A_147 = arith.mulf %div3A_144, %mul3A_146 : vector<16xf32>
    %swap3A_148 = arith.constant 48 : index
    %swap3A_149 = tpu.vector_load %arg14[%swap3A_148] {strides = array<i32>} : memref<256xf32, #tpu.memory_space<vmem>>, vector<16xf32>,
    %swap3A_150 = vector.shape_cast %swap3A_149 : vector<16xf32> to vector<16xf32>
    %swap3A_151 = vector.shape_cast %mul3A_147 : vector<16xf32> to vector<16xf32>
    tpu.vector_store %arg14[%swap3A_148], %swap3A_151 {strides = array<i32>} : memref<256xf32, #tpu.memory_space<vmem>>, vector<16xf32>,
    %get3A_152 = arith.constant 0 : i32
    %get3A_153 = arith.index_cast %get3A_152 : i32 to index
    %get3A_154 = arith.constant 64 : index
    %get3A_155 = tpu.vector_load %arg13[%get3A_153, %get3A_154] {strides = array<i32>} : memref<3x256xf32, #tpu.memory_space<vmem>>, vector<1x16xf32>,
    %get3A_156 = vector.shape_cast %get3A_155 : vector<1x16xf32> to vector<16xf32>
    %get3A_157 = arith.constant 1 : i32
    %get3A_158 = arith.index_cast %get3A_157 : i32 to index
    %get3A_159 = arith.constant 64 : index
    %get3A_160 = tpu.vector_load %arg13[%get3A_158, %get3A_159] {strides = array<i32>} : memref<3x256xf32, #tpu.memory_space<vmem>>, vector<1x16xf32>,
    %get3A_161 = vector.shape_cast %get3A_160 : vector<1x16xf32> to vector<16xf32>
    %get3A_162 = arith.constant 2 : i32
    %get3A_163 = arith.index_cast %get3A_162 : i32 to index
    %get3A_164 = arith.constant 64 : index
    %get3A_165 = tpu.vector_load %arg13[%get3A_163, %get3A_164] {strides = array<i32>} : memref<3x256xf32, #tpu.memory_space<vmem>>, vector<1x16xf32>,
    %get3A_166 = vector.shape_cast %get3A_165 : vector<1x16xf32> to vector<16xf32>
    %max3A_167 = arith.maximumf %get3A_156, %get3A_161 : vector<16xf32>
    %max3A_168 = arith.maximumf %max3A_167, %get3A_166 : vector<16xf32>
    %sub3A_169 = arith.subf %get3A_156, %max3A_168 : vector<16xf32>
    %exp3A_170 = math.exp %sub3A_169 : vector<16xf32>
    %sub3A_171 = arith.subf %get3A_161, %max3A_168 : vector<16xf32>
    %exp3A_172 = math.exp %sub3A_171 : vector<16xf32>
    %sub3A_173 = arith.subf %get3A_166, %max3A_168 : vector<16xf32>
    %exp3A_174 = math.exp %sub3A_173 : vector<16xf32>
    %add3A_175 = arith.addf %exp3A_170, %exp3A_172 : vector<16xf32>
    %add3A_176 = arith.addf %add3A_175, %exp3A_174 : vector<16xf32>
    %div3A_177 = arith.divf %exp3A_172, %add3A_176 : vector<16xf32>
    %mul3A_178 = arith.constant 1.562500e-02 : f32
    %mul3A_179 = vector.broadcast %mul3A_178 : f32 to vector<16xf32>
    %mul3A_180 = arith.mulf %div3A_177, %mul3A_179 : vector<16xf32>
    %swap3A_181 = arith.constant 64 : index
    %swap3A_182 = tpu.vector_load %arg14[%swap3A_181] {strides = array<i32>} : memref<256xf32, #tpu.memory_space<vmem>>, vector<16xf32>,
    %swap3A_183 = vector.shape_cast %swap3A_182 : vector<16xf32> to vector<16xf32>
    %swap3A_184 = vector.shape_cast %mul3A_180 : vector<16xf32> to vector<16xf32>
    tpu.vector_store %arg14[%swap3A_181], %swap3A_184 {strides = array<i32>} : memref<256xf32, #tpu.memory_space<vmem>>, vector<16xf32>,
    %get3A_185 = arith.constant 0 : i32
    %get3A_186 = arith.index_cast %get3A_185 : i32 to index
    %get3A_187 = arith.constant 80 : index
    %get3A_188 = tpu.vector_load %arg13[%get3A_186, %get3A_187] {strides = array<i32>} : memref<3x256xf32, #tpu.memory_space<vmem>>, vector<1x16xf32>,
    %get3A_189 = vector.shape_cast %get3A_188 : vector<1x16xf32> to vector<16xf32>
    %get3A_190 = arith.constant 1 : i32
    %get3A_191 = arith.index_cast %get3A_190 : i32 to index
    %get3A_192 = arith.constant 80 : index
    %get3A_193 = tpu.vector_load %arg13[%get3A_191, %get3A_192] {strides = array<i32>} : memref<3x256xf32, #tpu.memory_space<vmem>>, vector<1x16xf32>,
    %get3A_194 = vector.shape_cast %get3A_193 : vector<1x16xf32> to vector<16xf32>
    %get3A_195 = arith.constant 2 : i32
    %get3A_196 = arith.index_cast %get3A_195 : i32 to index
    %get3A_197 = arith.constant 80 : index
    %get3A_198 = tpu.vector_load %arg13[%get3A_196, %get3A_197] {strides = array<i32>} : memref<3x256xf32, #tpu.memory_space<vmem>>, vector<1x16xf32>,
    %get3A_199 = vector.shape_cast %get3A_198 : vector<1x16xf32> to vector<16xf32>
    %max3A_200 = arith.maximumf %get3A_189, %get3A_194 : vector<16xf32>
    %max3A_201 = arith.maximumf %max3A_200, %get3A_199 : vector<16xf32>
    %sub3A_202 = arith.subf %get3A_189, %max3A_201 : vector<16xf32>
    %exp3A_203 = math.exp %sub3A_202 : vector<16xf32>
    %sub3A_204 = arith.subf %get3A_194, %max3A_201 : vector<16xf32>
    %exp3A_205 = math.exp %sub3A_204 : vector<16xf32>
    %sub3A_206 = arith.subf %get3A_199, %max3A_201 : vector<16xf32>
    %exp3A_207 = math.exp %sub3A_206 : vector<16xf32>
    %add3A_208 = arith.addf %exp3A_203, %exp3A_205 : vector<16xf32>
    %add3A_209 = arith.addf %add3A_208, %exp3A_207 : vector<16xf32>
    %div3A_210 = arith.divf %exp3A_205, %add3A_209 : vector<16xf32>
    %mul3A_211 = arith.constant 1.562500e-02 : f32
    %mul3A_212 = vector.broadcast %mul3A_211 : f32 to vector<16xf32>
    %mul3A_213 = arith.mulf %div3A_210, %mul3A_212 : vector<16xf32>
    %swap3A_214 = arith.constant 80 : index
    %swap3A_215 = tpu.vector_load %arg14[%swap3A_214] {strides = array<i32>} : memref<256xf32, #tpu.memory_space<vmem>>, vector<16xf32>,
    %swap3A_216 = vector.shape_cast %swap3A_215 : vector<16xf32> to vector<16xf32>
    %swap3A_217 = vector.shape_cast %mul3A_213 : vector<16xf32> to vector<16xf32>
    tpu.vector_store %arg14[%swap3A_214], %swap3A_217 {strides = array<i32>} : memref<256xf32, #tpu.memory_space<vmem>>, vector<16xf32>,
    %get3A_218 = arith.constant 0 : i32
    %get3A_219 = arith.index_cast %get3A_218 : i32 to index
    %get3A_220 = arith.constant 96 : index
    %get3A_221 = tpu.vector_load %arg13[%get3A_219, %get3A_220] {strides = array<i32>} : memref<3x256xf32, #tpu.memory_space<vmem>>, vector<1x16xf32>,
    %get3A_222 = vector.shape_cast %get3A_221 : vector<1x16xf32> to vector<16xf32>
    %get3A_223 = arith.constant 1 : i32
    %get3A_224 = arith.index_cast %get3A_223 : i32 to index
    %get3A_225 = arith.constant 96 : index
    %get3A_226 = tpu.vector_load %arg13[%get3A_224, %get3A_225] {strides = array<i32>} : memref<3x256xf32, #tpu.memory_space<vmem>>, vector<1x16xf32>,
    %get3A_227 = vector.shape_cast %get3A_226 : vector<1x16xf32> to vector<16xf32>
    %get3A_228 = arith.constant 2 : i32
    %get3A_229 = arith.index_cast %get3A_228 : i32 to index
    %get3A_230 = arith.constant 96 : index
    %get3A_231 = tpu.vector_load %arg13[%get3A_229, %get3A_230] {strides = array<i32>} : memref<3x256xf32, #tpu.memory_space<vmem>>, vector<1x16xf32>,
    %get3A_232 = vector.shape_cast %get3A_231 : vector<1x16xf32> to vector<16xf32>
    %max3A_233 = arith.maximumf %get3A_222, %get3A_227 : vector<16xf32>
    %max3A_234 = arith.maximumf %max3A_233, %get3A_232 : vector<16xf32>
    %sub3A_235 = arith.subf %get3A_222, %max3A_234 : vector<16xf32>
    %exp3A_236 = math.exp %sub3A_235 : vector<16xf32>
    %sub3A_237 = arith.subf %get3A_227, %max3A_234 : vector<16xf32>
    %exp3A_238 = math.exp %sub3A_237 : vector<16xf32>
    %sub3A_239 = arith.subf %get3A_232, %max3A_234 : vector<16xf32>
    %exp3A_240 = math.exp %sub3A_239 : vector<16xf32>
    %add3A_241 = arith.addf %exp3A_236, %exp3A_238 : vector<16xf32>
    %add3A_242 = arith.addf %add3A_241, %exp3A_240 : vector<16xf32>
    %div3A_243 = arith.divf %exp3A_238, %add3A_242 : vector<16xf32>
    %mul3A_244 = arith.constant 1.562500e-02 : f32
    %mul3A_245 = vector.broadcast %mul3A_244 : f32 to vector<16xf32>
    %mul3A_246 = arith.mulf %div3A_243, %mul3A_245 : vector<16xf32>
    %swap3A_247 = arith.constant 96 : index
    %swap3A_248 = tpu.vector_load %arg14[%swap3A_247] {strides = array<i32>} : memref<256xf32, #tpu.memory_space<vmem>>, vector<16xf32>,
    %swap3A_249 = vector.shape_cast %swap3A_248 : vector<16xf32> to vector<16xf32>
    %swap3A_250 = vector.shape_cast %mul3A_246 : vector<16xf32> to vector<16xf32>
    tpu.vector_store %arg14[%swap3A_247], %swap3A_250 {strides = array<i32>} : memref<256xf32, #tpu.memory_space<vmem>>, vector<16xf32>,
    %get3A_251 = arith.constant 0 : i32
    %get3A_252 = arith.index_cast %get3A_251 : i32 to index
    %get3A_253 = arith.constant 112 : index
    %get3A_254 = tpu.vector_load %arg13[%get3A_252, %get3A_253] {strides = array<i32>} : memref<3x256xf32, #tpu.memory_space<vmem>>, vector<1x16xf32>,
    %get3A_255 = vector.shape_cast %get3A_254 : vector<1x16xf32> to vector<16xf32>
    %get3A_256 = arith.constant 1 : i32
    %get3A_257 = arith.index_cast %get3A_256 : i32 to index
    %get3A_258 = arith.constant 112 : index
    %get3A_259 = tpu.vector_load %arg13[%get3A_257, %get3A_258] {strides = array<i32>} : memref<3x256xf32, #tpu.memory_space<vmem>>, vector<1x16xf32>,
    %get3A_260 = vector.shape_cast %get3A_259 : vector<1x16xf32> to vector<16xf32>
    %get3A_261 = arith.constant 2 : i32
    %get3A_262 = arith.index_cast %get3A_261 : i32 to index
    %get3A_263 = arith.constant 112 : index
    %get3A_264 = tpu.vector_load %arg13[%get3A_262, %get3A_263] {strides = array<i32>} : memref<3x256xf32, #tpu.memory_space<vmem>>, vector<1x16xf32>,
    %get3A_265 = vector.shape_cast %get3A_264 : vector<1x16xf32> to vector<16xf32>
    %max3A_266 = arith.maximumf %get3A_255, %get3A_260 : vector<16xf32>
    %max3A_267 = arith.maximumf %max3A_266, %get3A_265 : vector<16xf32>
    %sub3A_268 = arith.subf %get3A_255, %max3A_267 : vector<16xf32>
    %exp3A_269 = math.exp %sub3A_268 : vector<16xf32>
    %sub3A_270 = arith.subf %get3A_260, %max3A_267 : vector<16xf32>
    %exp3A_271 = math.exp %sub3A_270 : vector<16xf32>
    %sub3A_272 = arith.subf %get3A_265, %max3A_267 : vector<16xf32>
    %exp3A_273 = math.exp %sub3A_272 : vector<16xf32>
    %add3A_274 = arith.addf %exp3A_269, %exp3A_271 : vector<16xf32>
    %add3A_275 = arith.addf %add3A_274, %exp3A_273 : vector<16xf32>
    %div3A_276 = arith.divf %exp3A_271, %add3A_275 : vector<16xf32>
    %mul3A_277 = arith.constant 1.562500e-02 : f32
    %mul3A_278 = vector.broadcast %mul3A_277 : f32 to vector<16xf32>
    %mul3A_279 = arith.mulf %div3A_276, %mul3A_278 : vector<16xf32>
    %swap3A_280 = arith.constant 112 : index
    %swap3A_281 = tpu.vector_load %arg14[%swap3A_280] {strides = array<i32>} : memref<256xf32, #tpu.memory_space<vmem>>, vector<16xf32>,
    %swap3A_282 = vector.shape_cast %swap3A_281 : vector<16xf32> to vector<16xf32>
    %swap3A_283 = vector.shape_cast %mul3A_279 : vector<16xf32> to vector<16xf32>
    tpu.vector_store %arg14[%swap3A_280], %swap3A_283 {strides = array<i32>} : memref<256xf32, #tpu.memory_space<vmem>>, vector<16xf32>,
    %get3A_284 = arith.constant 0 : i32
    %get3A_285 = arith.index_cast %get3A_284 : i32 to index
    %get3A_286 = arith.constant 128 : index
    %get3A_287 = tpu.vector_load %arg13[%get3A_285, %get3A_286] {strides = array<i32>} : memref<3x256xf32, #tpu.memory_space<vmem>>, vector<1x16xf32>,
    %get3A_288 = vector.shape_cast %get3A_287 : vector<1x16xf32> to vector<16xf32>
    %get3A_289 = arith.constant 1 : i32
    %get3A_290 = arith.index_cast %get3A_289 : i32 to index
    %get3A_291 = arith.constant 128 : index
    %get3A_292 = tpu.vector_load %arg13[%get3A_290, %get3A_291] {strides = array<i32>} : memref<3x256xf32, #tpu.memory_space<vmem>>, vector<1x16xf32>,
    %get3A_293 = vector.shape_cast %get3A_292 : vector<1x16xf32> to vector<16xf32>
    %get3A_294 = arith.constant 2 : i32
    %get3A_295 = arith.index_cast %get3A_294 : i32 to index
    %get3A_296 = arith.constant 128 : index
    %get3A_297 = tpu.vector_load %arg13[%get3A_295, %get3A_296] {strides = array<i32>} : memref<3x256xf32, #tpu.memory_space<vmem>>, vector<1x16xf32>,
    %get3A_298 = vector.shape_cast %get3A_297 : vector<1x16xf32> to vector<16xf32>
    %max3A_299 = arith.maximumf %get3A_288, %get3A_293 : vector<16xf32>
    %max3A_300 = arith.maximumf %max3A_299, %get3A_298 : vector<16xf32>
    %sub3A_301 = arith.subf %get3A_288, %max3A_300 : vector<16xf32>
    %exp3A_302 = math.exp %sub3A_301 : vector<16xf32>
    %sub3A_303 = arith.subf %get3A_293, %max3A_300 : vector<16xf32>
    %exp3A_304 = math.exp %sub3A_303 : vector<16xf32>
    %sub3A_305 = arith.subf %get3A_298, %max3A_300 : vector<16xf32>
    %exp3A_306 = math.exp %sub3A_305 : vector<16xf32>
    %add3A_307 = arith.addf %exp3A_302, %exp3A_304 : vector<16xf32>
    %add3A_308 = arith.addf %add3A_307, %exp3A_306 : vector<16xf32>
    %div3A_309 = arith.divf %exp3A_304, %add3A_308 : vector<16xf32>
    %mul3A_310 = arith.constant 1.562500e-02 : f32
    %mul3A_311 = vector.broadcast %mul3A_310 : f32 to vector<16xf32>
    %mul3A_312 = arith.mulf %div3A_309, %mul3A_311 : vector<16xf32>
    %swap3A_313 = arith.constant 128 : index
    %swap3A_314 = tpu.vector_load %arg14[%swap3A_313] {strides = array<i32>} : memref<256xf32, #tpu.memory_space<vmem>>, vector<16xf32>,
    %swap3A_315 = vector.shape_cast %swap3A_314 : vector<16xf32> to vector<16xf32>
    %swap3A_316 = vector.shape_cast %mul3A_312 : vector<16xf32> to vector<16xf32>
    tpu.vector_store %arg14[%swap3A_313], %swap3A_316 {strides = array<i32>} : memref<256xf32, #tpu.memory_space<vmem>>, vector<16xf32>,
    %get3A_317 = arith.constant 0 : i32
    %get3A_318 = arith.index_cast %get3A_317 : i32 to index
    %get3A_319 = arith.constant 144 : index
    %get3A_320 = tpu.vector_load %arg13[%get3A_318, %get3A_319] {strides = array<i32>} : memref<3x256xf32, #tpu.memory_space<vmem>>, vector<1x16xf32>,
    %get3A_321 = vector.shape_cast %get3A_320 : vector<1x16xf32> to vector<16xf32>
    %get3A_322 = arith.constant 1 : i32
    %get3A_323 = arith.index_cast %get3A_322 : i32 to index
    %get3A_324 = arith.constant 144 : index
    %get3A_325 = tpu.vector_load %arg13[%get3A_323, %get3A_324] {strides = array<i32>} : memref<3x256xf32, #tpu.memory_space<vmem>>, vector<1x16xf32>,
    %get3A_326 = vector.shape_cast %get3A_325 : vector<1x16xf32> to vector<16xf32>
    %get3A_327 = arith.constant 2 : i32
    %get3A_328 = arith.index_cast %get3A_327 : i32 to index
    %get3A_329 = arith.constant 144 : index
    %get3A_330 = tpu.vector_load %arg13[%get3A_328, %get3A_329] {strides = array<i32>} : memref<3x256xf32, #tpu.memory_space<vmem>>, vector<1x16xf32>,
    %get3A_331 = vector.shape_cast %get3A_330 : vector<1x16xf32> to vector<16xf32>
    %max3A_332 = arith.maximumf %get3A_321, %get3A_326 : vector<16xf32>
    %max3A_333 = arith.maximumf %max3A_332, %get3A_331 : vector<16xf32>
    %sub3A_334 = arith.subf %get3A_321, %max3A_333 : vector<16xf32>
    %exp3A_335 = math.exp %sub3A_334 : vector<16xf32>
    %sub3A_336 = arith.subf %get3A_326, %max3A_333 : vector<16xf32>
    %exp3A_337 = math.exp %sub3A_336 : vector<16xf32>
    %sub3A_338 = arith.subf %get3A_331, %max3A_333 : vector<16xf32>
    %exp3A_339 = math.exp %sub3A_338 : vector<16xf32>
    %add3A_340 = arith.addf %exp3A_335, %exp3A_337 : vector<16xf32>
    %add3A_341 = arith.addf %add3A_340, %exp3A_339 : vector<16xf32>
    %div3A_342 = arith.divf %exp3A_337, %add3A_341 : vector<16xf32>
    %mul3A_343 = arith.constant 1.562500e-02 : f32
    %mul3A_344 = vector.broadcast %mul3A_343 : f32 to vector<16xf32>
    %mul3A_345 = arith.mulf %div3A_342, %mul3A_344 : vector<16xf32>
    %swap3A_346 = arith.constant 144 : index
    %swap3A_347 = tpu.vector_load %arg14[%swap3A_346] {strides = array<i32>} : memref<256xf32, #tpu.memory_space<vmem>>, vector<16xf32>,
    %swap3A_348 = vector.shape_cast %swap3A_347 : vector<16xf32> to vector<16xf32>
    %swap3A_349 = vector.shape_cast %mul3A_345 : vector<16xf32> to vector<16xf32>
    tpu.vector_store %arg14[%swap3A_346], %swap3A_349 {strides = array<i32>} : memref<256xf32, #tpu.memory_space<vmem>>, vector<16xf32>,
    %get3A_350 = arith.constant 0 : i32
    %get3A_351 = arith.index_cast %get3A_350 : i32 to index
    %get3A_352 = arith.constant 160 : index
    %get3A_353 = tpu.vector_load %arg13[%get3A_351, %get3A_352] {strides = array<i32>} : memref<3x256xf32, #tpu.memory_space<vmem>>, vector<1x16xf32>,
    %get3A_354 = vector.shape_cast %get3A_353 : vector<1x16xf32> to vector<16xf32>
    %get3A_355 = arith.constant 1 : i32
    %get3A_356 = arith.index_cast %get3A_355 : i32 to index
    %get3A_357 = arith.constant 160 : index
    %get3A_358 = tpu.vector_load %arg13[%get3A_356, %get3A_357] {strides = array<i32>} : memref<3x256xf32, #tpu.memory_space<vmem>>, vector<1x16xf32>,
    %get3A_359 = vector.shape_cast %get3A_358 : vector<1x16xf32> to vector<16xf32>
    %get3A_360 = arith.constant 2 : i32
    %get3A_361 = arith.index_cast %get3A_360 : i32 to index
    %get3A_362 = arith.constant 160 : index
    %get3A_363 = tpu.vector_load %arg13[%get3A_361, %get3A_362] {strides = array<i32>} : memref<3x256xf32, #tpu.memory_space<vmem>>, vector<1x16xf32>,
    %get3A_364 = vector.shape_cast %get3A_363 : vector<1x16xf32> to vector<16xf32>
    %max3A_365 = arith.maximumf %get3A_354, %get3A_359 : vector<16xf32>
    %max3A_366 = arith.maximumf %max3A_365, %get3A_364 : vector<16xf32>
    %sub3A_367 = arith.subf %get3A_354, %max3A_366 : vector<16xf32>
    %exp3A_368 = math.exp %sub3A_367 : vector<16xf32>
    %sub3A_369 = arith.subf %get3A_359, %max3A_366 : vector<16xf32>
    %exp3A_370 = math.exp %sub3A_369 : vector<16xf32>
    %sub3A_371 = arith.subf %get3A_364, %max3A_366 : vector<16xf32>
    %exp3A_372 = math.exp %sub3A_371 : vector<16xf32>
    %add3A_373 = arith.addf %exp3A_368, %exp3A_370 : vector<16xf32>
    %add3A_374 = arith.addf %add3A_373, %exp3A_372 : vector<16xf32>
    %div3A_375 = arith.divf %exp3A_370, %add3A_374 : vector<16xf32>
    %mul3A_376 = arith.constant 1.562500e-02 : f32
    %mul3A_377 = vector.broadcast %mul3A_376 : f32 to vector<16xf32>
    %mul3A_378 = arith.mulf %div3A_375, %mul3A_377 : vector<16xf32>
    %swap3A_379 = arith.constant 160 : index
    %swap3A_380 = tpu.vector_load %arg14[%swap3A_379] {strides = array<i32>} : memref<256xf32, #tpu.memory_space<vmem>>, vector<16xf32>,
    %swap3A_381 = vector.shape_cast %swap3A_380 : vector<16xf32> to vector<16xf32>
    %swap3A_382 = vector.shape_cast %mul3A_378 : vector<16xf32> to vector<16xf32>
    tpu.vector_store %arg14[%swap3A_379], %swap3A_382 {strides = array<i32>} : memref<256xf32, #tpu.memory_space<vmem>>, vector<16xf32>,
    %get3A_383 = arith.constant 0 : i32
    %get3A_384 = arith.index_cast %get3A_383 : i32 to index
    %get3A_385 = arith.constant 176 : index
    %get3A_386 = tpu.vector_load %arg13[%get3A_384, %get3A_385] {strides = array<i32>} : memref<3x256xf32, #tpu.memory_space<vmem>>, vector<1x16xf32>,
    %get3A_387 = vector.shape_cast %get3A_386 : vector<1x16xf32> to vector<16xf32>
    %get3A_388 = arith.constant 1 : i32
    %get3A_389 = arith.index_cast %get3A_388 : i32 to index
    %get3A_390 = arith.constant 176 : index
    %get3A_391 = tpu.vector_load %arg13[%get3A_389, %get3A_390] {strides = array<i32>} : memref<3x256xf32, #tpu.memory_space<vmem>>, vector<1x16xf32>,
    %get3A_392 = vector.shape_cast %get3A_391 : vector<1x16xf32> to vector<16xf32>
    %get3A_393 = arith.constant 2 : i32
    %get3A_394 = arith.index_cast %get3A_393 : i32 to index
    %get3A_395 = arith.constant 176 : index
    %get3A_396 = tpu.vector_load %arg13[%get3A_394, %get3A_395] {strides = array<i32>} : memref<3x256xf32, #tpu.memory_space<vmem>>, vector<1x16xf32>,
    %get3A_397 = vector.shape_cast %get3A_396 : vector<1x16xf32> to vector<16xf32>
    %max3A_398 = arith.maximumf %get3A_387, %get3A_392 : vector<16xf32>
    %max3A_399 = arith.maximumf %max3A_398, %get3A_397 : vector<16xf32>
    %sub3A_400 = arith.subf %get3A_387, %max3A_399 : vector<16xf32>
    %exp3A_401 = math.exp %sub3A_400 : vector<16xf32>
    %sub3A_402 = arith.subf %get3A_392, %max3A_399 : vector<16xf32>
    %exp3A_403 = math.exp %sub3A_402 : vector<16xf32>
    %sub3A_404 = arith.subf %get3A_397, %max3A_399 : vector<16xf32>
    %exp3A_405 = math.exp %sub3A_404 : vector<16xf32>
    %add3A_406 = arith.addf %exp3A_401, %exp3A_403 : vector<16xf32>
    %add3A_407 = arith.addf %add3A_406, %exp3A_405 : vector<16xf32>
    %div3A_408 = arith.divf %exp3A_403, %add3A_407 : vector<16xf32>
    %mul3A_409 = arith.constant 1.562500e-02 : f32
    %mul3A_410 = vector.broadcast %mul3A_409 : f32 to vector<16xf32>
    %mul3A_411 = arith.mulf %div3A_408, %mul3A_410 : vector<16xf32>
    %swap3A_412 = arith.constant 176 : index
    %swap3A_413 = tpu.vector_load %arg14[%swap3A_412] {strides = array<i32>} : memref<256xf32, #tpu.memory_space<vmem>>, vector<16xf32>,
    %swap3A_414 = vector.shape_cast %swap3A_413 : vector<16xf32> to vector<16xf32>
    %swap3A_415 = vector.shape_cast %mul3A_411 : vector<16xf32> to vector<16xf32>
    tpu.vector_store %arg14[%swap3A_412], %swap3A_415 {strides = array<i32>} : memref<256xf32, #tpu.memory_space<vmem>>, vector<16xf32>,
    %get3A_416 = arith.constant 0 : i32
    %get3A_417 = arith.index_cast %get3A_416 : i32 to index
    %get3A_418 = arith.constant 192 : index
    %get3A_419 = tpu.vector_load %arg13[%get3A_417, %get3A_418] {strides = array<i32>} : memref<3x256xf32, #tpu.memory_space<vmem>>, vector<1x16xf32>,
    %get3A_420 = vector.shape_cast %get3A_419 : vector<1x16xf32> to vector<16xf32>
    %get3A_421 = arith.constant 1 : i32
    %get3A_422 = arith.index_cast %get3A_421 : i32 to index
    %get3A_423 = arith.constant 192 : index
    %get3A_424 = tpu.vector_load %arg13[%get3A_422, %get3A_423] {strides = array<i32>} : memref<3x256xf32, #tpu.memory_space<vmem>>, vector<1x16xf32>,
    %get3A_425 = vector.shape_cast %get3A_424 : vector<1x16xf32> to vector<16xf32>
    %get3A_426 = arith.constant 2 : i32
    %get3A_427 = arith.index_cast %get3A_426 : i32 to index
    %get3A_428 = arith.constant 192 : index
    %get3A_429 = tpu.vector_load %arg13[%get3A_427, %get3A_428] {strides = array<i32>} : memref<3x256xf32, #tpu.memory_space<vmem>>, vector<1x16xf32>,
    %get3A_430 = vector.shape_cast %get3A_429 : vector<1x16xf32> to vector<16xf32>
    %max3A_431 = arith.maximumf %get3A_420, %get3A_425 : vector<16xf32>
    %max3A_432 = arith.maximumf %max3A_431, %get3A_430 : vector<16xf32>
    %sub3A_433 = arith.subf %get3A_420, %max3A_432 : vector<16xf32>
    %exp3A_434 = math.exp %sub3A_433 : vector<16xf32>
    %sub3A_435 = arith.subf %get3A_425, %max3A_432 : vector<16xf32>
    %exp3A_436 = math.exp %sub3A_435 : vector<16xf32>
    %sub3A_437 = arith.subf %get3A_430, %max3A_432 : vector<16xf32>
    %exp3A_438 = math.exp %sub3A_437 : vector<16xf32>
    %add3A_439 = arith.addf %exp3A_434, %exp3A_436 : vector<16xf32>
    %add3A_440 = arith.addf %add3A_439, %exp3A_438 : vector<16xf32>
    %div3A_441 = arith.divf %exp3A_436, %add3A_440 : vector<16xf32>
    %mul3A_442 = arith.constant 1.562500e-02 : f32
    %mul3A_443 = vector.broadcast %mul3A_442 : f32 to vector<16xf32>
    %mul3A_444 = arith.mulf %div3A_441, %mul3A_443 : vector<16xf32>
    %swap3A_445 = arith.constant 192 : index
    %swap3A_446 = tpu.vector_load %arg14[%swap3A_445] {strides = array<i32>} : memref<256xf32, #tpu.memory_space<vmem>>, vector<16xf32>,
    %swap3A_447 = vector.shape_cast %swap3A_446 : vector<16xf32> to vector<16xf32>
    %swap3A_448 = vector.shape_cast %mul3A_444 : vector<16xf32> to vector<16xf32>
    tpu.vector_store %arg14[%swap3A_445], %swap3A_448 {strides = array<i32>} : memref<256xf32, #tpu.memory_space<vmem>>, vector<16xf32>,
    %get3A_449 = arith.constant 0 : i32
    %get3A_450 = arith.index_cast %get3A_449 : i32 to index
    %get3A_451 = arith.constant 208 : index
    %get3A_452 = tpu.vector_load %arg13[%get3A_450, %get3A_451] {strides = array<i32>} : memref<3x256xf32, #tpu.memory_space<vmem>>, vector<1x16xf32>,
    %get3A_453 = vector.shape_cast %get3A_452 : vector<1x16xf32> to vector<16xf32>
    %get3A_454 = arith.constant 1 : i32
    %get3A_455 = arith.index_cast %get3A_454 : i32 to index
    %get3A_456 = arith.constant 208 : index
    %get3A_457 = tpu.vector_load %arg13[%get3A_455, %get3A_456] {strides = array<i32>} : memref<3x256xf32, #tpu.memory_space<vmem>>, vector<1x16xf32>,
    %get3A_458 = vector.shape_cast %get3A_457 : vector<1x16xf32> to vector<16xf32>
    %get3A_459 = arith.constant 2 : i32
    %get3A_460 = arith.index_cast %get3A_459 : i32 to index
    %get3A_461 = arith.constant 208 : index
    %get3A_462 = tpu.vector_load %arg13[%get3A_460, %get3A_461] {strides = array<i32>} : memref<3x256xf32, #tpu.memory_space<vmem>>, vector<1x16xf32>,
    %get3A_463 = vector.shape_cast %get3A_462 : vector<1x16xf32> to vector<16xf32>
    %max3A_464 = arith.maximumf %get3A_453, %get3A_458 : vector<16xf32>
    %max3A_465 = arith.maximumf %max3A_464, %get3A_463 : vector<16xf32>
    %sub3A_466 = arith.subf %get3A_453, %max3A_465 : vector<16xf32>
    %exp3A_467 = math.exp %sub3A_466 : vector<16xf32>
    %sub3A_468 = arith.subf %get3A_458, %max3A_465 : vector<16xf32>
    %exp3A_469 = math.exp %sub3A_468 : vector<16xf32>
    %sub3A_470 = arith.subf %get3A_463, %max3A_465 : vector<16xf32>
    %exp3A_471 = math.exp %sub3A_470 : vector<16xf32>
    %add3A_472 = arith.addf %exp3A_467, %exp3A_469 : vector<16xf32>
    %add3A_473 = arith.addf %add3A_472, %exp3A_471 : vector<16xf32>
    %div3A_474 = arith.divf %exp3A_469, %add3A_473 : vector<16xf32>
    %mul3A_475 = arith.constant 1.562500e-02 : f32
    %mul3A_476 = vector.broadcast %mul3A_475 : f32 to vector<16xf32>
    %mul3A_477 = arith.mulf %div3A_474, %mul3A_476 : vector<16xf32>
    %swap3A_478 = arith.constant 208 : index
    %swap3A_479 = tpu.vector_load %arg14[%swap3A_478] {strides = array<i32>} : memref<256xf32, #tpu.memory_space<vmem>>, vector<16xf32>,
    %swap3A_480 = vector.shape_cast %swap3A_479 : vector<16xf32> to vector<16xf32>
    %swap3A_481 = vector.shape_cast %mul3A_477 : vector<16xf32> to vector<16xf32>
    tpu.vector_store %arg14[%swap3A_478], %swap3A_481 {strides = array<i32>} : memref<256xf32, #tpu.memory_space<vmem>>, vector<16xf32>,
    %get3A_482 = arith.constant 0 : i32
    %get3A_483 = arith.index_cast %get3A_482 : i32 to index
    %get3A_484 = arith.constant 224 : index
    %get3A_485 = tpu.vector_load %arg13[%get3A_483, %get3A_484] {strides = array<i32>} : memref<3x256xf32, #tpu.memory_space<vmem>>, vector<1x16xf32>,
    %get3A_486 = vector.shape_cast %get3A_485 : vector<1x16xf32> to vector<16xf32>
    %get3A_487 = arith.constant 1 : i32
    %get3A_488 = arith.index_cast %get3A_487 : i32 to index
    %get3A_489 = arith.constant 224 : index
    %get3A_490 = tpu.vector_load %arg13[%get3A_488, %get3A_489] {strides = array<i32>} : memref<3x256xf32, #tpu.memory_space<vmem>>, vector<1x16xf32>,
    %get3A_491 = vector.shape_cast %get3A_490 : vector<1x16xf32> to vector<16xf32>
    %get3A_492 = arith.constant 2 : i32
    %get3A_493 = arith.index_cast %get3A_492 : i32 to index
    %get3A_494 = arith.constant 224 : index
    %get3A_495 = tpu.vector_load %arg13[%get3A_493, %get3A_494] {strides = array<i32>} : memref<3x256xf32, #tpu.memory_space<vmem>>, vector<1x16xf32>,
    %get3A_496 = vector.shape_cast %get3A_495 : vector<1x16xf32> to vector<16xf32>
    %max3A_497 = arith.maximumf %get3A_486, %get3A_491 : vector<16xf32>
    %max3A_498 = arith.maximumf %max3A_497, %get3A_496 : vector<16xf32>
    %sub3A_499 = arith.subf %get3A_486, %max3A_498 : vector<16xf32>
    %exp3A_500 = math.exp %sub3A_499 : vector<16xf32>
    %sub3A_501 = arith.subf %get3A_491, %max3A_498 : vector<16xf32>
    %exp3A_502 = math.exp %sub3A_501 : vector<16xf32>
    %sub3A_503 = arith.subf %get3A_496, %max3A_498 : vector<16xf32>
    %exp3A_504 = math.exp %sub3A_503 : vector<16xf32>
    %add3A_505 = arith.addf %exp3A_500, %exp3A_502 : vector<16xf32>
    %add3A_506 = arith.addf %add3A_505, %exp3A_504 : vector<16xf32>
    %div3A_507 = arith.divf %exp3A_502, %add3A_506 : vector<16xf32>
    %mul3A_508 = arith.constant 1.562500e-02 : f32
    %mul3A_509 = vector.broadcast %mul3A_508 : f32 to vector<16xf32>
    %mul3A_510 = arith.mulf %div3A_507, %mul3A_509 : vector<16xf32>
    %swap3A_511 = arith.constant 224 : index
    %swap3A_512 = tpu.vector_load %arg14[%swap3A_511] {strides = array<i32>} : memref<256xf32, #tpu.memory_space<vmem>>, vector<16xf32>,
    %swap3A_513 = vector.shape_cast %swap3A_512 : vector<16xf32> to vector<16xf32>
    %swap3A_514 = vector.shape_cast %mul3A_510 : vector<16xf32> to vector<16xf32>
    tpu.vector_store %arg14[%swap3A_511], %swap3A_514 {strides = array<i32>} : memref<256xf32, #tpu.memory_space<vmem>>, vector<16xf32>,
    %get3A_515 = arith.constant 0 : i32
    %get3A_516 = arith.index_cast %get3A_515 : i32 to index
    %get3A_517 = arith.constant 240 : index
    %get3A_518 = tpu.vector_load %arg13[%get3A_516, %get3A_517] {strides = array<i32>} : memref<3x256xf32, #tpu.memory_space<vmem>>, vector<1x16xf32>,
    %get3A_519 = vector.shape_cast %get3A_518 : vector<1x16xf32> to vector<16xf32>
    %get3A_520 = arith.constant 1 : i32
    %get3A_521 = arith.index_cast %get3A_520 : i32 to index
    %get3A_522 = arith.constant 240 : index
    %get3A_523 = tpu.vector_load %arg13[%get3A_521, %get3A_522] {strides = array<i32>} : memref<3x256xf32, #tpu.memory_space<vmem>>, vector<1x16xf32>,
    %get3A_524 = vector.shape_cast %get3A_523 : vector<1x16xf32> to vector<16xf32>
    %get3A_525 = arith.constant 2 : i32
    %get3A_526 = arith.index_cast %get3A_525 : i32 to index
    %get3A_527 = arith.constant 240 : index
    %get3A_528 = tpu.vector_load %arg13[%get3A_526, %get3A_527] {strides = array<i32>} : memref<3x256xf32, #tpu.memory_space<vmem>>, vector<1x16xf32>,
    %get3A_529 = vector.shape_cast %get3A_528 : vector<1x16xf32> to vector<16xf32>
    %max3A_530 = arith.maximumf %get3A_519, %get3A_524 : vector<16xf32>
    %max3A_531 = arith.maximumf %max3A_530, %get3A_529 : vector<16xf32>
    %sub3A_532 = arith.subf %get3A_519, %max3A_531 : vector<16xf32>
    %exp3A_533 = math.exp %sub3A_532 : vector<16xf32>
    %sub3A_534 = arith.subf %get3A_524, %max3A_531 : vector<16xf32>
    %exp3A_535 = math.exp %sub3A_534 : vector<16xf32>
    %sub3A_536 = arith.subf %get3A_529, %max3A_531 : vector<16xf32>
    %exp3A_537 = math.exp %sub3A_536 : vector<16xf32>
    %add3A_538 = arith.addf %exp3A_533, %exp3A_535 : vector<16xf32>
    %add3A_539 = arith.addf %add3A_538, %exp3A_537 : vector<16xf32>
    %div3A_540 = arith.divf %exp3A_535, %add3A_539 : vector<16xf32>
    %mul3A_541 = arith.constant 1.562500e-02 : f32
    %mul3A_542 = vector.broadcast %mul3A_541 : f32 to vector<16xf32>
    %mul3A_543 = arith.mulf %div3A_540, %mul3A_542 : vector<16xf32>
    %swap3A_544 = arith.constant 240 : index
    %swap3A_545 = tpu.vector_load %arg14[%swap3A_544] {strides = array<i32>} : memref<256xf32, #tpu.memory_space<vmem>>, vector<16xf32>,
    %swap3A_546 = vector.shape_cast %swap3A_545 : vector<16xf32> to vector<16xf32>
    %swap3A_547 = vector.shape_cast %mul3A_543 : vector<16xf32> to vector<16xf32>
    tpu.vector_store %arg14[%swap3A_544], %swap3A_547 {strides = array<i32>} : memref<256xf32, #tpu.memory_space<vmem>>, vector<16xf32>,
    %dma_wait3A = arith.constant 0 : i32
    %dma_wait3A_548 = arith.constant 0 : i32
    %dma_wait3A_549 = tpu.memref_slice %arg3[%dma_wait3A, %dma_wait3A_548] : memref<50000x256xf32, #tpu.memory_space<hbm>> -> memref<50000x256xf32, #tpu.memory_space<hbm>>
    tpu.wait_indirect_dma semaphore(%arg23 : memref<!tpu.dma_semaphore, #tpu.memory_space<semaphore_mem>>) src(%dma_wait3A_549 : memref<50000x256xf32, #tpu.memory_space<hbm>>) dst(%arg18 : memref<32x256xf32, #tpu.memory_space<vmem>>)
    %scan3A = arith.constant 0 : i32
    %scan3A_550 = arith.constant 0 : i32
    %scan3A_551 = arith.constant 32 : i32
    %scan3A_552 = arith.addi %scan3A_550, %scan3A_551 : i32
    %scan3A_553 = arith.constant 1 : i32
    scf.for %scan3A_555 = %scan3A_550 to %scan3A_552 step %scan3A_553  : i32 {
      %broadcast_in_dim3A = arith.constant 0.000000e+00 : f32
      %broadcast_in_dim3A_556 = vector.broadcast %broadcast_in_dim3A : f32 to vector<16xf32>
      %broadcast_in_dim3A_557 = arith.constant 0.000000e+00 : f32
      %broadcast_in_dim3A_558 = vector.broadcast %broadcast_in_dim3A_557 : f32 to vector<16xf32>
      %broadcast_in_dim3A_559 = arith.constant 0.000000e+00 : f32
      %broadcast_in_dim3A_560 = vector.broadcast %broadcast_in_dim3A_559 : f32 to vector<16xf32>
      %broadcast_in_dim3A_561 = arith.constant 0.000000e+00 : f32
      %broadcast_in_dim3A_562 = vector.broadcast %broadcast_in_dim3A_561 : f32 to vector<16xf32>
      %broadcast_in_dim3A_563 = arith.constant 0.000000e+00 : f32
      %broadcast_in_dim3A_564 = vector.broadcast %broadcast_in_dim3A_563 : f32 to vector<16xf32>
      %broadcast_in_dim3A_565 = arith.constant 0.000000e+00 : f32
      %broadcast_in_dim3A_566 = vector.broadcast %broadcast_in_dim3A_565 : f32 to vector<16xf32>
      %broadcast_in_dim3A_567 = arith.constant 0.000000e+00 : f32
      %broadcast_in_dim3A_568 = vector.broadcast %broadcast_in_dim3A_567 : f32 to vector<16xf32>
      %broadcast_in_dim3A_569 = arith.constant 0.000000e+00 : f32
      %broadcast_in_dim3A_570 = vector.broadcast %broadcast_in_dim3A_569 : f32 to vector<16xf32>
      %broadcast_in_dim3A_571 = arith.constant 0.000000e+00 : f32
      %broadcast_in_dim3A_572 = vector.broadcast %broadcast_in_dim3A_571 : f32 to vector<16xf32>
      %broadcast_in_dim3A_573 = arith.constant 0.000000e+00 : f32
      %broadcast_in_dim3A_574 = vector.broadcast %broadcast_in_dim3A_573 : f32 to vector<16xf32>
      %broadcast_in_dim3A_575 = arith.constant 0.000000e+00 : f32
      %broadcast_in_dim3A_576 = vector.broadcast %broadcast_in_dim3A_575 : f32 to vector<16xf32>
      %broadcast_in_dim3A_577 = arith.constant 0.000000e+00 : f32
      %broadcast_in_dim3A_578 = vector.broadcast %broadcast_in_dim3A_577 : f32 to vector<16xf32>
      %broadcast_in_dim3A_579 = arith.constant 0.000000e+00 : f32
      %broadcast_in_dim3A_580 = vector.broadcast %broadcast_in_dim3A_579 : f32 to vector<16xf32>
      %broadcast_in_dim3A_581 = arith.constant 0.000000e+00 : f32
      %broadcast_in_dim3A_582 = vector.broadcast %broadcast_in_dim3A_581 : f32 to vector<16xf32>
      %broadcast_in_dim3A_583 = arith.constant 0.000000e+00 : f32
      %broadcast_in_dim3A_584 = vector.broadcast %broadcast_in_dim3A_583 : f32 to vector<16xf32>
      %broadcast_in_dim3A_585 = arith.constant 0.000000e+00 : f32
      %broadcast_in_dim3A_586 = vector.broadcast %broadcast_in_dim3A_585 : f32 to vector<16xf32>
      %dma_wait3A_587 = arith.constant 0 : i32
      %dma_wait3A_588 = tpu.memref_slice %arg10[%scan3A_555, %dma_wait3A_587] : memref<32x64xi32, #tpu.memory_space<vmem>> -> memref<1x64xi32, #tpu.memory_space<vmem>>
      %dma_wait3A_589 = tpu.memref_squeeze %dma_wait3A_588 : memref<1x64xi32, #tpu.memory_space<vmem>> -> memref<64xi32, #tpu.memory_space<vmem>>
      %dma_wait3A_590 = arith.constant 0 : i32
      %dma_wait3A_591 = arith.constant 0 : i32
      %dma_wait3A_592 = tpu.memref_slice %arg3[%dma_wait3A_590, %dma_wait3A_591] : memref<50000x256xf32, #tpu.memory_space<hbm>> -> memref<50000x256xf32, #tpu.memory_space<hbm>>
      tpu.wait_indirect_dma semaphore(%arg20 : memref<!tpu.dma_semaphore, #tpu.memory_space<semaphore_mem>>) src(%dma_wait3A_592 : memref<50000x256xf32, #tpu.memory_space<hbm>>) dst(%arg15 : memref<64x256xf32, #tpu.memory_space<vmem>>)
      %scan3A_593 = arith.constant 0 : i32
      %scan3A_594 = arith.constant 8 : i32
      %scan3A_595 = arith.addi %scan3A_593, %scan3A_594 : i32
      %scan3A_596 = arith.constant 1 : i32
      %scan3A_597:16 = scf.for %scan3A_929 = %scan3A_593 to %scan3A_595 step %scan3A_596 iter_args(%scan3A_930 = %broadcast_in_dim3A_556, %scan3A_931 = %broadcast_in_dim3A_558, %scan3A_932 = %broadcast_in_dim3A_560, %scan3A_933 = %broadcast_in_dim3A_562, %scan3A_934 = %broadcast_in_dim3A_564, %scan3A_935 = %broadcast_in_dim3A_566, %scan3A_936 = %broadcast_in_dim3A_568, %scan3A_937 = %broadcast_in_dim3A_570, %scan3A_938 = %broadcast_in_dim3A_572, %scan3A_939 = %broadcast_in_dim3A_574, %scan3A_940 = %broadcast_in_dim3A_576, %scan3A_941 = %broadcast_in_dim3A_578, %scan3A_942 = %broadcast_in_dim3A_580, %scan3A_943 = %broadcast_in_dim3A_582, %scan3A_944 = %broadcast_in_dim3A_584, %scan3A_945 = %broadcast_in_dim3A_586) -> (vector<16xf32>, vector<16xf32>, vector<16xf32>, vector<16xf32>, vector<16xf32>, vector<16xf32>, vector<16xf32>, vector<16xf32>, vector<16xf32>, vector<16xf32>, vector<16xf32>, vector<16xf32>, vector<16xf32>, vector<16xf32>, vector<16xf32>, vector<16xf32>)  : i32 {
        %mul3A_946 = arith.constant 8 : i32
        %mul3A_947 = arith.muli %scan3A_929, %mul3A_946 : i32
        %add3A_948 = arith.constant 0 : i32
        %add3A_949 = arith.addi %mul3A_947, %add3A_948 : i32
        %get3A_950 = arith.index_cast %add3A_949 : i32 to index
        %get3A_951 = arith.constant 0 : index
        %get3A_952 = tpu.vector_load %arg15[%get3A_950, %get3A_951] {strides = array<i32>} : memref<64x256xf32, #tpu.memory_space<vmem>>, vector<1x16xf32>,
        %get3A_953 = vector.shape_cast %get3A_952 : vector<1x16xf32> to vector<16xf32>
        %add3A_954 = arith.addf %scan3A_930, %get3A_953 : vector<16xf32>
        %get3A_955 = arith.index_cast %add3A_949 : i32 to index
        %get3A_956 = arith.constant 16 : index
        %get3A_957 = tpu.vector_load %arg15[%get3A_955, %get3A_956] {strides = array<i32>} : memref<64x256xf32, #tpu.memory_space<vmem>>, vector<1x16xf32>,
        %get3A_958 = vector.shape_cast %get3A_957 : vector<1x16xf32> to vector<16xf32>
        %add3A_959 = arith.addf %scan3A_931, %get3A_958 : vector<16xf32>
        %get3A_960 = arith.index_cast %add3A_949 : i32 to index
        %get3A_961 = arith.constant 32 : index
        %get3A_962 = tpu.vector_load %arg15[%get3A_960, %get3A_961] {strides = array<i32>} : memref<64x256xf32, #tpu.memory_space<vmem>>, vector<1x16xf32>,
        %get3A_963 = vector.shape_cast %get3A_962 : vector<1x16xf32> to vector<16xf32>
        %add3A_964 = arith.addf %scan3A_932, %get3A_963 : vector<16xf32>
        %get3A_965 = arith.index_cast %add3A_949 : i32 to index
        %get3A_966 = arith.constant 48 : index
        %get3A_967 = tpu.vector_load %arg15[%get3A_965, %get3A_966] {strides = array<i32>} : memref<64x256xf32, #tpu.memory_space<vmem>>, vector<1x16xf32>,
        %get3A_968 = vector.shape_cast %get3A_967 : vector<1x16xf32> to vector<16xf32>
        %add3A_969 = arith.addf %scan3A_933, %get3A_968 : vector<16xf32>
        %get3A_970 = arith.index_cast %add3A_949 : i32 to index
        %get3A_971 = arith.constant 64 : index
        %get3A_972 = tpu.vector_load %arg15[%get3A_970, %get3A_971] {strides = array<i32>} : memref<64x256xf32, #tpu.memory_space<vmem>>, vector<1x16xf32>,
        %get3A_973 = vector.shape_cast %get3A_972 : vector<1x16xf32> to vector<16xf32>
        %add3A_974 = arith.addf %scan3A_934, %get3A_973 : vector<16xf32>
        %get3A_975 = arith.index_cast %add3A_949 : i32 to index
        %get3A_976 = arith.constant 80 : index
        %get3A_977 = tpu.vector_load %arg15[%get3A_975, %get3A_976] {strides = array<i32>} : memref<64x256xf32, #tpu.memory_space<vmem>>, vector<1x16xf32>,
        %get3A_978 = vector.shape_cast %get3A_977 : vector<1x16xf32> to vector<16xf32>
        %add3A_979 = arith.addf %scan3A_935, %get3A_978 : vector<16xf32>
        %get3A_980 = arith.index_cast %add3A_949 : i32 to index
        %get3A_981 = arith.constant 96 : index
        %get3A_982 = tpu.vector_load %arg15[%get3A_980, %get3A_981] {strides = array<i32>} : memref<64x256xf32, #tpu.memory_space<vmem>>, vector<1x16xf32>,
        %get3A_983 = vector.shape_cast %get3A_982 : vector<1x16xf32> to vector<16xf32>
        %add3A_984 = arith.addf %scan3A_936, %get3A_983 : vector<16xf32>
        %get3A_985 = arith.index_cast %add3A_949 : i32 to index
        %get3A_986 = arith.constant 112 : index
        %get3A_987 = tpu.vector_load %arg15[%get3A_985, %get3A_986] {strides = array<i32>} : memref<64x256xf32, #tpu.memory_space<vmem>>, vector<1x16xf32>,
        %get3A_988 = vector.shape_cast %get3A_987 : vector<1x16xf32> to vector<16xf32>
        %add3A_989 = arith.addf %scan3A_937, %get3A_988 : vector<16xf32>
        %get3A_990 = arith.index_cast %add3A_949 : i32 to index
        %get3A_991 = arith.constant 128 : index
        %get3A_992 = tpu.vector_load %arg15[%get3A_990, %get3A_991] {strides = array<i32>} : memref<64x256xf32, #tpu.memory_space<vmem>>, vector<1x16xf32>,
        %get3A_993 = vector.shape_cast %get3A_992 : vector<1x16xf32> to vector<16xf32>
        %add3A_994 = arith.addf %scan3A_938, %get3A_993 : vector<16xf32>
        %get3A_995 = arith.index_cast %add3A_949 : i32 to index
        %get3A_996 = arith.constant 144 : index
        %get3A_997 = tpu.vector_load %arg15[%get3A_995, %get3A_996] {strides = array<i32>} : memref<64x256xf32, #tpu.memory_space<vmem>>, vector<1x16xf32>,
        %get3A_998 = vector.shape_cast %get3A_997 : vector<1x16xf32> to vector<16xf32>
        %add3A_999 = arith.addf %scan3A_939, %get3A_998 : vector<16xf32>
        %get3A_1000 = arith.index_cast %add3A_949 : i32 to index
        %get3A_1001 = arith.constant 160 : index
        %get3A_1002 = tpu.vector_load %arg15[%get3A_1000, %get3A_1001] {strides = array<i32>} : memref<64x256xf32, #tpu.memory_space<vmem>>, vector<1x16xf32>,
        %get3A_1003 = vector.shape_cast %get3A_1002 : vector<1x16xf32> to vector<16xf32>
        %add3A_1004 = arith.addf %scan3A_940, %get3A_1003 : vector<16xf32>
        %get3A_1005 = arith.index_cast %add3A_949 : i32 to index
        %get3A_1006 = arith.constant 176 : index
        %get3A_1007 = tpu.vector_load %arg15[%get3A_1005, %get3A_1006] {strides = array<i32>} : memref<64x256xf32, #tpu.memory_space<vmem>>, vector<1x16xf32>,
        %get3A_1008 = vector.shape_cast %get3A_1007 : vector<1x16xf32> to vector<16xf32>
        %add3A_1009 = arith.addf %scan3A_941, %get3A_1008 : vector<16xf32>
        %get3A_1010 = arith.index_cast %add3A_949 : i32 to index
        %get3A_1011 = arith.constant 192 : index
        %get3A_1012 = tpu.vector_load %arg15[%get3A_1010, %get3A_1011] {strides = array<i32>} : memref<64x256xf32, #tpu.memory_space<vmem>>, vector<1x16xf32>,
        %get3A_1013 = vector.shape_cast %get3A_1012 : vector<1x16xf32> to vector<16xf32>
        %add3A_1014 = arith.addf %scan3A_942, %get3A_1013 : vector<16xf32>
        %get3A_1015 = arith.index_cast %add3A_949 : i32 to index
        %get3A_1016 = arith.constant 208 : index
        %get3A_1017 = tpu.vector_load %arg15[%get3A_1015, %get3A_1016] {strides = array<i32>} : memref<64x256xf32, #tpu.memory_space<vmem>>, vector<1x16xf32>,
        %get3A_1018 = vector.shape_cast %get3A_1017 : vector<1x16xf32> to vector<16xf32>
        %add3A_1019 = arith.addf %scan3A_943, %get3A_1018 : vector<16xf32>
        %get3A_1020 = arith.index_cast %add3A_949 : i32 to index
        %get3A_1021 = arith.constant 224 : index
        %get3A_1022 = tpu.vector_load %arg15[%get3A_1020, %get3A_1021] {strides = array<i32>} : memref<64x256xf32, #tpu.memory_space<vmem>>, vector<1x16xf32>,
        %get3A_1023 = vector.shape_cast %get3A_1022 : vector<1x16xf32> to vector<16xf32>
        %add3A_1024 = arith.addf %scan3A_944, %get3A_1023 : vector<16xf32>
        %get3A_1025 = arith.index_cast %add3A_949 : i32 to index
        %get3A_1026 = arith.constant 240 : index
        %get3A_1027 = tpu.vector_load %arg15[%get3A_1025, %get3A_1026] {strides = array<i32>} : memref<64x256xf32, #tpu.memory_space<vmem>>, vector<1x16xf32>,
        %get3A_1028 = vector.shape_cast %get3A_1027 : vector<1x16xf32> to vector<16xf32>
        %add3A_1029 = arith.addf %scan3A_945, %get3A_1028 : vector<16xf32>
        %mul3A_1030 = arith.constant 8 : i32
        %mul3A_1031 = arith.muli %scan3A_929, %mul3A_1030 : i32
        %add3A_1032 = arith.constant 1 : i32
        %add3A_1033 = arith.addi %mul3A_1031, %add3A_1032 : i32
        %get3A_1034 = arith.index_cast %add3A_1033 : i32 to index
        %get3A_1035 = arith.constant 0 : index
        %get3A_1036 = tpu.vector_load %arg15[%get3A_1034, %get3A_1035] {strides = array<i32>} : memref<64x256xf32, #tpu.memory_space<vmem>>, vector<1x16xf32>,
        %get3A_1037 = vector.shape_cast %get3A_1036 : vector<1x16xf32> to vector<16xf32>
        %add3A_1038 = arith.addf %add3A_954, %get3A_1037 : vector<16xf32>
        %get3A_1039 = arith.index_cast %add3A_1033 : i32 to index
        %get3A_1040 = arith.constant 16 : index
        %get3A_1041 = tpu.vector_load %arg15[%get3A_1039, %get3A_1040] {strides = array<i32>} : memref<64x256xf32, #tpu.memory_space<vmem>>, vector<1x16xf32>,
        %get3A_1042 = vector.shape_cast %get3A_1041 : vector<1x16xf32> to vector<16xf32>
        %add3A_1043 = arith.addf %add3A_959, %get3A_1042 : vector<16xf32>
        %get3A_1044 = arith.index_cast %add3A_1033 : i32 to index
        %get3A_1045 = arith.constant 32 : index
        %get3A_1046 = tpu.vector_load %arg15[%get3A_1044, %get3A_1045] {strides = array<i32>} : memref<64x256xf32, #tpu.memory_space<vmem>>, vector<1x16xf32>,
        %get3A_1047 = vector.shape_cast %get3A_1046 : vector<1x16xf32> to vector<16xf32>
        %add3A_1048 = arith.addf %add3A_964, %get3A_1047 : vector<16xf32>
        %get3A_1049 = arith.index_cast %add3A_1033 : i32 to index
        %get3A_1050 = arith.constant 48 : index
        %get3A_1051 = tpu.vector_load %arg15[%get3A_1049, %get3A_1050] {strides = array<i32>} : memref<64x256xf32, #tpu.memory_space<vmem>>, vector<1x16xf32>,
        %get3A_1052 = vector.shape_cast %get3A_1051 : vector<1x16xf32> to vector<16xf32>
        %add3A_1053 = arith.addf %add3A_969, %get3A_1052 : vector<16xf32>
        %get3A_1054 = arith.index_cast %add3A_1033 : i32 to index
        %get3A_1055 = arith.constant 64 : index
        %get3A_1056 = tpu.vector_load %arg15[%get3A_1054, %get3A_1055] {strides = array<i32>} : memref<64x256xf32, #tpu.memory_space<vmem>>, vector<1x16xf32>,
        %get3A_1057 = vector.shape_cast %get3A_1056 : vector<1x16xf32> to vector<16xf32>
        %add3A_1058 = arith.addf %add3A_974, %get3A_1057 : vector<16xf32>
        %get3A_1059 = arith.index_cast %add3A_1033 : i32 to index
        %get3A_1060 = arith.constant 80 : index
        %get3A_1061 = tpu.vector_load %arg15[%get3A_1059, %get3A_1060] {strides = array<i32>} : memref<64x256xf32, #tpu.memory_space<vmem>>, vector<1x16xf32>,
        %get3A_1062 = vector.shape_cast %get3A_1061 : vector<1x16xf32> to vector<16xf32>
        %add3A_1063 = arith.addf %add3A_979, %get3A_1062 : vector<16xf32>
        %get3A_1064 = arith.index_cast %add3A_1033 : i32 to index
        %get3A_1065 = arith.constant 96 : index
        %get3A_1066 = tpu.vector_load %arg15[%get3A_1064, %get3A_1065] {strides = array<i32>} : memref<64x256xf32, #tpu.memory_space<vmem>>, vector<1x16xf32>,
        %get3A_1067 = vector.shape_cast %get3A_1066 : vector<1x16xf32> to vector<16xf32>
        %add3A_1068 = arith.addf %add3A_984, %get3A_1067 : vector<16xf32>
        %get3A_1069 = arith.index_cast %add3A_1033 : i32 to index
        %get3A_1070 = arith.constant 112 : index
        %get3A_1071 = tpu.vector_load %arg15[%get3A_1069, %get3A_1070] {strides = array<i32>} : memref<64x256xf32, #tpu.memory_space<vmem>>, vector<1x16xf32>,
        %get3A_1072 = vector.shape_cast %get3A_1071 : vector<1x16xf32> to vector<16xf32>
        %add3A_1073 = arith.addf %add3A_989, %get3A_1072 : vector<16xf32>
        %get3A_1074 = arith.index_cast %add3A_1033 : i32 to index
        %get3A_1075 = arith.constant 128 : index
        %get3A_1076 = tpu.vector_load %arg15[%get3A_1074, %get3A_1075] {strides = array<i32>} : memref<64x256xf32, #tpu.memory_space<vmem>>, vector<1x16xf32>,
        %get3A_1077 = vector.shape_cast %get3A_1076 : vector<1x16xf32> to vector<16xf32>
        %add3A_1078 = arith.addf %add3A_994, %get3A_1077 : vector<16xf32>
        %get3A_1079 = arith.index_cast %add3A_1033 : i32 to index
        %get3A_1080 = arith.constant 144 : index
        %get3A_1081 = tpu.vector_load %arg15[%get3A_1079, %get3A_1080] {strides = array<i32>} : memref<64x256xf32, #tpu.memory_space<vmem>>, vector<1x16xf32>,
        %get3A_1082 = vector.shape_cast %get3A_1081 : vector<1x16xf32> to vector<16xf32>
        %add3A_1083 = arith.addf %add3A_999, %get3A_1082 : vector<16xf32>
        %get3A_1084 = arith.index_cast %add3A_1033 : i32 to index
        %get3A_1085 = arith.constant 160 : index
        %get3A_1086 = tpu.vector_load %arg15[%get3A_1084, %get3A_1085] {strides = array<i32>} : memref<64x256xf32, #tpu.memory_space<vmem>>, vector<1x16xf32>,
        %get3A_1087 = vector.shape_cast %get3A_1086 : vector<1x16xf32> to vector<16xf32>
        %add3A_1088 = arith.addf %add3A_1004, %get3A_1087 : vector<16xf32>
        %get3A_1089 = arith.index_cast %add3A_1033 : i32 to index
        %get3A_1090 = arith.constant 176 : index
        %get3A_1091 = tpu.vector_load %arg15[%get3A_1089, %get3A_1090] {strides = array<i32>} : memref<64x256xf32, #tpu.memory_space<vmem>>, vector<1x16xf32>,
        %get3A_1092 = vector.shape_cast %get3A_1091 : vector<1x16xf32> to vector<16xf32>
        %add3A_1093 = arith.addf %add3A_1009, %get3A_1092 : vector<16xf32>
        %get3A_1094 = arith.index_cast %add3A_1033 : i32 to index
        %get3A_1095 = arith.constant 192 : index
        %get3A_1096 = tpu.vector_load %arg15[%get3A_1094, %get3A_1095] {strides = array<i32>} : memref<64x256xf32, #tpu.memory_space<vmem>>, vector<1x16xf32>,
        %get3A_1097 = vector.shape_cast %get3A_1096 : vector<1x16xf32> to vector<16xf32>
        %add3A_1098 = arith.addf %add3A_1014, %get3A_1097 : vector<16xf32>
        %get3A_1099 = arith.index_cast %add3A_1033 : i32 to index
        %get3A_1100 = arith.constant 208 : index
        %get3A_1101 = tpu.vector_load %arg15[%get3A_1099, %get3A_1100] {strides = array<i32>} : memref<64x256xf32, #tpu.memory_space<vmem>>, vector<1x16xf32>,
        %get3A_1102 = vector.shape_cast %get3A_1101 : vector<1x16xf32> to vector<16xf32>
        %add3A_1103 = arith.addf %add3A_1019, %get3A_1102 : vector<16xf32>
        %get3A_1104 = arith.index_cast %add3A_1033 : i32 to index
        %get3A_1105 = arith.constant 224 : index
        %get3A_1106 = tpu.vector_load %arg15[%get3A_1104, %get3A_1105] {strides = array<i32>} : memref<64x256xf32, #tpu.memory_space<vmem>>, vector<1x16xf32>,
        %get3A_1107 = vector.shape_cast %get3A_1106 : vector<1x16xf32> to vector<16xf32>
        %add3A_1108 = arith.addf %add3A_1024, %get3A_1107 : vector<16xf32>
        %get3A_1109 = arith.index_cast %add3A_1033 : i32 to index
        %get3A_1110 = arith.constant 240 : index
        %get3A_1111 = tpu.vector_load %arg15[%get3A_1109, %get3A_1110] {strides = array<i32>} : memref<64x256xf32, #tpu.memory_space<vmem>>, vector<1x16xf32>,
        %get3A_1112 = vector.shape_cast %get3A_1111 : vector<1x16xf32> to vector<16xf32>
        %add3A_1113 = arith.addf %add3A_1029, %get3A_1112 : vector<16xf32>
        %mul3A_1114 = arith.constant 8 : i32
        %mul3A_1115 = arith.muli %scan3A_929, %mul3A_1114 : i32
        %add3A_1116 = arith.constant 2 : i32
        %add3A_1117 = arith.addi %mul3A_1115, %add3A_1116 : i32
        %get3A_1118 = arith.index_cast %add3A_1117 : i32 to index
        %get3A_1119 = arith.constant 0 : index
        %get3A_1120 = tpu.vector_load %arg15[%get3A_1118, %get3A_1119] {strides = array<i32>} : memref<64x256xf32, #tpu.memory_space<vmem>>, vector<1x16xf32>,
        %get3A_1121 = vector.shape_cast %get3A_1120 : vector<1x16xf32> to vector<16xf32>
        %add3A_1122 = arith.addf %add3A_1038, %get3A_1121 : vector<16xf32>
        %get3A_1123 = arith.index_cast %add3A_1117 : i32 to index
        %get3A_1124 = arith.constant 16 : index
        %get3A_1125 = tpu.vector_load %arg15[%get3A_1123, %get3A_1124] {strides = array<i32>} : memref<64x256xf32, #tpu.memory_space<vmem>>, vector<1x16xf32>,
        %get3A_1126 = vector.shape_cast %get3A_1125 : vector<1x16xf32> to vector<16xf32>
        %add3A_1127 = arith.addf %add3A_1043, %get3A_1126 : vector<16xf32>
        %get3A_1128 = arith.index_cast %add3A_1117 : i32 to index
        %get3A_1129 = arith.constant 32 : index
        %get3A_1130 = tpu.vector_load %arg15[%get3A_1128, %get3A_1129] {strides = array<i32>} : memref<64x256xf32, #tpu.memory_space<vmem>>, vector<1x16xf32>,
        %get3A_1131 = vector.shape_cast %get3A_1130 : vector<1x16xf32> to vector<16xf32>
        %add3A_1132 = arith.addf %add3A_1048, %get3A_1131 : vector<16xf32>
        %get3A_1133 = arith.index_cast %add3A_1117 : i32 to index
        %get3A_1134 = arith.constant 48 : index
        %get3A_1135 = tpu.vector_load %arg15[%get3A_1133, %get3A_1134] {strides = array<i32>} : memref<64x256xf32, #tpu.memory_space<vmem>>, vector<1x16xf32>,
        %get3A_1136 = vector.shape_cast %get3A_1135 : vector<1x16xf32> to vector<16xf32>
        %add3A_1137 = arith.addf %add3A_1053, %get3A_1136 : vector<16xf32>
        %get3A_1138 = arith.index_cast %add3A_1117 : i32 to index
        %get3A_1139 = arith.constant 64 : index
        %get3A_1140 = tpu.vector_load %arg15[%get3A_1138, %get3A_1139] {strides = array<i32>} : memref<64x256xf32, #tpu.memory_space<vmem>>, vector<1x16xf32>,
        %get3A_1141 = vector.shape_cast %get3A_1140 : vector<1x16xf32> to vector<16xf32>
        %add3A_1142 = arith.addf %add3A_1058, %get3A_1141 : vector<16xf32>
        %get3A_1143 = arith.index_cast %add3A_1117 : i32 to index
        %get3A_1144 = arith.constant 80 : index
        %get3A_1145 = tpu.vector_load %arg15[%get3A_1143, %get3A_1144] {strides = array<i32>} : memref<64x256xf32, #tpu.memory_space<vmem>>, vector<1x16xf32>,
        %get3A_1146 = vector.shape_cast %get3A_1145 : vector<1x16xf32> to vector<16xf32>
        %add3A_1147 = arith.addf %add3A_1063, %get3A_1146 : vector<16xf32>
        %get3A_1148 = arith.index_cast %add3A_1117 : i32 to index
        %get3A_1149 = arith.constant 96 : index
        %get3A_1150 = tpu.vector_load %arg15[%get3A_1148, %get3A_1149] {strides = array<i32>} : memref<64x256xf32, #tpu.memory_space<vmem>>, vector<1x16xf32>,
        %get3A_1151 = vector.shape_cast %get3A_1150 : vector<1x16xf32> to vector<16xf32>
        %add3A_1152 = arith.addf %add3A_1068, %get3A_1151 : vector<16xf32>
        %get3A_1153 = arith.index_cast %add3A_1117 : i32 to index
        %get3A_1154 = arith.constant 112 : index
        %get3A_1155 = tpu.vector_load %arg15[%get3A_1153, %get3A_1154] {strides = array<i32>} : memref<64x256xf32, #tpu.memory_space<vmem>>, vector<1x16xf32>,
        %get3A_1156 = vector.shape_cast %get3A_1155 : vector<1x16xf32> to vector<16xf32>
        %add3A_1157 = arith.addf %add3A_1073, %get3A_1156 : vector<16xf32>
        %get3A_1158 = arith.index_cast %add3A_1117 : i32 to index
        %get3A_1159 = arith.constant 128 : index
        %get3A_1160 = tpu.vector_load %arg15[%get3A_1158, %get3A_1159] {strides = array<i32>} : memref<64x256xf32, #tpu.memory_space<vmem>>, vector<1x16xf32>,
        %get3A_1161 = vector.shape_cast %get3A_1160 : vector<1x16xf32> to vector<16xf32>
        %add3A_1162 = arith.addf %add3A_1078, %get3A_1161 : vector<16xf32>
        %get3A_1163 = arith.index_cast %add3A_1117 : i32 to index
        %get3A_1164 = arith.constant 144 : index
        %get3A_1165 = tpu.vector_load %arg15[%get3A_1163, %get3A_1164] {strides = array<i32>} : memref<64x256xf32, #tpu.memory_space<vmem>>, vector<1x16xf32>,
        %get3A_1166 = vector.shape_cast %get3A_1165 : vector<1x16xf32> to vector<16xf32>
        %add3A_1167 = arith.addf %add3A_1083, %get3A_1166 : vector<16xf32>
        %get3A_1168 = arith.index_cast %add3A_1117 : i32 to index
        %get3A_1169 = arith.constant 160 : index
        %get3A_1170 = tpu.vector_load %arg15[%get3A_1168, %get3A_1169] {strides = array<i32>} : memref<64x256xf32, #tpu.memory_space<vmem>>, vector<1x16xf32>,
        %get3A_1171 = vector.shape_cast %get3A_1170 : vector<1x16xf32> to vector<16xf32>
        %add3A_1172 = arith.addf %add3A_1088, %get3A_1171 : vector<16xf32>
        %get3A_1173 = arith.index_cast %add3A_1117 : i32 to index
        %get3A_1174 = arith.constant 176 : index
        %get3A_1175 = tpu.vector_load %arg15[%get3A_1173, %get3A_1174] {strides = array<i32>} : memref<64x256xf32, #tpu.memory_space<vmem>>, vector<1x16xf32>,
        %get3A_1176 = vector.shape_cast %get3A_1175 : vector<1x16xf32> to vector<16xf32>
        %add3A_1177 = arith.addf %add3A_1093, %get3A_1176 : vector<16xf32>
        %get3A_1178 = arith.index_cast %add3A_1117 : i32 to index
        %get3A_1179 = arith.constant 192 : index
        %get3A_1180 = tpu.vector_load %arg15[%get3A_1178, %get3A_1179] {strides = array<i32>} : memref<64x256xf32, #tpu.memory_space<vmem>>, vector<1x16xf32>,
        %get3A_1181 = vector.shape_cast %get3A_1180 : vector<1x16xf32> to vector<16xf32>
        %add3A_1182 = arith.addf %add3A_1098, %get3A_1181 : vector<16xf32>
        %get3A_1183 = arith.index_cast %add3A_1117 : i32 to index
        %get3A_1184 = arith.constant 208 : index
        %get3A_1185 = tpu.vector_load %arg15[%get3A_1183, %get3A_1184] {strides = array<i32>} : memref<64x256xf32, #tpu.memory_space<vmem>>, vector<1x16xf32>,
        %get3A_1186 = vector.shape_cast %get3A_1185 : vector<1x16xf32> to vector<16xf32>
        %add3A_1187 = arith.addf %add3A_1103, %get3A_1186 : vector<16xf32>
        %get3A_1188 = arith.index_cast %add3A_1117 : i32 to index
        %get3A_1189 = arith.constant 224 : index
        %get3A_1190 = tpu.vector_load %arg15[%get3A_1188, %get3A_1189] {strides = array<i32>} : memref<64x256xf32, #tpu.memory_space<vmem>>, vector<1x16xf32>,
        %get3A_1191 = vector.shape_cast %get3A_1190 : vector<1x16xf32> to vector<16xf32>
        %add3A_1192 = arith.addf %add3A_1108, %get3A_1191 : vector<16xf32>
        %get3A_1193 = arith.index_cast %add3A_1117 : i32 to index
        %get3A_1194 = arith.constant 240 : index
        %get3A_1195 = tpu.vector_load %arg15[%get3A_1193, %get3A_1194] {strides = array<i32>} : memref<64x256xf32, #tpu.memory_space<vmem>>, vector<1x16xf32>,
        %get3A_1196 = vector.shape_cast %get3A_1195 : vector<1x16xf32> to vector<16xf32>
        %add3A_1197 = arith.addf %add3A_1113, %get3A_1196 : vector<16xf32>
        %mul3A_1198 = arith.constant 8 : i32
        %mul3A_1199 = arith.muli %scan3A_929, %mul3A_1198 : i32
        %add3A_1200 = arith.constant 3 : i32
        %add3A_1201 = arith.addi %mul3A_1199, %add3A_1200 : i32
        %get3A_1202 = arith.index_cast %add3A_1201 : i32 to index
        %get3A_1203 = arith.constant 0 : index
        %get3A_1204 = tpu.vector_load %arg15[%get3A_1202, %get3A_1203] {strides = array<i32>} : memref<64x256xf32, #tpu.memory_space<vmem>>, vector<1x16xf32>,
        %get3A_1205 = vector.shape_cast %get3A_1204 : vector<1x16xf32> to vector<16xf32>
        %add3A_1206 = arith.addf %add3A_1122, %get3A_1205 : vector<16xf32>
        %get3A_1207 = arith.index_cast %add3A_1201 : i32 to index
        %get3A_1208 = arith.constant 16 : index
        %get3A_1209 = tpu.vector_load %arg15[%get3A_1207, %get3A_1208] {strides = array<i32>} : memref<64x256xf32, #tpu.memory_space<vmem>>, vector<1x16xf32>,
        %get3A_1210 = vector.shape_cast %get3A_1209 : vector<1x16xf32> to vector<16xf32>
        %add3A_1211 = arith.addf %add3A_1127, %get3A_1210 : vector<16xf32>
        %get3A_1212 = arith.index_cast %add3A_1201 : i32 to index
        %get3A_1213 = arith.constant 32 : index
        %get3A_1214 = tpu.vector_load %arg15[%get3A_1212, %get3A_1213] {strides = array<i32>} : memref<64x256xf32, #tpu.memory_space<vmem>>, vector<1x16xf32>,
        %get3A_1215 = vector.shape_cast %get3A_1214 : vector<1x16xf32> to vector<16xf32>
        %add3A_1216 = arith.addf %add3A_1132, %get3A_1215 : vector<16xf32>
        %get3A_1217 = arith.index_cast %add3A_1201 : i32 to index
        %get3A_1218 = arith.constant 48 : index
        %get3A_1219 = tpu.vector_load %arg15[%get3A_1217, %get3A_1218] {strides = array<i32>} : memref<64x256xf32, #tpu.memory_space<vmem>>, vector<1x16xf32>,
        %get3A_1220 = vector.shape_cast %get3A_1219 : vector<1x16xf32> to vector<16xf32>
        %add3A_1221 = arith.addf %add3A_1137, %get3A_1220 : vector<16xf32>
        %get3A_1222 = arith.index_cast %add3A_1201 : i32 to index
        %get3A_1223 = arith.constant 64 : index
        %get3A_1224 = tpu.vector_load %arg15[%get3A_1222, %get3A_1223] {strides = array<i32>} : memref<64x256xf32, #tpu.memory_space<vmem>>, vector<1x16xf32>,
        %get3A_1225 = vector.shape_cast %get3A_1224 : vector<1x16xf32> to vector<16xf32>
        %add3A_1226 = arith.addf %add3A_1142, %get3A_1225 : vector<16xf32>
        %get3A_1227 = arith.index_cast %add3A_1201 : i32 to index
        %get3A_1228 = arith.constant 80 : index
        %get3A_1229 = tpu.vector_load %arg15[%get3A_1227, %get3A_1228] {strides = array<i32>} : memref<64x256xf32, #tpu.memory_space<vmem>>, vector<1x16xf32>,
        %get3A_1230 = vector.shape_cast %get3A_1229 : vector<1x16xf32> to vector<16xf32>
        %add3A_1231 = arith.addf %add3A_1147, %get3A_1230 : vector<16xf32>
        %get3A_1232 = arith.index_cast %add3A_1201 : i32 to index
        %get3A_1233 = arith.constant 96 : index
        %get3A_1234 = tpu.vector_load %arg15[%get3A_1232, %get3A_1233] {strides = array<i32>} : memref<64x256xf32, #tpu.memory_space<vmem>>, vector<1x16xf32>,
        %get3A_1235 = vector.shape_cast %get3A_1234 : vector<1x16xf32> to vector<16xf32>
        %add3A_1236 = arith.addf %add3A_1152, %get3A_1235 : vector<16xf32>
        %get3A_1237 = arith.index_cast %add3A_1201 : i32 to index
        %get3A_1238 = arith.constant 112 : index
        %get3A_1239 = tpu.vector_load %arg15[%get3A_1237, %get3A_1238] {strides = array<i32>} : memref<64x256xf32, #tpu.memory_space<vmem>>, vector<1x16xf32>,
        %get3A_1240 = vector.shape_cast %get3A_1239 : vector<1x16xf32> to vector<16xf32>
        %add3A_1241 = arith.addf %add3A_1157, %get3A_1240 : vector<16xf32>
        %get3A_1242 = arith.index_cast %add3A_1201 : i32 to index
        %get3A_1243 = arith.constant 128 : index
        %get3A_1244 = tpu.vector_load %arg15[%get3A_1242, %get3A_1243] {strides = array<i32>} : memref<64x256xf32, #tpu.memory_space<vmem>>, vector<1x16xf32>,
        %get3A_1245 = vector.shape_cast %get3A_1244 : vector<1x16xf32> to vector<16xf32>
        %add3A_1246 = arith.addf %add3A_1162, %get3A_1245 : vector<16xf32>
        %get3A_1247 = arith.index_cast %add3A_1201 : i32 to index
        %get3A_1248 = arith.constant 144 : index
        %get3A_1249 = tpu.vector_load %arg15[%get3A_1247, %get3A_1248] {strides = array<i32>} : memref<64x256xf32, #tpu.memory_space<vmem>>, vector<1x16xf32>,
        %get3A_1250 = vector.shape_cast %get3A_1249 : vector<1x16xf32> to vector<16xf32>
        %add3A_1251 = arith.addf %add3A_1167, %get3A_1250 : vector<16xf32>
        %get3A_1252 = arith.index_cast %add3A_1201 : i32 to index
        %get3A_1253 = arith.constant 160 : index
        %get3A_1254 = tpu.vector_load %arg15[%get3A_1252, %get3A_1253] {strides = array<i32>} : memref<64x256xf32, #tpu.memory_space<vmem>>, vector<1x16xf32>,
        %get3A_1255 = vector.shape_cast %get3A_1254 : vector<1x16xf32> to vector<16xf32>
        %add3A_1256 = arith.addf %add3A_1172, %get3A_1255 : vector<16xf32>
        %get3A_1257 = arith.index_cast %add3A_1201 : i32 to index
        %get3A_1258 = arith.constant 176 : index
        %get3A_1259 = tpu.vector_load %arg15[%get3A_1257, %get3A_1258] {strides = array<i32>} : memref<64x256xf32, #tpu.memory_space<vmem>>, vector<1x16xf32>,
        %get3A_1260 = vector.shape_cast %get3A_1259 : vector<1x16xf32> to vector<16xf32>
        %add3A_1261 = arith.addf %add3A_1177, %get3A_1260 : vector<16xf32>
        %get3A_1262 = arith.index_cast %add3A_1201 : i32 to index
        %get3A_1263 = arith.constant 192 : index
        %get3A_1264 = tpu.vector_load %arg15[%get3A_1262, %get3A_1263] {strides = array<i32>} : memref<64x256xf32, #tpu.memory_space<vmem>>, vector<1x16xf32>,
        %get3A_1265 = vector.shape_cast %get3A_1264 : vector<1x16xf32> to vector<16xf32>
        %add3A_1266 = arith.addf %add3A_1182, %get3A_1265 : vector<16xf32>
        %get3A_1267 = arith.index_cast %add3A_1201 : i32 to index
        %get3A_1268 = arith.constant 208 : index
        %get3A_1269 = tpu.vector_load %arg15[%get3A_1267, %get3A_1268] {strides = array<i32>} : memref<64x256xf32, #tpu.memory_space<vmem>>, vector<1x16xf32>,
        %get3A_1270 = vector.shape_cast %get3A_1269 : vector<1x16xf32> to vector<16xf32>
        %add3A_1271 = arith.addf %add3A_1187, %get3A_1270 : vector<16xf32>
        %get3A_1272 = arith.index_cast %add3A_1201 : i32 to index
        %get3A_1273 = arith.constant 224 : index
        %get3A_1274 = tpu.vector_load %arg15[%get3A_1272, %get3A_1273] {strides = array<i32>} : memref<64x256xf32, #tpu.memory_space<vmem>>, vector<1x16xf32>,
        %get3A_1275 = vector.shape_cast %get3A_1274 : vector<1x16xf32> to vector<16xf32>
        %add3A_1276 = arith.addf %add3A_1192, %get3A_1275 : vector<16xf32>
        %get3A_1277 = arith.index_cast %add3A_1201 : i32 to index
        %get3A_1278 = arith.constant 240 : index
        %get3A_1279 = tpu.vector_load %arg15[%get3A_1277, %get3A_1278] {strides = array<i32>} : memref<64x256xf32, #tpu.memory_space<vmem>>, vector<1x16xf32>,
        %get3A_1280 = vector.shape_cast %get3A_1279 : vector<1x16xf32> to vector<16xf32>
        %add3A_1281 = arith.addf %add3A_1197, %get3A_1280 : vector<16xf32>
        %mul3A_1282 = arith.constant 8 : i32
        %mul3A_1283 = arith.muli %scan3A_929, %mul3A_1282 : i32
        %add3A_1284 = arith.constant 4 : i32
        %add3A_1285 = arith.addi %mul3A_1283, %add3A_1284 : i32
        %get3A_1286 = arith.index_cast %add3A_1285 : i32 to index
        %get3A_1287 = arith.constant 0 : index
        %get3A_1288 = tpu.vector_load %arg15[%get3A_1286, %get3A_1287] {strides = array<i32>} : memref<64x256xf32, #tpu.memory_space<vmem>>, vector<1x16xf32>,
        %get3A_1289 = vector.shape_cast %get3A_1288 : vector<1x16xf32> to vector<16xf32>
        %add3A_1290 = arith.addf %add3A_1206, %get3A_1289 : vector<16xf32>
        %get3A_1291 = arith.index_cast %add3A_1285 : i32 to index
        %get3A_1292 = arith.constant 16 : index
        %get3A_1293 = tpu.vector_load %arg15[%get3A_1291, %get3A_1292] {strides = array<i32>} : memref<64x256xf32, #tpu.memory_space<vmem>>, vector<1x16xf32>,
        %get3A_1294 = vector.shape_cast %get3A_1293 : vector<1x16xf32> to vector<16xf32>
        %add3A_1295 = arith.addf %add3A_1211, %get3A_1294 : vector<16xf32>
        %get3A_1296 = arith.index_cast %add3A_1285 : i32 to index
        %get3A_1297 = arith.constant 32 : index
        %get3A_1298 = tpu.vector_load %arg15[%get3A_1296, %get3A_1297] {strides = array<i32>} : memref<64x256xf32, #tpu.memory_space<vmem>>, vector<1x16xf32>,
        %get3A_1299 = vector.shape_cast %get3A_1298 : vector<1x16xf32> to vector<16xf32>
        %add3A_1300 = arith.addf %add3A_1216, %get3A_1299 : vector<16xf32>
        %get3A_1301 = arith.index_cast %add3A_1285 : i32 to index
        %get3A_1302 = arith.constant 48 : index
        %get3A_1303 = tpu.vector_load %arg15[%get3A_1301, %get3A_1302] {strides = array<i32>} : memref<64x256xf32, #tpu.memory_space<vmem>>, vector<1x16xf32>,
        %get3A_1304 = vector.shape_cast %get3A_1303 : vector<1x16xf32> to vector<16xf32>
        %add3A_1305 = arith.addf %add3A_1221, %get3A_1304 : vector<16xf32>
        %get3A_1306 = arith.index_cast %add3A_1285 : i32 to index
        %get3A_1307 = arith.constant 64 : index
        %get3A_1308 = tpu.vector_load %arg15[%get3A_1306, %get3A_1307] {strides = array<i32>} : memref<64x256xf32, #tpu.memory_space<vmem>>, vector<1x16xf32>,
        %get3A_1309 = vector.shape_cast %get3A_1308 : vector<1x16xf32> to vector<16xf32>
        %add3A_1310 = arith.addf %add3A_1226, %get3A_1309 : vector<16xf32>
        %get3A_1311 = arith.index_cast %add3A_1285 : i32 to index
        %get3A_1312 = arith.constant 80 : index
        %get3A_1313 = tpu.vector_load %arg15[%get3A_1311, %get3A_1312] {strides = array<i32>} : memref<64x256xf32, #tpu.memory_space<vmem>>, vector<1x16xf32>,
        %get3A_1314 = vector.shape_cast %get3A_1313 : vector<1x16xf32> to vector<16xf32>
        %add3A_1315 = arith.addf %add3A_1231, %get3A_1314 : vector<16xf32>
        %get3A_1316 = arith.index_cast %add3A_1285 : i32 to index
        %get3A_1317 = arith.constant 96 : index
        %get3A_1318 = tpu.vector_load %arg15[%get3A_1316, %get3A_1317] {strides = array<i32>} : memref<64x256xf32, #tpu.memory_space<vmem>>, vector<1x16xf32>,
        %get3A_1319 = vector.shape_cast %get3A_1318 : vector<1x16xf32> to vector<16xf32>
        %add3A_1320 = arith.addf %add3A_1236, %get3A_1319 : vector<16xf32>
        %get3A_1321 = arith.index_cast %add3A_1285 : i32 to index
        %get3A_1322 = arith.constant 112 : index
        %get3A_1323 = tpu.vector_load %arg15[%get3A_1321, %get3A_1322] {strides = array<i32>} : memref<64x256xf32, #tpu.memory_space<vmem>>, vector<1x16xf32>,
        %get3A_1324 = vector.shape_cast %get3A_1323 : vector<1x16xf32> to vector<16xf32>
        %add3A_1325 = arith.addf %add3A_1241, %get3A_1324 : vector<16xf32>
        %get3A_1326 = arith.index_cast %add3A_1285 : i32 to index
        %get3A_1327 = arith.constant 128 : index
        %get3A_1328 = tpu.vector_load %arg15[%get3A_1326, %get3A_1327] {strides = array<i32>} : memref<64x256xf32, #tpu.memory_space<vmem>>, vector<1x16xf32>,
        %get3A_1329 = vector.shape_cast %get3A_1328 : vector<1x16xf32> to vector<16xf32>
        %add3A_1330 = arith.addf %add3A_1246, %get3A_1329 : vector<16xf32>
        %get3A_1331 = arith.index_cast %add3A_1285 : i32 to index
        %get3A_1332 = arith.constant 144 : index
        %get3A_1333 = tpu.vector_load %arg15[%get3A_1331, %get3A_1332] {strides = array<i32>} : memref<64x256xf32, #tpu.memory_space<vmem>>, vector<1x16xf32>,
        %get3A_1334 = vector.shape_cast %get3A_1333 : vector<1x16xf32> to vector<16xf32>
        %add3A_1335 = arith.addf %add3A_1251, %get3A_1334 : vector<16xf32>
        %get3A_1336 = arith.index_cast %add3A_1285 : i32 to index
        %get3A_1337 = arith.constant 160 : index
        %get3A_1338 = tpu.vector_load %arg15[%get3A_1336, %get3A_1337] {strides = array<i32>} : memref<64x256xf32, #tpu.memory_space<vmem>>, vector<1x16xf32>,
        %get3A_1339 = vector.shape_cast %get3A_1338 : vector<1x16xf32> to vector<16xf32>
        %add3A_1340 = arith.addf %add3A_1256, %get3A_1339 : vector<16xf32>
        %get3A_1341 = arith.index_cast %add3A_1285 : i32 to index
        %get3A_1342 = arith.constant 176 : index
        %get3A_1343 = tpu.vector_load %arg15[%get3A_1341, %get3A_1342] {strides = array<i32>} : memref<64x256xf32, #tpu.memory_space<vmem>>, vector<1x16xf32>,
        %get3A_1344 = vector.shape_cast %get3A_1343 : vector<1x16xf32> to vector<16xf32>
        %add3A_1345 = arith.addf %add3A_1261, %get3A_1344 : vector<16xf32>
        %get3A_1346 = arith.index_cast %add3A_1285 : i32 to index
        %get3A_1347 = arith.constant 192 : index
        %get3A_1348 = tpu.vector_load %arg15[%get3A_1346, %get3A_1347] {strides = array<i32>} : memref<64x256xf32, #tpu.memory_space<vmem>>, vector<1x16xf32>,
        %get3A_1349 = vector.shape_cast %get3A_1348 : vector<1x16xf32> to vector<16xf32>
        %add3A_1350 = arith.addf %add3A_1266, %get3A_1349 : vector<16xf32>
        %get3A_1351 = arith.index_cast %add3A_1285 : i32 to index
        %get3A_1352 = arith.constant 208 : index
        %get3A_1353 = tpu.vector_load %arg15[%get3A_1351, %get3A_1352] {strides = array<i32>} : memref<64x256xf32, #tpu.memory_space<vmem>>, vector<1x16xf32>,
        %get3A_1354 = vector.shape_cast %get3A_1353 : vector<1x16xf32> to vector<16xf32>
        %add3A_1355 = arith.addf %add3A_1271, %get3A_1354 : vector<16xf32>
        %get3A_1356 = arith.index_cast %add3A_1285 : i32 to index
        %get3A_1357 = arith.constant 224 : index
        %get3A_1358 = tpu.vector_load %arg15[%get3A_1356, %get3A_1357] {strides = array<i32>} : memref<64x256xf32, #tpu.memory_space<vmem>>, vector<1x16xf32>,
        %get3A_1359 = vector.shape_cast %get3A_1358 : vector<1x16xf32> to vector<16xf32>
        %add3A_1360 = arith.addf %add3A_1276, %get3A_1359 : vector<16xf32>
        %get3A_1361 = arith.index_cast %add3A_1285 : i32 to index
        %get3A_1362 = arith.constant 240 : index
        %get3A_1363 = tpu.vector_load %arg15[%get3A_1361, %get3A_1362] {strides = array<i32>} : memref<64x256xf32, #tpu.memory_space<vmem>>, vector<1x16xf32>,
        %get3A_1364 = vector.shape_cast %get3A_1363 : vector<1x16xf32> to vector<16xf32>
        %add3A_1365 = arith.addf %add3A_1281, %get3A_1364 : vector<16xf32>
        %mul3A_1366 = arith.constant 8 : i32
        %mul3A_1367 = arith.muli %scan3A_929, %mul3A_1366 : i32
        %add3A_1368 = arith.constant 5 : i32
        %add3A_1369 = arith.addi %mul3A_1367, %add3A_1368 : i32
        %get3A_1370 = arith.index_cast %add3A_1369 : i32 to index
        %get3A_1371 = arith.constant 0 : index
        %get3A_1372 = tpu.vector_load %arg15[%get3A_1370, %get3A_1371] {strides = array<i32>} : memref<64x256xf32, #tpu.memory_space<vmem>>, vector<1x16xf32>,
        %get3A_1373 = vector.shape_cast %get3A_1372 : vector<1x16xf32> to vector<16xf32>
        %add3A_1374 = arith.addf %add3A_1290, %get3A_1373 : vector<16xf32>
        %get3A_1375 = arith.index_cast %add3A_1369 : i32 to index
        %get3A_1376 = arith.constant 16 : index
        %get3A_1377 = tpu.vector_load %arg15[%get3A_1375, %get3A_1376] {strides = array<i32>} : memref<64x256xf32, #tpu.memory_space<vmem>>, vector<1x16xf32>,
        %get3A_1378 = vector.shape_cast %get3A_1377 : vector<1x16xf32> to vector<16xf32>
        %add3A_1379 = arith.addf %add3A_1295, %get3A_1378 : vector<16xf32>
        %get3A_1380 = arith.index_cast %add3A_1369 : i32 to index
        %get3A_1381 = arith.constant 32 : index
        %get3A_1382 = tpu.vector_load %arg15[%get3A_1380, %get3A_1381] {strides = array<i32>} : memref<64x256xf32, #tpu.memory_space<vmem>>, vector<1x16xf32>,
        %get3A_1383 = vector.shape_cast %get3A_1382 : vector<1x16xf32> to vector<16xf32>
        %add3A_1384 = arith.addf %add3A_1300, %get3A_1383 : vector<16xf32>
        %get3A_1385 = arith.index_cast %add3A_1369 : i32 to index
        %get3A_1386 = arith.constant 48 : index
        %get3A_1387 = tpu.vector_load %arg15[%get3A_1385, %get3A_1386] {strides = array<i32>} : memref<64x256xf32, #tpu.memory_space<vmem>>, vector<1x16xf32>,
        %get3A_1388 = vector.shape_cast %get3A_1387 : vector<1x16xf32> to vector<16xf32>
        %add3A_1389 = arith.addf %add3A_1305, %get3A_1388 : vector<16xf32>
        %get3A_1390 = arith.index_cast %add3A_1369 : i32 to index
        %get3A_1391 = arith.constant 64 : index
        %get3A_1392 = tpu.vector_load %arg15[%get3A_1390, %get3A_1391] {strides = array<i32>} : memref<64x256xf32, #tpu.memory_space<vmem>>, vector<1x16xf32>,
        %get3A_1393 = vector.shape_cast %get3A_1392 : vector<1x16xf32> to vector<16xf32>
        %add3A_1394 = arith.addf %add3A_1310, %get3A_1393 : vector<16xf32>
        %get3A_1395 = arith.index_cast %add3A_1369 : i32 to index
        %get3A_1396 = arith.constant 80 : index
        %get3A_1397 = tpu.vector_load %arg15[%get3A_1395, %get3A_1396] {strides = array<i32>} : memref<64x256xf32, #tpu.memory_space<vmem>>, vector<1x16xf32>,
        %get3A_1398 = vector.shape_cast %get3A_1397 : vector<1x16xf32> to vector<16xf32>
        %add3A_1399 = arith.addf %add3A_1315, %get3A_1398 : vector<16xf32>
        %get3A_1400 = arith.index_cast %add3A_1369 : i32 to index
        %get3A_1401 = arith.constant 96 : index
        %get3A_1402 = tpu.vector_load %arg15[%get3A_1400, %get3A_1401] {strides = array<i32>} : memref<64x256xf32, #tpu.memory_space<vmem>>, vector<1x16xf32>,
        %get3A_1403 = vector.shape_cast %get3A_1402 : vector<1x16xf32> to vector<16xf32>
        %add3A_1404 = arith.addf %add3A_1320, %get3A_1403 : vector<16xf32>
        %get3A_1405 = arith.index_cast %add3A_1369 : i32 to index
        %get3A_1406 = arith.constant 112 : index
        %get3A_1407 = tpu.vector_load %arg15[%get3A_1405, %get3A_1406] {strides = array<i32>} : memref<64x256xf32, #tpu.memory_space<vmem>>, vector<1x16xf32>,
        %get3A_1408 = vector.shape_cast %get3A_1407 : vector<1x16xf32> to vector<16xf32>
        %add3A_1409 = arith.addf %add3A_1325, %get3A_1408 : vector<16xf32>
        %get3A_1410 = arith.index_cast %add3A_1369 : i32 to index
        %get3A_1411 = arith.constant 128 : index
        %get3A_1412 = tpu.vector_load %arg15[%get3A_1410, %get3A_1411] {strides = array<i32>} : memref<64x256xf32, #tpu.memory_space<vmem>>, vector<1x16xf32>,
        %get3A_1413 = vector.shape_cast %get3A_1412 : vector<1x16xf32> to vector<16xf32>
        %add3A_1414 = arith.addf %add3A_1330, %get3A_1413 : vector<16xf32>
        %get3A_1415 = arith.index_cast %add3A_1369 : i32 to index
        %get3A_1416 = arith.constant 144 : index
        %get3A_1417 = tpu.vector_load %arg15[%get3A_1415, %get3A_1416] {strides = array<i32>} : memref<64x256xf32, #tpu.memory_space<vmem>>, vector<1x16xf32>,
        %get3A_1418 = vector.shape_cast %get3A_1417 : vector<1x16xf32> to vector<16xf32>
        %add3A_1419 = arith.addf %add3A_1335, %get3A_1418 : vector<16xf32>
        %get3A_1420 = arith.index_cast %add3A_1369 : i32 to index
        %get3A_1421 = arith.constant 160 : index
        %get3A_1422 = tpu.vector_load %arg15[%get3A_1420, %get3A_1421] {strides = array<i32>} : memref<64x256xf32, #tpu.memory_space<vmem>>, vector<1x16xf32>,
        %get3A_1423 = vector.shape_cast %get3A_1422 : vector<1x16xf32> to vector<16xf32>
        %add3A_1424 = arith.addf %add3A_1340, %get3A_1423 : vector<16xf32>
        %get3A_1425 = arith.index_cast %add3A_1369 : i32 to index
        %get3A_1426 = arith.constant 176 : index
        %get3A_1427 = tpu.vector_load %arg15[%get3A_1425, %get3A_1426] {strides = array<i32>} : memref<64x256xf32, #tpu.memory_space<vmem>>, vector<1x16xf32>,
        %get3A_1428 = vector.shape_cast %get3A_1427 : vector<1x16xf32> to vector<16xf32>
        %add3A_1429 = arith.addf %add3A_1345, %get3A_1428 : vector<16xf32>
        %get3A_1430 = arith.index_cast %add3A_1369 : i32 to index
        %get3A_1431 = arith.constant 192 : index
        %get3A_1432 = tpu.vector_load %arg15[%get3A_1430, %get3A_1431] {strides = array<i32>} : memref<64x256xf32, #tpu.memory_space<vmem>>, vector<1x16xf32>,
        %get3A_1433 = vector.shape_cast %get3A_1432 : vector<1x16xf32> to vector<16xf32>
        %add3A_1434 = arith.addf %add3A_1350, %get3A_1433 : vector<16xf32>
        %get3A_1435 = arith.index_cast %add3A_1369 : i32 to index
        %get3A_1436 = arith.constant 208 : index
        %get3A_1437 = tpu.vector_load %arg15[%get3A_1435, %get3A_1436] {strides = array<i32>} : memref<64x256xf32, #tpu.memory_space<vmem>>, vector<1x16xf32>,
        %get3A_1438 = vector.shape_cast %get3A_1437 : vector<1x16xf32> to vector<16xf32>
        %add3A_1439 = arith.addf %add3A_1355, %get3A_1438 : vector<16xf32>
        %get3A_1440 = arith.index_cast %add3A_1369 : i32 to index
        %get3A_1441 = arith.constant 224 : index
        %get3A_1442 = tpu.vector_load %arg15[%get3A_1440, %get3A_1441] {strides = array<i32>} : memref<64x256xf32, #tpu.memory_space<vmem>>, vector<1x16xf32>,
        %get3A_1443 = vector.shape_cast %get3A_1442 : vector<1x16xf32> to vector<16xf32>
        %add3A_1444 = arith.addf %add3A_1360, %get3A_1443 : vector<16xf32>
        %get3A_1445 = arith.index_cast %add3A_1369 : i32 to index
        %get3A_1446 = arith.constant 240 : index
        %get3A_1447 = tpu.vector_load %arg15[%get3A_1445, %get3A_1446] {strides = array<i32>} : memref<64x256xf32, #tpu.memory_space<vmem>>, vector<1x16xf32>,
        %get3A_1448 = vector.shape_cast %get3A_1447 : vector<1x16xf32> to vector<16xf32>
        %add3A_1449 = arith.addf %add3A_1365, %get3A_1448 : vector<16xf32>
        %mul3A_1450 = arith.constant 8 : i32
        %mul3A_1451 = arith.muli %scan3A_929, %mul3A_1450 : i32
        %add3A_1452 = arith.constant 6 : i32
        %add3A_1453 = arith.addi %mul3A_1451, %add3A_1452 : i32
        %get3A_1454 = arith.index_cast %add3A_1453 : i32 to index
        %get3A_1455 = arith.constant 0 : index
        %get3A_1456 = tpu.vector_load %arg15[%get3A_1454, %get3A_1455] {strides = array<i32>} : memref<64x256xf32, #tpu.memory_space<vmem>>, vector<1x16xf32>,
        %get3A_1457 = vector.shape_cast %get3A_1456 : vector<1x16xf32> to vector<16xf32>
        %add3A_1458 = arith.addf %add3A_1374, %get3A_1457 : vector<16xf32>
        %get3A_1459 = arith.index_cast %add3A_1453 : i32 to index
        %get3A_1460 = arith.constant 16 : index
        %get3A_1461 = tpu.vector_load %arg15[%get3A_1459, %get3A_1460] {strides = array<i32>} : memref<64x256xf32, #tpu.memory_space<vmem>>, vector<1x16xf32>,
        %get3A_1462 = vector.shape_cast %get3A_1461 : vector<1x16xf32> to vector<16xf32>
        %add3A_1463 = arith.addf %add3A_1379, %get3A_1462 : vector<16xf32>
        %get3A_1464 = arith.index_cast %add3A_1453 : i32 to index
        %get3A_1465 = arith.constant 32 : index
        %get3A_1466 = tpu.vector_load %arg15[%get3A_1464, %get3A_1465] {strides = array<i32>} : memref<64x256xf32, #tpu.memory_space<vmem>>, vector<1x16xf32>,
        %get3A_1467 = vector.shape_cast %get3A_1466 : vector<1x16xf32> to vector<16xf32>
        %add3A_1468 = arith.addf %add3A_1384, %get3A_1467 : vector<16xf32>
        %get3A_1469 = arith.index_cast %add3A_1453 : i32 to index
        %get3A_1470 = arith.constant 48 : index
        %get3A_1471 = tpu.vector_load %arg15[%get3A_1469, %get3A_1470] {strides = array<i32>} : memref<64x256xf32, #tpu.memory_space<vmem>>, vector<1x16xf32>,
        %get3A_1472 = vector.shape_cast %get3A_1471 : vector<1x16xf32> to vector<16xf32>
        %add3A_1473 = arith.addf %add3A_1389, %get3A_1472 : vector<16xf32>
        %get3A_1474 = arith.index_cast %add3A_1453 : i32 to index
        %get3A_1475 = arith.constant 64 : index
        %get3A_1476 = tpu.vector_load %arg15[%get3A_1474, %get3A_1475] {strides = array<i32>} : memref<64x256xf32, #tpu.memory_space<vmem>>, vector<1x16xf32>,
        %get3A_1477 = vector.shape_cast %get3A_1476 : vector<1x16xf32> to vector<16xf32>
        %add3A_1478 = arith.addf %add3A_1394, %get3A_1477 : vector<16xf32>
        %get3A_1479 = arith.index_cast %add3A_1453 : i32 to index
        %get3A_1480 = arith.constant 80 : index
        %get3A_1481 = tpu.vector_load %arg15[%get3A_1479, %get3A_1480] {strides = array<i32>} : memref<64x256xf32, #tpu.memory_space<vmem>>, vector<1x16xf32>,
        %get3A_1482 = vector.shape_cast %get3A_1481 : vector<1x16xf32> to vector<16xf32>
        %add3A_1483 = arith.addf %add3A_1399, %get3A_1482 : vector<16xf32>
        %get3A_1484 = arith.index_cast %add3A_1453 : i32 to index
        %get3A_1485 = arith.constant 96 : index
        %get3A_1486 = tpu.vector_load %arg15[%get3A_1484, %get3A_1485] {strides = array<i32>} : memref<64x256xf32, #tpu.memory_space<vmem>>, vector<1x16xf32>,
        %get3A_1487 = vector.shape_cast %get3A_1486 : vector<1x16xf32> to vector<16xf32>
        %add3A_1488 = arith.addf %add3A_1404, %get3A_1487 : vector<16xf32>
        %get3A_1489 = arith.index_cast %add3A_1453 : i32 to index
        %get3A_1490 = arith.constant 112 : index
        %get3A_1491 = tpu.vector_load %arg15[%get3A_1489, %get3A_1490] {strides = array<i32>} : memref<64x256xf32, #tpu.memory_space<vmem>>, vector<1x16xf32>,
        %get3A_1492 = vector.shape_cast %get3A_1491 : vector<1x16xf32> to vector<16xf32>
        %add3A_1493 = arith.addf %add3A_1409, %get3A_1492 : vector<16xf32>
        %get3A_1494 = arith.index_cast %add3A_1453 : i32 to index
        %get3A_1495 = arith.constant 128 : index
        %get3A_1496 = tpu.vector_load %arg15[%get3A_1494, %get3A_1495] {strides = array<i32>} : memref<64x256xf32, #tpu.memory_space<vmem>>, vector<1x16xf32>,
        %get3A_1497 = vector.shape_cast %get3A_1496 : vector<1x16xf32> to vector<16xf32>
        %add3A_1498 = arith.addf %add3A_1414, %get3A_1497 : vector<16xf32>
        %get3A_1499 = arith.index_cast %add3A_1453 : i32 to index
        %get3A_1500 = arith.constant 144 : index
        %get3A_1501 = tpu.vector_load %arg15[%get3A_1499, %get3A_1500] {strides = array<i32>} : memref<64x256xf32, #tpu.memory_space<vmem>>, vector<1x16xf32>,
        %get3A_1502 = vector.shape_cast %get3A_1501 : vector<1x16xf32> to vector<16xf32>
        %add3A_1503 = arith.addf %add3A_1419, %get3A_1502 : vector<16xf32>
        %get3A_1504 = arith.index_cast %add3A_1453 : i32 to index
        %get3A_1505 = arith.constant 160 : index
        %get3A_1506 = tpu.vector_load %arg15[%get3A_1504, %get3A_1505] {strides = array<i32>} : memref<64x256xf32, #tpu.memory_space<vmem>>, vector<1x16xf32>,
        %get3A_1507 = vector.shape_cast %get3A_1506 : vector<1x16xf32> to vector<16xf32>
        %add3A_1508 = arith.addf %add3A_1424, %get3A_1507 : vector<16xf32>
        %get3A_1509 = arith.index_cast %add3A_1453 : i32 to index
        %get3A_1510 = arith.constant 176 : index
        %get3A_1511 = tpu.vector_load %arg15[%get3A_1509, %get3A_1510] {strides = array<i32>} : memref<64x256xf32, #tpu.memory_space<vmem>>, vector<1x16xf32>,
        %get3A_1512 = vector.shape_cast %get3A_1511 : vector<1x16xf32> to vector<16xf32>
        %add3A_1513 = arith.addf %add3A_1429, %get3A_1512 : vector<16xf32>
        %get3A_1514 = arith.index_cast %add3A_1453 : i32 to index
        %get3A_1515 = arith.constant 192 : index
        %get3A_1516 = tpu.vector_load %arg15[%get3A_1514, %get3A_1515] {strides = array<i32>} : memref<64x256xf32, #tpu.memory_space<vmem>>, vector<1x16xf32>,
        %get3A_1517 = vector.shape_cast %get3A_1516 : vector<1x16xf32> to vector<16xf32>
        %add3A_1518 = arith.addf %add3A_1434, %get3A_1517 : vector<16xf32>
        %get3A_1519 = arith.index_cast %add3A_1453 : i32 to index
        %get3A_1520 = arith.constant 208 : index
        %get3A_1521 = tpu.vector_load %arg15[%get3A_1519, %get3A_1520] {strides = array<i32>} : memref<64x256xf32, #tpu.memory_space<vmem>>, vector<1x16xf32>,
        %get3A_1522 = vector.shape_cast %get3A_1521 : vector<1x16xf32> to vector<16xf32>
        %add3A_1523 = arith.addf %add3A_1439, %get3A_1522 : vector<16xf32>
        %get3A_1524 = arith.index_cast %add3A_1453 : i32 to index
        %get3A_1525 = arith.constant 224 : index
        %get3A_1526 = tpu.vector_load %arg15[%get3A_1524, %get3A_1525] {strides = array<i32>} : memref<64x256xf32, #tpu.memory_space<vmem>>, vector<1x16xf32>,
        %get3A_1527 = vector.shape_cast %get3A_1526 : vector<1x16xf32> to vector<16xf32>
        %add3A_1528 = arith.addf %add3A_1444, %get3A_1527 : vector<16xf32>
        %get3A_1529 = arith.index_cast %add3A_1453 : i32 to index
        %get3A_1530 = arith.constant 240 : index
        %get3A_1531 = tpu.vector_load %arg15[%get3A_1529, %get3A_1530] {strides = array<i32>} : memref<64x256xf32, #tpu.memory_space<vmem>>, vector<1x16xf32>,
        %get3A_1532 = vector.shape_cast %get3A_1531 : vector<1x16xf32> to vector<16xf32>
        %add3A_1533 = arith.addf %add3A_1449, %get3A_1532 : vector<16xf32>
        %mul3A_1534 = arith.constant 8 : i32
        %mul3A_1535 = arith.muli %scan3A_929, %mul3A_1534 : i32
        %add3A_1536 = arith.constant 7 : i32
        %add3A_1537 = arith.addi %mul3A_1535, %add3A_1536 : i32
        %get3A_1538 = arith.index_cast %add3A_1537 : i32 to index
        %get3A_1539 = arith.constant 0 : index
        %get3A_1540 = tpu.vector_load %arg15[%get3A_1538, %get3A_1539] {strides = array<i32>} : memref<64x256xf32, #tpu.memory_space<vmem>>, vector<1x16xf32>,
        %get3A_1541 = vector.shape_cast %get3A_1540 : vector<1x16xf32> to vector<16xf32>
        %add3A_1542 = arith.addf %add3A_1458, %get3A_1541 : vector<16xf32>
        %get3A_1543 = arith.index_cast %add3A_1537 : i32 to index
        %get3A_1544 = arith.constant 16 : index
        %get3A_1545 = tpu.vector_load %arg15[%get3A_1543, %get3A_1544] {strides = array<i32>} : memref<64x256xf32, #tpu.memory_space<vmem>>, vector<1x16xf32>,
        %get3A_1546 = vector.shape_cast %get3A_1545 : vector<1x16xf32> to vector<16xf32>
        %add3A_1547 = arith.addf %add3A_1463, %get3A_1546 : vector<16xf32>
        %get3A_1548 = arith.index_cast %add3A_1537 : i32 to index
        %get3A_1549 = arith.constant 32 : index
        %get3A_1550 = tpu.vector_load %arg15[%get3A_1548, %get3A_1549] {strides = array<i32>} : memref<64x256xf32, #tpu.memory_space<vmem>>, vector<1x16xf32>,
        %get3A_1551 = vector.shape_cast %get3A_1550 : vector<1x16xf32> to vector<16xf32>
        %add3A_1552 = arith.addf %add3A_1468, %get3A_1551 : vector<16xf32>
        %get3A_1553 = arith.index_cast %add3A_1537 : i32 to index
        %get3A_1554 = arith.constant 48 : index
        %get3A_1555 = tpu.vector_load %arg15[%get3A_1553, %get3A_1554] {strides = array<i32>} : memref<64x256xf32, #tpu.memory_space<vmem>>, vector<1x16xf32>,
        %get3A_1556 = vector.shape_cast %get3A_1555 : vector<1x16xf32> to vector<16xf32>
        %add3A_1557 = arith.addf %add3A_1473, %get3A_1556 : vector<16xf32>
        %get3A_1558 = arith.index_cast %add3A_1537 : i32 to index
        %get3A_1559 = arith.constant 64 : index
        %get3A_1560 = tpu.vector_load %arg15[%get3A_1558, %get3A_1559] {strides = array<i32>} : memref<64x256xf32, #tpu.memory_space<vmem>>, vector<1x16xf32>,
        %get3A_1561 = vector.shape_cast %get3A_1560 : vector<1x16xf32> to vector<16xf32>
        %add3A_1562 = arith.addf %add3A_1478, %get3A_1561 : vector<16xf32>
        %get3A_1563 = arith.index_cast %add3A_1537 : i32 to index
        %get3A_1564 = arith.constant 80 : index
        %get3A_1565 = tpu.vector_load %arg15[%get3A_1563, %get3A_1564] {strides = array<i32>} : memref<64x256xf32, #tpu.memory_space<vmem>>, vector<1x16xf32>,
        %get3A_1566 = vector.shape_cast %get3A_1565 : vector<1x16xf32> to vector<16xf32>
        %add3A_1567 = arith.addf %add3A_1483, %get3A_1566 : vector<16xf32>
        %get3A_1568 = arith.index_cast %add3A_1537 : i32 to index
        %get3A_1569 = arith.constant 96 : index
        %get3A_1570 = tpu.vector_load %arg15[%get3A_1568, %get3A_1569] {strides = array<i32>} : memref<64x256xf32, #tpu.memory_space<vmem>>, vector<1x16xf32>,
        %get3A_1571 = vector.shape_cast %get3A_1570 : vector<1x16xf32> to vector<16xf32>
        %add3A_1572 = arith.addf %add3A_1488, %get3A_1571 : vector<16xf32>
        %get3A_1573 = arith.index_cast %add3A_1537 : i32 to index
        %get3A_1574 = arith.constant 112 : index
        %get3A_1575 = tpu.vector_load %arg15[%get3A_1573, %get3A_1574] {strides = array<i32>} : memref<64x256xf32, #tpu.memory_space<vmem>>, vector<1x16xf32>,
        %get3A_1576 = vector.shape_cast %get3A_1575 : vector<1x16xf32> to vector<16xf32>
        %add3A_1577 = arith.addf %add3A_1493, %get3A_1576 : vector<16xf32>
        %get3A_1578 = arith.index_cast %add3A_1537 : i32 to index
        %get3A_1579 = arith.constant 128 : index
        %get3A_1580 = tpu.vector_load %arg15[%get3A_1578, %get3A_1579] {strides = array<i32>} : memref<64x256xf32, #tpu.memory_space<vmem>>, vector<1x16xf32>,
        %get3A_1581 = vector.shape_cast %get3A_1580 : vector<1x16xf32> to vector<16xf32>
        %add3A_1582 = arith.addf %add3A_1498, %get3A_1581 : vector<16xf32>
        %get3A_1583 = arith.index_cast %add3A_1537 : i32 to index
        %get3A_1584 = arith.constant 144 : index
        %get3A_1585 = tpu.vector_load %arg15[%get3A_1583, %get3A_1584] {strides = array<i32>} : memref<64x256xf32, #tpu.memory_space<vmem>>, vector<1x16xf32>,
        %get3A_1586 = vector.shape_cast %get3A_1585 : vector<1x16xf32> to vector<16xf32>
        %add3A_1587 = arith.addf %add3A_1503, %get3A_1586 : vector<16xf32>
        %get3A_1588 = arith.index_cast %add3A_1537 : i32 to index
        %get3A_1589 = arith.constant 160 : index
        %get3A_1590 = tpu.vector_load %arg15[%get3A_1588, %get3A_1589] {strides = array<i32>} : memref<64x256xf32, #tpu.memory_space<vmem>>, vector<1x16xf32>,
        %get3A_1591 = vector.shape_cast %get3A_1590 : vector<1x16xf32> to vector<16xf32>
        %add3A_1592 = arith.addf %add3A_1508, %get3A_1591 : vector<16xf32>
        %get3A_1593 = arith.index_cast %add3A_1537 : i32 to index
        %get3A_1594 = arith.constant 176 : index
        %get3A_1595 = tpu.vector_load %arg15[%get3A_1593, %get3A_1594] {strides = array<i32>} : memref<64x256xf32, #tpu.memory_space<vmem>>, vector<1x16xf32>,
        %get3A_1596 = vector.shape_cast %get3A_1595 : vector<1x16xf32> to vector<16xf32>
        %add3A_1597 = arith.addf %add3A_1513, %get3A_1596 : vector<16xf32>
        %get3A_1598 = arith.index_cast %add3A_1537 : i32 to index
        %get3A_1599 = arith.constant 192 : index
        %get3A_1600 = tpu.vector_load %arg15[%get3A_1598, %get3A_1599] {strides = array<i32>} : memref<64x256xf32, #tpu.memory_space<vmem>>, vector<1x16xf32>,
        %get3A_1601 = vector.shape_cast %get3A_1600 : vector<1x16xf32> to vector<16xf32>
        %add3A_1602 = arith.addf %add3A_1518, %get3A_1601 : vector<16xf32>
        %get3A_1603 = arith.index_cast %add3A_1537 : i32 to index
        %get3A_1604 = arith.constant 208 : index
        %get3A_1605 = tpu.vector_load %arg15[%get3A_1603, %get3A_1604] {strides = array<i32>} : memref<64x256xf32, #tpu.memory_space<vmem>>, vector<1x16xf32>,
        %get3A_1606 = vector.shape_cast %get3A_1605 : vector<1x16xf32> to vector<16xf32>
        %add3A_1607 = arith.addf %add3A_1523, %get3A_1606 : vector<16xf32>
        %get3A_1608 = arith.index_cast %add3A_1537 : i32 to index
        %get3A_1609 = arith.constant 224 : index
        %get3A_1610 = tpu.vector_load %arg15[%get3A_1608, %get3A_1609] {strides = array<i32>} : memref<64x256xf32, #tpu.memory_space<vmem>>, vector<1x16xf32>,
        %get3A_1611 = vector.shape_cast %get3A_1610 : vector<1x16xf32> to vector<16xf32>
        %add3A_1612 = arith.addf %add3A_1528, %get3A_1611 : vector<16xf32>
        %get3A_1613 = arith.index_cast %add3A_1537 : i32 to index
        %get3A_1614 = arith.constant 240 : index
        %get3A_1615 = tpu.vector_load %arg15[%get3A_1613, %get3A_1614] {strides = array<i32>} : memref<64x256xf32, #tpu.memory_space<vmem>>, vector<1x16xf32>,
        %get3A_1616 = vector.shape_cast %get3A_1615 : vector<1x16xf32> to vector<16xf32>
        %add3A_1617 = arith.addf %add3A_1533, %get3A_1616 : vector<16xf32>
        scf.yield %add3A_1542, %add3A_1547, %add3A_1552, %add3A_1557, %add3A_1562, %add3A_1567, %add3A_1572, %add3A_1577, %add3A_1582, %add3A_1587, %add3A_1592, %add3A_1597, %add3A_1602, %add3A_1607, %add3A_1612, %add3A_1617 : vector<16xf32>, vector<16xf32>, vector<16xf32>, vector<16xf32>, vector<16xf32>, vector<16xf32>, vector<16xf32>, vector<16xf32>, vector<16xf32>, vector<16xf32>, vector<16xf32>, vector<16xf32>, vector<16xf32>, vector<16xf32>, vector<16xf32>, vector<16xf32>
      }
      %scan3A_598 = arith.constant 8 : i32
      %add3A_599 = arith.constant 1 : i32
      %add3A_600 = arith.addi %scan3A_555, %add3A_599 : i32
      %lt3A = arith.constant 32 : i32
      %lt3A_601 = arith.cmpi slt, %add3A_600, %lt3A : i32
      %convert_element_type3A = arith.extui %lt3A_601 : i1 to i32
      %cond3A = arith.constant 0 : i32
      %cond3A_602 = arith.cmpi ne, %convert_element_type3A, %cond3A : i32
      scf.if %cond3A_602 {
        %add3A_929 = arith.constant 1 : i32
        %add3A_930 = arith.addi %scan3A_555, %add3A_929 : i32
        %dma_start3A_931 = arith.constant 0 : i32
        %dma_start3A_932 = tpu.memref_slice %arg10[%add3A_930, %dma_start3A_931] : memref<32x64xi32, #tpu.memory_space<vmem>> -> memref<1x64xi32, #tpu.memory_space<vmem>>
        %dma_start3A_933 = tpu.memref_squeeze %dma_start3A_932 : memref<1x64xi32, #tpu.memory_space<vmem>> -> memref<64xi32, #tpu.memory_space<vmem>>
        %dma_start3A_934 = arith.constant 0 : i32
        %dma_start3A_935 = arith.constant 0 : i32
        %dma_start3A_936 = tpu.memref_slice %arg3[%dma_start3A_934, %dma_start3A_935] : memref<50000x256xf32, #tpu.memory_space<hbm>> -> memref<50000x256xf32, #tpu.memory_space<hbm>>
        tpu.enqueue_indirect_dma source(%dma_start3A_936 : memref<50000x256xf32, #tpu.memory_space<hbm>>) target(%arg15 : memref<64x256xf32, #tpu.memory_space<vmem>>) offsets(%dma_start3A_933 : memref<64xi32, #tpu.memory_space<vmem>>) semaphore(%arg20 : memref<!tpu.dma_semaphore, #tpu.memory_space<semaphore_mem>>)
      } else {
      }
      %dma_wait3A_603 = arith.constant 0 : i32
      %dma_wait3A_604 = tpu.memref_slice %arg11[%scan3A_555, %dma_wait3A_603] : memref<32x64xi32, #tpu.memory_space<vmem>> -> memref<1x64xi32, #tpu.memory_space<vmem>>
      %dma_wait3A_605 = tpu.memref_squeeze %dma_wait3A_604 : memref<1x64xi32, #tpu.memory_space<vmem>> -> memref<64xi32, #tpu.memory_space<vmem>>
      %dma_wait3A_606 = arith.constant 0 : i32
      %dma_wait3A_607 = arith.constant 0 : i32
      %dma_wait3A_608 = tpu.memref_slice %arg3[%dma_wait3A_606, %dma_wait3A_607] : memref<50000x256xf32, #tpu.memory_space<hbm>> -> memref<50000x256xf32, #tpu.memory_space<hbm>>
      tpu.wait_indirect_dma semaphore(%arg21 : memref<!tpu.dma_semaphore, #tpu.memory_space<semaphore_mem>>) src(%dma_wait3A_608 : memref<50000x256xf32, #tpu.memory_space<hbm>>) dst(%arg16 : memref<64x256xf32, #tpu.memory_space<vmem>>)
      %scan3A_609 = arith.constant 0 : i32
      %scan3A_610 = arith.constant 8 : i32
      %scan3A_611 = arith.addi %scan3A_609, %scan3A_610 : i32
      %scan3A_612 = arith.constant 1 : i32
      %scan3A_613:16 = scf.for %scan3A_929 = %scan3A_609 to %scan3A_611 step %scan3A_612 iter_args(%scan3A_930 = %scan3A_597#0, %scan3A_931 = %scan3A_597#1, %scan3A_932 = %scan3A_597#2, %scan3A_933 = %scan3A_597#3, %scan3A_934 = %scan3A_597#4, %scan3A_935 = %scan3A_597#5, %scan3A_936 = %scan3A_597#6, %scan3A_937 = %scan3A_597#7, %scan3A_938 = %scan3A_597#8, %scan3A_939 = %scan3A_597#9, %scan3A_940 = %scan3A_597#10, %scan3A_941 = %scan3A_597#11, %scan3A_942 = %scan3A_597#12, %scan3A_943 = %scan3A_597#13, %scan3A_944 = %scan3A_597#14, %scan3A_945 = %scan3A_597#15) -> (vector<16xf32>, vector<16xf32>, vector<16xf32>, vector<16xf32>, vector<16xf32>, vector<16xf32>, vector<16xf32>, vector<16xf32>, vector<16xf32>, vector<16xf32>, vector<16xf32>, vector<16xf32>, vector<16xf32>, vector<16xf32>, vector<16xf32>, vector<16xf32>)  : i32 {
        %mul3A_946 = arith.constant 8 : i32
        %mul3A_947 = arith.muli %scan3A_929, %mul3A_946 : i32
        %add3A_948 = arith.constant 0 : i32
        %add3A_949 = arith.addi %mul3A_947, %add3A_948 : i32
        %get3A_950 = arith.index_cast %add3A_949 : i32 to index
        %get3A_951 = arith.constant 0 : index
        %get3A_952 = tpu.vector_load %arg16[%get3A_950, %get3A_951] {strides = array<i32>} : memref<64x256xf32, #tpu.memory_space<vmem>>, vector<1x16xf32>,
        %get3A_953 = vector.shape_cast %get3A_952 : vector<1x16xf32> to vector<16xf32>
        %add3A_954 = arith.addf %scan3A_930, %get3A_953 : vector<16xf32>
        %get3A_955 = arith.index_cast %add3A_949 : i32 to index
        %get3A_956 = arith.constant 16 : index
        %get3A_957 = tpu.vector_load %arg16[%get3A_955, %get3A_956] {strides = array<i32>} : memref<64x256xf32, #tpu.memory_space<vmem>>, vector<1x16xf32>,
        %get3A_958 = vector.shape_cast %get3A_957 : vector<1x16xf32> to vector<16xf32>
        %add3A_959 = arith.addf %scan3A_931, %get3A_958 : vector<16xf32>
        %get3A_960 = arith.index_cast %add3A_949 : i32 to index
        %get3A_961 = arith.constant 32 : index
        %get3A_962 = tpu.vector_load %arg16[%get3A_960, %get3A_961] {strides = array<i32>} : memref<64x256xf32, #tpu.memory_space<vmem>>, vector<1x16xf32>,
        %get3A_963 = vector.shape_cast %get3A_962 : vector<1x16xf32> to vector<16xf32>
        %add3A_964 = arith.addf %scan3A_932, %get3A_963 : vector<16xf32>
        %get3A_965 = arith.index_cast %add3A_949 : i32 to index
        %get3A_966 = arith.constant 48 : index
        %get3A_967 = tpu.vector_load %arg16[%get3A_965, %get3A_966] {strides = array<i32>} : memref<64x256xf32, #tpu.memory_space<vmem>>, vector<1x16xf32>,
        %get3A_968 = vector.shape_cast %get3A_967 : vector<1x16xf32> to vector<16xf32>
        %add3A_969 = arith.addf %scan3A_933, %get3A_968 : vector<16xf32>
        %get3A_970 = arith.index_cast %add3A_949 : i32 to index
        %get3A_971 = arith.constant 64 : index
        %get3A_972 = tpu.vector_load %arg16[%get3A_970, %get3A_971] {strides = array<i32>} : memref<64x256xf32, #tpu.memory_space<vmem>>, vector<1x16xf32>,
        %get3A_973 = vector.shape_cast %get3A_972 : vector<1x16xf32> to vector<16xf32>
        %add3A_974 = arith.addf %scan3A_934, %get3A_973 : vector<16xf32>
        %get3A_975 = arith.index_cast %add3A_949 : i32 to index
        %get3A_976 = arith.constant 80 : index
        %get3A_977 = tpu.vector_load %arg16[%get3A_975, %get3A_976] {strides = array<i32>} : memref<64x256xf32, #tpu.memory_space<vmem>>, vector<1x16xf32>,
        %get3A_978 = vector.shape_cast %get3A_977 : vector<1x16xf32> to vector<16xf32>
        %add3A_979 = arith.addf %scan3A_935, %get3A_978 : vector<16xf32>
        %get3A_980 = arith.index_cast %add3A_949 : i32 to index
        %get3A_981 = arith.constant 96 : index
        %get3A_982 = tpu.vector_load %arg16[%get3A_980, %get3A_981] {strides = array<i32>} : memref<64x256xf32, #tpu.memory_space<vmem>>, vector<1x16xf32>,
        %get3A_983 = vector.shape_cast %get3A_982 : vector<1x16xf32> to vector<16xf32>
        %add3A_984 = arith.addf %scan3A_936, %get3A_983 : vector<16xf32>
        %get3A_985 = arith.index_cast %add3A_949 : i32 to index
        %get3A_986 = arith.constant 112 : index
        %get3A_987 = tpu.vector_load %arg16[%get3A_985, %get3A_986] {strides = array<i32>} : memref<64x256xf32, #tpu.memory_space<vmem>>, vector<1x16xf32>,
        %get3A_988 = vector.shape_cast %get3A_987 : vector<1x16xf32> to vector<16xf32>
        %add3A_989 = arith.addf %scan3A_937, %get3A_988 : vector<16xf32>
        %get3A_990 = arith.index_cast %add3A_949 : i32 to index
        %get3A_991 = arith.constant 128 : index
        %get3A_992 = tpu.vector_load %arg16[%get3A_990, %get3A_991] {strides = array<i32>} : memref<64x256xf32, #tpu.memory_space<vmem>>, vector<1x16xf32>,
        %get3A_993 = vector.shape_cast %get3A_992 : vector<1x16xf32> to vector<16xf32>
        %add3A_994 = arith.addf %scan3A_938, %get3A_993 : vector<16xf32>
        %get3A_995 = arith.index_cast %add3A_949 : i32 to index
        %get3A_996 = arith.constant 144 : index
        %get3A_997 = tpu.vector_load %arg16[%get3A_995, %get3A_996] {strides = array<i32>} : memref<64x256xf32, #tpu.memory_space<vmem>>, vector<1x16xf32>,
        %get3A_998 = vector.shape_cast %get3A_997 : vector<1x16xf32> to vector<16xf32>
        %add3A_999 = arith.addf %scan3A_939, %get3A_998 : vector<16xf32>
        %get3A_1000 = arith.index_cast %add3A_949 : i32 to index
        %get3A_1001 = arith.constant 160 : index
        %get3A_1002 = tpu.vector_load %arg16[%get3A_1000, %get3A_1001] {strides = array<i32>} : memref<64x256xf32, #tpu.memory_space<vmem>>, vector<1x16xf32>,
        %get3A_1003 = vector.shape_cast %get3A_1002 : vector<1x16xf32> to vector<16xf32>
        %add3A_1004 = arith.addf %scan3A_940, %get3A_1003 : vector<16xf32>
        %get3A_1005 = arith.index_cast %add3A_949 : i32 to index
        %get3A_1006 = arith.constant 176 : index
        %get3A_1007 = tpu.vector_load %arg16[%get3A_1005, %get3A_1006] {strides = array<i32>} : memref<64x256xf32, #tpu.memory_space<vmem>>, vector<1x16xf32>,
        %get3A_1008 = vector.shape_cast %get3A_1007 : vector<1x16xf32> to vector<16xf32>
        %add3A_1009 = arith.addf %scan3A_941, %get3A_1008 : vector<16xf32>
        %get3A_1010 = arith.index_cast %add3A_949 : i32 to index
        %get3A_1011 = arith.constant 192 : index
        %get3A_1012 = tpu.vector_load %arg16[%get3A_1010, %get3A_1011] {strides = array<i32>} : memref<64x256xf32, #tpu.memory_space<vmem>>, vector<1x16xf32>,
        %get3A_1013 = vector.shape_cast %get3A_1012 : vector<1x16xf32> to vector<16xf32>
        %add3A_1014 = arith.addf %scan3A_942, %get3A_1013 : vector<16xf32>
        %get3A_1015 = arith.index_cast %add3A_949 : i32 to index
        %get3A_1016 = arith.constant 208 : index
        %get3A_1017 = tpu.vector_load %arg16[%get3A_1015, %get3A_1016] {strides = array<i32>} : memref<64x256xf32, #tpu.memory_space<vmem>>, vector<1x16xf32>,
        %get3A_1018 = vector.shape_cast %get3A_1017 : vector<1x16xf32> to vector<16xf32>
        %add3A_1019 = arith.addf %scan3A_943, %get3A_1018 : vector<16xf32>
        %get3A_1020 = arith.index_cast %add3A_949 : i32 to index
        %get3A_1021 = arith.constant 224 : index
        %get3A_1022 = tpu.vector_load %arg16[%get3A_1020, %get3A_1021] {strides = array<i32>} : memref<64x256xf32, #tpu.memory_space<vmem>>, vector<1x16xf32>,
        %get3A_1023 = vector.shape_cast %get3A_1022 : vector<1x16xf32> to vector<16xf32>
        %add3A_1024 = arith.addf %scan3A_944, %get3A_1023 : vector<16xf32>
        %get3A_1025 = arith.index_cast %add3A_949 : i32 to index
        %get3A_1026 = arith.constant 240 : index
        %get3A_1027 = tpu.vector_load %arg16[%get3A_1025, %get3A_1026] {strides = array<i32>} : memref<64x256xf32, #tpu.memory_space<vmem>>, vector<1x16xf32>,
        %get3A_1028 = vector.shape_cast %get3A_1027 : vector<1x16xf32> to vector<16xf32>
        %add3A_1029 = arith.addf %scan3A_945, %get3A_1028 : vector<16xf32>
        %mul3A_1030 = arith.constant 8 : i32
        %mul3A_1031 = arith.muli %scan3A_929, %mul3A_1030 : i32
        %add3A_1032 = arith.constant 1 : i32
        %add3A_1033 = arith.addi %mul3A_1031, %add3A_1032 : i32
        %get3A_1034 = arith.index_cast %add3A_1033 : i32 to index
        %get3A_1035 = arith.constant 0 : index
        %get3A_1036 = tpu.vector_load %arg16[%get3A_1034, %get3A_1035] {strides = array<i32>} : memref<64x256xf32, #tpu.memory_space<vmem>>, vector<1x16xf32>,
        %get3A_1037 = vector.shape_cast %get3A_1036 : vector<1x16xf32> to vector<16xf32>
        %add3A_1038 = arith.addf %add3A_954, %get3A_1037 : vector<16xf32>
        %get3A_1039 = arith.index_cast %add3A_1033 : i32 to index
        %get3A_1040 = arith.constant 16 : index
        %get3A_1041 = tpu.vector_load %arg16[%get3A_1039, %get3A_1040] {strides = array<i32>} : memref<64x256xf32, #tpu.memory_space<vmem>>, vector<1x16xf32>,
        %get3A_1042 = vector.shape_cast %get3A_1041 : vector<1x16xf32> to vector<16xf32>
        %add3A_1043 = arith.addf %add3A_959, %get3A_1042 : vector<16xf32>
        %get3A_1044 = arith.index_cast %add3A_1033 : i32 to index
        %get3A_1045 = arith.constant 32 : index
        %get3A_1046 = tpu.vector_load %arg16[%get3A_1044, %get3A_1045] {strides = array<i32>} : memref<64x256xf32, #tpu.memory_space<vmem>>, vector<1x16xf32>,
        %get3A_1047 = vector.shape_cast %get3A_1046 : vector<1x16xf32> to vector<16xf32>
        %add3A_1048 = arith.addf %add3A_964, %get3A_1047 : vector<16xf32>
        %get3A_1049 = arith.index_cast %add3A_1033 : i32 to index
        %get3A_1050 = arith.constant 48 : index
        %get3A_1051 = tpu.vector_load %arg16[%get3A_1049, %get3A_1050] {strides = array<i32>} : memref<64x256xf32, #tpu.memory_space<vmem>>, vector<1x16xf32>,
        %get3A_1052 = vector.shape_cast %get3A_1051 : vector<1x16xf32> to vector<16xf32>
        %add3A_1053 = arith.addf %add3A_969, %get3A_1052 : vector<16xf32>
        %get3A_1054 = arith.index_cast %add3A_1033 : i32 to index
        %get3A_1055 = arith.constant 64 : index
        %get3A_1056 = tpu.vector_load %arg16[%get3A_1054, %get3A_1055] {strides = array<i32>} : memref<64x256xf32, #tpu.memory_space<vmem>>, vector<1x16xf32>,
        %get3A_1057 = vector.shape_cast %get3A_1056 : vector<1x16xf32> to vector<16xf32>
        %add3A_1058 = arith.addf %add3A_974, %get3A_1057 : vector<16xf32>
        %get3A_1059 = arith.index_cast %add3A_1033 : i32 to index
        %get3A_1060 = arith.constant 80 : index
        %get3A_1061 = tpu.vector_load %arg16[%get3A_1059, %get3A_1060] {strides = array<i32>} : memref<64x256xf32, #tpu.memory_space<vmem>>, vector<1x16xf32>,
        %get3A_1062 = vector.shape_cast %get3A_1061 : vector<1x16xf32> to vector<16xf32>
        %add3A_1063 = arith.addf %add3A_979, %get3A_1062 : vector<16xf32>
        %get3A_1064 = arith.index_cast %add3A_1033 : i32 to index
        %get3A_1065 = arith.constant 96 : index
        %get3A_1066 = tpu.vector_load %arg16[%get3A_1064, %get3A_1065] {strides = array<i32>} : memref<64x256xf32, #tpu.memory_space<vmem>>, vector<1x16xf32>,
        %get3A_1067 = vector.shape_cast %get3A_1066 : vector<1x16xf32> to vector<16xf32>
        %add3A_1068 = arith.addf %add3A_984, %get3A_1067 : vector<16xf32>
        %get3A_1069 = arith.index_cast %add3A_1033 : i32 to index
        %get3A_1070 = arith.constant 112 : index
        %get3A_1071 = tpu.vector_load %arg16[%get3A_1069, %get3A_1070] {strides = array<i32>} : memref<64x256xf32, #tpu.memory_space<vmem>>, vector<1x16xf32>,
        %get3A_1072 = vector.shape_cast %get3A_1071 : vector<1x16xf32> to vector<16xf32>
        %add3A_1073 = arith.addf %add3A_989, %get3A_1072 : vector<16xf32>
        %get3A_1074 = arith.index_cast %add3A_1033 : i32 to index
        %get3A_1075 = arith.constant 128 : index
        %get3A_1076 = tpu.vector_load %arg16[%get3A_1074, %get3A_1075] {strides = array<i32>} : memref<64x256xf32, #tpu.memory_space<vmem>>, vector<1x16xf32>,
        %get3A_1077 = vector.shape_cast %get3A_1076 : vector<1x16xf32> to vector<16xf32>
        %add3A_1078 = arith.addf %add3A_994, %get3A_1077 : vector<16xf32>
        %get3A_1079 = arith.index_cast %add3A_1033 : i32 to index
        %get3A_1080 = arith.constant 144 : index
        %get3A_1081 = tpu.vector_load %arg16[%get3A_1079, %get3A_1080] {strides = array<i32>} : memref<64x256xf32, #tpu.memory_space<vmem>>, vector<1x16xf32>,
        %get3A_1082 = vector.shape_cast %get3A_1081 : vector<1x16xf32> to vector<16xf32>
        %add3A_1083 = arith.addf %add3A_999, %get3A_1082 : vector<16xf32>
        %get3A_1084 = arith.index_cast %add3A_1033 : i32 to index
        %get3A_1085 = arith.constant 160 : index
        %get3A_1086 = tpu.vector_load %arg16[%get3A_1084, %get3A_1085] {strides = array<i32>} : memref<64x256xf32, #tpu.memory_space<vmem>>, vector<1x16xf32>,
        %get3A_1087 = vector.shape_cast %get3A_1086 : vector<1x16xf32> to vector<16xf32>
        %add3A_1088 = arith.addf %add3A_1004, %get3A_1087 : vector<16xf32>
        %get3A_1089 = arith.index_cast %add3A_1033 : i32 to index
        %get3A_1090 = arith.constant 176 : index
        %get3A_1091 = tpu.vector_load %arg16[%get3A_1089, %get3A_1090] {strides = array<i32>} : memref<64x256xf32, #tpu.memory_space<vmem>>, vector<1x16xf32>,
        %get3A_1092 = vector.shape_cast %get3A_1091 : vector<1x16xf32> to vector<16xf32>
        %add3A_1093 = arith.addf %add3A_1009, %get3A_1092 : vector<16xf32>
        %get3A_1094 = arith.index_cast %add3A_1033 : i32 to index
        %get3A_1095 = arith.constant 192 : index
        %get3A_1096 = tpu.vector_load %arg16[%get3A_1094, %get3A_1095] {strides = array<i32>} : memref<64x256xf32, #tpu.memory_space<vmem>>, vector<1x16xf32>,
        %get3A_1097 = vector.shape_cast %get3A_1096 : vector<1x16xf32> to vector<16xf32>
        %add3A_1098 = arith.addf %add3A_1014, %get3A_1097 : vector<16xf32>
        %get3A_1099 = arith.index_cast %add3A_1033 : i32 to index
        %get3A_1100 = arith.constant 208 : index
        %get3A_1101 = tpu.vector_load %arg16[%get3A_1099, %get3A_1100] {strides = array<i32>} : memref<64x256xf32, #tpu.memory_space<vmem>>, vector<1x16xf32>,
        %get3A_1102 = vector.shape_cast %get3A_1101 : vector<1x16xf32> to vector<16xf32>
        %add3A_1103 = arith.addf %add3A_1019, %get3A_1102 : vector<16xf32>
        %get3A_1104 = arith.index_cast %add3A_1033 : i32 to index
        %get3A_1105 = arith.constant 224 : index
        %get3A_1106 = tpu.vector_load %arg16[%get3A_1104, %get3A_1105] {strides = array<i32>} : memref<64x256xf32, #tpu.memory_space<vmem>>, vector<1x16xf32>,
        %get3A_1107 = vector.shape_cast %get3A_1106 : vector<1x16xf32> to vector<16xf32>
        %add3A_1108 = arith.addf %add3A_1024, %get3A_1107 : vector<16xf32>
        %get3A_1109 = arith.index_cast %add3A_1033 : i32 to index
        %get3A_1110 = arith.constant 240 : index
        %get3A_1111 = tpu.vector_load %arg16[%get3A_1109, %get3A_1110] {strides = array<i32>} : memref<64x256xf32, #tpu.memory_space<vmem>>, vector<1x16xf32>,
        %get3A_1112 = vector.shape_cast %get3A_1111 : vector<1x16xf32> to vector<16xf32>
        %add3A_1113 = arith.addf %add3A_1029, %get3A_1112 : vector<16xf32>
        %mul3A_1114 = arith.constant 8 : i32
        %mul3A_1115 = arith.muli %scan3A_929, %mul3A_1114 : i32
        %add3A_1116 = arith.constant 2 : i32
        %add3A_1117 = arith.addi %mul3A_1115, %add3A_1116 : i32
        %get3A_1118 = arith.index_cast %add3A_1117 : i32 to index
        %get3A_1119 = arith.constant 0 : index
        %get3A_1120 = tpu.vector_load %arg16[%get3A_1118, %get3A_1119] {strides = array<i32>} : memref<64x256xf32, #tpu.memory_space<vmem>>, vector<1x16xf32>,
        %get3A_1121 = vector.shape_cast %get3A_1120 : vector<1x16xf32> to vector<16xf32>
        %add3A_1122 = arith.addf %add3A_1038, %get3A_1121 : vector<16xf32>
        %get3A_1123 = arith.index_cast %add3A_1117 : i32 to index
        %get3A_1124 = arith.constant 16 : index
        %get3A_1125 = tpu.vector_load %arg16[%get3A_1123, %get3A_1124] {strides = array<i32>} : memref<64x256xf32, #tpu.memory_space<vmem>>, vector<1x16xf32>,
        %get3A_1126 = vector.shape_cast %get3A_1125 : vector<1x16xf32> to vector<16xf32>
        %add3A_1127 = arith.addf %add3A_1043, %get3A_1126 : vector<16xf32>
        %get3A_1128 = arith.index_cast %add3A_1117 : i32 to index
        %get3A_1129 = arith.constant 32 : index
        %get3A_1130 = tpu.vector_load %arg16[%get3A_1128, %get3A_1129] {strides = array<i32>} : memref<64x256xf32, #tpu.memory_space<vmem>>, vector<1x16xf32>,
        %get3A_1131 = vector.shape_cast %get3A_1130 : vector<1x16xf32> to vector<16xf32>
        %add3A_1132 = arith.addf %add3A_1048, %get3A_1131 : vector<16xf32>
        %get3A_1133 = arith.index_cast %add3A_1117 : i32 to index
        %get3A_1134 = arith.constant 48 : index
        %get3A_1135 = tpu.vector_load %arg16[%get3A_1133, %get3A_1134] {strides = array<i32>} : memref<64x256xf32, #tpu.memory_space<vmem>>, vector<1x16xf32>,
        %get3A_1136 = vector.shape_cast %get3A_1135 : vector<1x16xf32> to vector<16xf32>
        %add3A_1137 = arith.addf %add3A_1053, %get3A_1136 : vector<16xf32>
        %get3A_1138 = arith.index_cast %add3A_1117 : i32 to index
        %get3A_1139 = arith.constant 64 : index
        %get3A_1140 = tpu.vector_load %arg16[%get3A_1138, %get3A_1139] {strides = array<i32>} : memref<64x256xf32, #tpu.memory_space<vmem>>, vector<1x16xf32>,
        %get3A_1141 = vector.shape_cast %get3A_1140 : vector<1x16xf32> to vector<16xf32>
        %add3A_1142 = arith.addf %add3A_1058, %get3A_1141 : vector<16xf32>
        %get3A_1143 = arith.index_cast %add3A_1117 : i32 to index
        %get3A_1144 = arith.constant 80 : index
        %get3A_1145 = tpu.vector_load %arg16[%get3A_1143, %get3A_1144] {strides = array<i32>} : memref<64x256xf32, #tpu.memory_space<vmem>>, vector<1x16xf32>,
        %get3A_1146 = vector.shape_cast %get3A_1145 : vector<1x16xf32> to vector<16xf32>
        %add3A_1147 = arith.addf %add3A_1063, %get3A_1146 : vector<16xf32>
        %get3A_1148 = arith.index_cast %add3A_1117 : i32 to index
        %get3A_1149 = arith.constant 96 : index
        %get3A_1150 = tpu.vector_load %arg16[%get3A_1148, %get3A_1149] {strides = array<i32>} : memref<64x256xf32, #tpu.memory_space<vmem>>, vector<1x16xf32>,
        %get3A_1151 = vector.shape_cast %get3A_1150 : vector<1x16xf32> to vector<16xf32>
        %add3A_1152 = arith.addf %add3A_1068, %get3A_1151 : vector<16xf32>
        %get3A_1153 = arith.index_cast %add3A_1117 : i32 to index
        %get3A_1154 = arith.constant 112 : index
        %get3A_1155 = tpu.vector_load %arg16[%get3A_1153, %get3A_1154] {strides = array<i32>} : memref<64x256xf32, #tpu.memory_space<vmem>>, vector<1x16xf32>,
        %get3A_1156 = vector.shape_cast %get3A_1155 : vector<1x16xf32> to vector<16xf32>
        %add3A_1157 = arith.addf %add3A_1073, %get3A_1156 : vector<16xf32>
        %get3A_1158 = arith.index_cast %add3A_1117 : i32 to index
        %get3A_1159 = arith.constant 128 : index
        %get3A_1160 = tpu.vector_load %arg16[%get3A_1158, %get3A_1159] {strides = array<i32>} : memref<64x256xf32, #tpu.memory_space<vmem>>, vector<1x16xf32>,
        %get3A_1161 = vector.shape_cast %get3A_1160 : vector<1x16xf32> to vector<16xf32>
        %add3A_1162 = arith.addf %add3A_1078, %get3A_1161 : vector<16xf32>
        %get3A_1163 = arith.index_cast %add3A_1117 : i32 to index
        %get3A_1164 = arith.constant 144 : index
        %get3A_1165 = tpu.vector_load %arg16[%get3A_1163, %get3A_1164] {strides = array<i32>} : memref<64x256xf32, #tpu.memory_space<vmem>>, vector<1x16xf32>,
        %get3A_1166 = vector.shape_cast %get3A_1165 : vector<1x16xf32> to vector<16xf32>
        %add3A_1167 = arith.addf %add3A_1083, %get3A_1166 : vector<16xf32>
        %get3A_1168 = arith.index_cast %add3A_1117 : i32 to index
        %get3A_1169 = arith.constant 160 : index
        %get3A_1170 = tpu.vector_load %arg16[%get3A_1168, %get3A_1169] {strides = array<i32>} : memref<64x256xf32, #tpu.memory_space<vmem>>, vector<1x16xf32>,
        %get3A_1171 = vector.shape_cast %get3A_1170 : vector<1x16xf32> to vector<16xf32>
        %add3A_1172 = arith.addf %add3A_1088, %get3A_1171 : vector<16xf32>
        %get3A_1173 = arith.index_cast %add3A_1117 : i32 to index
        %get3A_1174 = arith.constant 176 : index
        %get3A_1175 = tpu.vector_load %arg16[%get3A_1173, %get3A_1174] {strides = array<i32>} : memref<64x256xf32, #tpu.memory_space<vmem>>, vector<1x16xf32>,
        %get3A_1176 = vector.shape_cast %get3A_1175 : vector<1x16xf32> to vector<16xf32>
        %add3A_1177 = arith.addf %add3A_1093, %get3A_1176 : vector<16xf32>
        %get3A_1178 = arith.index_cast %add3A_1117 : i32 to index
        %get3A_1179 = arith.constant 192 : index
        %get3A_1180 = tpu.vector_load %arg16[%get3A_1178, %get3A_1179] {strides = array<i32>} : memref<64x256xf32, #tpu.memory_space<vmem>>, vector<1x16xf32>,
        %get3A_1181 = vector.shape_cast %get3A_1180 : vector<1x16xf32> to vector<16xf32>
        %add3A_1182 = arith.addf %add3A_1098, %get3A_1181 : vector<16xf32>
        %get3A_1183 = arith.index_cast %add3A_1117 : i32 to index
        %get3A_1184 = arith.constant 208 : index
        %get3A_1185 = tpu.vector_load %arg16[%get3A_1183, %get3A_1184] {strides = array<i32>} : memref<64x256xf32, #tpu.memory_space<vmem>>, vector<1x16xf32>,
        %get3A_1186 = vector.shape_cast %get3A_1185 : vector<1x16xf32> to vector<16xf32>
        %add3A_1187 = arith.addf %add3A_1103, %get3A_1186 : vector<16xf32>
        %get3A_1188 = arith.index_cast %add3A_1117 : i32 to index
        %get3A_1189 = arith.constant 224 : index
        %get3A_1190 = tpu.vector_load %arg16[%get3A_1188, %get3A_1189] {strides = array<i32>} : memref<64x256xf32, #tpu.memory_space<vmem>>, vector<1x16xf32>,
        %get3A_1191 = vector.shape_cast %get3A_1190 : vector<1x16xf32> to vector<16xf32>
        %add3A_1192 = arith.addf %add3A_1108, %get3A_1191 : vector<16xf32>
        %get3A_1193 = arith.index_cast %add3A_1117 : i32 to index
        %get3A_1194 = arith.constant 240 : index
        %get3A_1195 = tpu.vector_load %arg16[%get3A_1193, %get3A_1194] {strides = array<i32>} : memref<64x256xf32, #tpu.memory_space<vmem>>, vector<1x16xf32>,
        %get3A_1196 = vector.shape_cast %get3A_1195 : vector<1x16xf32> to vector<16xf32>
        %add3A_1197 = arith.addf %add3A_1113, %get3A_1196 : vector<16xf32>
        %mul3A_1198 = arith.constant 8 : i32
        %mul3A_1199 = arith.muli %scan3A_929, %mul3A_1198 : i32
        %add3A_1200 = arith.constant 3 : i32
        %add3A_1201 = arith.addi %mul3A_1199, %add3A_1200 : i32
        %get3A_1202 = arith.index_cast %add3A_1201 : i32 to index
        %get3A_1203 = arith.constant 0 : index
        %get3A_1204 = tpu.vector_load %arg16[%get3A_1202, %get3A_1203] {strides = array<i32>} : memref<64x256xf32, #tpu.memory_space<vmem>>, vector<1x16xf32>,
        %get3A_1205 = vector.shape_cast %get3A_1204 : vector<1x16xf32> to vector<16xf32>
        %add3A_1206 = arith.addf %add3A_1122, %get3A_1205 : vector<16xf32>
        %get3A_1207 = arith.index_cast %add3A_1201 : i32 to index
        %get3A_1208 = arith.constant 16 : index
        %get3A_1209 = tpu.vector_load %arg16[%get3A_1207, %get3A_1208] {strides = array<i32>} : memref<64x256xf32, #tpu.memory_space<vmem>>, vector<1x16xf32>,
        %get3A_1210 = vector.shape_cast %get3A_1209 : vector<1x16xf32> to vector<16xf32>
        %add3A_1211 = arith.addf %add3A_1127, %get3A_1210 : vector<16xf32>
        %get3A_1212 = arith.index_cast %add3A_1201 : i32 to index
        %get3A_1213 = arith.constant 32 : index
        %get3A_1214 = tpu.vector_load %arg16[%get3A_1212, %get3A_1213] {strides = array<i32>} : memref<64x256xf32, #tpu.memory_space<vmem>>, vector<1x16xf32>,
        %get3A_1215 = vector.shape_cast %get3A_1214 : vector<1x16xf32> to vector<16xf32>
        %add3A_1216 = arith.addf %add3A_1132, %get3A_1215 : vector<16xf32>
        %get3A_1217 = arith.index_cast %add3A_1201 : i32 to index
        %get3A_1218 = arith.constant 48 : index
        %get3A_1219 = tpu.vector_load %arg16[%get3A_1217, %get3A_1218] {strides = array<i32>} : memref<64x256xf32, #tpu.memory_space<vmem>>, vector<1x16xf32>,
        %get3A_1220 = vector.shape_cast %get3A_1219 : vector<1x16xf32> to vector<16xf32>
        %add3A_1221 = arith.addf %add3A_1137, %get3A_1220 : vector<16xf32>
        %get3A_1222 = arith.index_cast %add3A_1201 : i32 to index
        %get3A_1223 = arith.constant 64 : index
        %get3A_1224 = tpu.vector_load %arg16[%get3A_1222, %get3A_1223] {strides = array<i32>} : memref<64x256xf32, #tpu.memory_space<vmem>>, vector<1x16xf32>,
        %get3A_1225 = vector.shape_cast %get3A_1224 : vector<1x16xf32> to vector<16xf32>
        %add3A_1226 = arith.addf %add3A_1142, %get3A_1225 : vector<16xf32>
        %get3A_1227 = arith.index_cast %add3A_1201 : i32 to index
        %get3A_1228 = arith.constant 80 : index
        %get3A_1229 = tpu.vector_load %arg16[%get3A_1227, %get3A_1228] {strides = array<i32>} : memref<64x256xf32, #tpu.memory_space<vmem>>, vector<1x16xf32>,
        %get3A_1230 = vector.shape_cast %get3A_1229 : vector<1x16xf32> to vector<16xf32>
        %add3A_1231 = arith.addf %add3A_1147, %get3A_1230 : vector<16xf32>
        %get3A_1232 = arith.index_cast %add3A_1201 : i32 to index
        %get3A_1233 = arith.constant 96 : index
        %get3A_1234 = tpu.vector_load %arg16[%get3A_1232, %get3A_1233] {strides = array<i32>} : memref<64x256xf32, #tpu.memory_space<vmem>>, vector<1x16xf32>,
        %get3A_1235 = vector.shape_cast %get3A_1234 : vector<1x16xf32> to vector<16xf32>
        %add3A_1236 = arith.addf %add3A_1152, %get3A_1235 : vector<16xf32>
        %get3A_1237 = arith.index_cast %add3A_1201 : i32 to index
        %get3A_1238 = arith.constant 112 : index
        %get3A_1239 = tpu.vector_load %arg16[%get3A_1237, %get3A_1238] {strides = array<i32>} : memref<64x256xf32, #tpu.memory_space<vmem>>, vector<1x16xf32>,
        %get3A_1240 = vector.shape_cast %get3A_1239 : vector<1x16xf32> to vector<16xf32>
        %add3A_1241 = arith.addf %add3A_1157, %get3A_1240 : vector<16xf32>
        %get3A_1242 = arith.index_cast %add3A_1201 : i32 to index
        %get3A_1243 = arith.constant 128 : index
        %get3A_1244 = tpu.vector_load %arg16[%get3A_1242, %get3A_1243] {strides = array<i32>} : memref<64x256xf32, #tpu.memory_space<vmem>>, vector<1x16xf32>,
        %get3A_1245 = vector.shape_cast %get3A_1244 : vector<1x16xf32> to vector<16xf32>
        %add3A_1246 = arith.addf %add3A_1162, %get3A_1245 : vector<16xf32>
        %get3A_1247 = arith.index_cast %add3A_1201 : i32 to index
        %get3A_1248 = arith.constant 144 : index
        %get3A_1249 = tpu.vector_load %arg16[%get3A_1247, %get3A_1248] {strides = array<i32>} : memref<64x256xf32, #tpu.memory_space<vmem>>, vector<1x16xf32>,
        %get3A_1250 = vector.shape_cast %get3A_1249 : vector<1x16xf32> to vector<16xf32>
        %add3A_1251 = arith.addf %add3A_1167, %get3A_1250 : vector<16xf32>
        %get3A_1252 = arith.index_cast %add3A_1201 : i32 to index
        %get3A_1253 = arith.constant 160 : index
        %get3A_1254 = tpu.vector_load %arg16[%get3A_1252, %get3A_1253] {strides = array<i32>} : memref<64x256xf32, #tpu.memory_space<vmem>>, vector<1x16xf32>,
        %get3A_1255 = vector.shape_cast %get3A_1254 : vector<1x16xf32> to vector<16xf32>
        %add3A_1256 = arith.addf %add3A_1172, %get3A_1255 : vector<16xf32>
        %get3A_1257 = arith.index_cast %add3A_1201 : i32 to index
        %get3A_1258 = arith.constant 176 : index
        %get3A_1259 = tpu.vector_load %arg16[%get3A_1257, %get3A_1258] {strides = array<i32>} : memref<64x256xf32, #tpu.memory_space<vmem>>, vector<1x16xf32>,
        %get3A_1260 = vector.shape_cast %get3A_1259 : vector<1x16xf32> to vector<16xf32>
        %add3A_1261 = arith.addf %add3A_1177, %get3A_1260 : vector<16xf32>
        %get3A_1262 = arith.index_cast %add3A_1201 : i32 to index
        %get3A_1263 = arith.constant 192 : index
        %get3A_1264 = tpu.vector_load %arg16[%get3A_1262, %get3A_1263] {strides = array<i32>} : memref<64x256xf32, #tpu.memory_space<vmem>>, vector<1x16xf32>,
        %get3A_1265 = vector.shape_cast %get3A_1264 : vector<1x16xf32> to vector<16xf32>
        %add3A_1266 = arith.addf %add3A_1182, %get3A_1265 : vector<16xf32>
        %get3A_1267 = arith.index_cast %add3A_1201 : i32 to index
        %get3A_1268 = arith.constant 208 : index
        %get3A_1269 = tpu.vector_load %arg16[%get3A_1267, %get3A_1268] {strides = array<i32>} : memref<64x256xf32, #tpu.memory_space<vmem>>, vector<1x16xf32>,
        %get3A_1270 = vector.shape_cast %get3A_1269 : vector<1x16xf32> to vector<16xf32>
        %add3A_1271 = arith.addf %add3A_1187, %get3A_1270 : vector<16xf32>
        %get3A_1272 = arith.index_cast %add3A_1201 : i32 to index
        %get3A_1273 = arith.constant 224 : index
        %get3A_1274 = tpu.vector_load %arg16[%get3A_1272, %get3A_1273] {strides = array<i32>} : memref<64x256xf32, #tpu.memory_space<vmem>>, vector<1x16xf32>,
        %get3A_1275 = vector.shape_cast %get3A_1274 : vector<1x16xf32> to vector<16xf32>
        %add3A_1276 = arith.addf %add3A_1192, %get3A_1275 : vector<16xf32>
        %get3A_1277 = arith.index_cast %add3A_1201 : i32 to index
        %get3A_1278 = arith.constant 240 : index
        %get3A_1279 = tpu.vector_load %arg16[%get3A_1277, %get3A_1278] {strides = array<i32>} : memref<64x256xf32, #tpu.memory_space<vmem>>, vector<1x16xf32>,
        %get3A_1280 = vector.shape_cast %get3A_1279 : vector<1x16xf32> to vector<16xf32>
        %add3A_1281 = arith.addf %add3A_1197, %get3A_1280 : vector<16xf32>
        %mul3A_1282 = arith.constant 8 : i32
        %mul3A_1283 = arith.muli %scan3A_929, %mul3A_1282 : i32
        %add3A_1284 = arith.constant 4 : i32
        %add3A_1285 = arith.addi %mul3A_1283, %add3A_1284 : i32
        %get3A_1286 = arith.index_cast %add3A_1285 : i32 to index
        %get3A_1287 = arith.constant 0 : index
        %get3A_1288 = tpu.vector_load %arg16[%get3A_1286, %get3A_1287] {strides = array<i32>} : memref<64x256xf32, #tpu.memory_space<vmem>>, vector<1x16xf32>,
        %get3A_1289 = vector.shape_cast %get3A_1288 : vector<1x16xf32> to vector<16xf32>
        %add3A_1290 = arith.addf %add3A_1206, %get3A_1289 : vector<16xf32>
        %get3A_1291 = arith.index_cast %add3A_1285 : i32 to index
        %get3A_1292 = arith.constant 16 : index
        %get3A_1293 = tpu.vector_load %arg16[%get3A_1291, %get3A_1292] {strides = array<i32>} : memref<64x256xf32, #tpu.memory_space<vmem>>, vector<1x16xf32>,
        %get3A_1294 = vector.shape_cast %get3A_1293 : vector<1x16xf32> to vector<16xf32>
        %add3A_1295 = arith.addf %add3A_1211, %get3A_1294 : vector<16xf32>
        %get3A_1296 = arith.index_cast %add3A_1285 : i32 to index
        %get3A_1297 = arith.constant 32 : index
        %get3A_1298 = tpu.vector_load %arg16[%get3A_1296, %get3A_1297] {strides = array<i32>} : memref<64x256xf32, #tpu.memory_space<vmem>>, vector<1x16xf32>,
        %get3A_1299 = vector.shape_cast %get3A_1298 : vector<1x16xf32> to vector<16xf32>
        %add3A_1300 = arith.addf %add3A_1216, %get3A_1299 : vector<16xf32>
        %get3A_1301 = arith.index_cast %add3A_1285 : i32 to index
        %get3A_1302 = arith.constant 48 : index
        %get3A_1303 = tpu.vector_load %arg16[%get3A_1301, %get3A_1302] {strides = array<i32>} : memref<64x256xf32, #tpu.memory_space<vmem>>, vector<1x16xf32>,
        %get3A_1304 = vector.shape_cast %get3A_1303 : vector<1x16xf32> to vector<16xf32>
        %add3A_1305 = arith.addf %add3A_1221, %get3A_1304 : vector<16xf32>
        %get3A_1306 = arith.index_cast %add3A_1285 : i32 to index
        %get3A_1307 = arith.constant 64 : index
        %get3A_1308 = tpu.vector_load %arg16[%get3A_1306, %get3A_1307] {strides = array<i32>} : memref<64x256xf32, #tpu.memory_space<vmem>>, vector<1x16xf32>,
        %get3A_1309 = vector.shape_cast %get3A_1308 : vector<1x16xf32> to vector<16xf32>
        %add3A_1310 = arith.addf %add3A_1226, %get3A_1309 : vector<16xf32>
        %get3A_1311 = arith.index_cast %add3A_1285 : i32 to index
        %get3A_1312 = arith.constant 80 : index
        %get3A_1313 = tpu.vector_load %arg16[%get3A_1311, %get3A_1312] {strides = array<i32>} : memref<64x256xf32, #tpu.memory_space<vmem>>, vector<1x16xf32>,
        %get3A_1314 = vector.shape_cast %get3A_1313 : vector<1x16xf32> to vector<16xf32>
        %add3A_1315 = arith.addf %add3A_1231, %get3A_1314 : vector<16xf32>
        %get3A_1316 = arith.index_cast %add3A_1285 : i32 to index
        %get3A_1317 = arith.constant 96 : index
        %get3A_1318 = tpu.vector_load %arg16[%get3A_1316, %get3A_1317] {strides = array<i32>} : memref<64x256xf32, #tpu.memory_space<vmem>>, vector<1x16xf32>,
        %get3A_1319 = vector.shape_cast %get3A_1318 : vector<1x16xf32> to vector<16xf32>
        %add3A_1320 = arith.addf %add3A_1236, %get3A_1319 : vector<16xf32>
        %get3A_1321 = arith.index_cast %add3A_1285 : i32 to index
        %get3A_1322 = arith.constant 112 : index
        %get3A_1323 = tpu.vector_load %arg16[%get3A_1321, %get3A_1322] {strides = array<i32>} : memref<64x256xf32, #tpu.memory_space<vmem>>, vector<1x16xf32>,
        %get3A_1324 = vector.shape_cast %get3A_1323 : vector<1x16xf32> to vector<16xf32>
        %add3A_1325 = arith.addf %add3A_1241, %get3A_1324 : vector<16xf32>
        %get3A_1326 = arith.index_cast %add3A_1285 : i32 to index
        %get3A_1327 = arith.constant 128 : index
        %get3A_1328 = tpu.vector_load %arg16[%get3A_1326, %get3A_1327] {strides = array<i32>} : memref<64x256xf32, #tpu.memory_space<vmem>>, vector<1x16xf32>,
        %get3A_1329 = vector.shape_cast %get3A_1328 : vector<1x16xf32> to vector<16xf32>
        %add3A_1330 = arith.addf %add3A_1246, %get3A_1329 : vector<16xf32>
        %get3A_1331 = arith.index_cast %add3A_1285 : i32 to index
        %get3A_1332 = arith.constant 144 : index
        %get3A_1333 = tpu.vector_load %arg16[%get3A_1331, %get3A_1332] {strides = array<i32>} : memref<64x256xf32, #tpu.memory_space<vmem>>, vector<1x16xf32>,
        %get3A_1334 = vector.shape_cast %get3A_1333 : vector<1x16xf32> to vector<16xf32>
        %add3A_1335 = arith.addf %add3A_1251, %get3A_1334 : vector<16xf32>
        %get3A_1336 = arith.index_cast %add3A_1285 : i32 to index
        %get3A_1337 = arith.constant 160 : index
        %get3A_1338 = tpu.vector_load %arg16[%get3A_1336, %get3A_1337] {strides = array<i32>} : memref<64x256xf32, #tpu.memory_space<vmem>>, vector<1x16xf32>,
        %get3A_1339 = vector.shape_cast %get3A_1338 : vector<1x16xf32> to vector<16xf32>
        %add3A_1340 = arith.addf %add3A_1256, %get3A_1339 : vector<16xf32>
        %get3A_1341 = arith.index_cast %add3A_1285 : i32 to index
        %get3A_1342 = arith.constant 176 : index
        %get3A_1343 = tpu.vector_load %arg16[%get3A_1341, %get3A_1342] {strides = array<i32>} : memref<64x256xf32, #tpu.memory_space<vmem>>, vector<1x16xf32>,
        %get3A_1344 = vector.shape_cast %get3A_1343 : vector<1x16xf32> to vector<16xf32>
        %add3A_1345 = arith.addf %add3A_1261, %get3A_1344 : vector<16xf32>
        %get3A_1346 = arith.index_cast %add3A_1285 : i32 to index
        %get3A_1347 = arith.constant 192 : index
        %get3A_1348 = tpu.vector_load %arg16[%get3A_1346, %get3A_1347] {strides = array<i32>} : memref<64x256xf32, #tpu.memory_space<vmem>>, vector<1x16xf32>,
        %get3A_1349 = vector.shape_cast %get3A_1348 : vector<1x16xf32> to vector<16xf32>
        %add3A_1350 = arith.addf %add3A_1266, %get3A_1349 : vector<16xf32>
        %get3A_1351 = arith.index_cast %add3A_1285 : i32 to index
        %get3A_1352 = arith.constant 208 : index
        %get3A_1353 = tpu.vector_load %arg16[%get3A_1351, %get3A_1352] {strides = array<i32>} : memref<64x256xf32, #tpu.memory_space<vmem>>, vector<1x16xf32>,
        %get3A_1354 = vector.shape_cast %get3A_1353 : vector<1x16xf32> to vector<16xf32>
        %add3A_1355 = arith.addf %add3A_1271, %get3A_1354 : vector<16xf32>
        %get3A_1356 = arith.index_cast %add3A_1285 : i32 to index
        %get3A_1357 = arith.constant 224 : index
        %get3A_1358 = tpu.vector_load %arg16[%get3A_1356, %get3A_1357] {strides = array<i32>} : memref<64x256xf32, #tpu.memory_space<vmem>>, vector<1x16xf32>,
        %get3A_1359 = vector.shape_cast %get3A_1358 : vector<1x16xf32> to vector<16xf32>
        %add3A_1360 = arith.addf %add3A_1276, %get3A_1359 : vector<16xf32>
        %get3A_1361 = arith.index_cast %add3A_1285 : i32 to index
        %get3A_1362 = arith.constant 240 : index
        %get3A_1363 = tpu.vector_load %arg16[%get3A_1361, %get3A_1362] {strides = array<i32>} : memref<64x256xf32, #tpu.memory_space<vmem>>, vector<1x16xf32>,
        %get3A_1364 = vector.shape_cast %get3A_1363 : vector<1x16xf32> to vector<16xf32>
        %add3A_1365 = arith.addf %add3A_1281, %get3A_1364 : vector<16xf32>
        %mul3A_1366 = arith.constant 8 : i32
        %mul3A_1367 = arith.muli %scan3A_929, %mul3A_1366 : i32
        %add3A_1368 = arith.constant 5 : i32
        %add3A_1369 = arith.addi %mul3A_1367, %add3A_1368 : i32
        %get3A_1370 = arith.index_cast %add3A_1369 : i32 to index
        %get3A_1371 = arith.constant 0 : index
        %get3A_1372 = tpu.vector_load %arg16[%get3A_1370, %get3A_1371] {strides = array<i32>} : memref<64x256xf32, #tpu.memory_space<vmem>>, vector<1x16xf32>,
        %get3A_1373 = vector.shape_cast %get3A_1372 : vector<1x16xf32> to vector<16xf32>
        %add3A_1374 = arith.addf %add3A_1290, %get3A_1373 : vector<16xf32>
        %get3A_1375 = arith.index_cast %add3A_1369 : i32 to index
        %get3A_1376 = arith.constant 16 : index
        %get3A_1377 = tpu.vector_load %arg16[%get3A_1375, %get3A_1376] {strides = array<i32>} : memref<64x256xf32, #tpu.memory_space<vmem>>, vector<1x16xf32>,
        %get3A_1378 = vector.shape_cast %get3A_1377 : vector<1x16xf32> to vector<16xf32>
        %add3A_1379 = arith.addf %add3A_1295, %get3A_1378 : vector<16xf32>
        %get3A_1380 = arith.index_cast %add3A_1369 : i32 to index
        %get3A_1381 = arith.constant 32 : index
        %get3A_1382 = tpu.vector_load %arg16[%get3A_1380, %get3A_1381] {strides = array<i32>} : memref<64x256xf32, #tpu.memory_space<vmem>>, vector<1x16xf32>,
        %get3A_1383 = vector.shape_cast %get3A_1382 : vector<1x16xf32> to vector<16xf32>
        %add3A_1384 = arith.addf %add3A_1300, %get3A_1383 : vector<16xf32>
        %get3A_1385 = arith.index_cast %add3A_1369 : i32 to index
        %get3A_1386 = arith.constant 48 : index
        %get3A_1387 = tpu.vector_load %arg16[%get3A_1385, %get3A_1386] {strides = array<i32>} : memref<64x256xf32, #tpu.memory_space<vmem>>, vector<1x16xf32>,
        %get3A_1388 = vector.shape_cast %get3A_1387 : vector<1x16xf32> to vector<16xf32>
        %add3A_1389 = arith.addf %add3A_1305, %get3A_1388 : vector<16xf32>
        %get3A_1390 = arith.index_cast %add3A_1369 : i32 to index
        %get3A_1391 = arith.constant 64 : index
        %get3A_1392 = tpu.vector_load %arg16[%get3A_1390, %get3A_1391] {strides = array<i32>} : memref<64x256xf32, #tpu.memory_space<vmem>>, vector<1x16xf32>,
        %get3A_1393 = vector.shape_cast %get3A_1392 : vector<1x16xf32> to vector<16xf32>
        %add3A_1394 = arith.addf %add3A_1310, %get3A_1393 : vector<16xf32>
        %get3A_1395 = arith.index_cast %add3A_1369 : i32 to index
        %get3A_1396 = arith.constant 80 : index
        %get3A_1397 = tpu.vector_load %arg16[%get3A_1395, %get3A_1396] {strides = array<i32>} : memref<64x256xf32, #tpu.memory_space<vmem>>, vector<1x16xf32>,
        %get3A_1398 = vector.shape_cast %get3A_1397 : vector<1x16xf32> to vector<16xf32>
        %add3A_1399 = arith.addf %add3A_1315, %get3A_1398 : vector<16xf32>
        %get3A_1400 = arith.index_cast %add3A_1369 : i32 to index
        %get3A_1401 = arith.constant 96 : index
        %get3A_1402 = tpu.vector_load %arg16[%get3A_1400, %get3A_1401] {strides = array<i32>} : memref<64x256xf32, #tpu.memory_space<vmem>>, vector<1x16xf32>,
        %get3A_1403 = vector.shape_cast %get3A_1402 : vector<1x16xf32> to vector<16xf32>
        %add3A_1404 = arith.addf %add3A_1320, %get3A_1403 : vector<16xf32>
        %get3A_1405 = arith.index_cast %add3A_1369 : i32 to index
        %get3A_1406 = arith.constant 112 : index
        %get3A_1407 = tpu.vector_load %arg16[%get3A_1405, %get3A_1406] {strides = array<i32>} : memref<64x256xf32, #tpu.memory_space<vmem>>, vector<1x16xf32>,
        %get3A_1408 = vector.shape_cast %get3A_1407 : vector<1x16xf32> to vector<16xf32>
        %add3A_1409 = arith.addf %add3A_1325, %get3A_1408 : vector<16xf32>
        %get3A_1410 = arith.index_cast %add3A_1369 : i32 to index
        %get3A_1411 = arith.constant 128 : index
        %get3A_1412 = tpu.vector_load %arg16[%get3A_1410, %get3A_1411] {strides = array<i32>} : memref<64x256xf32, #tpu.memory_space<vmem>>, vector<1x16xf32>,
        %get3A_1413 = vector.shape_cast %get3A_1412 : vector<1x16xf32> to vector<16xf32>
        %add3A_1414 = arith.addf %add3A_1330, %get3A_1413 : vector<16xf32>
        %get3A_1415 = arith.index_cast %add3A_1369 : i32 to index
        %get3A_1416 = arith.constant 144 : index
        %get3A_1417 = tpu.vector_load %arg16[%get3A_1415, %get3A_1416] {strides = array<i32>} : memref<64x256xf32, #tpu.memory_space<vmem>>, vector<1x16xf32>,
        %get3A_1418 = vector.shape_cast %get3A_1417 : vector<1x16xf32> to vector<16xf32>
        %add3A_1419 = arith.addf %add3A_1335, %get3A_1418 : vector<16xf32>
        %get3A_1420 = arith.index_cast %add3A_1369 : i32 to index
        %get3A_1421 = arith.constant 160 : index
        %get3A_1422 = tpu.vector_load %arg16[%get3A_1420, %get3A_1421] {strides = array<i32>} : memref<64x256xf32, #tpu.memory_space<vmem>>, vector<1x16xf32>,
        %get3A_1423 = vector.shape_cast %get3A_1422 : vector<1x16xf32> to vector<16xf32>
        %add3A_1424 = arith.addf %add3A_1340, %get3A_1423 : vector<16xf32>
        %get3A_1425 = arith.index_cast %add3A_1369 : i32 to index
        %get3A_1426 = arith.constant 176 : index
        %get3A_1427 = tpu.vector_load %arg16[%get3A_1425, %get3A_1426] {strides = array<i32>} : memref<64x256xf32, #tpu.memory_space<vmem>>, vector<1x16xf32>,
        %get3A_1428 = vector.shape_cast %get3A_1427 : vector<1x16xf32> to vector<16xf32>
        %add3A_1429 = arith.addf %add3A_1345, %get3A_1428 : vector<16xf32>
        %get3A_1430 = arith.index_cast %add3A_1369 : i32 to index
        %get3A_1431 = arith.constant 192 : index
        %get3A_1432 = tpu.vector_load %arg16[%get3A_1430, %get3A_1431] {strides = array<i32>} : memref<64x256xf32, #tpu.memory_space<vmem>>, vector<1x16xf32>,
        %get3A_1433 = vector.shape_cast %get3A_1432 : vector<1x16xf32> to vector<16xf32>
        %add3A_1434 = arith.addf %add3A_1350, %get3A_1433 : vector<16xf32>
        %get3A_1435 = arith.index_cast %add3A_1369 : i32 to index
        %get3A_1436 = arith.constant 208 : index
        %get3A_1437 = tpu.vector_load %arg16[%get3A_1435, %get3A_1436] {strides = array<i32>} : memref<64x256xf32, #tpu.memory_space<vmem>>, vector<1x16xf32>,
        %get3A_1438 = vector.shape_cast %get3A_1437 : vector<1x16xf32> to vector<16xf32>
        %add3A_1439 = arith.addf %add3A_1355, %get3A_1438 : vector<16xf32>
        %get3A_1440 = arith.index_cast %add3A_1369 : i32 to index
        %get3A_1441 = arith.constant 224 : index
        %get3A_1442 = tpu.vector_load %arg16[%get3A_1440, %get3A_1441] {strides = array<i32>} : memref<64x256xf32, #tpu.memory_space<vmem>>, vector<1x16xf32>,
        %get3A_1443 = vector.shape_cast %get3A_1442 : vector<1x16xf32> to vector<16xf32>
        %add3A_1444 = arith.addf %add3A_1360, %get3A_1443 : vector<16xf32>
        %get3A_1445 = arith.index_cast %add3A_1369 : i32 to index
        %get3A_1446 = arith.constant 240 : index
        %get3A_1447 = tpu.vector_load %arg16[%get3A_1445, %get3A_1446] {strides = array<i32>} : memref<64x256xf32, #tpu.memory_space<vmem>>, vector<1x16xf32>,
        %get3A_1448 = vector.shape_cast %get3A_1447 : vector<1x16xf32> to vector<16xf32>
        %add3A_1449 = arith.addf %add3A_1365, %get3A_1448 : vector<16xf32>
        %mul3A_1450 = arith.constant 8 : i32
        %mul3A_1451 = arith.muli %scan3A_929, %mul3A_1450 : i32
        %add3A_1452 = arith.constant 6 : i32
        %add3A_1453 = arith.addi %mul3A_1451, %add3A_1452 : i32
        %get3A_1454 = arith.index_cast %add3A_1453 : i32 to index
        %get3A_1455 = arith.constant 0 : index
        %get3A_1456 = tpu.vector_load %arg16[%get3A_1454, %get3A_1455] {strides = array<i32>} : memref<64x256xf32, #tpu.memory_space<vmem>>, vector<1x16xf32>,
        %get3A_1457 = vector.shape_cast %get3A_1456 : vector<1x16xf32> to vector<16xf32>
        %add3A_1458 = arith.addf %add3A_1374, %get3A_1457 : vector<16xf32>
        %get3A_1459 = arith.index_cast %add3A_1453 : i32 to index
        %get3A_1460 = arith.constant 16 : index
        %get3A_1461 = tpu.vector_load %arg16[%get3A_1459, %get3A_1460] {strides = array<i32>} : memref<64x256xf32, #tpu.memory_space<vmem>>, vector<1x16xf32>,
        %get3A_1462 = vector.shape_cast %get3A_1461 : vector<1x16xf32> to vector<16xf32>
        %add3A_1463 = arith.addf %add3A_1379, %get3A_1462 : vector<16xf32>
        %get3A_1464 = arith.index_cast %add3A_1453 : i32 to index
        %get3A_1465 = arith.constant 32 : index
        %get3A_1466 = tpu.vector_load %arg16[%get3A_1464, %get3A_1465] {strides = array<i32>} : memref<64x256xf32, #tpu.memory_space<vmem>>, vector<1x16xf32>,
        %get3A_1467 = vector.shape_cast %get3A_1466 : vector<1x16xf32> to vector<16xf32>
        %add3A_1468 = arith.addf %add3A_1384, %get3A_1467 : vector<16xf32>
        %get3A_1469 = arith.index_cast %add3A_1453 : i32 to index
        %get3A_1470 = arith.constant 48 : index
        %get3A_1471 = tpu.vector_load %arg16[%get3A_1469, %get3A_1470] {strides = array<i32>} : memref<64x256xf32, #tpu.memory_space<vmem>>, vector<1x16xf32>,
        %get3A_1472 = vector.shape_cast %get3A_1471 : vector<1x16xf32> to vector<16xf32>
        %add3A_1473 = arith.addf %add3A_1389, %get3A_1472 : vector<16xf32>
        %get3A_1474 = arith.index_cast %add3A_1453 : i32 to index
        %get3A_1475 = arith.constant 64 : index
        %get3A_1476 = tpu.vector_load %arg16[%get3A_1474, %get3A_1475] {strides = array<i32>} : memref<64x256xf32, #tpu.memory_space<vmem>>, vector<1x16xf32>,
        %get3A_1477 = vector.shape_cast %get3A_1476 : vector<1x16xf32> to vector<16xf32>
        %add3A_1478 = arith.addf %add3A_1394, %get3A_1477 : vector<16xf32>
        %get3A_1479 = arith.index_cast %add3A_1453 : i32 to index
        %get3A_1480 = arith.constant 80 : index
        %get3A_1481 = tpu.vector_load %arg16[%get3A_1479, %get3A_1480] {strides = array<i32>} : memref<64x256xf32, #tpu.memory_space<vmem>>, vector<1x16xf32>,
        %get3A_1482 = vector.shape_cast %get3A_1481 : vector<1x16xf32> to vector<16xf32>
        %add3A_1483 = arith.addf %add3A_1399, %get3A_1482 : vector<16xf32>
        %get3A_1484 = arith.index_cast %add3A_1453 : i32 to index
        %get3A_1485 = arith.constant 96 : index
        %get3A_1486 = tpu.vector_load %arg16[%get3A_1484, %get3A_1485] {strides = array<i32>} : memref<64x256xf32, #tpu.memory_space<vmem>>, vector<1x16xf32>,
        %get3A_1487 = vector.shape_cast %get3A_1486 : vector<1x16xf32> to vector<16xf32>
        %add3A_1488 = arith.addf %add3A_1404, %get3A_1487 : vector<16xf32>
        %get3A_1489 = arith.index_cast %add3A_1453 : i32 to index
        %get3A_1490 = arith.constant 112 : index
        %get3A_1491 = tpu.vector_load %arg16[%get3A_1489, %get3A_1490] {strides = array<i32>} : memref<64x256xf32, #tpu.memory_space<vmem>>, vector<1x16xf32>,
        %get3A_1492 = vector.shape_cast %get3A_1491 : vector<1x16xf32> to vector<16xf32>
        %add3A_1493 = arith.addf %add3A_1409, %get3A_1492 : vector<16xf32>
        %get3A_1494 = arith.index_cast %add3A_1453 : i32 to index
        %get3A_1495 = arith.constant 128 : index
        %get3A_1496 = tpu.vector_load %arg16[%get3A_1494, %get3A_1495] {strides = array<i32>} : memref<64x256xf32, #tpu.memory_space<vmem>>, vector<1x16xf32>,
        %get3A_1497 = vector.shape_cast %get3A_1496 : vector<1x16xf32> to vector<16xf32>
        %add3A_1498 = arith.addf %add3A_1414, %get3A_1497 : vector<16xf32>
        %get3A_1499 = arith.index_cast %add3A_1453 : i32 to index
        %get3A_1500 = arith.constant 144 : index
        %get3A_1501 = tpu.vector_load %arg16[%get3A_1499, %get3A_1500] {strides = array<i32>} : memref<64x256xf32, #tpu.memory_space<vmem>>, vector<1x16xf32>,
        %get3A_1502 = vector.shape_cast %get3A_1501 : vector<1x16xf32> to vector<16xf32>
        %add3A_1503 = arith.addf %add3A_1419, %get3A_1502 : vector<16xf32>
        %get3A_1504 = arith.index_cast %add3A_1453 : i32 to index
        %get3A_1505 = arith.constant 160 : index
        %get3A_1506 = tpu.vector_load %arg16[%get3A_1504, %get3A_1505] {strides = array<i32>} : memref<64x256xf32, #tpu.memory_space<vmem>>, vector<1x16xf32>,
        %get3A_1507 = vector.shape_cast %get3A_1506 : vector<1x16xf32> to vector<16xf32>
        %add3A_1508 = arith.addf %add3A_1424, %get3A_1507 : vector<16xf32>
        %get3A_1509 = arith.index_cast %add3A_1453 : i32 to index
        %get3A_1510 = arith.constant 176 : index
        %get3A_1511 = tpu.vector_load %arg16[%get3A_1509, %get3A_1510] {strides = array<i32>} : memref<64x256xf32, #tpu.memory_space<vmem>>, vector<1x16xf32>,
        %get3A_1512 = vector.shape_cast %get3A_1511 : vector<1x16xf32> to vector<16xf32>
        %add3A_1513 = arith.addf %add3A_1429, %get3A_1512 : vector<16xf32>
        %get3A_1514 = arith.index_cast %add3A_1453 : i32 to index
        %get3A_1515 = arith.constant 192 : index
        %get3A_1516 = tpu.vector_load %arg16[%get3A_1514, %get3A_1515] {strides = array<i32>} : memref<64x256xf32, #tpu.memory_space<vmem>>, vector<1x16xf32>,
        %get3A_1517 = vector.shape_cast %get3A_1516 : vector<1x16xf32> to vector<16xf32>
        %add3A_1518 = arith.addf %add3A_1434, %get3A_1517 : vector<16xf32>
        %get3A_1519 = arith.index_cast %add3A_1453 : i32 to index
        %get3A_1520 = arith.constant 208 : index
        %get3A_1521 = tpu.vector_load %arg16[%get3A_1519, %get3A_1520] {strides = array<i32>} : memref<64x256xf32, #tpu.memory_space<vmem>>, vector<1x16xf32>,
        %get3A_1522 = vector.shape_cast %get3A_1521 : vector<1x16xf32> to vector<16xf32>
        %add3A_1523 = arith.addf %add3A_1439, %get3A_1522 : vector<16xf32>
        %get3A_1524 = arith.index_cast %add3A_1453 : i32 to index
        %get3A_1525 = arith.constant 224 : index
        %get3A_1526 = tpu.vector_load %arg16[%get3A_1524, %get3A_1525] {strides = array<i32>} : memref<64x256xf32, #tpu.memory_space<vmem>>, vector<1x16xf32>,
        %get3A_1527 = vector.shape_cast %get3A_1526 : vector<1x16xf32> to vector<16xf32>
        %add3A_1528 = arith.addf %add3A_1444, %get3A_1527 : vector<16xf32>
        %get3A_1529 = arith.index_cast %add3A_1453 : i32 to index
        %get3A_1530 = arith.constant 240 : index
        %get3A_1531 = tpu.vector_load %arg16[%get3A_1529, %get3A_1530] {strides = array<i32>} : memref<64x256xf32, #tpu.memory_space<vmem>>, vector<1x16xf32>,
        %get3A_1532 = vector.shape_cast %get3A_1531 : vector<1x16xf32> to vector<16xf32>
        %add3A_1533 = arith.addf %add3A_1449, %get3A_1532 : vector<16xf32>
        %mul3A_1534 = arith.constant 8 : i32
        %mul3A_1535 = arith.muli %scan3A_929, %mul3A_1534 : i32
        %add3A_1536 = arith.constant 7 : i32
        %add3A_1537 = arith.addi %mul3A_1535, %add3A_1536 : i32
        %get3A_1538 = arith.index_cast %add3A_1537 : i32 to index
        %get3A_1539 = arith.constant 0 : index
        %get3A_1540 = tpu.vector_load %arg16[%get3A_1538, %get3A_1539] {strides = array<i32>} : memref<64x256xf32, #tpu.memory_space<vmem>>, vector<1x16xf32>,
        %get3A_1541 = vector.shape_cast %get3A_1540 : vector<1x16xf32> to vector<16xf32>
        %add3A_1542 = arith.addf %add3A_1458, %get3A_1541 : vector<16xf32>
        %get3A_1543 = arith.index_cast %add3A_1537 : i32 to index
        %get3A_1544 = arith.constant 16 : index
        %get3A_1545 = tpu.vector_load %arg16[%get3A_1543, %get3A_1544] {strides = array<i32>} : memref<64x256xf32, #tpu.memory_space<vmem>>, vector<1x16xf32>,
        %get3A_1546 = vector.shape_cast %get3A_1545 : vector<1x16xf32> to vector<16xf32>
        %add3A_1547 = arith.addf %add3A_1463, %get3A_1546 : vector<16xf32>
        %get3A_1548 = arith.index_cast %add3A_1537 : i32 to index
        %get3A_1549 = arith.constant 32 : index
        %get3A_1550 = tpu.vector_load %arg16[%get3A_1548, %get3A_1549] {strides = array<i32>} : memref<64x256xf32, #tpu.memory_space<vmem>>, vector<1x16xf32>,
        %get3A_1551 = vector.shape_cast %get3A_1550 : vector<1x16xf32> to vector<16xf32>
        %add3A_1552 = arith.addf %add3A_1468, %get3A_1551 : vector<16xf32>
        %get3A_1553 = arith.index_cast %add3A_1537 : i32 to index
        %get3A_1554 = arith.constant 48 : index
        %get3A_1555 = tpu.vector_load %arg16[%get3A_1553, %get3A_1554] {strides = array<i32>} : memref<64x256xf32, #tpu.memory_space<vmem>>, vector<1x16xf32>,
        %get3A_1556 = vector.shape_cast %get3A_1555 : vector<1x16xf32> to vector<16xf32>
        %add3A_1557 = arith.addf %add3A_1473, %get3A_1556 : vector<16xf32>
        %get3A_1558 = arith.index_cast %add3A_1537 : i32 to index
        %get3A_1559 = arith.constant 64 : index
        %get3A_1560 = tpu.vector_load %arg16[%get3A_1558, %get3A_1559] {strides = array<i32>} : memref<64x256xf32, #tpu.memory_space<vmem>>, vector<1x16xf32>,
        %get3A_1561 = vector.shape_cast %get3A_1560 : vector<1x16xf32> to vector<16xf32>
        %add3A_1562 = arith.addf %add3A_1478, %get3A_1561 : vector<16xf32>
        %get3A_1563 = arith.index_cast %add3A_1537 : i32 to index
        %get3A_1564 = arith.constant 80 : index
        %get3A_1565 = tpu.vector_load %arg16[%get3A_1563, %get3A_1564] {strides = array<i32>} : memref<64x256xf32, #tpu.memory_space<vmem>>, vector<1x16xf32>,
        %get3A_1566 = vector.shape_cast %get3A_1565 : vector<1x16xf32> to vector<16xf32>
        %add3A_1567 = arith.addf %add3A_1483, %get3A_1566 : vector<16xf32>
        %get3A_1568 = arith.index_cast %add3A_1537 : i32 to index
        %get3A_1569 = arith.constant 96 : index
        %get3A_1570 = tpu.vector_load %arg16[%get3A_1568, %get3A_1569] {strides = array<i32>} : memref<64x256xf32, #tpu.memory_space<vmem>>, vector<1x16xf32>,
        %get3A_1571 = vector.shape_cast %get3A_1570 : vector<1x16xf32> to vector<16xf32>
        %add3A_1572 = arith.addf %add3A_1488, %get3A_1571 : vector<16xf32>
        %get3A_1573 = arith.index_cast %add3A_1537 : i32 to index
        %get3A_1574 = arith.constant 112 : index
        %get3A_1575 = tpu.vector_load %arg16[%get3A_1573, %get3A_1574] {strides = array<i32>} : memref<64x256xf32, #tpu.memory_space<vmem>>, vector<1x16xf32>,
        %get3A_1576 = vector.shape_cast %get3A_1575 : vector<1x16xf32> to vector<16xf32>
        %add3A_1577 = arith.addf %add3A_1493, %get3A_1576 : vector<16xf32>
        %get3A_1578 = arith.index_cast %add3A_1537 : i32 to index
        %get3A_1579 = arith.constant 128 : index
        %get3A_1580 = tpu.vector_load %arg16[%get3A_1578, %get3A_1579] {strides = array<i32>} : memref<64x256xf32, #tpu.memory_space<vmem>>, vector<1x16xf32>,
        %get3A_1581 = vector.shape_cast %get3A_1580 : vector<1x16xf32> to vector<16xf32>
        %add3A_1582 = arith.addf %add3A_1498, %get3A_1581 : vector<16xf32>
        %get3A_1583 = arith.index_cast %add3A_1537 : i32 to index
        %get3A_1584 = arith.constant 144 : index
        %get3A_1585 = tpu.vector_load %arg16[%get3A_1583, %get3A_1584] {strides = array<i32>} : memref<64x256xf32, #tpu.memory_space<vmem>>, vector<1x16xf32>,
        %get3A_1586 = vector.shape_cast %get3A_1585 : vector<1x16xf32> to vector<16xf32>
        %add3A_1587 = arith.addf %add3A_1503, %get3A_1586 : vector<16xf32>
        %get3A_1588 = arith.index_cast %add3A_1537 : i32 to index
        %get3A_1589 = arith.constant 160 : index
        %get3A_1590 = tpu.vector_load %arg16[%get3A_1588, %get3A_1589] {strides = array<i32>} : memref<64x256xf32, #tpu.memory_space<vmem>>, vector<1x16xf32>,
        %get3A_1591 = vector.shape_cast %get3A_1590 : vector<1x16xf32> to vector<16xf32>
        %add3A_1592 = arith.addf %add3A_1508, %get3A_1591 : vector<16xf32>
        %get3A_1593 = arith.index_cast %add3A_1537 : i32 to index
        %get3A_1594 = arith.constant 176 : index
        %get3A_1595 = tpu.vector_load %arg16[%get3A_1593, %get3A_1594] {strides = array<i32>} : memref<64x256xf32, #tpu.memory_space<vmem>>, vector<1x16xf32>,
        %get3A_1596 = vector.shape_cast %get3A_1595 : vector<1x16xf32> to vector<16xf32>
        %add3A_1597 = arith.addf %add3A_1513, %get3A_1596 : vector<16xf32>
        %get3A_1598 = arith.index_cast %add3A_1537 : i32 to index
        %get3A_1599 = arith.constant 192 : index
        %get3A_1600 = tpu.vector_load %arg16[%get3A_1598, %get3A_1599] {strides = array<i32>} : memref<64x256xf32, #tpu.memory_space<vmem>>, vector<1x16xf32>,
        %get3A_1601 = vector.shape_cast %get3A_1600 : vector<1x16xf32> to vector<16xf32>
        %add3A_1602 = arith.addf %add3A_1518, %get3A_1601 : vector<16xf32>
        %get3A_1603 = arith.index_cast %add3A_1537 : i32 to index
        %get3A_1604 = arith.constant 208 : index
        %get3A_1605 = tpu.vector_load %arg16[%get3A_1603, %get3A_1604] {strides = array<i32>} : memref<64x256xf32, #tpu.memory_space<vmem>>, vector<1x16xf32>,
        %get3A_1606 = vector.shape_cast %get3A_1605 : vector<1x16xf32> to vector<16xf32>
        %add3A_1607 = arith.addf %add3A_1523, %get3A_1606 : vector<16xf32>
        %get3A_1608 = arith.index_cast %add3A_1537 : i32 to index
        %get3A_1609 = arith.constant 224 : index
        %get3A_1610 = tpu.vector_load %arg16[%get3A_1608, %get3A_1609] {strides = array<i32>} : memref<64x256xf32, #tpu.memory_space<vmem>>, vector<1x16xf32>,
        %get3A_1611 = vector.shape_cast %get3A_1610 : vector<1x16xf32> to vector<16xf32>
        %add3A_1612 = arith.addf %add3A_1528, %get3A_1611 : vector<16xf32>
        %get3A_1613 = arith.index_cast %add3A_1537 : i32 to index
        %get3A_1614 = arith.constant 240 : index
        %get3A_1615 = tpu.vector_load %arg16[%get3A_1613, %get3A_1614] {strides = array<i32>} : memref<64x256xf32, #tpu.memory_space<vmem>>, vector<1x16xf32>,
        %get3A_1616 = vector.shape_cast %get3A_1615 : vector<1x16xf32> to vector<16xf32>
        %add3A_1617 = arith.addf %add3A_1533, %get3A_1616 : vector<16xf32>
        scf.yield %add3A_1542, %add3A_1547, %add3A_1552, %add3A_1557, %add3A_1562, %add3A_1567, %add3A_1572, %add3A_1577, %add3A_1582, %add3A_1587, %add3A_1592, %add3A_1597, %add3A_1602, %add3A_1607, %add3A_1612, %add3A_1617 : vector<16xf32>, vector<16xf32>, vector<16xf32>, vector<16xf32>, vector<16xf32>, vector<16xf32>, vector<16xf32>, vector<16xf32>, vector<16xf32>, vector<16xf32>, vector<16xf32>, vector<16xf32>, vector<16xf32>, vector<16xf32>, vector<16xf32>, vector<16xf32>
      }
      %scan3A_614 = arith.constant 8 : i32
      %add3A_615 = arith.constant 1 : i32
      %add3A_616 = arith.addi %scan3A_555, %add3A_615 : i32
      %lt3A_617 = arith.constant 32 : i32
      %lt3A_618 = arith.cmpi slt, %add3A_616, %lt3A_617 : i32
      %convert_element_type3A_619 = arith.extui %lt3A_618 : i1 to i32
      %cond3A_620 = arith.constant 0 : i32
      %cond3A_621 = arith.cmpi ne, %convert_element_type3A_619, %cond3A_620 : i32
      scf.if %cond3A_621 {
        %add3A_929 = arith.constant 1 : i32
        %add3A_930 = arith.addi %scan3A_555, %add3A_929 : i32
        %dma_start3A_931 = arith.constant 0 : i32
        %dma_start3A_932 = tpu.memref_slice %arg11[%add3A_930, %dma_start3A_931] : memref<32x64xi32, #tpu.memory_space<vmem>> -> memref<1x64xi32, #tpu.memory_space<vmem>>
        %dma_start3A_933 = tpu.memref_squeeze %dma_start3A_932 : memref<1x64xi32, #tpu.memory_space<vmem>> -> memref<64xi32, #tpu.memory_space<vmem>>
        %dma_start3A_934 = arith.constant 0 : i32
        %dma_start3A_935 = arith.constant 0 : i32
        %dma_start3A_936 = tpu.memref_slice %arg3[%dma_start3A_934, %dma_start3A_935] : memref<50000x256xf32, #tpu.memory_space<hbm>> -> memref<50000x256xf32, #tpu.memory_space<hbm>>
        tpu.enqueue_indirect_dma source(%dma_start3A_936 : memref<50000x256xf32, #tpu.memory_space<hbm>>) target(%arg16 : memref<64x256xf32, #tpu.memory_space<vmem>>) offsets(%dma_start3A_933 : memref<64xi32, #tpu.memory_space<vmem>>) semaphore(%arg21 : memref<!tpu.dma_semaphore, #tpu.memory_space<semaphore_mem>>)
      } else {
      }
      %dma_wait3A_622 = arith.constant 0 : i32
      %dma_wait3A_623 = tpu.memref_slice %arg12[%scan3A_555, %dma_wait3A_622] : memref<32x64xi32, #tpu.memory_space<vmem>> -> memref<1x64xi32, #tpu.memory_space<vmem>>
      %dma_wait3A_624 = tpu.memref_squeeze %dma_wait3A_623 : memref<1x64xi32, #tpu.memory_space<vmem>> -> memref<64xi32, #tpu.memory_space<vmem>>
      %dma_wait3A_625 = arith.constant 0 : i32
      %dma_wait3A_626 = arith.constant 0 : i32
      %dma_wait3A_627 = tpu.memref_slice %arg3[%dma_wait3A_625, %dma_wait3A_626] : memref<50000x256xf32, #tpu.memory_space<hbm>> -> memref<50000x256xf32, #tpu.memory_space<hbm>>
      tpu.wait_indirect_dma semaphore(%arg22 : memref<!tpu.dma_semaphore, #tpu.memory_space<semaphore_mem>>) src(%dma_wait3A_627 : memref<50000x256xf32, #tpu.memory_space<hbm>>) dst(%arg17 : memref<64x256xf32, #tpu.memory_space<vmem>>)
      %scan3A_628 = arith.constant 0 : i32
      %scan3A_629 = arith.constant 8 : i32
      %scan3A_630 = arith.addi %scan3A_628, %scan3A_629 : i32
      %scan3A_631 = arith.constant 1 : i32
      %scan3A_632:16 = scf.for %scan3A_929 = %scan3A_628 to %scan3A_630 step %scan3A_631 iter_args(%scan3A_930 = %scan3A_613#0, %scan3A_931 = %scan3A_613#1, %scan3A_932 = %scan3A_613#2, %scan3A_933 = %scan3A_613#3, %scan3A_934 = %scan3A_613#4, %scan3A_935 = %scan3A_613#5, %scan3A_936 = %scan3A_613#6, %scan3A_937 = %scan3A_613#7, %scan3A_938 = %scan3A_613#8, %scan3A_939 = %scan3A_613#9, %scan3A_940 = %scan3A_613#10, %scan3A_941 = %scan3A_613#11, %scan3A_942 = %scan3A_613#12, %scan3A_943 = %scan3A_613#13, %scan3A_944 = %scan3A_613#14, %scan3A_945 = %scan3A_613#15) -> (vector<16xf32>, vector<16xf32>, vector<16xf32>, vector<16xf32>, vector<16xf32>, vector<16xf32>, vector<16xf32>, vector<16xf32>, vector<16xf32>, vector<16xf32>, vector<16xf32>, vector<16xf32>, vector<16xf32>, vector<16xf32>, vector<16xf32>, vector<16xf32>)  : i32 {
        %mul3A_946 = arith.constant 8 : i32
        %mul3A_947 = arith.muli %scan3A_929, %mul3A_946 : i32
        %add3A_948 = arith.constant 0 : i32
        %add3A_949 = arith.addi %mul3A_947, %add3A_948 : i32
        %get3A_950 = arith.index_cast %add3A_949 : i32 to index
        %get3A_951 = arith.constant 0 : index
        %get3A_952 = tpu.vector_load %arg17[%get3A_950, %get3A_951] {strides = array<i32>} : memref<64x256xf32, #tpu.memory_space<vmem>>, vector<1x16xf32>,
        %get3A_953 = vector.shape_cast %get3A_952 : vector<1x16xf32> to vector<16xf32>
        %add3A_954 = arith.addf %scan3A_930, %get3A_953 : vector<16xf32>
        %get3A_955 = arith.index_cast %add3A_949 : i32 to index
        %get3A_956 = arith.constant 16 : index
        %get3A_957 = tpu.vector_load %arg17[%get3A_955, %get3A_956] {strides = array<i32>} : memref<64x256xf32, #tpu.memory_space<vmem>>, vector<1x16xf32>,
        %get3A_958 = vector.shape_cast %get3A_957 : vector<1x16xf32> to vector<16xf32>
        %add3A_959 = arith.addf %scan3A_931, %get3A_958 : vector<16xf32>
        %get3A_960 = arith.index_cast %add3A_949 : i32 to index
        %get3A_961 = arith.constant 32 : index
        %get3A_962 = tpu.vector_load %arg17[%get3A_960, %get3A_961] {strides = array<i32>} : memref<64x256xf32, #tpu.memory_space<vmem>>, vector<1x16xf32>,
        %get3A_963 = vector.shape_cast %get3A_962 : vector<1x16xf32> to vector<16xf32>
        %add3A_964 = arith.addf %scan3A_932, %get3A_963 : vector<16xf32>
        %get3A_965 = arith.index_cast %add3A_949 : i32 to index
        %get3A_966 = arith.constant 48 : index
        %get3A_967 = tpu.vector_load %arg17[%get3A_965, %get3A_966] {strides = array<i32>} : memref<64x256xf32, #tpu.memory_space<vmem>>, vector<1x16xf32>,
        %get3A_968 = vector.shape_cast %get3A_967 : vector<1x16xf32> to vector<16xf32>
        %add3A_969 = arith.addf %scan3A_933, %get3A_968 : vector<16xf32>
        %get3A_970 = arith.index_cast %add3A_949 : i32 to index
        %get3A_971 = arith.constant 64 : index
        %get3A_972 = tpu.vector_load %arg17[%get3A_970, %get3A_971] {strides = array<i32>} : memref<64x256xf32, #tpu.memory_space<vmem>>, vector<1x16xf32>,
        %get3A_973 = vector.shape_cast %get3A_972 : vector<1x16xf32> to vector<16xf32>
        %add3A_974 = arith.addf %scan3A_934, %get3A_973 : vector<16xf32>
        %get3A_975 = arith.index_cast %add3A_949 : i32 to index
        %get3A_976 = arith.constant 80 : index
        %get3A_977 = tpu.vector_load %arg17[%get3A_975, %get3A_976] {strides = array<i32>} : memref<64x256xf32, #tpu.memory_space<vmem>>, vector<1x16xf32>,
        %get3A_978 = vector.shape_cast %get3A_977 : vector<1x16xf32> to vector<16xf32>
        %add3A_979 = arith.addf %scan3A_935, %get3A_978 : vector<16xf32>
        %get3A_980 = arith.index_cast %add3A_949 : i32 to index
        %get3A_981 = arith.constant 96 : index
        %get3A_982 = tpu.vector_load %arg17[%get3A_980, %get3A_981] {strides = array<i32>} : memref<64x256xf32, #tpu.memory_space<vmem>>, vector<1x16xf32>,
        %get3A_983 = vector.shape_cast %get3A_982 : vector<1x16xf32> to vector<16xf32>
        %add3A_984 = arith.addf %scan3A_936, %get3A_983 : vector<16xf32>
        %get3A_985 = arith.index_cast %add3A_949 : i32 to index
        %get3A_986 = arith.constant 112 : index
        %get3A_987 = tpu.vector_load %arg17[%get3A_985, %get3A_986] {strides = array<i32>} : memref<64x256xf32, #tpu.memory_space<vmem>>, vector<1x16xf32>,
        %get3A_988 = vector.shape_cast %get3A_987 : vector<1x16xf32> to vector<16xf32>
        %add3A_989 = arith.addf %scan3A_937, %get3A_988 : vector<16xf32>
        %get3A_990 = arith.index_cast %add3A_949 : i32 to index
        %get3A_991 = arith.constant 128 : index
        %get3A_992 = tpu.vector_load %arg17[%get3A_990, %get3A_991] {strides = array<i32>} : memref<64x256xf32, #tpu.memory_space<vmem>>, vector<1x16xf32>,
        %get3A_993 = vector.shape_cast %get3A_992 : vector<1x16xf32> to vector<16xf32>
        %add3A_994 = arith.addf %scan3A_938, %get3A_993 : vector<16xf32>
        %get3A_995 = arith.index_cast %add3A_949 : i32 to index
        %get3A_996 = arith.constant 144 : index
        %get3A_997 = tpu.vector_load %arg17[%get3A_995, %get3A_996] {strides = array<i32>} : memref<64x256xf32, #tpu.memory_space<vmem>>, vector<1x16xf32>,
        %get3A_998 = vector.shape_cast %get3A_997 : vector<1x16xf32> to vector<16xf32>
        %add3A_999 = arith.addf %scan3A_939, %get3A_998 : vector<16xf32>
        %get3A_1000 = arith.index_cast %add3A_949 : i32 to index
        %get3A_1001 = arith.constant 160 : index
        %get3A_1002 = tpu.vector_load %arg17[%get3A_1000, %get3A_1001] {strides = array<i32>} : memref<64x256xf32, #tpu.memory_space<vmem>>, vector<1x16xf32>,
        %get3A_1003 = vector.shape_cast %get3A_1002 : vector<1x16xf32> to vector<16xf32>
        %add3A_1004 = arith.addf %scan3A_940, %get3A_1003 : vector<16xf32>
        %get3A_1005 = arith.index_cast %add3A_949 : i32 to index
        %get3A_1006 = arith.constant 176 : index
        %get3A_1007 = tpu.vector_load %arg17[%get3A_1005, %get3A_1006] {strides = array<i32>} : memref<64x256xf32, #tpu.memory_space<vmem>>, vector<1x16xf32>,
        %get3A_1008 = vector.shape_cast %get3A_1007 : vector<1x16xf32> to vector<16xf32>
        %add3A_1009 = arith.addf %scan3A_941, %get3A_1008 : vector<16xf32>
        %get3A_1010 = arith.index_cast %add3A_949 : i32 to index
        %get3A_1011 = arith.constant 192 : index
        %get3A_1012 = tpu.vector_load %arg17[%get3A_1010, %get3A_1011] {strides = array<i32>} : memref<64x256xf32, #tpu.memory_space<vmem>>, vector<1x16xf32>,
        %get3A_1013 = vector.shape_cast %get3A_1012 : vector<1x16xf32> to vector<16xf32>
        %add3A_1014 = arith.addf %scan3A_942, %get3A_1013 : vector<16xf32>
        %get3A_1015 = arith.index_cast %add3A_949 : i32 to index
        %get3A_1016 = arith.constant 208 : index
        %get3A_1017 = tpu.vector_load %arg17[%get3A_1015, %get3A_1016] {strides = array<i32>} : memref<64x256xf32, #tpu.memory_space<vmem>>, vector<1x16xf32>,
        %get3A_1018 = vector.shape_cast %get3A_1017 : vector<1x16xf32> to vector<16xf32>
        %add3A_1019 = arith.addf %scan3A_943, %get3A_1018 : vector<16xf32>
        %get3A_1020 = arith.index_cast %add3A_949 : i32 to index
        %get3A_1021 = arith.constant 224 : index
        %get3A_1022 = tpu.vector_load %arg17[%get3A_1020, %get3A_1021] {strides = array<i32>} : memref<64x256xf32, #tpu.memory_space<vmem>>, vector<1x16xf32>,
        %get3A_1023 = vector.shape_cast %get3A_1022 : vector<1x16xf32> to vector<16xf32>
        %add3A_1024 = arith.addf %scan3A_944, %get3A_1023 : vector<16xf32>
        %get3A_1025 = arith.index_cast %add3A_949 : i32 to index
        %get3A_1026 = arith.constant 240 : index
        %get3A_1027 = tpu.vector_load %arg17[%get3A_1025, %get3A_1026] {strides = array<i32>} : memref<64x256xf32, #tpu.memory_space<vmem>>, vector<1x16xf32>,
        %get3A_1028 = vector.shape_cast %get3A_1027 : vector<1x16xf32> to vector<16xf32>
        %add3A_1029 = arith.addf %scan3A_945, %get3A_1028 : vector<16xf32>
        %mul3A_1030 = arith.constant 8 : i32
        %mul3A_1031 = arith.muli %scan3A_929, %mul3A_1030 : i32
        %add3A_1032 = arith.constant 1 : i32
        %add3A_1033 = arith.addi %mul3A_1031, %add3A_1032 : i32
        %get3A_1034 = arith.index_cast %add3A_1033 : i32 to index
        %get3A_1035 = arith.constant 0 : index
        %get3A_1036 = tpu.vector_load %arg17[%get3A_1034, %get3A_1035] {strides = array<i32>} : memref<64x256xf32, #tpu.memory_space<vmem>>, vector<1x16xf32>,
        %get3A_1037 = vector.shape_cast %get3A_1036 : vector<1x16xf32> to vector<16xf32>
        %add3A_1038 = arith.addf %add3A_954, %get3A_1037 : vector<16xf32>
        %get3A_1039 = arith.index_cast %add3A_1033 : i32 to index
        %get3A_1040 = arith.constant 16 : index
        %get3A_1041 = tpu.vector_load %arg17[%get3A_1039, %get3A_1040] {strides = array<i32>} : memref<64x256xf32, #tpu.memory_space<vmem>>, vector<1x16xf32>,
        %get3A_1042 = vector.shape_cast %get3A_1041 : vector<1x16xf32> to vector<16xf32>
        %add3A_1043 = arith.addf %add3A_959, %get3A_1042 : vector<16xf32>
        %get3A_1044 = arith.index_cast %add3A_1033 : i32 to index
        %get3A_1045 = arith.constant 32 : index
        %get3A_1046 = tpu.vector_load %arg17[%get3A_1044, %get3A_1045] {strides = array<i32>} : memref<64x256xf32, #tpu.memory_space<vmem>>, vector<1x16xf32>,
        %get3A_1047 = vector.shape_cast %get3A_1046 : vector<1x16xf32> to vector<16xf32>
        %add3A_1048 = arith.addf %add3A_964, %get3A_1047 : vector<16xf32>
        %get3A_1049 = arith.index_cast %add3A_1033 : i32 to index
        %get3A_1050 = arith.constant 48 : index
        %get3A_1051 = tpu.vector_load %arg17[%get3A_1049, %get3A_1050] {strides = array<i32>} : memref<64x256xf32, #tpu.memory_space<vmem>>, vector<1x16xf32>,
        %get3A_1052 = vector.shape_cast %get3A_1051 : vector<1x16xf32> to vector<16xf32>
        %add3A_1053 = arith.addf %add3A_969, %get3A_1052 : vector<16xf32>
        %get3A_1054 = arith.index_cast %add3A_1033 : i32 to index
        %get3A_1055 = arith.constant 64 : index
        %get3A_1056 = tpu.vector_load %arg17[%get3A_1054, %get3A_1055] {strides = array<i32>} : memref<64x256xf32, #tpu.memory_space<vmem>>, vector<1x16xf32>,
        %get3A_1057 = vector.shape_cast %get3A_1056 : vector<1x16xf32> to vector<16xf32>
        %add3A_1058 = arith.addf %add3A_974, %get3A_1057 : vector<16xf32>
        %get3A_1059 = arith.index_cast %add3A_1033 : i32 to index
        %get3A_1060 = arith.constant 80 : index
        %get3A_1061 = tpu.vector_load %arg17[%get3A_1059, %get3A_1060] {strides = array<i32>} : memref<64x256xf32, #tpu.memory_space<vmem>>, vector<1x16xf32>,
        %get3A_1062 = vector.shape_cast %get3A_1061 : vector<1x16xf32> to vector<16xf32>
        %add3A_1063 = arith.addf %add3A_979, %get3A_1062 : vector<16xf32>
        %get3A_1064 = arith.index_cast %add3A_1033 : i32 to index
        %get3A_1065 = arith.constant 96 : index
        %get3A_1066 = tpu.vector_load %arg17[%get3A_1064, %get3A_1065] {strides = array<i32>} : memref<64x256xf32, #tpu.memory_space<vmem>>, vector<1x16xf32>,
        %get3A_1067 = vector.shape_cast %get3A_1066 : vector<1x16xf32> to vector<16xf32>
        %add3A_1068 = arith.addf %add3A_984, %get3A_1067 : vector<16xf32>
        %get3A_1069 = arith.index_cast %add3A_1033 : i32 to index
        %get3A_1070 = arith.constant 112 : index
        %get3A_1071 = tpu.vector_load %arg17[%get3A_1069, %get3A_1070] {strides = array<i32>} : memref<64x256xf32, #tpu.memory_space<vmem>>, vector<1x16xf32>,
        %get3A_1072 = vector.shape_cast %get3A_1071 : vector<1x16xf32> to vector<16xf32>
        %add3A_1073 = arith.addf %add3A_989, %get3A_1072 : vector<16xf32>
        %get3A_1074 = arith.index_cast %add3A_1033 : i32 to index
        %get3A_1075 = arith.constant 128 : index
        %get3A_1076 = tpu.vector_load %arg17[%get3A_1074, %get3A_1075] {strides = array<i32>} : memref<64x256xf32, #tpu.memory_space<vmem>>, vector<1x16xf32>,
        %get3A_1077 = vector.shape_cast %get3A_1076 : vector<1x16xf32> to vector<16xf32>
        %add3A_1078 = arith.addf %add3A_994, %get3A_1077 : vector<16xf32>
        %get3A_1079 = arith.index_cast %add3A_1033 : i32 to index
        %get3A_1080 = arith.constant 144 : index
        %get3A_1081 = tpu.vector_load %arg17[%get3A_1079, %get3A_1080] {strides = array<i32>} : memref<64x256xf32, #tpu.memory_space<vmem>>, vector<1x16xf32>,
        %get3A_1082 = vector.shape_cast %get3A_1081 : vector<1x16xf32> to vector<16xf32>
        %add3A_1083 = arith.addf %add3A_999, %get3A_1082 : vector<16xf32>
        %get3A_1084 = arith.index_cast %add3A_1033 : i32 to index
        %get3A_1085 = arith.constant 160 : index
        %get3A_1086 = tpu.vector_load %arg17[%get3A_1084, %get3A_1085] {strides = array<i32>} : memref<64x256xf32, #tpu.memory_space<vmem>>, vector<1x16xf32>,
        %get3A_1087 = vector.shape_cast %get3A_1086 : vector<1x16xf32> to vector<16xf32>
        %add3A_1088 = arith.addf %add3A_1004, %get3A_1087 : vector<16xf32>
        %get3A_1089 = arith.index_cast %add3A_1033 : i32 to index
        %get3A_1090 = arith.constant 176 : index
        %get3A_1091 = tpu.vector_load %arg17[%get3A_1089, %get3A_1090] {strides = array<i32>} : memref<64x256xf32, #tpu.memory_space<vmem>>, vector<1x16xf32>,
        %get3A_1092 = vector.shape_cast %get3A_1091 : vector<1x16xf32> to vector<16xf32>
        %add3A_1093 = arith.addf %add3A_1009, %get3A_1092 : vector<16xf32>
        %get3A_1094 = arith.index_cast %add3A_1033 : i32 to index
        %get3A_1095 = arith.constant 192 : index
        %get3A_1096 = tpu.vector_load %arg17[%get3A_1094, %get3A_1095] {strides = array<i32>} : memref<64x256xf32, #tpu.memory_space<vmem>>, vector<1x16xf32>,
        %get3A_1097 = vector.shape_cast %get3A_1096 : vector<1x16xf32> to vector<16xf32>
        %add3A_1098 = arith.addf %add3A_1014, %get3A_1097 : vector<16xf32>
        %get3A_1099 = arith.index_cast %add3A_1033 : i32 to index
        %get3A_1100 = arith.constant 208 : index
        %get3A_1101 = tpu.vector_load %arg17[%get3A_1099, %get3A_1100] {strides = array<i32>} : memref<64x256xf32, #tpu.memory_space<vmem>>, vector<1x16xf32>,
        %get3A_1102 = vector.shape_cast %get3A_1101 : vector<1x16xf32> to vector<16xf32>
        %add3A_1103 = arith.addf %add3A_1019, %get3A_1102 : vector<16xf32>
        %get3A_1104 = arith.index_cast %add3A_1033 : i32 to index
        %get3A_1105 = arith.constant 224 : index
        %get3A_1106 = tpu.vector_load %arg17[%get3A_1104, %get3A_1105] {strides = array<i32>} : memref<64x256xf32, #tpu.memory_space<vmem>>, vector<1x16xf32>,
        %get3A_1107 = vector.shape_cast %get3A_1106 : vector<1x16xf32> to vector<16xf32>
        %add3A_1108 = arith.addf %add3A_1024, %get3A_1107 : vector<16xf32>
        %get3A_1109 = arith.index_cast %add3A_1033 : i32 to index
        %get3A_1110 = arith.constant 240 : index
        %get3A_1111 = tpu.vector_load %arg17[%get3A_1109, %get3A_1110] {strides = array<i32>} : memref<64x256xf32, #tpu.memory_space<vmem>>, vector<1x16xf32>,
        %get3A_1112 = vector.shape_cast %get3A_1111 : vector<1x16xf32> to vector<16xf32>
        %add3A_1113 = arith.addf %add3A_1029, %get3A_1112 : vector<16xf32>
        %mul3A_1114 = arith.constant 8 : i32
        %mul3A_1115 = arith.muli %scan3A_929, %mul3A_1114 : i32
        %add3A_1116 = arith.constant 2 : i32
        %add3A_1117 = arith.addi %mul3A_1115, %add3A_1116 : i32
        %get3A_1118 = arith.index_cast %add3A_1117 : i32 to index
        %get3A_1119 = arith.constant 0 : index
        %get3A_1120 = tpu.vector_load %arg17[%get3A_1118, %get3A_1119] {strides = array<i32>} : memref<64x256xf32, #tpu.memory_space<vmem>>, vector<1x16xf32>,
        %get3A_1121 = vector.shape_cast %get3A_1120 : vector<1x16xf32> to vector<16xf32>
        %add3A_1122 = arith.addf %add3A_1038, %get3A_1121 : vector<16xf32>
        %get3A_1123 = arith.index_cast %add3A_1117 : i32 to index
        %get3A_1124 = arith.constant 16 : index
        %get3A_1125 = tpu.vector_load %arg17[%get3A_1123, %get3A_1124] {strides = array<i32>} : memref<64x256xf32, #tpu.memory_space<vmem>>, vector<1x16xf32>,
        %get3A_1126 = vector.shape_cast %get3A_1125 : vector<1x16xf32> to vector<16xf32>
        %add3A_1127 = arith.addf %add3A_1043, %get3A_1126 : vector<16xf32>
        %get3A_1128 = arith.index_cast %add3A_1117 : i32 to index
        %get3A_1129 = arith.constant 32 : index
        %get3A_1130 = tpu.vector_load %arg17[%get3A_1128, %get3A_1129] {strides = array<i32>} : memref<64x256xf32, #tpu.memory_space<vmem>>, vector<1x16xf32>,
        %get3A_1131 = vector.shape_cast %get3A_1130 : vector<1x16xf32> to vector<16xf32>
        %add3A_1132 = arith.addf %add3A_1048, %get3A_1131 : vector<16xf32>
        %get3A_1133 = arith.index_cast %add3A_1117 : i32 to index
        %get3A_1134 = arith.constant 48 : index
        %get3A_1135 = tpu.vector_load %arg17[%get3A_1133, %get3A_1134] {strides = array<i32>} : memref<64x256xf32, #tpu.memory_space<vmem>>, vector<1x16xf32>,
        %get3A_1136 = vector.shape_cast %get3A_1135 : vector<1x16xf32> to vector<16xf32>
        %add3A_1137 = arith.addf %add3A_1053, %get3A_1136 : vector<16xf32>
        %get3A_1138 = arith.index_cast %add3A_1117 : i32 to index
        %get3A_1139 = arith.constant 64 : index
        %get3A_1140 = tpu.vector_load %arg17[%get3A_1138, %get3A_1139] {strides = array<i32>} : memref<64x256xf32, #tpu.memory_space<vmem>>, vector<1x16xf32>,
        %get3A_1141 = vector.shape_cast %get3A_1140 : vector<1x16xf32> to vector<16xf32>
        %add3A_1142 = arith.addf %add3A_1058, %get3A_1141 : vector<16xf32>
        %get3A_1143 = arith.index_cast %add3A_1117 : i32 to index
        %get3A_1144 = arith.constant 80 : index
        %get3A_1145 = tpu.vector_load %arg17[%get3A_1143, %get3A_1144] {strides = array<i32>} : memref<64x256xf32, #tpu.memory_space<vmem>>, vector<1x16xf32>,
        %get3A_1146 = vector.shape_cast %get3A_1145 : vector<1x16xf32> to vector<16xf32>
        %add3A_1147 = arith.addf %add3A_1063, %get3A_1146 : vector<16xf32>
        %get3A_1148 = arith.index_cast %add3A_1117 : i32 to index
        %get3A_1149 = arith.constant 96 : index
        %get3A_1150 = tpu.vector_load %arg17[%get3A_1148, %get3A_1149] {strides = array<i32>} : memref<64x256xf32, #tpu.memory_space<vmem>>, vector<1x16xf32>,
        %get3A_1151 = vector.shape_cast %get3A_1150 : vector<1x16xf32> to vector<16xf32>
        %add3A_1152 = arith.addf %add3A_1068, %get3A_1151 : vector<16xf32>
        %get3A_1153 = arith.index_cast %add3A_1117 : i32 to index
        %get3A_1154 = arith.constant 112 : index
        %get3A_1155 = tpu.vector_load %arg17[%get3A_1153, %get3A_1154] {strides = array<i32>} : memref<64x256xf32, #tpu.memory_space<vmem>>, vector<1x16xf32>,
        %get3A_1156 = vector.shape_cast %get3A_1155 : vector<1x16xf32> to vector<16xf32>
        %add3A_1157 = arith.addf %add3A_1073, %get3A_1156 : vector<16xf32>
        %get3A_1158 = arith.index_cast %add3A_1117 : i32 to index
        %get3A_1159 = arith.constant 128 : index
        %get3A_1160 = tpu.vector_load %arg17[%get3A_1158, %get3A_1159] {strides = array<i32>} : memref<64x256xf32, #tpu.memory_space<vmem>>, vector<1x16xf32>,
        %get3A_1161 = vector.shape_cast %get3A_1160 : vector<1x16xf32> to vector<16xf32>
        %add3A_1162 = arith.addf %add3A_1078, %get3A_1161 : vector<16xf32>
        %get3A_1163 = arith.index_cast %add3A_1117 : i32 to index
        %get3A_1164 = arith.constant 144 : index
        %get3A_1165 = tpu.vector_load %arg17[%get3A_1163, %get3A_1164] {strides = array<i32>} : memref<64x256xf32, #tpu.memory_space<vmem>>, vector<1x16xf32>,
        %get3A_1166 = vector.shape_cast %get3A_1165 : vector<1x16xf32> to vector<16xf32>
        %add3A_1167 = arith.addf %add3A_1083, %get3A_1166 : vector<16xf32>
        %get3A_1168 = arith.index_cast %add3A_1117 : i32 to index
        %get3A_1169 = arith.constant 160 : index
        %get3A_1170 = tpu.vector_load %arg17[%get3A_1168, %get3A_1169] {strides = array<i32>} : memref<64x256xf32, #tpu.memory_space<vmem>>, vector<1x16xf32>,
        %get3A_1171 = vector.shape_cast %get3A_1170 : vector<1x16xf32> to vector<16xf32>
        %add3A_1172 = arith.addf %add3A_1088, %get3A_1171 : vector<16xf32>
        %get3A_1173 = arith.index_cast %add3A_1117 : i32 to index
        %get3A_1174 = arith.constant 176 : index
        %get3A_1175 = tpu.vector_load %arg17[%get3A_1173, %get3A_1174] {strides = array<i32>} : memref<64x256xf32, #tpu.memory_space<vmem>>, vector<1x16xf32>,
        %get3A_1176 = vector.shape_cast %get3A_1175 : vector<1x16xf32> to vector<16xf32>
        %add3A_1177 = arith.addf %add3A_1093, %get3A_1176 : vector<16xf32>
        %get3A_1178 = arith.index_cast %add3A_1117 : i32 to index
        %get3A_1179 = arith.constant 192 : index
        %get3A_1180 = tpu.vector_load %arg17[%get3A_1178, %get3A_1179] {strides = array<i32>} : memref<64x256xf32, #tpu.memory_space<vmem>>, vector<1x16xf32>,
        %get3A_1181 = vector.shape_cast %get3A_1180 : vector<1x16xf32> to vector<16xf32>
        %add3A_1182 = arith.addf %add3A_1098, %get3A_1181 : vector<16xf32>
        %get3A_1183 = arith.index_cast %add3A_1117 : i32 to index
        %get3A_1184 = arith.constant 208 : index
        %get3A_1185 = tpu.vector_load %arg17[%get3A_1183, %get3A_1184] {strides = array<i32>} : memref<64x256xf32, #tpu.memory_space<vmem>>, vector<1x16xf32>,
        %get3A_1186 = vector.shape_cast %get3A_1185 : vector<1x16xf32> to vector<16xf32>
        %add3A_1187 = arith.addf %add3A_1103, %get3A_1186 : vector<16xf32>
        %get3A_1188 = arith.index_cast %add3A_1117 : i32 to index
        %get3A_1189 = arith.constant 224 : index
        %get3A_1190 = tpu.vector_load %arg17[%get3A_1188, %get3A_1189] {strides = array<i32>} : memref<64x256xf32, #tpu.memory_space<vmem>>, vector<1x16xf32>,
        %get3A_1191 = vector.shape_cast %get3A_1190 : vector<1x16xf32> to vector<16xf32>
        %add3A_1192 = arith.addf %add3A_1108, %get3A_1191 : vector<16xf32>
        %get3A_1193 = arith.index_cast %add3A_1117 : i32 to index
        %get3A_1194 = arith.constant 240 : index
        %get3A_1195 = tpu.vector_load %arg17[%get3A_1193, %get3A_1194] {strides = array<i32>} : memref<64x256xf32, #tpu.memory_space<vmem>>, vector<1x16xf32>,
        %get3A_1196 = vector.shape_cast %get3A_1195 : vector<1x16xf32> to vector<16xf32>
        %add3A_1197 = arith.addf %add3A_1113, %get3A_1196 : vector<16xf32>
        %mul3A_1198 = arith.constant 8 : i32
        %mul3A_1199 = arith.muli %scan3A_929, %mul3A_1198 : i32
        %add3A_1200 = arith.constant 3 : i32
        %add3A_1201 = arith.addi %mul3A_1199, %add3A_1200 : i32
        %get3A_1202 = arith.index_cast %add3A_1201 : i32 to index
        %get3A_1203 = arith.constant 0 : index
        %get3A_1204 = tpu.vector_load %arg17[%get3A_1202, %get3A_1203] {strides = array<i32>} : memref<64x256xf32, #tpu.memory_space<vmem>>, vector<1x16xf32>,
        %get3A_1205 = vector.shape_cast %get3A_1204 : vector<1x16xf32> to vector<16xf32>
        %add3A_1206 = arith.addf %add3A_1122, %get3A_1205 : vector<16xf32>
        %get3A_1207 = arith.index_cast %add3A_1201 : i32 to index
        %get3A_1208 = arith.constant 16 : index
        %get3A_1209 = tpu.vector_load %arg17[%get3A_1207, %get3A_1208] {strides = array<i32>} : memref<64x256xf32, #tpu.memory_space<vmem>>, vector<1x16xf32>,
        %get3A_1210 = vector.shape_cast %get3A_1209 : vector<1x16xf32> to vector<16xf32>
        %add3A_1211 = arith.addf %add3A_1127, %get3A_1210 : vector<16xf32>
        %get3A_1212 = arith.index_cast %add3A_1201 : i32 to index
        %get3A_1213 = arith.constant 32 : index
        %get3A_1214 = tpu.vector_load %arg17[%get3A_1212, %get3A_1213] {strides = array<i32>} : memref<64x256xf32, #tpu.memory_space<vmem>>, vector<1x16xf32>,
        %get3A_1215 = vector.shape_cast %get3A_1214 : vector<1x16xf32> to vector<16xf32>
        %add3A_1216 = arith.addf %add3A_1132, %get3A_1215 : vector<16xf32>
        %get3A_1217 = arith.index_cast %add3A_1201 : i32 to index
        %get3A_1218 = arith.constant 48 : index
        %get3A_1219 = tpu.vector_load %arg17[%get3A_1217, %get3A_1218] {strides = array<i32>} : memref<64x256xf32, #tpu.memory_space<vmem>>, vector<1x16xf32>,
        %get3A_1220 = vector.shape_cast %get3A_1219 : vector<1x16xf32> to vector<16xf32>
        %add3A_1221 = arith.addf %add3A_1137, %get3A_1220 : vector<16xf32>
        %get3A_1222 = arith.index_cast %add3A_1201 : i32 to index
        %get3A_1223 = arith.constant 64 : index
        %get3A_1224 = tpu.vector_load %arg17[%get3A_1222, %get3A_1223] {strides = array<i32>} : memref<64x256xf32, #tpu.memory_space<vmem>>, vector<1x16xf32>,
        %get3A_1225 = vector.shape_cast %get3A_1224 : vector<1x16xf32> to vector<16xf32>
        %add3A_1226 = arith.addf %add3A_1142, %get3A_1225 : vector<16xf32>
        %get3A_1227 = arith.index_cast %add3A_1201 : i32 to index
        %get3A_1228 = arith.constant 80 : index
        %get3A_1229 = tpu.vector_load %arg17[%get3A_1227, %get3A_1228] {strides = array<i32>} : memref<64x256xf32, #tpu.memory_space<vmem>>, vector<1x16xf32>,
        %get3A_1230 = vector.shape_cast %get3A_1229 : vector<1x16xf32> to vector<16xf32>
        %add3A_1231 = arith.addf %add3A_1147, %get3A_1230 : vector<16xf32>
        %get3A_1232 = arith.index_cast %add3A_1201 : i32 to index
        %get3A_1233 = arith.constant 96 : index
        %get3A_1234 = tpu.vector_load %arg17[%get3A_1232, %get3A_1233] {strides = array<i32>} : memref<64x256xf32, #tpu.memory_space<vmem>>, vector<1x16xf32>,
        %get3A_1235 = vector.shape_cast %get3A_1234 : vector<1x16xf32> to vector<16xf32>
        %add3A_1236 = arith.addf %add3A_1152, %get3A_1235 : vector<16xf32>
        %get3A_1237 = arith.index_cast %add3A_1201 : i32 to index
        %get3A_1238 = arith.constant 112 : index
        %get3A_1239 = tpu.vector_load %arg17[%get3A_1237, %get3A_1238] {strides = array<i32>} : memref<64x256xf32, #tpu.memory_space<vmem>>, vector<1x16xf32>,
        %get3A_1240 = vector.shape_cast %get3A_1239 : vector<1x16xf32> to vector<16xf32>
        %add3A_1241 = arith.addf %add3A_1157, %get3A_1240 : vector<16xf32>
        %get3A_1242 = arith.index_cast %add3A_1201 : i32 to index
        %get3A_1243 = arith.constant 128 : index
        %get3A_1244 = tpu.vector_load %arg17[%get3A_1242, %get3A_1243] {strides = array<i32>} : memref<64x256xf32, #tpu.memory_space<vmem>>, vector<1x16xf32>,
        %get3A_1245 = vector.shape_cast %get3A_1244 : vector<1x16xf32> to vector<16xf32>
        %add3A_1246 = arith.addf %add3A_1162, %get3A_1245 : vector<16xf32>
        %get3A_1247 = arith.index_cast %add3A_1201 : i32 to index
        %get3A_1248 = arith.constant 144 : index
        %get3A_1249 = tpu.vector_load %arg17[%get3A_1247, %get3A_1248] {strides = array<i32>} : memref<64x256xf32, #tpu.memory_space<vmem>>, vector<1x16xf32>,
        %get3A_1250 = vector.shape_cast %get3A_1249 : vector<1x16xf32> to vector<16xf32>
        %add3A_1251 = arith.addf %add3A_1167, %get3A_1250 : vector<16xf32>
        %get3A_1252 = arith.index_cast %add3A_1201 : i32 to index
        %get3A_1253 = arith.constant 160 : index
        %get3A_1254 = tpu.vector_load %arg17[%get3A_1252, %get3A_1253] {strides = array<i32>} : memref<64x256xf32, #tpu.memory_space<vmem>>, vector<1x16xf32>,
        %get3A_1255 = vector.shape_cast %get3A_1254 : vector<1x16xf32> to vector<16xf32>
        %add3A_1256 = arith.addf %add3A_1172, %get3A_1255 : vector<16xf32>
        %get3A_1257 = arith.index_cast %add3A_1201 : i32 to index
        %get3A_1258 = arith.constant 176 : index
        %get3A_1259 = tpu.vector_load %arg17[%get3A_1257, %get3A_1258] {strides = array<i32>} : memref<64x256xf32, #tpu.memory_space<vmem>>, vector<1x16xf32>,
        %get3A_1260 = vector.shape_cast %get3A_1259 : vector<1x16xf32> to vector<16xf32>
        %add3A_1261 = arith.addf %add3A_1177, %get3A_1260 : vector<16xf32>
        %get3A_1262 = arith.index_cast %add3A_1201 : i32 to index
        %get3A_1263 = arith.constant 192 : index
        %get3A_1264 = tpu.vector_load %arg17[%get3A_1262, %get3A_1263] {strides = array<i32>} : memref<64x256xf32, #tpu.memory_space<vmem>>, vector<1x16xf32>,
        %get3A_1265 = vector.shape_cast %get3A_1264 : vector<1x16xf32> to vector<16xf32>
        %add3A_1266 = arith.addf %add3A_1182, %get3A_1265 : vector<16xf32>
        %get3A_1267 = arith.index_cast %add3A_1201 : i32 to index
        %get3A_1268 = arith.constant 208 : index
        %get3A_1269 = tpu.vector_load %arg17[%get3A_1267, %get3A_1268] {strides = array<i32>} : memref<64x256xf32, #tpu.memory_space<vmem>>, vector<1x16xf32>,
        %get3A_1270 = vector.shape_cast %get3A_1269 : vector<1x16xf32> to vector<16xf32>
        %add3A_1271 = arith.addf %add3A_1187, %get3A_1270 : vector<16xf32>
        %get3A_1272 = arith.index_cast %add3A_1201 : i32 to index
        %get3A_1273 = arith.constant 224 : index
        %get3A_1274 = tpu.vector_load %arg17[%get3A_1272, %get3A_1273] {strides = array<i32>} : memref<64x256xf32, #tpu.memory_space<vmem>>, vector<1x16xf32>,
        %get3A_1275 = vector.shape_cast %get3A_1274 : vector<1x16xf32> to vector<16xf32>
        %add3A_1276 = arith.addf %add3A_1192, %get3A_1275 : vector<16xf32>
        %get3A_1277 = arith.index_cast %add3A_1201 : i32 to index
        %get3A_1278 = arith.constant 240 : index
        %get3A_1279 = tpu.vector_load %arg17[%get3A_1277, %get3A_1278] {strides = array<i32>} : memref<64x256xf32, #tpu.memory_space<vmem>>, vector<1x16xf32>,
        %get3A_1280 = vector.shape_cast %get3A_1279 : vector<1x16xf32> to vector<16xf32>
        %add3A_1281 = arith.addf %add3A_1197, %get3A_1280 : vector<16xf32>
        %mul3A_1282 = arith.constant 8 : i32
        %mul3A_1283 = arith.muli %scan3A_929, %mul3A_1282 : i32
        %add3A_1284 = arith.constant 4 : i32
        %add3A_1285 = arith.addi %mul3A_1283, %add3A_1284 : i32
        %get3A_1286 = arith.index_cast %add3A_1285 : i32 to index
        %get3A_1287 = arith.constant 0 : index
        %get3A_1288 = tpu.vector_load %arg17[%get3A_1286, %get3A_1287] {strides = array<i32>} : memref<64x256xf32, #tpu.memory_space<vmem>>, vector<1x16xf32>,
        %get3A_1289 = vector.shape_cast %get3A_1288 : vector<1x16xf32> to vector<16xf32>
        %add3A_1290 = arith.addf %add3A_1206, %get3A_1289 : vector<16xf32>
        %get3A_1291 = arith.index_cast %add3A_1285 : i32 to index
        %get3A_1292 = arith.constant 16 : index
        %get3A_1293 = tpu.vector_load %arg17[%get3A_1291, %get3A_1292] {strides = array<i32>} : memref<64x256xf32, #tpu.memory_space<vmem>>, vector<1x16xf32>,
        %get3A_1294 = vector.shape_cast %get3A_1293 : vector<1x16xf32> to vector<16xf32>
        %add3A_1295 = arith.addf %add3A_1211, %get3A_1294 : vector<16xf32>
        %get3A_1296 = arith.index_cast %add3A_1285 : i32 to index
        %get3A_1297 = arith.constant 32 : index
        %get3A_1298 = tpu.vector_load %arg17[%get3A_1296, %get3A_1297] {strides = array<i32>} : memref<64x256xf32, #tpu.memory_space<vmem>>, vector<1x16xf32>,
        %get3A_1299 = vector.shape_cast %get3A_1298 : vector<1x16xf32> to vector<16xf32>
        %add3A_1300 = arith.addf %add3A_1216, %get3A_1299 : vector<16xf32>
        %get3A_1301 = arith.index_cast %add3A_1285 : i32 to index
        %get3A_1302 = arith.constant 48 : index
        %get3A_1303 = tpu.vector_load %arg17[%get3A_1301, %get3A_1302] {strides = array<i32>} : memref<64x256xf32, #tpu.memory_space<vmem>>, vector<1x16xf32>,
        %get3A_1304 = vector.shape_cast %get3A_1303 : vector<1x16xf32> to vector<16xf32>
        %add3A_1305 = arith.addf %add3A_1221, %get3A_1304 : vector<16xf32>
        %get3A_1306 = arith.index_cast %add3A_1285 : i32 to index
        %get3A_1307 = arith.constant 64 : index
        %get3A_1308 = tpu.vector_load %arg17[%get3A_1306, %get3A_1307] {strides = array<i32>} : memref<64x256xf32, #tpu.memory_space<vmem>>, vector<1x16xf32>,
        %get3A_1309 = vector.shape_cast %get3A_1308 : vector<1x16xf32> to vector<16xf32>
        %add3A_1310 = arith.addf %add3A_1226, %get3A_1309 : vector<16xf32>
        %get3A_1311 = arith.index_cast %add3A_1285 : i32 to index
        %get3A_1312 = arith.constant 80 : index
        %get3A_1313 = tpu.vector_load %arg17[%get3A_1311, %get3A_1312] {strides = array<i32>} : memref<64x256xf32, #tpu.memory_space<vmem>>, vector<1x16xf32>,
        %get3A_1314 = vector.shape_cast %get3A_1313 : vector<1x16xf32> to vector<16xf32>
        %add3A_1315 = arith.addf %add3A_1231, %get3A_1314 : vector<16xf32>
        %get3A_1316 = arith.index_cast %add3A_1285 : i32 to index
        %get3A_1317 = arith.constant 96 : index
        %get3A_1318 = tpu.vector_load %arg17[%get3A_1316, %get3A_1317] {strides = array<i32>} : memref<64x256xf32, #tpu.memory_space<vmem>>, vector<1x16xf32>,
        %get3A_1319 = vector.shape_cast %get3A_1318 : vector<1x16xf32> to vector<16xf32>
        %add3A_1320 = arith.addf %add3A_1236, %get3A_1319 : vector<16xf32>
        %get3A_1321 = arith.index_cast %add3A_1285 : i32 to index
        %get3A_1322 = arith.constant 112 : index
        %get3A_1323 = tpu.vector_load %arg17[%get3A_1321, %get3A_1322] {strides = array<i32>} : memref<64x256xf32, #tpu.memory_space<vmem>>, vector<1x16xf32>,
        %get3A_1324 = vector.shape_cast %get3A_1323 : vector<1x16xf32> to vector<16xf32>
        %add3A_1325 = arith.addf %add3A_1241, %get3A_1324 : vector<16xf32>
        %get3A_1326 = arith.index_cast %add3A_1285 : i32 to index
        %get3A_1327 = arith.constant 128 : index
        %get3A_1328 = tpu.vector_load %arg17[%get3A_1326, %get3A_1327] {strides = array<i32>} : memref<64x256xf32, #tpu.memory_space<vmem>>, vector<1x16xf32>,
        %get3A_1329 = vector.shape_cast %get3A_1328 : vector<1x16xf32> to vector<16xf32>
        %add3A_1330 = arith.addf %add3A_1246, %get3A_1329 : vector<16xf32>
        %get3A_1331 = arith.index_cast %add3A_1285 : i32 to index
        %get3A_1332 = arith.constant 144 : index
        %get3A_1333 = tpu.vector_load %arg17[%get3A_1331, %get3A_1332] {strides = array<i32>} : memref<64x256xf32, #tpu.memory_space<vmem>>, vector<1x16xf32>,
        %get3A_1334 = vector.shape_cast %get3A_1333 : vector<1x16xf32> to vector<16xf32>
        %add3A_1335 = arith.addf %add3A_1251, %get3A_1334 : vector<16xf32>
        %get3A_1336 = arith.index_cast %add3A_1285 : i32 to index
        %get3A_1337 = arith.constant 160 : index
        %get3A_1338 = tpu.vector_load %arg17[%get3A_1336, %get3A_1337] {strides = array<i32>} : memref<64x256xf32, #tpu.memory_space<vmem>>, vector<1x16xf32>,
        %get3A_1339 = vector.shape_cast %get3A_1338 : vector<1x16xf32> to vector<16xf32>
        %add3A_1340 = arith.addf %add3A_1256, %get3A_1339 : vector<16xf32>
        %get3A_1341 = arith.index_cast %add3A_1285 : i32 to index
        %get3A_1342 = arith.constant 176 : index
        %get3A_1343 = tpu.vector_load %arg17[%get3A_1341, %get3A_1342] {strides = array<i32>} : memref<64x256xf32, #tpu.memory_space<vmem>>, vector<1x16xf32>,
        %get3A_1344 = vector.shape_cast %get3A_1343 : vector<1x16xf32> to vector<16xf32>
        %add3A_1345 = arith.addf %add3A_1261, %get3A_1344 : vector<16xf32>
        %get3A_1346 = arith.index_cast %add3A_1285 : i32 to index
        %get3A_1347 = arith.constant 192 : index
        %get3A_1348 = tpu.vector_load %arg17[%get3A_1346, %get3A_1347] {strides = array<i32>} : memref<64x256xf32, #tpu.memory_space<vmem>>, vector<1x16xf32>,
        %get3A_1349 = vector.shape_cast %get3A_1348 : vector<1x16xf32> to vector<16xf32>
        %add3A_1350 = arith.addf %add3A_1266, %get3A_1349 : vector<16xf32>
        %get3A_1351 = arith.index_cast %add3A_1285 : i32 to index
        %get3A_1352 = arith.constant 208 : index
        %get3A_1353 = tpu.vector_load %arg17[%get3A_1351, %get3A_1352] {strides = array<i32>} : memref<64x256xf32, #tpu.memory_space<vmem>>, vector<1x16xf32>,
        %get3A_1354 = vector.shape_cast %get3A_1353 : vector<1x16xf32> to vector<16xf32>
        %add3A_1355 = arith.addf %add3A_1271, %get3A_1354 : vector<16xf32>
        %get3A_1356 = arith.index_cast %add3A_1285 : i32 to index
        %get3A_1357 = arith.constant 224 : index
        %get3A_1358 = tpu.vector_load %arg17[%get3A_1356, %get3A_1357] {strides = array<i32>} : memref<64x256xf32, #tpu.memory_space<vmem>>, vector<1x16xf32>,
        %get3A_1359 = vector.shape_cast %get3A_1358 : vector<1x16xf32> to vector<16xf32>
        %add3A_1360 = arith.addf %add3A_1276, %get3A_1359 : vector<16xf32>
        %get3A_1361 = arith.index_cast %add3A_1285 : i32 to index
        %get3A_1362 = arith.constant 240 : index
        %get3A_1363 = tpu.vector_load %arg17[%get3A_1361, %get3A_1362] {strides = array<i32>} : memref<64x256xf32, #tpu.memory_space<vmem>>, vector<1x16xf32>,
        %get3A_1364 = vector.shape_cast %get3A_1363 : vector<1x16xf32> to vector<16xf32>
        %add3A_1365 = arith.addf %add3A_1281, %get3A_1364 : vector<16xf32>
        %mul3A_1366 = arith.constant 8 : i32
        %mul3A_1367 = arith.muli %scan3A_929, %mul3A_1366 : i32
        %add3A_1368 = arith.constant 5 : i32
        %add3A_1369 = arith.addi %mul3A_1367, %add3A_1368 : i32
        %get3A_1370 = arith.index_cast %add3A_1369 : i32 to index
        %get3A_1371 = arith.constant 0 : index
        %get3A_1372 = tpu.vector_load %arg17[%get3A_1370, %get3A_1371] {strides = array<i32>} : memref<64x256xf32, #tpu.memory_space<vmem>>, vector<1x16xf32>,
        %get3A_1373 = vector.shape_cast %get3A_1372 : vector<1x16xf32> to vector<16xf32>
        %add3A_1374 = arith.addf %add3A_1290, %get3A_1373 : vector<16xf32>
        %get3A_1375 = arith.index_cast %add3A_1369 : i32 to index
        %get3A_1376 = arith.constant 16 : index
        %get3A_1377 = tpu.vector_load %arg17[%get3A_1375, %get3A_1376] {strides = array<i32>} : memref<64x256xf32, #tpu.memory_space<vmem>>, vector<1x16xf32>,
        %get3A_1378 = vector.shape_cast %get3A_1377 : vector<1x16xf32> to vector<16xf32>
        %add3A_1379 = arith.addf %add3A_1295, %get3A_1378 : vector<16xf32>
        %get3A_1380 = arith.index_cast %add3A_1369 : i32 to index
        %get3A_1381 = arith.constant 32 : index
        %get3A_1382 = tpu.vector_load %arg17[%get3A_1380, %get3A_1381] {strides = array<i32>} : memref<64x256xf32, #tpu.memory_space<vmem>>, vector<1x16xf32>,
        %get3A_1383 = vector.shape_cast %get3A_1382 : vector<1x16xf32> to vector<16xf32>
        %add3A_1384 = arith.addf %add3A_1300, %get3A_1383 : vector<16xf32>
        %get3A_1385 = arith.index_cast %add3A_1369 : i32 to index
        %get3A_1386 = arith.constant 48 : index
        %get3A_1387 = tpu.vector_load %arg17[%get3A_1385, %get3A_1386] {strides = array<i32>} : memref<64x256xf32, #tpu.memory_space<vmem>>, vector<1x16xf32>,
        %get3A_1388 = vector.shape_cast %get3A_1387 : vector<1x16xf32> to vector<16xf32>
        %add3A_1389 = arith.addf %add3A_1305, %get3A_1388 : vector<16xf32>
        %get3A_1390 = arith.index_cast %add3A_1369 : i32 to index
        %get3A_1391 = arith.constant 64 : index
        %get3A_1392 = tpu.vector_load %arg17[%get3A_1390, %get3A_1391] {strides = array<i32>} : memref<64x256xf32, #tpu.memory_space<vmem>>, vector<1x16xf32>,
        %get3A_1393 = vector.shape_cast %get3A_1392 : vector<1x16xf32> to vector<16xf32>
        %add3A_1394 = arith.addf %add3A_1310, %get3A_1393 : vector<16xf32>
        %get3A_1395 = arith.index_cast %add3A_1369 : i32 to index
        %get3A_1396 = arith.constant 80 : index
        %get3A_1397 = tpu.vector_load %arg17[%get3A_1395, %get3A_1396] {strides = array<i32>} : memref<64x256xf32, #tpu.memory_space<vmem>>, vector<1x16xf32>,
        %get3A_1398 = vector.shape_cast %get3A_1397 : vector<1x16xf32> to vector<16xf32>
        %add3A_1399 = arith.addf %add3A_1315, %get3A_1398 : vector<16xf32>
        %get3A_1400 = arith.index_cast %add3A_1369 : i32 to index
        %get3A_1401 = arith.constant 96 : index
        %get3A_1402 = tpu.vector_load %arg17[%get3A_1400, %get3A_1401] {strides = array<i32>} : memref<64x256xf32, #tpu.memory_space<vmem>>, vector<1x16xf32>,
        %get3A_1403 = vector.shape_cast %get3A_1402 : vector<1x16xf32> to vector<16xf32>
        %add3A_1404 = arith.addf %add3A_1320, %get3A_1403 : vector<16xf32>
        %get3A_1405 = arith.index_cast %add3A_1369 : i32 to index
        %get3A_1406 = arith.constant 112 : index
        %get3A_1407 = tpu.vector_load %arg17[%get3A_1405, %get3A_1406] {strides = array<i32>} : memref<64x256xf32, #tpu.memory_space<vmem>>, vector<1x16xf32>,
        %get3A_1408 = vector.shape_cast %get3A_1407 : vector<1x16xf32> to vector<16xf32>
        %add3A_1409 = arith.addf %add3A_1325, %get3A_1408 : vector<16xf32>
        %get3A_1410 = arith.index_cast %add3A_1369 : i32 to index
        %get3A_1411 = arith.constant 128 : index
        %get3A_1412 = tpu.vector_load %arg17[%get3A_1410, %get3A_1411] {strides = array<i32>} : memref<64x256xf32, #tpu.memory_space<vmem>>, vector<1x16xf32>,
        %get3A_1413 = vector.shape_cast %get3A_1412 : vector<1x16xf32> to vector<16xf32>
        %add3A_1414 = arith.addf %add3A_1330, %get3A_1413 : vector<16xf32>
        %get3A_1415 = arith.index_cast %add3A_1369 : i32 to index
        %get3A_1416 = arith.constant 144 : index
        %get3A_1417 = tpu.vector_load %arg17[%get3A_1415, %get3A_1416] {strides = array<i32>} : memref<64x256xf32, #tpu.memory_space<vmem>>, vector<1x16xf32>,
        %get3A_1418 = vector.shape_cast %get3A_1417 : vector<1x16xf32> to vector<16xf32>
        %add3A_1419 = arith.addf %add3A_1335, %get3A_1418 : vector<16xf32>
        %get3A_1420 = arith.index_cast %add3A_1369 : i32 to index
        %get3A_1421 = arith.constant 160 : index
        %get3A_1422 = tpu.vector_load %arg17[%get3A_1420, %get3A_1421] {strides = array<i32>} : memref<64x256xf32, #tpu.memory_space<vmem>>, vector<1x16xf32>,
        %get3A_1423 = vector.shape_cast %get3A_1422 : vector<1x16xf32> to vector<16xf32>
        %add3A_1424 = arith.addf %add3A_1340, %get3A_1423 : vector<16xf32>
        %get3A_1425 = arith.index_cast %add3A_1369 : i32 to index
        %get3A_1426 = arith.constant 176 : index
        %get3A_1427 = tpu.vector_load %arg17[%get3A_1425, %get3A_1426] {strides = array<i32>} : memref<64x256xf32, #tpu.memory_space<vmem>>, vector<1x16xf32>,
        %get3A_1428 = vector.shape_cast %get3A_1427 : vector<1x16xf32> to vector<16xf32>
        %add3A_1429 = arith.addf %add3A_1345, %get3A_1428 : vector<16xf32>
        %get3A_1430 = arith.index_cast %add3A_1369 : i32 to index
        %get3A_1431 = arith.constant 192 : index
        %get3A_1432 = tpu.vector_load %arg17[%get3A_1430, %get3A_1431] {strides = array<i32>} : memref<64x256xf32, #tpu.memory_space<vmem>>, vector<1x16xf32>,
        %get3A_1433 = vector.shape_cast %get3A_1432 : vector<1x16xf32> to vector<16xf32>
        %add3A_1434 = arith.addf %add3A_1350, %get3A_1433 : vector<16xf32>
        %get3A_1435 = arith.index_cast %add3A_1369 : i32 to index
        %get3A_1436 = arith.constant 208 : index
        %get3A_1437 = tpu.vector_load %arg17[%get3A_1435, %get3A_1436] {strides = array<i32>} : memref<64x256xf32, #tpu.memory_space<vmem>>, vector<1x16xf32>,
        %get3A_1438 = vector.shape_cast %get3A_1437 : vector<1x16xf32> to vector<16xf32>
        %add3A_1439 = arith.addf %add3A_1355, %get3A_1438 : vector<16xf32>
        %get3A_1440 = arith.index_cast %add3A_1369 : i32 to index
        %get3A_1441 = arith.constant 224 : index
        %get3A_1442 = tpu.vector_load %arg17[%get3A_1440, %get3A_1441] {strides = array<i32>} : memref<64x256xf32, #tpu.memory_space<vmem>>, vector<1x16xf32>,
        %get3A_1443 = vector.shape_cast %get3A_1442 : vector<1x16xf32> to vector<16xf32>
        %add3A_1444 = arith.addf %add3A_1360, %get3A_1443 : vector<16xf32>
        %get3A_1445 = arith.index_cast %add3A_1369 : i32 to index
        %get3A_1446 = arith.constant 240 : index
        %get3A_1447 = tpu.vector_load %arg17[%get3A_1445, %get3A_1446] {strides = array<i32>} : memref<64x256xf32, #tpu.memory_space<vmem>>, vector<1x16xf32>,
        %get3A_1448 = vector.shape_cast %get3A_1447 : vector<1x16xf32> to vector<16xf32>
        %add3A_1449 = arith.addf %add3A_1365, %get3A_1448 : vector<16xf32>
        %mul3A_1450 = arith.constant 8 : i32
        %mul3A_1451 = arith.muli %scan3A_929, %mul3A_1450 : i32
        %add3A_1452 = arith.constant 6 : i32
        %add3A_1453 = arith.addi %mul3A_1451, %add3A_1452 : i32
        %get3A_1454 = arith.index_cast %add3A_1453 : i32 to index
        %get3A_1455 = arith.constant 0 : index
        %get3A_1456 = tpu.vector_load %arg17[%get3A_1454, %get3A_1455] {strides = array<i32>} : memref<64x256xf32, #tpu.memory_space<vmem>>, vector<1x16xf32>,
        %get3A_1457 = vector.shape_cast %get3A_1456 : vector<1x16xf32> to vector<16xf32>
        %add3A_1458 = arith.addf %add3A_1374, %get3A_1457 : vector<16xf32>
        %get3A_1459 = arith.index_cast %add3A_1453 : i32 to index
        %get3A_1460 = arith.constant 16 : index
        %get3A_1461 = tpu.vector_load %arg17[%get3A_1459, %get3A_1460] {strides = array<i32>} : memref<64x256xf32, #tpu.memory_space<vmem>>, vector<1x16xf32>,
        %get3A_1462 = vector.shape_cast %get3A_1461 : vector<1x16xf32> to vector<16xf32>
        %add3A_1463 = arith.addf %add3A_1379, %get3A_1462 : vector<16xf32>
        %get3A_1464 = arith.index_cast %add3A_1453 : i32 to index
        %get3A_1465 = arith.constant 32 : index
        %get3A_1466 = tpu.vector_load %arg17[%get3A_1464, %get3A_1465] {strides = array<i32>} : memref<64x256xf32, #tpu.memory_space<vmem>>, vector<1x16xf32>,
        %get3A_1467 = vector.shape_cast %get3A_1466 : vector<1x16xf32> to vector<16xf32>
        %add3A_1468 = arith.addf %add3A_1384, %get3A_1467 : vector<16xf32>
        %get3A_1469 = arith.index_cast %add3A_1453 : i32 to index
        %get3A_1470 = arith.constant 48 : index
        %get3A_1471 = tpu.vector_load %arg17[%get3A_1469, %get3A_1470] {strides = array<i32>} : memref<64x256xf32, #tpu.memory_space<vmem>>, vector<1x16xf32>,
        %get3A_1472 = vector.shape_cast %get3A_1471 : vector<1x16xf32> to vector<16xf32>
        %add3A_1473 = arith.addf %add3A_1389, %get3A_1472 : vector<16xf32>
        %get3A_1474 = arith.index_cast %add3A_1453 : i32 to index
        %get3A_1475 = arith.constant 64 : index
        %get3A_1476 = tpu.vector_load %arg17[%get3A_1474, %get3A_1475] {strides = array<i32>} : memref<64x256xf32, #tpu.memory_space<vmem>>, vector<1x16xf32>,
        %get3A_1477 = vector.shape_cast %get3A_1476 : vector<1x16xf32> to vector<16xf32>
        %add3A_1478 = arith.addf %add3A_1394, %get3A_1477 : vector<16xf32>
        %get3A_1479 = arith.index_cast %add3A_1453 : i32 to index
        %get3A_1480 = arith.constant 80 : index
        %get3A_1481 = tpu.vector_load %arg17[%get3A_1479, %get3A_1480] {strides = array<i32>} : memref<64x256xf32, #tpu.memory_space<vmem>>, vector<1x16xf32>,
        %get3A_1482 = vector.shape_cast %get3A_1481 : vector<1x16xf32> to vector<16xf32>
        %add3A_1483 = arith.addf %add3A_1399, %get3A_1482 : vector<16xf32>
        %get3A_1484 = arith.index_cast %add3A_1453 : i32 to index
        %get3A_1485 = arith.constant 96 : index
        %get3A_1486 = tpu.vector_load %arg17[%get3A_1484, %get3A_1485] {strides = array<i32>} : memref<64x256xf32, #tpu.memory_space<vmem>>, vector<1x16xf32>,
        %get3A_1487 = vector.shape_cast %get3A_1486 : vector<1x16xf32> to vector<16xf32>
        %add3A_1488 = arith.addf %add3A_1404, %get3A_1487 : vector<16xf32>
        %get3A_1489 = arith.index_cast %add3A_1453 : i32 to index
        %get3A_1490 = arith.constant 112 : index
        %get3A_1491 = tpu.vector_load %arg17[%get3A_1489, %get3A_1490] {strides = array<i32>} : memref<64x256xf32, #tpu.memory_space<vmem>>, vector<1x16xf32>,
        %get3A_1492 = vector.shape_cast %get3A_1491 : vector<1x16xf32> to vector<16xf32>
        %add3A_1493 = arith.addf %add3A_1409, %get3A_1492 : vector<16xf32>
        %get3A_1494 = arith.index_cast %add3A_1453 : i32 to index
        %get3A_1495 = arith.constant 128 : index
        %get3A_1496 = tpu.vector_load %arg17[%get3A_1494, %get3A_1495] {strides = array<i32>} : memref<64x256xf32, #tpu.memory_space<vmem>>, vector<1x16xf32>,
        %get3A_1497 = vector.shape_cast %get3A_1496 : vector<1x16xf32> to vector<16xf32>
        %add3A_1498 = arith.addf %add3A_1414, %get3A_1497 : vector<16xf32>
        %get3A_1499 = arith.index_cast %add3A_1453 : i32 to index
        %get3A_1500 = arith.constant 144 : index
        %get3A_1501 = tpu.vector_load %arg17[%get3A_1499, %get3A_1500] {strides = array<i32>} : memref<64x256xf32, #tpu.memory_space<vmem>>, vector<1x16xf32>,
        %get3A_1502 = vector.shape_cast %get3A_1501 : vector<1x16xf32> to vector<16xf32>
        %add3A_1503 = arith.addf %add3A_1419, %get3A_1502 : vector<16xf32>
        %get3A_1504 = arith.index_cast %add3A_1453 : i32 to index
        %get3A_1505 = arith.constant 160 : index
        %get3A_1506 = tpu.vector_load %arg17[%get3A_1504, %get3A_1505] {strides = array<i32>} : memref<64x256xf32, #tpu.memory_space<vmem>>, vector<1x16xf32>,
        %get3A_1507 = vector.shape_cast %get3A_1506 : vector<1x16xf32> to vector<16xf32>
        %add3A_1508 = arith.addf %add3A_1424, %get3A_1507 : vector<16xf32>
        %get3A_1509 = arith.index_cast %add3A_1453 : i32 to index
        %get3A_1510 = arith.constant 176 : index
        %get3A_1511 = tpu.vector_load %arg17[%get3A_1509, %get3A_1510] {strides = array<i32>} : memref<64x256xf32, #tpu.memory_space<vmem>>, vector<1x16xf32>,
        %get3A_1512 = vector.shape_cast %get3A_1511 : vector<1x16xf32> to vector<16xf32>
        %add3A_1513 = arith.addf %add3A_1429, %get3A_1512 : vector<16xf32>
        %get3A_1514 = arith.index_cast %add3A_1453 : i32 to index
        %get3A_1515 = arith.constant 192 : index
        %get3A_1516 = tpu.vector_load %arg17[%get3A_1514, %get3A_1515] {strides = array<i32>} : memref<64x256xf32, #tpu.memory_space<vmem>>, vector<1x16xf32>,
        %get3A_1517 = vector.shape_cast %get3A_1516 : vector<1x16xf32> to vector<16xf32>
        %add3A_1518 = arith.addf %add3A_1434, %get3A_1517 : vector<16xf32>
        %get3A_1519 = arith.index_cast %add3A_1453 : i32 to index
        %get3A_1520 = arith.constant 208 : index
        %get3A_1521 = tpu.vector_load %arg17[%get3A_1519, %get3A_1520] {strides = array<i32>} : memref<64x256xf32, #tpu.memory_space<vmem>>, vector<1x16xf32>,
        %get3A_1522 = vector.shape_cast %get3A_1521 : vector<1x16xf32> to vector<16xf32>
        %add3A_1523 = arith.addf %add3A_1439, %get3A_1522 : vector<16xf32>
        %get3A_1524 = arith.index_cast %add3A_1453 : i32 to index
        %get3A_1525 = arith.constant 224 : index
        %get3A_1526 = tpu.vector_load %arg17[%get3A_1524, %get3A_1525] {strides = array<i32>} : memref<64x256xf32, #tpu.memory_space<vmem>>, vector<1x16xf32>,
        %get3A_1527 = vector.shape_cast %get3A_1526 : vector<1x16xf32> to vector<16xf32>
        %add3A_1528 = arith.addf %add3A_1444, %get3A_1527 : vector<16xf32>
        %get3A_1529 = arith.index_cast %add3A_1453 : i32 to index
        %get3A_1530 = arith.constant 240 : index
        %get3A_1531 = tpu.vector_load %arg17[%get3A_1529, %get3A_1530] {strides = array<i32>} : memref<64x256xf32, #tpu.memory_space<vmem>>, vector<1x16xf32>,
        %get3A_1532 = vector.shape_cast %get3A_1531 : vector<1x16xf32> to vector<16xf32>
        %add3A_1533 = arith.addf %add3A_1449, %get3A_1532 : vector<16xf32>
        %mul3A_1534 = arith.constant 8 : i32
        %mul3A_1535 = arith.muli %scan3A_929, %mul3A_1534 : i32
        %add3A_1536 = arith.constant 7 : i32
        %add3A_1537 = arith.addi %mul3A_1535, %add3A_1536 : i32
        %get3A_1538 = arith.index_cast %add3A_1537 : i32 to index
        %get3A_1539 = arith.constant 0 : index
        %get3A_1540 = tpu.vector_load %arg17[%get3A_1538, %get3A_1539] {strides = array<i32>} : memref<64x256xf32, #tpu.memory_space<vmem>>, vector<1x16xf32>,
        %get3A_1541 = vector.shape_cast %get3A_1540 : vector<1x16xf32> to vector<16xf32>
        %add3A_1542 = arith.addf %add3A_1458, %get3A_1541 : vector<16xf32>
        %get3A_1543 = arith.index_cast %add3A_1537 : i32 to index
        %get3A_1544 = arith.constant 16 : index
        %get3A_1545 = tpu.vector_load %arg17[%get3A_1543, %get3A_1544] {strides = array<i32>} : memref<64x256xf32, #tpu.memory_space<vmem>>, vector<1x16xf32>,
        %get3A_1546 = vector.shape_cast %get3A_1545 : vector<1x16xf32> to vector<16xf32>
        %add3A_1547 = arith.addf %add3A_1463, %get3A_1546 : vector<16xf32>
        %get3A_1548 = arith.index_cast %add3A_1537 : i32 to index
        %get3A_1549 = arith.constant 32 : index
        %get3A_1550 = tpu.vector_load %arg17[%get3A_1548, %get3A_1549] {strides = array<i32>} : memref<64x256xf32, #tpu.memory_space<vmem>>, vector<1x16xf32>,
        %get3A_1551 = vector.shape_cast %get3A_1550 : vector<1x16xf32> to vector<16xf32>
        %add3A_1552 = arith.addf %add3A_1468, %get3A_1551 : vector<16xf32>
        %get3A_1553 = arith.index_cast %add3A_1537 : i32 to index
        %get3A_1554 = arith.constant 48 : index
        %get3A_1555 = tpu.vector_load %arg17[%get3A_1553, %get3A_1554] {strides = array<i32>} : memref<64x256xf32, #tpu.memory_space<vmem>>, vector<1x16xf32>,
        %get3A_1556 = vector.shape_cast %get3A_1555 : vector<1x16xf32> to vector<16xf32>
        %add3A_1557 = arith.addf %add3A_1473, %get3A_1556 : vector<16xf32>
        %get3A_1558 = arith.index_cast %add3A_1537 : i32 to index
        %get3A_1559 = arith.constant 64 : index
        %get3A_1560 = tpu.vector_load %arg17[%get3A_1558, %get3A_1559] {strides = array<i32>} : memref<64x256xf32, #tpu.memory_space<vmem>>, vector<1x16xf32>,
        %get3A_1561 = vector.shape_cast %get3A_1560 : vector<1x16xf32> to vector<16xf32>
        %add3A_1562 = arith.addf %add3A_1478, %get3A_1561 : vector<16xf32>
        %get3A_1563 = arith.index_cast %add3A_1537 : i32 to index
        %get3A_1564 = arith.constant 80 : index
        %get3A_1565 = tpu.vector_load %arg17[%get3A_1563, %get3A_1564] {strides = array<i32>} : memref<64x256xf32, #tpu.memory_space<vmem>>, vector<1x16xf32>,
        %get3A_1566 = vector.shape_cast %get3A_1565 : vector<1x16xf32> to vector<16xf32>
        %add3A_1567 = arith.addf %add3A_1483, %get3A_1566 : vector<16xf32>
        %get3A_1568 = arith.index_cast %add3A_1537 : i32 to index
        %get3A_1569 = arith.constant 96 : index
        %get3A_1570 = tpu.vector_load %arg17[%get3A_1568, %get3A_1569] {strides = array<i32>} : memref<64x256xf32, #tpu.memory_space<vmem>>, vector<1x16xf32>,
        %get3A_1571 = vector.shape_cast %get3A_1570 : vector<1x16xf32> to vector<16xf32>
        %add3A_1572 = arith.addf %add3A_1488, %get3A_1571 : vector<16xf32>
        %get3A_1573 = arith.index_cast %add3A_1537 : i32 to index
        %get3A_1574 = arith.constant 112 : index
        %get3A_1575 = tpu.vector_load %arg17[%get3A_1573, %get3A_1574] {strides = array<i32>} : memref<64x256xf32, #tpu.memory_space<vmem>>, vector<1x16xf32>,
        %get3A_1576 = vector.shape_cast %get3A_1575 : vector<1x16xf32> to vector<16xf32>
        %add3A_1577 = arith.addf %add3A_1493, %get3A_1576 : vector<16xf32>
        %get3A_1578 = arith.index_cast %add3A_1537 : i32 to index
        %get3A_1579 = arith.constant 128 : index
        %get3A_1580 = tpu.vector_load %arg17[%get3A_1578, %get3A_1579] {strides = array<i32>} : memref<64x256xf32, #tpu.memory_space<vmem>>, vector<1x16xf32>,
        %get3A_1581 = vector.shape_cast %get3A_1580 : vector<1x16xf32> to vector<16xf32>
        %add3A_1582 = arith.addf %add3A_1498, %get3A_1581 : vector<16xf32>
        %get3A_1583 = arith.index_cast %add3A_1537 : i32 to index
        %get3A_1584 = arith.constant 144 : index
        %get3A_1585 = tpu.vector_load %arg17[%get3A_1583, %get3A_1584] {strides = array<i32>} : memref<64x256xf32, #tpu.memory_space<vmem>>, vector<1x16xf32>,
        %get3A_1586 = vector.shape_cast %get3A_1585 : vector<1x16xf32> to vector<16xf32>
        %add3A_1587 = arith.addf %add3A_1503, %get3A_1586 : vector<16xf32>
        %get3A_1588 = arith.index_cast %add3A_1537 : i32 to index
        %get3A_1589 = arith.constant 160 : index
        %get3A_1590 = tpu.vector_load %arg17[%get3A_1588, %get3A_1589] {strides = array<i32>} : memref<64x256xf32, #tpu.memory_space<vmem>>, vector<1x16xf32>,
        %get3A_1591 = vector.shape_cast %get3A_1590 : vector<1x16xf32> to vector<16xf32>
        %add3A_1592 = arith.addf %add3A_1508, %get3A_1591 : vector<16xf32>
        %get3A_1593 = arith.index_cast %add3A_1537 : i32 to index
        %get3A_1594 = arith.constant 176 : index
        %get3A_1595 = tpu.vector_load %arg17[%get3A_1593, %get3A_1594] {strides = array<i32>} : memref<64x256xf32, #tpu.memory_space<vmem>>, vector<1x16xf32>,
        %get3A_1596 = vector.shape_cast %get3A_1595 : vector<1x16xf32> to vector<16xf32>
        %add3A_1597 = arith.addf %add3A_1513, %get3A_1596 : vector<16xf32>
        %get3A_1598 = arith.index_cast %add3A_1537 : i32 to index
        %get3A_1599 = arith.constant 192 : index
        %get3A_1600 = tpu.vector_load %arg17[%get3A_1598, %get3A_1599] {strides = array<i32>} : memref<64x256xf32, #tpu.memory_space<vmem>>, vector<1x16xf32>,
        %get3A_1601 = vector.shape_cast %get3A_1600 : vector<1x16xf32> to vector<16xf32>
        %add3A_1602 = arith.addf %add3A_1518, %get3A_1601 : vector<16xf32>
        %get3A_1603 = arith.index_cast %add3A_1537 : i32 to index
        %get3A_1604 = arith.constant 208 : index
        %get3A_1605 = tpu.vector_load %arg17[%get3A_1603, %get3A_1604] {strides = array<i32>} : memref<64x256xf32, #tpu.memory_space<vmem>>, vector<1x16xf32>,
        %get3A_1606 = vector.shape_cast %get3A_1605 : vector<1x16xf32> to vector<16xf32>
        %add3A_1607 = arith.addf %add3A_1523, %get3A_1606 : vector<16xf32>
        %get3A_1608 = arith.index_cast %add3A_1537 : i32 to index
        %get3A_1609 = arith.constant 224 : index
        %get3A_1610 = tpu.vector_load %arg17[%get3A_1608, %get3A_1609] {strides = array<i32>} : memref<64x256xf32, #tpu.memory_space<vmem>>, vector<1x16xf32>,
        %get3A_1611 = vector.shape_cast %get3A_1610 : vector<1x16xf32> to vector<16xf32>
        %add3A_1612 = arith.addf %add3A_1528, %get3A_1611 : vector<16xf32>
        %get3A_1613 = arith.index_cast %add3A_1537 : i32 to index
        %get3A_1614 = arith.constant 240 : index
        %get3A_1615 = tpu.vector_load %arg17[%get3A_1613, %get3A_1614] {strides = array<i32>} : memref<64x256xf32, #tpu.memory_space<vmem>>, vector<1x16xf32>,
        %get3A_1616 = vector.shape_cast %get3A_1615 : vector<1x16xf32> to vector<16xf32>
        %add3A_1617 = arith.addf %add3A_1533, %get3A_1616 : vector<16xf32>
        scf.yield %add3A_1542, %add3A_1547, %add3A_1552, %add3A_1557, %add3A_1562, %add3A_1567, %add3A_1572, %add3A_1577, %add3A_1582, %add3A_1587, %add3A_1592, %add3A_1597, %add3A_1602, %add3A_1607, %add3A_1612, %add3A_1617 : vector<16xf32>, vector<16xf32>, vector<16xf32>, vector<16xf32>, vector<16xf32>, vector<16xf32>, vector<16xf32>, vector<16xf32>, vector<16xf32>, vector<16xf32>, vector<16xf32>, vector<16xf32>, vector<16xf32>, vector<16xf32>, vector<16xf32>, vector<16xf32>
      }
      %scan3A_633 = arith.constant 8 : i32
      %add3A_634 = arith.constant 1 : i32
      %add3A_635 = arith.addi %scan3A_555, %add3A_634 : i32
      %lt3A_636 = arith.constant 32 : i32
      %lt3A_637 = arith.cmpi slt, %add3A_635, %lt3A_636 : i32
      %convert_element_type3A_638 = arith.extui %lt3A_637 : i1 to i32
      %cond3A_639 = arith.constant 0 : i32
      %cond3A_640 = arith.cmpi ne, %convert_element_type3A_638, %cond3A_639 : i32
      scf.if %cond3A_640 {
        %add3A_929 = arith.constant 1 : i32
        %add3A_930 = arith.addi %scan3A_555, %add3A_929 : i32
        %dma_start3A_931 = arith.constant 0 : i32
        %dma_start3A_932 = tpu.memref_slice %arg12[%add3A_930, %dma_start3A_931] : memref<32x64xi32, #tpu.memory_space<vmem>> -> memref<1x64xi32, #tpu.memory_space<vmem>>
        %dma_start3A_933 = tpu.memref_squeeze %dma_start3A_932 : memref<1x64xi32, #tpu.memory_space<vmem>> -> memref<64xi32, #tpu.memory_space<vmem>>
        %dma_start3A_934 = arith.constant 0 : i32
        %dma_start3A_935 = arith.constant 0 : i32
        %dma_start3A_936 = tpu.memref_slice %arg3[%dma_start3A_934, %dma_start3A_935] : memref<50000x256xf32, #tpu.memory_space<hbm>> -> memref<50000x256xf32, #tpu.memory_space<hbm>>
        tpu.enqueue_indirect_dma source(%dma_start3A_936 : memref<50000x256xf32, #tpu.memory_space<hbm>>) target(%arg17 : memref<64x256xf32, #tpu.memory_space<vmem>>) offsets(%dma_start3A_933 : memref<64xi32, #tpu.memory_space<vmem>>) semaphore(%arg22 : memref<!tpu.dma_semaphore, #tpu.memory_space<semaphore_mem>>)
      } else {
      }
      %get3A_641 = arith.index_cast %scan3A_555 : i32 to index
      %get3A_642 = arith.constant 0 : index
      %get3A_643 = tpu.vector_load %arg18[%get3A_641, %get3A_642] {strides = array<i32>} : memref<32x256xf32, #tpu.memory_space<vmem>>, vector<1x16xf32>,
      %get3A_644 = vector.shape_cast %get3A_643 : vector<1x16xf32> to vector<16xf32>
      %swap3A_645 = arith.index_cast %scan3A_555 : i32 to index
      %swap3A_646 = arith.constant 0 : index
      %swap3A_647 = tpu.vector_load %arg19[%swap3A_645, %swap3A_646] {strides = array<i32>} : memref<32x512xf32, #tpu.memory_space<vmem>>, vector<1x16xf32>,
      %swap3A_648 = vector.shape_cast %swap3A_647 : vector<1x16xf32> to vector<16xf32>
      %swap3A_649 = vector.shape_cast %get3A_644 : vector<16xf32> to vector<1x16xf32>
      tpu.vector_store %arg19[%swap3A_645, %swap3A_646], %swap3A_649 {strides = array<i32>} : memref<32x512xf32, #tpu.memory_space<vmem>>, vector<1x16xf32>,
      %get3A_650 = arith.constant 0 : index
      %get3A_651 = tpu.vector_load %arg14[%get3A_650] {strides = array<i32>} : memref<256xf32, #tpu.memory_space<vmem>>, vector<16xf32>,
      %get3A_652 = vector.shape_cast %get3A_651 : vector<16xf32> to vector<16xf32>
      %mul3A_653 = arith.mulf %scan3A_632#0, %get3A_652 : vector<16xf32>
      %swap3A_654 = arith.index_cast %scan3A_555 : i32 to index
      %swap3A_655 = arith.constant 256 : index
      %swap3A_656 = tpu.vector_load %arg19[%swap3A_654, %swap3A_655] {strides = array<i32>} : memref<32x512xf32, #tpu.memory_space<vmem>>, vector<1x16xf32>,
      %swap3A_657 = vector.shape_cast %swap3A_656 : vector<1x16xf32> to vector<16xf32>
      %swap3A_658 = vector.shape_cast %mul3A_653 : vector<16xf32> to vector<1x16xf32>
      tpu.vector_store %arg19[%swap3A_654, %swap3A_655], %swap3A_658 {strides = array<i32>} : memref<32x512xf32, #tpu.memory_space<vmem>>, vector<1x16xf32>,
      %get3A_659 = arith.index_cast %scan3A_555 : i32 to index
      %get3A_660 = arith.constant 16 : index
      %get3A_661 = tpu.vector_load %arg18[%get3A_659, %get3A_660] {strides = array<i32>} : memref<32x256xf32, #tpu.memory_space<vmem>>, vector<1x16xf32>,
      %get3A_662 = vector.shape_cast %get3A_661 : vector<1x16xf32> to vector<16xf32>
      %swap3A_663 = arith.index_cast %scan3A_555 : i32 to index
      %swap3A_664 = arith.constant 16 : index
      %swap3A_665 = tpu.vector_load %arg19[%swap3A_663, %swap3A_664] {strides = array<i32>} : memref<32x512xf32, #tpu.memory_space<vmem>>, vector<1x16xf32>,
      %swap3A_666 = vector.shape_cast %swap3A_665 : vector<1x16xf32> to vector<16xf32>
      %swap3A_667 = vector.shape_cast %get3A_662 : vector<16xf32> to vector<1x16xf32>
      tpu.vector_store %arg19[%swap3A_663, %swap3A_664], %swap3A_667 {strides = array<i32>} : memref<32x512xf32, #tpu.memory_space<vmem>>, vector<1x16xf32>,
      %get3A_668 = arith.constant 16 : index
      %get3A_669 = tpu.vector_load %arg14[%get3A_668] {strides = array<i32>} : memref<256xf32, #tpu.memory_space<vmem>>, vector<16xf32>,
      %get3A_670 = vector.shape_cast %get3A_669 : vector<16xf32> to vector<16xf32>
      %mul3A_671 = arith.mulf %scan3A_632#1, %get3A_670 : vector<16xf32>
      %swap3A_672 = arith.index_cast %scan3A_555 : i32 to index
      %swap3A_673 = arith.constant 272 : index
      %swap3A_674 = tpu.vector_load %arg19[%swap3A_672, %swap3A_673] {strides = array<i32>} : memref<32x512xf32, #tpu.memory_space<vmem>>, vector<1x16xf32>,
      %swap3A_675 = vector.shape_cast %swap3A_674 : vector<1x16xf32> to vector<16xf32>
      %swap3A_676 = vector.shape_cast %mul3A_671 : vector<16xf32> to vector<1x16xf32>
      tpu.vector_store %arg19[%swap3A_672, %swap3A_673], %swap3A_676 {strides = array<i32>} : memref<32x512xf32, #tpu.memory_space<vmem>>, vector<1x16xf32>,
      %get3A_677 = arith.index_cast %scan3A_555 : i32 to index
      %get3A_678 = arith.constant 32 : index
      %get3A_679 = tpu.vector_load %arg18[%get3A_677, %get3A_678] {strides = array<i32>} : memref<32x256xf32, #tpu.memory_space<vmem>>, vector<1x16xf32>,
      %get3A_680 = vector.shape_cast %get3A_679 : vector<1x16xf32> to vector<16xf32>
      %swap3A_681 = arith.index_cast %scan3A_555 : i32 to index
      %swap3A_682 = arith.constant 32 : index
      %swap3A_683 = tpu.vector_load %arg19[%swap3A_681, %swap3A_682] {strides = array<i32>} : memref<32x512xf32, #tpu.memory_space<vmem>>, vector<1x16xf32>,
      %swap3A_684 = vector.shape_cast %swap3A_683 : vector<1x16xf32> to vector<16xf32>
      %swap3A_685 = vector.shape_cast %get3A_680 : vector<16xf32> to vector<1x16xf32>
      tpu.vector_store %arg19[%swap3A_681, %swap3A_682], %swap3A_685 {strides = array<i32>} : memref<32x512xf32, #tpu.memory_space<vmem>>, vector<1x16xf32>,
      %get3A_686 = arith.constant 32 : index
      %get3A_687 = tpu.vector_load %arg14[%get3A_686] {strides = array<i32>} : memref<256xf32, #tpu.memory_space<vmem>>, vector<16xf32>,
      %get3A_688 = vector.shape_cast %get3A_687 : vector<16xf32> to vector<16xf32>
      %mul3A_689 = arith.mulf %scan3A_632#2, %get3A_688 : vector<16xf32>
      %swap3A_690 = arith.index_cast %scan3A_555 : i32 to index
      %swap3A_691 = arith.constant 288 : index
      %swap3A_692 = tpu.vector_load %arg19[%swap3A_690, %swap3A_691] {strides = array<i32>} : memref<32x512xf32, #tpu.memory_space<vmem>>, vector<1x16xf32>,
      %swap3A_693 = vector.shape_cast %swap3A_692 : vector<1x16xf32> to vector<16xf32>
      %swap3A_694 = vector.shape_cast %mul3A_689 : vector<16xf32> to vector<1x16xf32>
      tpu.vector_store %arg19[%swap3A_690, %swap3A_691], %swap3A_694 {strides = array<i32>} : memref<32x512xf32, #tpu.memory_space<vmem>>, vector<1x16xf32>,
      %get3A_695 = arith.index_cast %scan3A_555 : i32 to index
      %get3A_696 = arith.constant 48 : index
      %get3A_697 = tpu.vector_load %arg18[%get3A_695, %get3A_696] {strides = array<i32>} : memref<32x256xf32, #tpu.memory_space<vmem>>, vector<1x16xf32>,
      %get3A_698 = vector.shape_cast %get3A_697 : vector<1x16xf32> to vector<16xf32>
      %swap3A_699 = arith.index_cast %scan3A_555 : i32 to index
      %swap3A_700 = arith.constant 48 : index
      %swap3A_701 = tpu.vector_load %arg19[%swap3A_699, %swap3A_700] {strides = array<i32>} : memref<32x512xf32, #tpu.memory_space<vmem>>, vector<1x16xf32>,
      %swap3A_702 = vector.shape_cast %swap3A_701 : vector<1x16xf32> to vector<16xf32>
      %swap3A_703 = vector.shape_cast %get3A_698 : vector<16xf32> to vector<1x16xf32>
      tpu.vector_store %arg19[%swap3A_699, %swap3A_700], %swap3A_703 {strides = array<i32>} : memref<32x512xf32, #tpu.memory_space<vmem>>, vector<1x16xf32>,
      %get3A_704 = arith.constant 48 : index
      %get3A_705 = tpu.vector_load %arg14[%get3A_704] {strides = array<i32>} : memref<256xf32, #tpu.memory_space<vmem>>, vector<16xf32>,
      %get3A_706 = vector.shape_cast %get3A_705 : vector<16xf32> to vector<16xf32>
      %mul3A_707 = arith.mulf %scan3A_632#3, %get3A_706 : vector<16xf32>
      %swap3A_708 = arith.index_cast %scan3A_555 : i32 to index
      %swap3A_709 = arith.constant 304 : index
      %swap3A_710 = tpu.vector_load %arg19[%swap3A_708, %swap3A_709] {strides = array<i32>} : memref<32x512xf32, #tpu.memory_space<vmem>>, vector<1x16xf32>,
      %swap3A_711 = vector.shape_cast %swap3A_710 : vector<1x16xf32> to vector<16xf32>
      %swap3A_712 = vector.shape_cast %mul3A_707 : vector<16xf32> to vector<1x16xf32>
      tpu.vector_store %arg19[%swap3A_708, %swap3A_709], %swap3A_712 {strides = array<i32>} : memref<32x512xf32, #tpu.memory_space<vmem>>, vector<1x16xf32>,
      %get3A_713 = arith.index_cast %scan3A_555 : i32 to index
      %get3A_714 = arith.constant 64 : index
      %get3A_715 = tpu.vector_load %arg18[%get3A_713, %get3A_714] {strides = array<i32>} : memref<32x256xf32, #tpu.memory_space<vmem>>, vector<1x16xf32>,
      %get3A_716 = vector.shape_cast %get3A_715 : vector<1x16xf32> to vector<16xf32>
      %swap3A_717 = arith.index_cast %scan3A_555 : i32 to index
      %swap3A_718 = arith.constant 64 : index
      %swap3A_719 = tpu.vector_load %arg19[%swap3A_717, %swap3A_718] {strides = array<i32>} : memref<32x512xf32, #tpu.memory_space<vmem>>, vector<1x16xf32>,
      %swap3A_720 = vector.shape_cast %swap3A_719 : vector<1x16xf32> to vector<16xf32>
      %swap3A_721 = vector.shape_cast %get3A_716 : vector<16xf32> to vector<1x16xf32>
      tpu.vector_store %arg19[%swap3A_717, %swap3A_718], %swap3A_721 {strides = array<i32>} : memref<32x512xf32, #tpu.memory_space<vmem>>, vector<1x16xf32>,
      %get3A_722 = arith.constant 64 : index
      %get3A_723 = tpu.vector_load %arg14[%get3A_722] {strides = array<i32>} : memref<256xf32, #tpu.memory_space<vmem>>, vector<16xf32>,
      %get3A_724 = vector.shape_cast %get3A_723 : vector<16xf32> to vector<16xf32>
      %mul3A_725 = arith.mulf %scan3A_632#4, %get3A_724 : vector<16xf32>
      %swap3A_726 = arith.index_cast %scan3A_555 : i32 to index
      %swap3A_727 = arith.constant 320 : index
      %swap3A_728 = tpu.vector_load %arg19[%swap3A_726, %swap3A_727] {strides = array<i32>} : memref<32x512xf32, #tpu.memory_space<vmem>>, vector<1x16xf32>,
      %swap3A_729 = vector.shape_cast %swap3A_728 : vector<1x16xf32> to vector<16xf32>
      %swap3A_730 = vector.shape_cast %mul3A_725 : vector<16xf32> to vector<1x16xf32>
      tpu.vector_store %arg19[%swap3A_726, %swap3A_727], %swap3A_730 {strides = array<i32>} : memref<32x512xf32, #tpu.memory_space<vmem>>, vector<1x16xf32>,
      %get3A_731 = arith.index_cast %scan3A_555 : i32 to index
      %get3A_732 = arith.constant 80 : index
      %get3A_733 = tpu.vector_load %arg18[%get3A_731, %get3A_732] {strides = array<i32>} : memref<32x256xf32, #tpu.memory_space<vmem>>, vector<1x16xf32>,
      %get3A_734 = vector.shape_cast %get3A_733 : vector<1x16xf32> to vector<16xf32>
      %swap3A_735 = arith.index_cast %scan3A_555 : i32 to index
      %swap3A_736 = arith.constant 80 : index
      %swap3A_737 = tpu.vector_load %arg19[%swap3A_735, %swap3A_736] {strides = array<i32>} : memref<32x512xf32, #tpu.memory_space<vmem>>, vector<1x16xf32>,
      %swap3A_738 = vector.shape_cast %swap3A_737 : vector<1x16xf32> to vector<16xf32>
      %swap3A_739 = vector.shape_cast %get3A_734 : vector<16xf32> to vector<1x16xf32>
      tpu.vector_store %arg19[%swap3A_735, %swap3A_736], %swap3A_739 {strides = array<i32>} : memref<32x512xf32, #tpu.memory_space<vmem>>, vector<1x16xf32>,
      %get3A_740 = arith.constant 80 : index
      %get3A_741 = tpu.vector_load %arg14[%get3A_740] {strides = array<i32>} : memref<256xf32, #tpu.memory_space<vmem>>, vector<16xf32>,
      %get3A_742 = vector.shape_cast %get3A_741 : vector<16xf32> to vector<16xf32>
      %mul3A_743 = arith.mulf %scan3A_632#5, %get3A_742 : vector<16xf32>
      %swap3A_744 = arith.index_cast %scan3A_555 : i32 to index
      %swap3A_745 = arith.constant 336 : index
      %swap3A_746 = tpu.vector_load %arg19[%swap3A_744, %swap3A_745] {strides = array<i32>} : memref<32x512xf32, #tpu.memory_space<vmem>>, vector<1x16xf32>,
      %swap3A_747 = vector.shape_cast %swap3A_746 : vector<1x16xf32> to vector<16xf32>
      %swap3A_748 = vector.shape_cast %mul3A_743 : vector<16xf32> to vector<1x16xf32>
      tpu.vector_store %arg19[%swap3A_744, %swap3A_745], %swap3A_748 {strides = array<i32>} : memref<32x512xf32, #tpu.memory_space<vmem>>, vector<1x16xf32>,
      %get3A_749 = arith.index_cast %scan3A_555 : i32 to index
      %get3A_750 = arith.constant 96 : index
      %get3A_751 = tpu.vector_load %arg18[%get3A_749, %get3A_750] {strides = array<i32>} : memref<32x256xf32, #tpu.memory_space<vmem>>, vector<1x16xf32>,
      %get3A_752 = vector.shape_cast %get3A_751 : vector<1x16xf32> to vector<16xf32>
      %swap3A_753 = arith.index_cast %scan3A_555 : i32 to index
      %swap3A_754 = arith.constant 96 : index
      %swap3A_755 = tpu.vector_load %arg19[%swap3A_753, %swap3A_754] {strides = array<i32>} : memref<32x512xf32, #tpu.memory_space<vmem>>, vector<1x16xf32>,
      %swap3A_756 = vector.shape_cast %swap3A_755 : vector<1x16xf32> to vector<16xf32>
      %swap3A_757 = vector.shape_cast %get3A_752 : vector<16xf32> to vector<1x16xf32>
      tpu.vector_store %arg19[%swap3A_753, %swap3A_754], %swap3A_757 {strides = array<i32>} : memref<32x512xf32, #tpu.memory_space<vmem>>, vector<1x16xf32>,
      %get3A_758 = arith.constant 96 : index
      %get3A_759 = tpu.vector_load %arg14[%get3A_758] {strides = array<i32>} : memref<256xf32, #tpu.memory_space<vmem>>, vector<16xf32>,
      %get3A_760 = vector.shape_cast %get3A_759 : vector<16xf32> to vector<16xf32>
      %mul3A_761 = arith.mulf %scan3A_632#6, %get3A_760 : vector<16xf32>
      %swap3A_762 = arith.index_cast %scan3A_555 : i32 to index
      %swap3A_763 = arith.constant 352 : index
      %swap3A_764 = tpu.vector_load %arg19[%swap3A_762, %swap3A_763] {strides = array<i32>} : memref<32x512xf32, #tpu.memory_space<vmem>>, vector<1x16xf32>,
      %swap3A_765 = vector.shape_cast %swap3A_764 : vector<1x16xf32> to vector<16xf32>
      %swap3A_766 = vector.shape_cast %mul3A_761 : vector<16xf32> to vector<1x16xf32>
      tpu.vector_store %arg19[%swap3A_762, %swap3A_763], %swap3A_766 {strides = array<i32>} : memref<32x512xf32, #tpu.memory_space<vmem>>, vector<1x16xf32>,
      %get3A_767 = arith.index_cast %scan3A_555 : i32 to index
      %get3A_768 = arith.constant 112 : index
      %get3A_769 = tpu.vector_load %arg18[%get3A_767, %get3A_768] {strides = array<i32>} : memref<32x256xf32, #tpu.memory_space<vmem>>, vector<1x16xf32>,
      %get3A_770 = vector.shape_cast %get3A_769 : vector<1x16xf32> to vector<16xf32>
      %swap3A_771 = arith.index_cast %scan3A_555 : i32 to index
      %swap3A_772 = arith.constant 112 : index
      %swap3A_773 = tpu.vector_load %arg19[%swap3A_771, %swap3A_772] {strides = array<i32>} : memref<32x512xf32, #tpu.memory_space<vmem>>, vector<1x16xf32>,
      %swap3A_774 = vector.shape_cast %swap3A_773 : vector<1x16xf32> to vector<16xf32>
      %swap3A_775 = vector.shape_cast %get3A_770 : vector<16xf32> to vector<1x16xf32>
      tpu.vector_store %arg19[%swap3A_771, %swap3A_772], %swap3A_775 {strides = array<i32>} : memref<32x512xf32, #tpu.memory_space<vmem>>, vector<1x16xf32>,
      %get3A_776 = arith.constant 112 : index
      %get3A_777 = tpu.vector_load %arg14[%get3A_776] {strides = array<i32>} : memref<256xf32, #tpu.memory_space<vmem>>, vector<16xf32>,
      %get3A_778 = vector.shape_cast %get3A_777 : vector<16xf32> to vector<16xf32>
      %mul3A_779 = arith.mulf %scan3A_632#7, %get3A_778 : vector<16xf32>
      %swap3A_780 = arith.index_cast %scan3A_555 : i32 to index
      %swap3A_781 = arith.constant 368 : index
      %swap3A_782 = tpu.vector_load %arg19[%swap3A_780, %swap3A_781] {strides = array<i32>} : memref<32x512xf32, #tpu.memory_space<vmem>>, vector<1x16xf32>,
      %swap3A_783 = vector.shape_cast %swap3A_782 : vector<1x16xf32> to vector<16xf32>
      %swap3A_784 = vector.shape_cast %mul3A_779 : vector<16xf32> to vector<1x16xf32>
      tpu.vector_store %arg19[%swap3A_780, %swap3A_781], %swap3A_784 {strides = array<i32>} : memref<32x512xf32, #tpu.memory_space<vmem>>, vector<1x16xf32>,
      %get3A_785 = arith.index_cast %scan3A_555 : i32 to index
      %get3A_786 = arith.constant 128 : index
      %get3A_787 = tpu.vector_load %arg18[%get3A_785, %get3A_786] {strides = array<i32>} : memref<32x256xf32, #tpu.memory_space<vmem>>, vector<1x16xf32>,
      %get3A_788 = vector.shape_cast %get3A_787 : vector<1x16xf32> to vector<16xf32>
      %swap3A_789 = arith.index_cast %scan3A_555 : i32 to index
      %swap3A_790 = arith.constant 128 : index
      %swap3A_791 = tpu.vector_load %arg19[%swap3A_789, %swap3A_790] {strides = array<i32>} : memref<32x512xf32, #tpu.memory_space<vmem>>, vector<1x16xf32>,
      %swap3A_792 = vector.shape_cast %swap3A_791 : vector<1x16xf32> to vector<16xf32>
      %swap3A_793 = vector.shape_cast %get3A_788 : vector<16xf32> to vector<1x16xf32>
      tpu.vector_store %arg19[%swap3A_789, %swap3A_790], %swap3A_793 {strides = array<i32>} : memref<32x512xf32, #tpu.memory_space<vmem>>, vector<1x16xf32>,
      %get3A_794 = arith.constant 128 : index
      %get3A_795 = tpu.vector_load %arg14[%get3A_794] {strides = array<i32>} : memref<256xf32, #tpu.memory_space<vmem>>, vector<16xf32>,
      %get3A_796 = vector.shape_cast %get3A_795 : vector<16xf32> to vector<16xf32>
      %mul3A_797 = arith.mulf %scan3A_632#8, %get3A_796 : vector<16xf32>
      %swap3A_798 = arith.index_cast %scan3A_555 : i32 to index
      %swap3A_799 = arith.constant 384 : index
      %swap3A_800 = tpu.vector_load %arg19[%swap3A_798, %swap3A_799] {strides = array<i32>} : memref<32x512xf32, #tpu.memory_space<vmem>>, vector<1x16xf32>,
      %swap3A_801 = vector.shape_cast %swap3A_800 : vector<1x16xf32> to vector<16xf32>
      %swap3A_802 = vector.shape_cast %mul3A_797 : vector<16xf32> to vector<1x16xf32>
      tpu.vector_store %arg19[%swap3A_798, %swap3A_799], %swap3A_802 {strides = array<i32>} : memref<32x512xf32, #tpu.memory_space<vmem>>, vector<1x16xf32>,
      %get3A_803 = arith.index_cast %scan3A_555 : i32 to index
      %get3A_804 = arith.constant 144 : index
      %get3A_805 = tpu.vector_load %arg18[%get3A_803, %get3A_804] {strides = array<i32>} : memref<32x256xf32, #tpu.memory_space<vmem>>, vector<1x16xf32>,
      %get3A_806 = vector.shape_cast %get3A_805 : vector<1x16xf32> to vector<16xf32>
      %swap3A_807 = arith.index_cast %scan3A_555 : i32 to index
      %swap3A_808 = arith.constant 144 : index
      %swap3A_809 = tpu.vector_load %arg19[%swap3A_807, %swap3A_808] {strides = array<i32>} : memref<32x512xf32, #tpu.memory_space<vmem>>, vector<1x16xf32>,
      %swap3A_810 = vector.shape_cast %swap3A_809 : vector<1x16xf32> to vector<16xf32>
      %swap3A_811 = vector.shape_cast %get3A_806 : vector<16xf32> to vector<1x16xf32>
      tpu.vector_store %arg19[%swap3A_807, %swap3A_808], %swap3A_811 {strides = array<i32>} : memref<32x512xf32, #tpu.memory_space<vmem>>, vector<1x16xf32>,
      %get3A_812 = arith.constant 144 : index
      %get3A_813 = tpu.vector_load %arg14[%get3A_812] {strides = array<i32>} : memref<256xf32, #tpu.memory_space<vmem>>, vector<16xf32>,
      %get3A_814 = vector.shape_cast %get3A_813 : vector<16xf32> to vector<16xf32>
      %mul3A_815 = arith.mulf %scan3A_632#9, %get3A_814 : vector<16xf32>
      %swap3A_816 = arith.index_cast %scan3A_555 : i32 to index
      %swap3A_817 = arith.constant 400 : index
      %swap3A_818 = tpu.vector_load %arg19[%swap3A_816, %swap3A_817] {strides = array<i32>} : memref<32x512xf32, #tpu.memory_space<vmem>>, vector<1x16xf32>,
      %swap3A_819 = vector.shape_cast %swap3A_818 : vector<1x16xf32> to vector<16xf32>
      %swap3A_820 = vector.shape_cast %mul3A_815 : vector<16xf32> to vector<1x16xf32>
      tpu.vector_store %arg19[%swap3A_816, %swap3A_817], %swap3A_820 {strides = array<i32>} : memref<32x512xf32, #tpu.memory_space<vmem>>, vector<1x16xf32>,
      %get3A_821 = arith.index_cast %scan3A_555 : i32 to index
      %get3A_822 = arith.constant 160 : index
      %get3A_823 = tpu.vector_load %arg18[%get3A_821, %get3A_822] {strides = array<i32>} : memref<32x256xf32, #tpu.memory_space<vmem>>, vector<1x16xf32>,
      %get3A_824 = vector.shape_cast %get3A_823 : vector<1x16xf32> to vector<16xf32>
      %swap3A_825 = arith.index_cast %scan3A_555 : i32 to index
      %swap3A_826 = arith.constant 160 : index
      %swap3A_827 = tpu.vector_load %arg19[%swap3A_825, %swap3A_826] {strides = array<i32>} : memref<32x512xf32, #tpu.memory_space<vmem>>, vector<1x16xf32>,
      %swap3A_828 = vector.shape_cast %swap3A_827 : vector<1x16xf32> to vector<16xf32>
      %swap3A_829 = vector.shape_cast %get3A_824 : vector<16xf32> to vector<1x16xf32>
      tpu.vector_store %arg19[%swap3A_825, %swap3A_826], %swap3A_829 {strides = array<i32>} : memref<32x512xf32, #tpu.memory_space<vmem>>, vector<1x16xf32>,
      %get3A_830 = arith.constant 160 : index
      %get3A_831 = tpu.vector_load %arg14[%get3A_830] {strides = array<i32>} : memref<256xf32, #tpu.memory_space<vmem>>, vector<16xf32>,
      %get3A_832 = vector.shape_cast %get3A_831 : vector<16xf32> to vector<16xf32>
      %mul3A_833 = arith.mulf %scan3A_632#10, %get3A_832 : vector<16xf32>
      %swap3A_834 = arith.index_cast %scan3A_555 : i32 to index
      %swap3A_835 = arith.constant 416 : index
      %swap3A_836 = tpu.vector_load %arg19[%swap3A_834, %swap3A_835] {strides = array<i32>} : memref<32x512xf32, #tpu.memory_space<vmem>>, vector<1x16xf32>,
      %swap3A_837 = vector.shape_cast %swap3A_836 : vector<1x16xf32> to vector<16xf32>
      %swap3A_838 = vector.shape_cast %mul3A_833 : vector<16xf32> to vector<1x16xf32>
      tpu.vector_store %arg19[%swap3A_834, %swap3A_835], %swap3A_838 {strides = array<i32>} : memref<32x512xf32, #tpu.memory_space<vmem>>, vector<1x16xf32>,
      %get3A_839 = arith.index_cast %scan3A_555 : i32 to index
      %get3A_840 = arith.constant 176 : index
      %get3A_841 = tpu.vector_load %arg18[%get3A_839, %get3A_840] {strides = array<i32>} : memref<32x256xf32, #tpu.memory_space<vmem>>, vector<1x16xf32>,
      %get3A_842 = vector.shape_cast %get3A_841 : vector<1x16xf32> to vector<16xf32>
      %swap3A_843 = arith.index_cast %scan3A_555 : i32 to index
      %swap3A_844 = arith.constant 176 : index
      %swap3A_845 = tpu.vector_load %arg19[%swap3A_843, %swap3A_844] {strides = array<i32>} : memref<32x512xf32, #tpu.memory_space<vmem>>, vector<1x16xf32>,
      %swap3A_846 = vector.shape_cast %swap3A_845 : vector<1x16xf32> to vector<16xf32>
      %swap3A_847 = vector.shape_cast %get3A_842 : vector<16xf32> to vector<1x16xf32>
      tpu.vector_store %arg19[%swap3A_843, %swap3A_844], %swap3A_847 {strides = array<i32>} : memref<32x512xf32, #tpu.memory_space<vmem>>, vector<1x16xf32>,
      %get3A_848 = arith.constant 176 : index
      %get3A_849 = tpu.vector_load %arg14[%get3A_848] {strides = array<i32>} : memref<256xf32, #tpu.memory_space<vmem>>, vector<16xf32>,
      %get3A_850 = vector.shape_cast %get3A_849 : vector<16xf32> to vector<16xf32>
      %mul3A_851 = arith.mulf %scan3A_632#11, %get3A_850 : vector<16xf32>
      %swap3A_852 = arith.index_cast %scan3A_555 : i32 to index
      %swap3A_853 = arith.constant 432 : index
      %swap3A_854 = tpu.vector_load %arg19[%swap3A_852, %swap3A_853] {strides = array<i32>} : memref<32x512xf32, #tpu.memory_space<vmem>>, vector<1x16xf32>,
      %swap3A_855 = vector.shape_cast %swap3A_854 : vector<1x16xf32> to vector<16xf32>
      %swap3A_856 = vector.shape_cast %mul3A_851 : vector<16xf32> to vector<1x16xf32>
      tpu.vector_store %arg19[%swap3A_852, %swap3A_853], %swap3A_856 {strides = array<i32>} : memref<32x512xf32, #tpu.memory_space<vmem>>, vector<1x16xf32>,
      %get3A_857 = arith.index_cast %scan3A_555 : i32 to index
      %get3A_858 = arith.constant 192 : index
      %get3A_859 = tpu.vector_load %arg18[%get3A_857, %get3A_858] {strides = array<i32>} : memref<32x256xf32, #tpu.memory_space<vmem>>, vector<1x16xf32>,
      %get3A_860 = vector.shape_cast %get3A_859 : vector<1x16xf32> to vector<16xf32>
      %swap3A_861 = arith.index_cast %scan3A_555 : i32 to index
      %swap3A_862 = arith.constant 192 : index
      %swap3A_863 = tpu.vector_load %arg19[%swap3A_861, %swap3A_862] {strides = array<i32>} : memref<32x512xf32, #tpu.memory_space<vmem>>, vector<1x16xf32>,
      %swap3A_864 = vector.shape_cast %swap3A_863 : vector<1x16xf32> to vector<16xf32>
      %swap3A_865 = vector.shape_cast %get3A_860 : vector<16xf32> to vector<1x16xf32>
      tpu.vector_store %arg19[%swap3A_861, %swap3A_862], %swap3A_865 {strides = array<i32>} : memref<32x512xf32, #tpu.memory_space<vmem>>, vector<1x16xf32>,
      %get3A_866 = arith.constant 192 : index
      %get3A_867 = tpu.vector_load %arg14[%get3A_866] {strides = array<i32>} : memref<256xf32, #tpu.memory_space<vmem>>, vector<16xf32>,
      %get3A_868 = vector.shape_cast %get3A_867 : vector<16xf32> to vector<16xf32>
      %mul3A_869 = arith.mulf %scan3A_632#12, %get3A_868 : vector<16xf32>
      %swap3A_870 = arith.index_cast %scan3A_555 : i32 to index
      %swap3A_871 = arith.constant 448 : index
      %swap3A_872 = tpu.vector_load %arg19[%swap3A_870, %swap3A_871] {strides = array<i32>} : memref<32x512xf32, #tpu.memory_space<vmem>>, vector<1x16xf32>,
      %swap3A_873 = vector.shape_cast %swap3A_872 : vector<1x16xf32> to vector<16xf32>
      %swap3A_874 = vector.shape_cast %mul3A_869 : vector<16xf32> to vector<1x16xf32>
      tpu.vector_store %arg19[%swap3A_870, %swap3A_871], %swap3A_874 {strides = array<i32>} : memref<32x512xf32, #tpu.memory_space<vmem>>, vector<1x16xf32>,
      %get3A_875 = arith.index_cast %scan3A_555 : i32 to index
      %get3A_876 = arith.constant 208 : index
      %get3A_877 = tpu.vector_load %arg18[%get3A_875, %get3A_876] {strides = array<i32>} : memref<32x256xf32, #tpu.memory_space<vmem>>, vector<1x16xf32>,
      %get3A_878 = vector.shape_cast %get3A_877 : vector<1x16xf32> to vector<16xf32>
      %swap3A_879 = arith.index_cast %scan3A_555 : i32 to index
      %swap3A_880 = arith.constant 208 : index
      %swap3A_881 = tpu.vector_load %arg19[%swap3A_879, %swap3A_880] {strides = array<i32>} : memref<32x512xf32, #tpu.memory_space<vmem>>, vector<1x16xf32>,
      %swap3A_882 = vector.shape_cast %swap3A_881 : vector<1x16xf32> to vector<16xf32>
      %swap3A_883 = vector.shape_cast %get3A_878 : vector<16xf32> to vector<1x16xf32>
      tpu.vector_store %arg19[%swap3A_879, %swap3A_880], %swap3A_883 {strides = array<i32>} : memref<32x512xf32, #tpu.memory_space<vmem>>, vector<1x16xf32>,
      %get3A_884 = arith.constant 208 : index
      %get3A_885 = tpu.vector_load %arg14[%get3A_884] {strides = array<i32>} : memref<256xf32, #tpu.memory_space<vmem>>, vector<16xf32>,
      %get3A_886 = vector.shape_cast %get3A_885 : vector<16xf32> to vector<16xf32>
      %mul3A_887 = arith.mulf %scan3A_632#13, %get3A_886 : vector<16xf32>
      %swap3A_888 = arith.index_cast %scan3A_555 : i32 to index
      %swap3A_889 = arith.constant 464 : index
      %swap3A_890 = tpu.vector_load %arg19[%swap3A_888, %swap3A_889] {strides = array<i32>} : memref<32x512xf32, #tpu.memory_space<vmem>>, vector<1x16xf32>,
      %swap3A_891 = vector.shape_cast %swap3A_890 : vector<1x16xf32> to vector<16xf32>
      %swap3A_892 = vector.shape_cast %mul3A_887 : vector<16xf32> to vector<1x16xf32>
      tpu.vector_store %arg19[%swap3A_888, %swap3A_889], %swap3A_892 {strides = array<i32>} : memref<32x512xf32, #tpu.memory_space<vmem>>, vector<1x16xf32>,
      %get3A_893 = arith.index_cast %scan3A_555 : i32 to index
      %get3A_894 = arith.constant 224 : index
      %get3A_895 = tpu.vector_load %arg18[%get3A_893, %get3A_894] {strides = array<i32>} : memref<32x256xf32, #tpu.memory_space<vmem>>, vector<1x16xf32>,
      %get3A_896 = vector.shape_cast %get3A_895 : vector<1x16xf32> to vector<16xf32>
      %swap3A_897 = arith.index_cast %scan3A_555 : i32 to index
      %swap3A_898 = arith.constant 224 : index
      %swap3A_899 = tpu.vector_load %arg19[%swap3A_897, %swap3A_898] {strides = array<i32>} : memref<32x512xf32, #tpu.memory_space<vmem>>, vector<1x16xf32>,
      %swap3A_900 = vector.shape_cast %swap3A_899 : vector<1x16xf32> to vector<16xf32>
      %swap3A_901 = vector.shape_cast %get3A_896 : vector<16xf32> to vector<1x16xf32>
      tpu.vector_store %arg19[%swap3A_897, %swap3A_898], %swap3A_901 {strides = array<i32>} : memref<32x512xf32, #tpu.memory_space<vmem>>, vector<1x16xf32>,
      %get3A_902 = arith.constant 224 : index
      %get3A_903 = tpu.vector_load %arg14[%get3A_902] {strides = array<i32>} : memref<256xf32, #tpu.memory_space<vmem>>, vector<16xf32>,
      %get3A_904 = vector.shape_cast %get3A_903 : vector<16xf32> to vector<16xf32>
      %mul3A_905 = arith.mulf %scan3A_632#14, %get3A_904 : vector<16xf32>
      %swap3A_906 = arith.index_cast %scan3A_555 : i32 to index
      %swap3A_907 = arith.constant 480 : index
      %swap3A_908 = tpu.vector_load %arg19[%swap3A_906, %swap3A_907] {strides = array<i32>} : memref<32x512xf32, #tpu.memory_space<vmem>>, vector<1x16xf32>,
      %swap3A_909 = vector.shape_cast %swap3A_908 : vector<1x16xf32> to vector<16xf32>
      %swap3A_910 = vector.shape_cast %mul3A_905 : vector<16xf32> to vector<1x16xf32>
      tpu.vector_store %arg19[%swap3A_906, %swap3A_907], %swap3A_910 {strides = array<i32>} : memref<32x512xf32, #tpu.memory_space<vmem>>, vector<1x16xf32>,
      %get3A_911 = arith.index_cast %scan3A_555 : i32 to index
      %get3A_912 = arith.constant 240 : index
      %get3A_913 = tpu.vector_load %arg18[%get3A_911, %get3A_912] {strides = array<i32>} : memref<32x256xf32, #tpu.memory_space<vmem>>, vector<1x16xf32>,
      %get3A_914 = vector.shape_cast %get3A_913 : vector<1x16xf32> to vector<16xf32>
      %swap3A_915 = arith.index_cast %scan3A_555 : i32 to index
      %swap3A_916 = arith.constant 240 : index
      %swap3A_917 = tpu.vector_load %arg19[%swap3A_915, %swap3A_916] {strides = array<i32>} : memref<32x512xf32, #tpu.memory_space<vmem>>, vector<1x16xf32>,
      %swap3A_918 = vector.shape_cast %swap3A_917 : vector<1x16xf32> to vector<16xf32>
      %swap3A_919 = vector.shape_cast %get3A_914 : vector<16xf32> to vector<1x16xf32>
      tpu.vector_store %arg19[%swap3A_915, %swap3A_916], %swap3A_919 {strides = array<i32>} : memref<32x512xf32, #tpu.memory_space<vmem>>, vector<1x16xf32>,
      %get3A_920 = arith.constant 240 : index
      %get3A_921 = tpu.vector_load %arg14[%get3A_920] {strides = array<i32>} : memref<256xf32, #tpu.memory_space<vmem>>, vector<16xf32>,
      %get3A_922 = vector.shape_cast %get3A_921 : vector<16xf32> to vector<16xf32>
      %mul3A_923 = arith.mulf %scan3A_632#15, %get3A_922 : vector<16xf32>
      %swap3A_924 = arith.index_cast %scan3A_555 : i32 to index
      %swap3A_925 = arith.constant 496 : index
      %swap3A_926 = tpu.vector_load %arg19[%swap3A_924, %swap3A_925] {strides = array<i32>} : memref<32x512xf32, #tpu.memory_space<vmem>>, vector<1x16xf32>,
      %swap3A_927 = vector.shape_cast %swap3A_926 : vector<1x16xf32> to vector<16xf32>
      %swap3A_928 = vector.shape_cast %mul3A_923 : vector<16xf32> to vector<1x16xf32>
      tpu.vector_store %arg19[%swap3A_924, %swap3A_925], %swap3A_928 {strides = array<i32>} : memref<32x512xf32, #tpu.memory_space<vmem>>, vector<1x16xf32>,
    }
    %scan3A_554 = arith.constant 32 : i32
    "tpu.region"() ({
      %run_scoped3A = tpu.sem_alloc : memref<!tpu.dma_semaphore, #tpu.memory_space<semaphore_mem>>
      %dma_start3A_555 = arith.constant 0 : i32
      %dma_start3A_556 = tpu.memref_slice %arg8[%mul3A_2, %dma_start3A_555] : memref<1024x512xf32, #tpu.memory_space<hbm>> -> memref<32x512xf32, #tpu.memory_space<hbm>>
      %dma_start3A_557 = arith.constant 0 : i32
      %dma_start3A_558 = tpu.memref_slice %arg8[%mul3A_2, %dma_start3A_557] : memref<1024x512xf32, #tpu.memory_space<hbm>> -> memref<32x512xf32, #tpu.memory_space<hbm>>
      tpu.enqueue_dma source(%arg19 : memref<32x512xf32, #tpu.memory_space<vmem>>) target(%dma_start3A_558 : memref<32x512xf32, #tpu.memory_space<hbm>>) target_semaphore(%run_scoped3A : memref<!tpu.dma_semaphore, #tpu.memory_space<semaphore_mem>>)
      %dma_wait3A_559 = arith.constant 0 : i32
      %dma_wait3A_560 = tpu.memref_slice %arg8[%mul3A_2, %dma_wait3A_559] : memref<1024x512xf32, #tpu.memory_space<hbm>> -> memref<32x512xf32, #tpu.memory_space<hbm>>
      %dma_wait3A_561 = arith.constant 0 : i32
      %dma_wait3A_562 = tpu.memref_slice %arg8[%mul3A_2, %dma_wait3A_561] : memref<1024x512xf32, #tpu.memory_space<hbm>> -> memref<32x512xf32, #tpu.memory_space<hbm>>
      tpu.wait_dma2 semaphore(%run_scoped3A : memref<!tpu.dma_semaphore, #tpu.memory_space<semaphore_mem>>) src(%arg19 : memref<32x512xf32, #tpu.memory_space<vmem>>) dst(%dma_wait3A_562 : memref<32x512xf32, #tpu.memory_space<hbm>>)
      tpu.yield
    }) : () -> ()
    return
  }
}

</mosaic_0001>

<sc_bundles>
// kernel: kernel.3.cloned.1.call-start
scs
__scs_entry_jumppad:
0x0: {  	(pc) =	sbr.rel $0x88, $3  }
0x1: {  	(tag) =	ssettag $0x0;
	lr =	simm.s32 $0x1  }
0x2: {  	[smem:$0x3F9B] =	sst lr;
	_ =	strace $0xD0000000  }
0x3: {  	_ = 	snop  }
0x4: {  	_ = 	snop  }
0x5: {  	_ = 	snop  }
0x6: {  	_ = 	snop  }
0x7: {  	_ = 	snop  }
__scs_overlays_trampoline_lowered:
0x8: {  	[smem:$0x3FAA] =	sst s0  }
0x9: {  	[smem:$0x3FAB] =	sst s1  }
0xa: {  	[smem:$0x3FAC] =	sst s2  }
0xb: {  	[smem:$0x3FAD] =	sst s3  }
0xc: {  	[smem:$0x3FAE] =	sst s4  }
0xd: {  	[smem:$0x3FAF] =	sst s5  }
0xe: {  	[smem:$0x3FB0] =	sst s6  }
0xf: {  	[smem:$0x3FB1] =	sst s7  }
0x10: {  	[smem:$0x3FB2] =	sst s8  }
0x11: {  	[smem:$0x3FB3] =	sst s9;
	s0 =	simm.s32 @!p0 $0x0  }
0x12: {  	s1 =	sld [smem:$0x3F99];
	s0 =	simm.s32 @p0 $0x1  }
0x13: {  	[smem:$0x3FB4] =	sst s0;
	s0 =	simm.s32 @!p1 $0x0  }
0x14: {  	s2 =	sld [smem:$0x3F98];
	s0 =	simm.s32 @p1 $0x1  }
0x15: {  	[smem:$0x3FB5] =	sst s0;
	s0 =	simm.s32 @!p2 $0x0  }
0x16: {  	s3 =	sld [smem:$0x3FDB];
	s0 =	simm.s32 @p2 $0x1  }
0x17: {  	s4 =	simm.s32 $0x1BF5;
	[smem:$0x3FB7] =	sst s0  }
0x18: {  	s0 =	sld [smem:$0x3F9A];
	_ =	swait.ge [sflag:s4], $0x0  }
0x19: {  	s7 =	sld [smem:$0x3F9B]  }
0x1a: {  	s8 =	sadd.s32 $0xFFFFE003, lr  }
0x1b: {  	s9 =	sadd.s32 $0xFFFFFEF7, lr;
	s5 =	simm.s32 $0xFFFFFFFF;
	p2 =	slt.u32 s8, $0xFFFFF086  }
0x1c: {  	p1 =	slt.u32 s9, $0xF7A;
	s5 =	simm.s32 @!p2 $0x0  }
0x1d: {  	s5 =	simm.s32 @p1 $0x1;
	p0 =	seq.s32 s7, s2  }
0x1e: {  	s7 =	smul.u32 @!p0 $0xF7A, s2;
	p2 =	seq.s32 @!p0 s5, $0x0  }
0x1f: {  	s9 =	smul.u32 $0xF7A, s1;
	s8 =	simm.s32 @!p0 $0x1BF5;
	p2 =	por !p2, p0  }
0x20: {  	[sflag:s8] =	ssyncset.s32 @!p0 $0xFFFFF086;
	s6 =	sadd.s32 @!p0 s3, s7;
	s7 =	simm.s32 @!p0 $0x108  }
0x21: {  	s3 =	sadd.s32 s3, s9;
	s6 =	sadd.s32 @!p0 $0x88, s6;
	s7 =	simm.s32 @p2 $0x1082  }
0x22: {  	[simem:s7], [sflag:s8] =	dma.local @!p0 [hbm:s6], $0xF7A  }
0x23: {  	s9 =	sor.u32 $0xD0000000, s2;
	s6 =	simm.s32 $0x108;
	_ =	swait.ge @!p0 [sflag:s8], $0x0  }
0x24: {  	s3 =	sadd.s32 $0x88, s3;
	s6 =	simm.s32 @!p1 $0x1082;
	[sflag:s4] =	ssyncset.s32 $0xFFFFF086  }
0x25: {  	[simem:s6], [sflag:s4] =	dma.local [hbm:s3], $0xF7A  }
0x26: {  	[smem:$0x3F9B] =	sst s1;
	(tag) =	ssettag s2;
	_ =	strace s9  }
0x27: {  	s1 =	sld [smem:$0x3FAB]  }
0x28: {  	s2 =	sld [smem:$0x3FAC]  }
0x29: {  	s4 =	sld [smem:$0x3FAE]  }
0x2a: {  	p0 =	seq.s32 s5, $0x0;
	s5 =	sld [smem:$0x3FAF]  }
0x2b: {  	s6 =	sld [smem:$0x3FB0]  }
0x2c: {  	s7 =	sld [smem:$0x3FB1]  }
0x2d: {  	s3 =	simm.s32 $0x108;
	s8 =	sld [smem:$0x3FB2]  }
0x2e: {  	s3 =	simm.s32 @!p0 $0x1082;
	s9 =	sld [smem:$0x3FB3]  }
0x2f: {  	lr =	sadd.s32 s0, s3;
	s0 =	sld [smem:$0x3FAA]  }
0x30: {  	s3 =	sld [smem:$0x3FAD]  }
0x31: {  	[smem:$0x3FB6] =	sst s10  }
0x32: {  	s10 =	sld [smem:$0x3FB4];
	_ =	sdelay $0x3  }
0x33: {  	p0 =	seq.s32 s10, $0x1;
	s10 =	sld [smem:$0x3FB6];
	_ =	sdelay $0x3  }
0x34: {  	[smem:$0x3FB6] =	sst s10  }
0x35: {  	s10 =	sld [smem:$0x3FB5];
	_ =	sdelay $0x3  }
0x36: {  	p1 =	seq.s32 s10, $0x1;
	s10 =	sld [smem:$0x3FB6];
	_ =	sdelay $0x3  }
0x37: {  	[smem:$0x3FB6] =	sst s10  }
0x38: {  	s10 =	sld [smem:$0x3FB7]  }
0x39: {  	_ = 	snop;
	(pc) =	sbr.ind lr, $3  }
0x3a: {  	_ = 	snop  }
0x3b: {  	_ = 	snop  }
0x3c: {  	p2 =	seq.s32 s10, $0x1;
	s10 =	sld [smem:$0x3FB6]  }
0x3d: {  	_ =	shalt  }
0x3e: {  	_ =	shalt  }
0x3f: {  	_ =	shalt  }
0x40: {  	_ =	shalt  }
0x41: {  	_ =	shalt  }
0x42: {  	_ =	shalt  }
0x43: {  	_ =	shalt  }
0x44: {  	_ =	shalt  }
0x45: {  	_ =	shalt  }
0x46: {  	_ =	shalt  }
0x47: {  	_ =	shalt  }
0x48: {  	_ =	shalt  }
0x49: {  	_ =	shalt  }
0x4a: {  	_ =	shalt  }
0x4b: {  	_ =	shalt  }
0x4c: {  	_ =	shalt  }
0x4d: {  	_ =	shalt  }
0x4e: {  	_ =	shalt  }
0x4f: {  	_ =	shalt  }
0x50: {  	_ =	shalt  }
0x51: {  	_ =	shalt  }
0x52: {  	_ =	shalt  }
0x53: {  	_ =	shalt  }
0x54: {  	_ =	shalt  }
0x55: {  	_ =	shalt  }
0x56: {  	_ =	shalt  }
0x57: {  	_ =	shalt  }
0x58: {  	_ =	shalt  }
0x59: {  	_ =	shalt  }
0x5a: {  	_ =	shalt  }
0x5b: {  	_ =	shalt  }
0x5c: {  	_ =	shalt  }
0x5d: {  	_ =	shalt  }
0x5e: {  	_ =	shalt  }
0x5f: {  	_ =	shalt  }
0x60: {  	_ =	shalt  }
0x61: {  	_ =	shalt  }
0x62: {  	_ =	shalt  }
0x63: {  	_ =	shalt  }
0x64: {  	_ =	shalt  }
0x65: {  	_ =	shalt  }
0x66: {  	_ =	shalt  }
0x67: {  	_ =	shalt  }
0x68: {  	_ =	shalt  }
0x69: {  	_ =	shalt  }
0x6a: {  	_ =	shalt  }
0x6b: {  	_ =	shalt  }
0x6c: {  	_ =	shalt  }
0x6d: {  	_ =	shalt  }
0x6e: {  	_ =	shalt  }
0x6f: {  	_ =	shalt  }
0x70: {  	_ =	shalt  }
0x71: {  	_ =	shalt  }
0x72: {  	_ =	shalt  }
0x73: {  	_ =	shalt  }
0x74: {  	_ =	shalt  }
0x75: {  	_ =	shalt  }
0x76: {  	_ =	shalt  }
0x77: {  	_ =	shalt  }
0x78: {  	_ =	shalt  }
0x79: {  	_ =	shalt  }
0x7a: {  	_ =	shalt  }
0x7b: {  	_ =	shalt  }
0x7c: {  	_ =	shalt  }
0x7d: {  	_ =	shalt  }
0x7e: {  	_ =	shalt  }
0x7f: {  	_ =	shalt  }
0x80: {  	_ =	shalt  }
0x81: {  	_ =	shalt  }
0x82: {  	_ =	shalt  }
0x83: {  	_ =	shalt  }
0x84: {  	_ =	shalt  }
0x85: {  	_ =	shalt  }
0x86: {  	_ =	shalt  }
0x87: {  	_ =	shalt  }
.Lfunc_end0:
.L_simem_size_0:
called_computation_lowered:
.L_overlay_start_0:
0x88: {  	s2 =	sld [smem:$0x3FD9]  }
0x89: {  	s3 =	sld [smem:$0x3FFE];
	_ =	sdelay $0x1  }
0x8a: {  	s1 =	srdreg.scid  }
0x8b: {  	s0 =	sand.u32 $0x1, s1  }
0x8c: {  	s17 =	sshll.u32 s0, $0xA;
	s2 =	sadd.s32 s3, s2  }
0x8d: {  	s2 =	sadd.s32 s2, s17  }
0x8e: {  	[smem:$0x3FC2] =	sst s2  }
0x8f: {  	_ = 	snop  }
0x90: {  	s2 =	sld [smem:$0x3FC9]  }
0x91: {  	s18 =	sld [smem:$0x3FC8]  }
0x92: {  	s4 =	sld [smem:$0x3FC4]  }
0x93: {  	s5 =	sld [smem:$0x3FD0];
	(tm) =	ssettm $0x1  }
0x94: {  	s6 =	sld [smem:$0x3FFB];
	_ =	sdelay $0x3  }
0x95: {  	_ =	strace s6  }
0x96: {  	s6 =	sld [smem:$0x3FFC];
	_ =	sdelay $0x3  }
0x97: {  	_ =	strace s6  }
0x98: {  	s6 =	sld [smem:$0x3FFD];
	_ =	sdelay $0x3  }
0x99: {  	_ =	strace s6  }
0x9a: {  	_ =	strace $0x8FFFFFFF  }
0x9b: {  	s19 =	sld [smem:$0x3FDB];
	_ =	sdelay $0x1  }
0x9c: {  	s7 =	simm.s32 $_scs_section_size  }
0x9d: {  	s8 =	simm.s32 $_size__tile_overlayer_lowered;
	s9 =	simm.s32 $_tile_overlayer_lowered  }
0x9e: {  	s22 =	simm.s32 $0x1BFF;
	s21 =	sshll.u32 s9, $0x1;
	s6 =	sadd.s32 s7, s19  }
0x9f: {  	s10 =	simm.s32 $0x0;
	s20 =	sshll.u32 s8, $0x1;
	s8 =	sadd.s32 s21, s6  }
0xa0: {  	[timem:s10], [sflag:s22] =	dma.local [hbm:s8], s20  }
0xa1: {  	_ =	swait.ge [sflag:s22], s20  }
0xa2: {  	s7 =	ssub.s32 $0x0, s20;
	[sflag:s22] =	ssyncset.done $0x0  }
0xa3: {  	[sflag:s22] =	ssyncadd.s32 s7;
	_ =	sdelay $0x1  }
0xa4: {  	s23 =	simm.s32 $0x1B8B  }
0xa5: {  	_ =	swait.ge [sflag:s23], $0x1  }
0xa6: {  	[sflag:s23] =	ssyncset.done $0x0  }
0xa7: {  	s25 =	simm.s32 $0x1B8E;
	s24 =	sld [smem:$0x3FFE];
	[sflag:s23] =	ssyncadd.s32 $0xFFFFFFFF  }
0xa8: {  	s26 =	simm.s32 $execute0_lowered;
	[smem:$0x3FD2] =	sst s25  }
0xa9: {  	s8 =	sshll.u32 s26, $0x1;
	_ =	strace $0x80000046;
	[dreg:$0x1] =	wrdreg $0xFFFFFFFF  }
0xaa: {  	s28 =	simm.s32 $_size_execute0_lowered;
	s6 =	sadd.s32 s6, s8;
	[dreg:$0x0] =	wrdreg $0x0  }
0xab: {  	s8 =	sshll.u32 s28, $0x1;
	[dreg:$0x2] =	wrdreg s6  }
0xac: {  	[dreg:$0x3] =	wrdreg s8  }
0xad: {  	[dreg:$0x4] =	wrdreg $0xC0  }
0xae: {  	_ =	task [dreg:s10], $0x5FFFF  }
0xaf: {  	[dreg:$0x1] =	wrdreg $0xFFFFFFFF  }
0xb0: {  	[dreg:$0x0] =	wrdreg $0x60  }
0xb1: {  	[dreg:$0x2] =	wrdreg s2  }
0xb2: {  	[dreg:$0x3] =	wrdreg s18  }
0xb3: {  	[dreg:$0x4] =	wrdreg s24  }
0xb4: {  	[dreg:$0x5] =	wrdreg s4  }
0xb5: {  	[dreg:$0x6] =	wrdreg s5  }
0xb6: {  	[dreg:$0x7] =	wrdreg $0x9  }
0xb7: {  	_ =	task.clear_ibuf [dreg:s10], $0x8FFFF;
	_ =	strace $0x90000046  }
0xb8: {  	s29 =	simm.s32 $0x9;
	_ =	strace $0x80000048  }
0xb9: {  	_ =	swait.ge [sflag:s29], $0x1  }
0xba: {  	[sflag:s29] =	ssyncadd.s32 $0xFFFFFFFF  }
0xbb: {  	_ =	strace $0x90000048  }
0xbc: {  	_ =	sfence  }
0xbd: {  	s30 =	sld [smem:$0x0];
	_ =	sdelay $0x2  }
0xbe: {  	s31 =	sshll.u32 s1, $0xD;
	s1 =	sshrl.u32 s1, $0x2  }
0xbf: {  	s3 =	sand.u32 $0x4000, s31;
	s1 =	sadd.s32 s1, s30  }
0xc0: {  	s0 =	sor.u32 s3, s0;
	s1 =	sshll.u32 s1, $0x11  }
0xc1: {  	s0 =	sor.u32 s1, s0  }
0xc2: {  	s0 =	sadd.s32 $0x8F2B, s0  }
0xc3: {  	[sflag:s0] =	ssyncadd.remote.s32 $0x1  }
0xc4: {  	_ =	sfence.sel $0xFFFF  }
0xc5: {  	[dreg:$0x0] =	wrdreg $0xFFFFFFFF;
	(pc) =	sbr.abs _section_cstart, $3  }
0xc6: {  	[dreg:$0x1] =	wrdreg $0xFFFFFFFF  }
0xc7: {  	_ =	task.clear_ibuf [dreg:s10], $0x2FFFF;
	_ =	strace $0x9FFFFFFF  }
0xc8: {  	(tm) =	ssettm $0x7FFFFFFF  }
0xc9: {  	_ =	shalt  }
tec
execute0_lowered:
.L_overlay_start_1:
0x0: {  	(tag) =	ssettag $0x1  }
0x1: {  	s0 =	rddreg [dreg:$0x0]  }
0x2: {  	s1 =	rddreg [dreg:$0x1]  }
0x3: {  	s2 =	rddreg [dreg:$0x2]  }
0x4: {  	s3 =	rddreg [dreg:$0x4];
	s5 =	srdreg.scid  }
0x5: {  	s4 =	simm.s32 $0x0;
	s6 =	stileid.u32;
	s11 =	simm.s32 $0x5  }
0x6: {  	s12 =	simm.s32 $0xA580;
	s13 =	simm.s32 $0xAD80;
	s14 =	simm.s32 $0xB580  }
0x7: {  	s15 =	simm.s32 $0xBD80;
	s16 =	simm.s32 $0xC580;
	s17 =	simm.s32 $0xCD80  }
0x8: {  	s18 =	simm.s32 $0xD580;
	s19 =	simm.s32 $0xDD80;
	s20 =	simm.s32 $0xE580  }
0x9: {  	s21 =	simm.s32 $0xED80;
	s22 =	simm.s32 $0x4;
	s23 =	simm.s32 $0x1  }
0xa: {  	s24 =	simm.s32 $0x2;
	s25 =	simm.s32 $0x3;
	s26 =	simm.s32 $0x11580  }
0xb: {  	s28 =	simm.s32 $0x0;
	s5 =	sand.u32 $0x1, s5;
	[smem:$0x7FF] =	sst s4  }
0xc: {  	s6 =	sshll.u32 s6, $0x6;
	s7 =	sshll.u32 s5, $0x5;
	s5 =	ssub.s32 $0x2, s5  }
0xd: {  	v0 =	vlaneseq.u32;
	_ =	strace $0x80000047;
	s8 =	sor.u32 s7, s6;
	s30 =	sshrl.u32 s5, $0x1  }
0xe: {  	v1 =	vand.u32 $0x7, v0;
	v63 =	vshrl.u32 v0, $0x3;
	s6 =	sshll.u32 s8, $0x4;
	s9 =	sshrl.u32 s8, $0x3;
	s10 =	ssub.s32 s5, s30  }
0xf: {  	v0 =	vor.u32 $0x8, v0;
	[tilespmem:$0x1FFD0] =	vst v1;
	v1 =	vmul.u32 $0x8, v63;
	s31 =	sshll.u32 s8, $0x6;
	s2 =	sadd.s32 s6, s2;
	s5 =	sadd.s32 s0, s9  }
0x10: {  	[tilespmem:$0x1FFF0] =	vst v0;
	s9 =	sadd.s32 s3, s31;
	s10 =	smax.u32 s10, $0x1;
	s6 =	sadd.s32 $0x400, s2  }
0x11: {  	vm0 =	vmmov $0xffff;
	[tilespmem:$0x1FFE0] =	vst v1;
	s7 =	sadd.s32 $0x4400, s2;
	s8 =	sadd.s32 $0x8400, s2;
	s2 =	simm.s32 $0x9D80  }
.LBB2_1:
0x12: {  	[tilespmem:s4], [sflag:$0x5] =	stream.linear.gather [hbm4b:s5+s4], $0x20, $0x38;
	[tilespmem:$0x15580] =	vst v63  }
0x13: {  	_ =	swait.ge [sflag:s11], $0x20  }
0x14: {  	[sflag:s11] =	ssyncset.done $0x0  }
0x15: {  	s0 =	simm.s32 $0x80;
	[sflag:s11] =	ssyncadd.s32 $0xFFFFFFE0  }
0x16: {  	[tilespmem:s0], [sflag:$0x5] =	stream.linear.gather [hbm4b:s6+s4], $0x1000, $0x38;
	[tilespmem:$0x15580] =	vst v63  }
0x17: {  	_ =	swait.ge [sflag:s11], $0x1000  }
0x18: {  	[sflag:s11] =	ssyncset.done $0x0  }
0x19: {  	s3 =	simm.s32 $0x1080;
	[sflag:s11] =	ssyncadd.s32 $0xFFFFF000  }
0x1a: {  	[tilespmem:s3], [sflag:$0x5] =	stream.linear.gather [hbm4b:s7+s4], $0x1000, $0x38;
	[tilespmem:$0x15580] =	vst v63  }
0x1b: {  	_ =	swait.ge [sflag:s11], $0x1000  }
0x1c: {  	[sflag:s11] =	ssyncset.done $0x0  }
0x1d: {  	s30 =	simm.s32 $0x2080;
	[sflag:s11] =	ssyncadd.s32 $0xFFFFF000  }
0x1e: {  	[tilespmem:s30], [sflag:$0x5] =	stream.linear.gather [hbm4b:s8+s4], $0x1000, $0x38;
	[tilespmem:$0x15580] =	vst v63  }
0x1f: {  	_ =	swait.ge [sflag:s11], $0x1000  }
0x20: {  	[sflag:s11] =	ssyncset.done $0x0  }
0x21: {  	[sflag:s11] =	ssyncadd.s32 $0xFFFFF000  }
0x22: {  	s3 =	simm.s32 $0x3080;
	s31 =	rddreg [dreg:$0x3]  }
0x23: {  	[tilespmem:s3], [sflag:$0x5] =	stream.linear.gather [hbm4b:s31+s4], $0x400, $0x38;
	[tilespmem:$0x15580] =	vst v63  }
0x24: {  	_ =	swait.ge [sflag:s11], $0x400  }
0x25: {  	[sflag:s11] =	ssyncset.done $0x0  }
0x26: {  	[sflag:s11] =	ssyncadd.s32 $0xFFFFFC00  }
0x27: {  	v0 =	vld [tilespmem:$0x0];
	_ =	sdelay $0x2  }
0x28: {  	v2 =	vld [tilespmem:$0x1FFD0]  }
0x29: {  	v3 =	vld [tilespmem:$0x1FFE0]  }
0x2a: {  	v4 =	vld [tilespmem:$0x1FFF0];
	v1 =	vshll.u32 v0, $0x1  }
0x2b: {  	v0 =	vand.u32 $0x7, v0;
	v1 =	vand.u32 $0xFFFFFFF0, v1  }
0x2c: {  	v0 =	vor.u32 v0, v1  }
0x2d: {  	v1 =	vperm.xlane v0, v2;
	_ =	sdelay $0x1  }
0x2e: {  	v0 =	vperm.xlane v0, v4;
	v1 =	vadd.s32 v3, v1;
	_ =	sdelay $0x1  }
0x2f: {  	v0 =	vadd.s32 v3, v0;
	_ =	sdelay $0x1  }
0x30: {  	s30 =	simm.s32 $0xF580  }
0x31: {  	[tilespmem:s30], [sflag:$0x4] =	stream.indirect_vreg.gather [hbm4b:s1+s4], $0x80, v1, vm0, $0xb8;
	[tilespmem:$0x15580] =	vst v63  }
0x32: {  	s31 =	simm.s32 $0xFD80  }
0x33: {  	[tilespmem:s31], [sflag:$0x4] =	stream.indirect_vreg.gather [hbm4b:s1+s4], $0x80, v0, vm0, $0xb8;
	[tilespmem:$0x15580] =	vst v63  }
0x34: {  	v0 =	vld [tilespmem:$0x10];
	_ =	sdelay $0x4  }
0x35: {  	v22 =	vshll.u32 v0, $0x1  }
0x36: {  	v0 =	vand.u32 $0x7, v0;
	v1 =	vand.u32 $0xFFFFFFF0, v22  }
0x37: {  	v0 =	vor.u32 v0, v1  }
0x38: {  	v1 =	vperm.xlane v0, v2;
	_ =	sdelay $0x1  }
0x39: {  	v0 =	vperm.xlane v0, v4;
	v1 =	vadd.s32 v3, v1;
	_ =	sdelay $0x1  }
0x3a: {  	v0 =	vadd.s32 v3, v0;
	_ =	sdelay $0x1  }
0x3b: {  	s3 =	simm.s32 $0x10580  }
0x3c: {  	[tilespmem:s3], [sflag:$0x4] =	stream.indirect_vreg.gather [hbm4b:s1+s4], $0x80, v1, vm0, $0xb8;
	[tilespmem:$0x15580] =	vst v63  }
0x3d: {  	s30 =	simm.s32 $0x10D80  }
0x3e: {  	[tilespmem:s30], [sflag:$0x4] =	stream.indirect_vreg.gather [hbm4b:s1+s4], $0x80, v0, vm0, $0xb8;
	[tilespmem:$0x15580] =	vst v63  }
0x3f: {  	v0 =	vld [tilespmem:$0x80];
	_ =	sdelay $0x4  }
0x40: {  	v23 =	vshll.u32 v0, $0x1  }
0x41: {  	v0 =	vand.u32 $0x7, v0;
	v1 =	vand.u32 $0xFFFFFFF0, v23  }
0x42: {  	v0 =	vor.u32 v0, v1  }
0x43: {  	v1 =	vperm.xlane v0, v2;
	_ =	sdelay $0x1  }
0x44: {  	v0 =	vperm.xlane v0, v4;
	v1 =	vadd.s32 v3, v1;
	_ =	sdelay $0x1  }
0x45: {  	v0 =	vadd.s32 v3, v0;
	_ =	sdelay $0x1  }
0x46: {  	s31 =	simm.s32 $0x3580  }
0x47: {  	[tilespmem:s31], [sflag:$0x1] =	stream.indirect_vreg.gather [hbm4b:s1+s4], $0x80, v1, vm0, $0xb8;
	[tilespmem:$0x15580] =	vst v63  }
0x48: {  	s3 =	simm.s32 $0x3D80  }
0x49: {  	[tilespmem:s3], [sflag:$0x1] =	stream.indirect_vreg.gather [hbm4b:s1+s4], $0x80, v0, vm0, $0xb8;
	[tilespmem:$0x15580] =	vst v63  }
0x4a: {  	v0 =	vld [tilespmem:$0x90];
	_ =	sdelay $0x4  }
0x4b: {  	v24 =	vshll.u32 v0, $0x1  }
0x4c: {  	v0 =	vand.u32 $0x7, v0;
	v1 =	vand.u32 $0xFFFFFFF0, v24  }
0x4d: {  	v0 =	vor.u32 v0, v1  }
0x4e: {  	v1 =	vperm.xlane v0, v2;
	_ =	sdelay $0x1  }
0x4f: {  	v0 =	vperm.xlane v0, v4;
	v1 =	vadd.s32 v3, v1;
	_ =	sdelay $0x1  }
0x50: {  	v0 =	vadd.s32 v3, v0;
	_ =	sdelay $0x1  }
0x51: {  	s30 =	simm.s32 $0x4580  }
0x52: {  	[tilespmem:s30], [sflag:$0x1] =	stream.indirect_vreg.gather [hbm4b:s1+s4], $0x80, v1, vm0, $0xb8;
	[tilespmem:$0x15580] =	vst v63  }
0x53: {  	s31 =	simm.s32 $0x4D80  }
0x54: {  	[tilespmem:s31], [sflag:$0x1] =	stream.indirect_vreg.gather [hbm4b:s1+s4], $0x80, v0, vm0, $0xb8;
	[tilespmem:$0x15580] =	vst v63  }
0x55: {  	v0 =	vld [tilespmem:$0xA0];
	_ =	sdelay $0x4  }
0x56: {  	v25 =	vshll.u32 v0, $0x1  }
0x57: {  	v0 =	vand.u32 $0x7, v0;
	v1 =	vand.u32 $0xFFFFFFF0, v25  }
0x58: {  	v0 =	vor.u32 v0, v1  }
0x59: {  	v1 =	vperm.xlane v0, v2;
	_ =	sdelay $0x1  }
0x5a: {  	v0 =	vperm.xlane v0, v4;
	v1 =	vadd.s32 v3, v1;
	_ =	sdelay $0x1  }
0x5b: {  	v0 =	vadd.s32 v3, v0;
	_ =	sdelay $0x1  }
0x5c: {  	s3 =	simm.s32 $0x5580  }
0x5d: {  	[tilespmem:s3], [sflag:$0x1] =	stream.indirect_vreg.gather [hbm4b:s1+s4], $0x80, v1, vm0, $0xb8;
	[tilespmem:$0x15580] =	vst v63  }
0x5e: {  	s30 =	simm.s32 $0x5D80  }
0x5f: {  	[tilespmem:s30], [sflag:$0x1] =	stream.indirect_vreg.gather [hbm4b:s1+s4], $0x80, v0, vm0, $0xb8;
	[tilespmem:$0x15580] =	vst v63  }
0x60: {  	v0 =	vld [tilespmem:$0xB0];
	_ =	sdelay $0x4  }
0x61: {  	v26 =	vshll.u32 v0, $0x1  }
0x62: {  	v0 =	vand.u32 $0x7, v0;
	v1 =	vand.u32 $0xFFFFFFF0, v26  }
0x63: {  	v0 =	vor.u32 v0, v1  }
0x64: {  	v1 =	vperm.xlane v0, v2;
	_ =	sdelay $0x1  }
0x65: {  	v0 =	vperm.xlane v0, v4;
	v1 =	vadd.s32 v3, v1;
	_ =	sdelay $0x1  }
0x66: {  	v0 =	vadd.s32 v3, v0;
	_ =	sdelay $0x1  }
0x67: {  	s31 =	simm.s32 $0x6580  }
0x68: {  	[tilespmem:s31], [sflag:$0x1] =	stream.indirect_vreg.gather [hbm4b:s1+s4], $0x80, v1, vm0, $0xb8;
	[tilespmem:$0x15580] =	vst v63  }
0x69: {  	s3 =	simm.s32 $0x6D80  }
0x6a: {  	[tilespmem:s3], [sflag:$0x1] =	stream.indirect_vreg.gather [hbm4b:s1+s4], $0x80, v0, vm0, $0xb8;
	[tilespmem:$0x15580] =	vst v63  }
0x6b: {  	v0 =	vld [tilespmem:$0x1080];
	_ =	sdelay $0x4  }
0x6c: {  	v27 =	vshll.u32 v0, $0x1  }
0x6d: {  	v0 =	vand.u32 $0x7, v0;
	v1 =	vand.u32 $0xFFFFFFF0, v27  }
0x6e: {  	v0 =	vor.u32 v0, v1  }
0x6f: {  	v1 =	vperm.xlane v0, v2;
	_ =	sdelay $0x1  }
0x70: {  	v0 =	vperm.xlane v0, v4;
	v1 =	vadd.s32 v3, v1;
	_ =	sdelay $0x1  }
0x71: {  	v0 =	vadd.s32 v3, v0;
	_ =	sdelay $0x1  }
0x72: {  	s30 =	simm.s32 $0x7580  }
0x73: {  	[tilespmem:s30], [sflag:$0x2] =	stream.indirect_vreg.gather [hbm4b:s1+s4], $0x80, v1, vm0, $0xb8;
	[tilespmem:$0x15580] =	vst v63  }
0x74: {  	s31 =	simm.s32 $0x7D80  }
0x75: {  	[tilespmem:s31], [sflag:$0x2] =	stream.indirect_vreg.gather [hbm4b:s1+s4], $0x80, v0, vm0, $0xb8;
	[tilespmem:$0x15580] =	vst v63  }
0x76: {  	v0 =	vld [tilespmem:$0x1090];
	_ =	sdelay $0x4  }
0x77: {  	v28 =	vshll.u32 v0, $0x1  }
0x78: {  	v0 =	vand.u32 $0x7, v0;
	v1 =	vand.u32 $0xFFFFFFF0, v28  }
0x79: {  	v0 =	vor.u32 v0, v1  }
0x7a: {  	v1 =	vperm.xlane v0, v2;
	_ =	sdelay $0x1  }
0x7b: {  	v0 =	vperm.xlane v0, v4;
	v1 =	vadd.s32 v3, v1;
	_ =	sdelay $0x1  }
0x7c: {  	v0 =	vadd.s32 v3, v0;
	_ =	sdelay $0x1  }
0x7d: {  	s3 =	simm.s32 $0x8580  }
0x7e: {  	[tilespmem:s3], [sflag:$0x2] =	stream.indirect_vreg.gather [hbm4b:s1+s4], $0x80, v1, vm0, $0xb8;
	[tilespmem:$0x15580] =	vst v63  }
0x7f: {  	s30 =	simm.s32 $0x8D80  }
0x80: {  	[tilespmem:s30], [sflag:$0x2] =	stream.indirect_vreg.gather [hbm4b:s1+s4], $0x80, v0, vm0, $0xb8;
	[tilespmem:$0x15580] =	vst v63  }
0x81: {  	v0 =	vld [tilespmem:$0x10A0];
	_ =	sdelay $0x4  }
0x82: {  	v29 =	vshll.u32 v0, $0x1  }
0x83: {  	v0 =	vand.u32 $0x7, v0;
	v1 =	vand.u32 $0xFFFFFFF0, v29  }
0x84: {  	v0 =	vor.u32 v0, v1  }
0x85: {  	v1 =	vperm.xlane v0, v2;
	_ =	sdelay $0x1  }
0x86: {  	v0 =	vperm.xlane v0, v4;
	v1 =	vadd.s32 v3, v1;
	_ =	sdelay $0x1  }
0x87: {  	v0 =	vadd.s32 v3, v0;
	_ =	sdelay $0x1  }
0x88: {  	s31 =	simm.s32 $0x9580  }
0x89: {  	[tilespmem:s31], [sflag:$0x2] =	stream.indirect_vreg.gather [hbm4b:s1+s4], $0x80, v1, vm0, $0xb8;
	[tilespmem:$0x15580] =	vst v63  }
0x8a: {  	_ = 	snop  }
0x8b: {  	[tilespmem:s2], [sflag:$0x2] =	stream.indirect_vreg.gather [hbm4b:s1+s4], $0x80, v0, vm0, $0xb8;
	[tilespmem:$0x15580] =	vst v63  }
0x8c: {  	v0 =	vld [tilespmem:$0x10B0];
	_ =	sdelay $0x4  }
0x8d: {  	v30 =	vshll.u32 v0, $0x1  }
0x8e: {  	v0 =	vand.u32 $0x7, v0;
	v1 =	vand.u32 $0xFFFFFFF0, v30  }
0x8f: {  	v0 =	vor.u32 v0, v1  }
0x90: {  	v1 =	vperm.xlane v0, v2;
	_ =	sdelay $0x1  }
0x91: {  	v0 =	vperm.xlane v0, v4;
	v1 =	vadd.s32 v3, v1;
	_ =	sdelay $0x1  }
0x92: {  	v0 =	vadd.s32 v3, v0;
	_ =	sdelay $0x2  }
0x93: {  	[tilespmem:s12], [sflag:$0x2] =	stream.indirect_vreg.gather [hbm4b:s1+s4], $0x80, v1, vm0, $0xb8;
	[tilespmem:$0x15580] =	vst v63  }
0x94: {  	_ = 	snop  }
0x95: {  	[tilespmem:s13], [sflag:$0x2] =	stream.indirect_vreg.gather [hbm4b:s1+s4], $0x80, v0, vm0, $0xb8;
	[tilespmem:$0x15580] =	vst v63  }
0x96: {  	v0 =	vld [tilespmem:$0x2080];
	_ =	sdelay $0x4  }
0x97: {  	v31 =	vshll.u32 v0, $0x1  }
0x98: {  	v0 =	vand.u32 $0x7, v0;
	v1 =	vand.u32 $0xFFFFFFF0, v31  }
0x99: {  	v0 =	vor.u32 v0, v1  }
0x9a: {  	v1 =	vperm.xlane v0, v2;
	_ =	sdelay $0x1  }
0x9b: {  	v0 =	vperm.xlane v0, v4;
	v1 =	vadd.s32 v3, v1;
	_ =	sdelay $0x1  }
0x9c: {  	v0 =	vadd.s32 v3, v0;
	_ =	sdelay $0x2  }
0x9d: {  	[tilespmem:s14], [sflag:$0x3] =	stream.indirect_vreg.gather [hbm4b:s1+s4], $0x80, v1, vm0, $0xb8;
	[tilespmem:$0x15580] =	vst v63  }
0x9e: {  	_ = 	snop  }
0x9f: {  	[tilespmem:s15], [sflag:$0x3] =	stream.indirect_vreg.gather [hbm4b:s1+s4], $0x80, v0, vm0, $0xb8;
	[tilespmem:$0x15580] =	vst v63  }
0xa0: {  	v0 =	vld [tilespmem:$0x2090];
	_ =	sdelay $0x4  }
0xa1: {  	v32 =	vshll.u32 v0, $0x1  }
0xa2: {  	v0 =	vand.u32 $0x7, v0;
	v1 =	vand.u32 $0xFFFFFFF0, v32  }
0xa3: {  	v0 =	vor.u32 v0, v1  }
0xa4: {  	v1 =	vperm.xlane v0, v2;
	_ =	sdelay $0x1  }
0xa5: {  	v0 =	vperm.xlane v0, v4;
	v1 =	vadd.s32 v3, v1;
	_ =	sdelay $0x1  }
0xa6: {  	v0 =	vadd.s32 v3, v0;
	_ =	sdelay $0x2  }
0xa7: {  	[tilespmem:s16], [sflag:$0x3] =	stream.indirect_vreg.gather [hbm4b:s1+s4], $0x80, v1, vm0, $0xb8;
	[tilespmem:$0x15580] =	vst v63  }
0xa8: {  	_ = 	snop  }
0xa9: {  	[tilespmem:s17], [sflag:$0x3] =	stream.indirect_vreg.gather [hbm4b:s1+s4], $0x80, v0, vm0, $0xb8;
	[tilespmem:$0x15580] =	vst v63  }
0xaa: {  	v0 =	vld [tilespmem:$0x20A0];
	_ =	sdelay $0x4  }
0xab: {  	v33 =	vshll.u32 v0, $0x1  }
0xac: {  	v0 =	vand.u32 $0x7, v0;
	v1 =	vand.u32 $0xFFFFFFF0, v33  }
0xad: {  	v0 =	vor.u32 v0, v1  }
0xae: {  	v1 =	vperm.xlane v0, v2;
	_ =	sdelay $0x1  }
0xaf: {  	v0 =	vperm.xlane v0, v4;
	v1 =	vadd.s32 v3, v1;
	_ =	sdelay $0x1  }
0xb0: {  	v0 =	vadd.s32 v3, v0;
	_ =	sdelay $0x2  }
0xb1: {  	[tilespmem:s18], [sflag:$0x3] =	stream.indirect_vreg.gather [hbm4b:s1+s4], $0x80, v1, vm0, $0xb8;
	[tilespmem:$0x15580] =	vst v63  }
0xb2: {  	_ = 	snop  }
0xb3: {  	[tilespmem:s19], [sflag:$0x3] =	stream.indirect_vreg.gather [hbm4b:s1+s4], $0x80, v0, vm0, $0xb8;
	[tilespmem:$0x15580] =	vst v63  }
0xb4: {  	v0 =	vld [tilespmem:$0x20B0];
	_ =	sdelay $0x4  }
0xb5: {  	v34 =	vshll.u32 v0, $0x1  }
0xb6: {  	v0 =	vand.u32 $0x7, v0;
	v1 =	vand.u32 $0xFFFFFFF0, v34  }
0xb7: {  	v0 =	vor.u32 v0, v1  }
0xb8: {  	v1 =	vperm.xlane v0, v2;
	_ =	sdelay $0x1  }
0xb9: {  	v0 =	vperm.xlane v0, v4;
	v1 =	vadd.s32 v3, v1;
	_ =	sdelay $0x1  }
0xba: {  	v0 =	vadd.s32 v3, v0;
	_ =	sdelay $0x2  }
0xbb: {  	[tilespmem:s20], [sflag:$0x3] =	stream.indirect_vreg.gather [hbm4b:s1+s4], $0x80, v1, vm0, $0xb8;
	[tilespmem:$0x15580] =	vst v63  }
0xbc: {  	_ = 	snop  }
0xbd: {  	[tilespmem:s21], [sflag:$0x3] =	stream.indirect_vreg.gather [hbm4b:s1+s4], $0x80, v0, vm0, $0xb8;
	[tilespmem:$0x15580] =	vst v63  }
0xbe: {  	v0 =	vld [tilespmem:$0x3080]  }
0xbf: {  	v1 =	vld [tilespmem:$0x3100]  }
0xc0: {  	v35 =	vld [tilespmem:$0x3180];
	_ =	sdelay $0x3  }
0xc1: {  	v36 =	vmax.f32 v0, v1  }
0xc2: {  	v3 =	vmax.f32 v36, v35  }
0xc3: {  	v0 =	vsub.f32 v0, v3  }
0xc4: {  	v1 =	vsub.f32 v1, v3  }
0xc5: {  	v0 =	vmul.f32 $1.442695020e+00, v0  }
0xc6: {  	v2 =	vsub.f32 v35, v3;
	v1 =	vmul.f32 $1.442695020e+00, v1  }
0xc7: {  	(erf) = vpow2.f32 v0  }
0xc8: {  	v37 =	vmul.f32 $1.442695020e+00, v2;
	(erf) = vpow2.f32 v1;
	_ =	sdelay $0x1  }
0xc9: {  	(erf) = vpow2.f32 v37  }
0xca: {  	v38 =	vld [tilespmem:$0x3090]  }
0xcb: {  	v39 =	vld [tilespmem:$0x3110]  }
0xcc: {  	v40 =	vld [tilespmem:$0x3190];
	_ =	sdelay $0x2  }
0xcd: {  	v41 =	vpop (erf)  }
0xce: {  	v5 =	vmax.f32 v38, v39;
	v3 =	vpop (erf)  }
0xcf: {  	v5 =	vmax.f32 v5, v40;
	v4 =	vadd.f32 v3, v41  }
0xd0: {  	v0 =	vsub.f32 v38, v5;
	v6 =	vpop (erf)  }
0xd1: {  	v1 =	vsub.f32 v39, v5;
	v4 =	vadd.f32 v4, v6  }
0xd2: {  	v0 =	vmul.f32 $1.442695020e+00, v0  }
0xd3: {  	v2 =	vsub.f32 v40, v5;
	v1 =	vmul.f32 $1.442695020e+00, v1;
	(erf) = vrcp.f32 v4  }
0xd4: {  	(erf) = vpow2.f32 v0  }
0xd5: {  	v42 =	vmul.f32 $1.442695020e+00, v2;
	(erf) = vpow2.f32 v1;
	_ =	sdelay $0x1  }
0xd6: {  	(erf) = vpow2.f32 v42  }
0xd7: {  	v43 =	vld [tilespmem:$0x30A0]  }
0xd8: {  	v44 =	vld [tilespmem:$0x3120]  }
0xd9: {  	v45 =	vld [tilespmem:$0x31A0];
	_ =	sdelay $0x1  }
0xda: {  	v4 =	vpop (erf)  }
0xdb: {  	v46 =	vpop (erf)  }
0xdc: {  	v7 =	vmax.f32 v43, v44;
	v5 =	vpop (erf)  }
0xdd: {  	v7 =	vmax.f32 v7, v45;
	v6 =	vadd.f32 v5, v46  }
0xde: {  	v0 =	vsub.f32 v43, v7;
	v8 =	vpop (erf)  }
0xdf: {  	v1 =	vsub.f32 v44, v7;
	v6 =	vadd.f32 v6, v8  }
0xe0: {  	v0 =	vmul.f32 $1.442695020e+00, v0  }
0xe1: {  	v2 =	vsub.f32 v45, v7;
	v1 =	vmul.f32 $1.442695020e+00, v1;
	(erf) = vrcp.f32 v6  }
0xe2: {  	(erf) = vpow2.f32 v0  }
0xe3: {  	v47 =	vmul.f32 $1.442695020e+00, v2;
	(erf) = vpow2.f32 v1;
	_ =	sdelay $0x1  }
0xe4: {  	(erf) = vpow2.f32 v47  }
0xe5: {  	v48 =	vld [tilespmem:$0x30B0]  }
0xe6: {  	v49 =	vld [tilespmem:$0x3130]  }
0xe7: {  	v50 =	vld [tilespmem:$0x31B0];
	_ =	sdelay $0x1  }
0xe8: {  	v6 =	vpop (erf)  }
0xe9: {  	v51 =	vpop (erf)  }
0xea: {  	v9 =	vmax.f32 v48, v49;
	v7 =	vpop (erf)  }
0xeb: {  	v9 =	vmax.f32 v9, v50;
	v8 =	vadd.f32 v7, v51  }
0xec: {  	v0 =	vsub.f32 v48, v9;
	v10 =	vpop (erf)  }
0xed: {  	v1 =	vsub.f32 v49, v9;
	v8 =	vadd.f32 v8, v10  }
0xee: {  	v0 =	vmul.f32 $1.442695020e+00, v0  }
0xef: {  	v2 =	vsub.f32 v50, v9;
	v1 =	vmul.f32 $1.442695020e+00, v1;
	(erf) = vrcp.f32 v8  }
0xf0: {  	(erf) = vpow2.f32 v0  }
0xf1: {  	v52 =	vmul.f32 $1.442695020e+00, v2;
	(erf) = vpow2.f32 v1;
	_ =	sdelay $0x1  }
0xf2: {  	(erf) = vpow2.f32 v52  }
0xf3: {  	v53 =	vld [tilespmem:$0x30C0]  }
0xf4: {  	v54 =	vld [tilespmem:$0x3140]  }
0xf5: {  	v55 =	vld [tilespmem:$0x31C0];
	_ =	sdelay $0x1  }
0xf6: {  	v9 =	vpop (erf)  }
0xf7: {  	v56 =	vpop (erf)  }
0xf8: {  	v11 =	vmax.f32 v53, v54;
	v8 =	vpop (erf)  }
0xf9: {  	v11 =	vmax.f32 v11, v55;
	v10 =	vadd.f32 v8, v56  }
0xfa: {  	v0 =	vsub.f32 v53, v11;
	v12 =	vpop (erf)  }
0xfb: {  	v1 =	vsub.f32 v54, v11;
	v10 =	vadd.f32 v10, v12  }
0xfc: {  	v0 =	vmul.f32 $1.442695020e+00, v0  }
0xfd: {  	v2 =	vsub.f32 v55, v11;
	v1 =	vmul.f32 $1.442695020e+00, v1;
	(erf) = vrcp.f32 v10  }
0xfe: {  	(erf) = vpow2.f32 v0  }
0xff: {  	v57 =	vmul.f32 $1.442695020e+00, v2;
	(erf) = vpow2.f32 v1;
	_ =	sdelay $0x1  }
0x100: {  	(erf) = vpow2.f32 v57  }
0x101: {  	v58 =	vld [tilespmem:$0x30D0]  }
0x102: {  	v59 =	vld [tilespmem:$0x3150]  }
0x103: {  	v60 =	vld [tilespmem:$0x31D0];
	_ =	sdelay $0x1  }
0x104: {  	v10 =	vpop (erf)  }
0x105: {  	v61 =	vpop (erf)  }
0x106: {  	v13 =	vmax.f32 v58, v59;
	v11 =	vpop (erf)  }
0x107: {  	v13 =	vmax.f32 v13, v60;
	v12 =	vadd.f32 v11, v61  }
0x108: {  	v0 =	vsub.f32 v58, v13;
	v14 =	vpop (erf)  }
0x109: {  	v1 =	vsub.f32 v59, v13;
	v12 =	vadd.f32 v12, v14  }
0x10a: {  	v0 =	vmul.f32 $1.442695020e+00, v0  }
0x10b: {  	v2 =	vsub.f32 v60, v13;
	v1 =	vmul.f32 $1.442695020e+00, v1;
	(erf) = vrcp.f32 v12  }
0x10c: {  	(erf) = vpow2.f32 v0  }
0x10d: {  	v62 =	vmul.f32 $1.442695020e+00, v2;
	(erf) = vpow2.f32 v1;
	_ =	sdelay $0x1  }
0x10e: {  	(erf) = vpow2.f32 v62  }
0x10f: {  	v63 =	vld [tilespmem:$0x30E0]  }
0x110: {  	v20 =	vld [tilespmem:$0x3160]  }
0x111: {  	v21 =	vld [tilespmem:$0x31E0];
	_ =	sdelay $0x1  }
0x112: {  	v13 =	vpop (erf)  }
0x113: {  	v22 =	vpop (erf)  }
0x114: {  	v15 =	vmax.f32 v63, v20;
	v12 =	vpop (erf)  }
0x115: {  	v15 =	vmax.f32 v15, v21;
	v14 =	vadd.f32 v12, v22  }
0x116: {  	v0 =	vsub.f32 v63, v15;
	v16 =	vpop (erf)  }
0x117: {  	v1 =	vsub.f32 v20, v15;
	v14 =	vadd.f32 v14, v16  }
0x118: {  	v0 =	vmul.f32 $1.442695020e+00, v0  }
0x119: {  	v2 =	vsub.f32 v21, v15;
	v1 =	vmul.f32 $1.442695020e+00, v1;
	(erf) = vrcp.f32 v14  }
0x11a: {  	(erf) = vpow2.f32 v0  }
0x11b: {  	v23 =	vmul.f32 $1.442695020e+00, v2;
	(erf) = vpow2.f32 v1;
	_ =	sdelay $0x1  }
0x11c: {  	(erf) = vpow2.f32 v23  }
0x11d: {  	v24 =	vld [tilespmem:$0x30F0]  }
0x11e: {  	v25 =	vld [tilespmem:$0x3170]  }
0x11f: {  	v26 =	vld [tilespmem:$0x31F0];
	_ =	sdelay $0x1  }
0x120: {  	v15 =	vpop (erf)  }
0x121: {  	v27 =	vpop (erf)  }
0x122: {  	v17 =	vmax.f32 v24, v25;
	v14 =	vpop (erf)  }
0x123: {  	v17 =	vmax.f32 v17, v26;
	v16 =	vadd.f32 v14, v27  }
0x124: {  	v0 =	vsub.f32 v24, v17;
	v18 =	vpop (erf)  }
0x125: {  	v1 =	vsub.f32 v25, v17;
	v16 =	vadd.f32 v16, v18  }
0x126: {  	v0 =	vmul.f32 $1.442695020e+00, v0  }
0x127: {  	v2 =	vsub.f32 v26, v17;
	v1 =	vmul.f32 $1.442695020e+00, v1;
	(erf) = vrcp.f32 v16  }
0x128: {  	(erf) = vpow2.f32 v0  }
0x129: {  	v28 =	vmul.f32 $1.442695020e+00, v2;
	(erf) = vpow2.f32 v1;
	_ =	sdelay $0x1  }
0x12a: {  	(erf) = vpow2.f32 v28  }
0x12b: {  	v29 =	vld [tilespmem:$0x3280]  }
0x12c: {  	v30 =	vld [tilespmem:$0x3300]  }
0x12d: {  	v31 =	vld [tilespmem:$0x3380];
	_ =	sdelay $0x1  }
0x12e: {  	v17 =	vpop (erf)  }
0x12f: {  	v32 =	vpop (erf)  }
0x130: {  	v19 =	vmax.f32 v29, v30;
	v16 =	vpop (erf)  }
0x131: {  	v19 =	vmax.f32 v19, v31;
	v18 =	vadd.f32 v16, v32  }
0x132: {  	v0 =	vsub.f32 v29, v19;
	v20 =	vpop (erf)  }
0x133: {  	v1 =	vsub.f32 v30, v19;
	v18 =	vadd.f32 v18, v20  }
0x134: {  	v0 =	vmul.f32 $1.442695020e+00, v0  }
0x135: {  	v2 =	vsub.f32 v31, v19;
	v1 =	vmul.f32 $1.442695020e+00, v1;
	(erf) = vrcp.f32 v18  }
0x136: {  	(erf) = vpow2.f32 v0  }
0x137: {  	v33 =	vmul.f32 $1.442695020e+00, v2;
	(erf) = vpow2.f32 v1;
	_ =	sdelay $0x1  }
0x138: {  	(erf) = vpow2.f32 v33  }
0x139: {  	v34 =	vld [tilespmem:$0x3290]  }
0x13a: {  	v35 =	vld [tilespmem:$0x3310]  }
0x13b: {  	v36 =	vld [tilespmem:$0x3390];
	_ =	sdelay $0x1  }
0x13c: {  	v1 =	vpop (erf)  }
0x13d: {  	v37 =	vpop (erf)  }
0x13e: {  	v21 =	vmax.f32 v34, v35;
	v0 =	vpop (erf)  }
0x13f: {  	v21 =	vmax.f32 v21, v36;
	v20 =	vadd.f32 v0, v37  }
0x140: {  	v2 =	vsub.f32 v34, v21;
	v22 =	vpop (erf)  }
0x141: {  	v18 =	vsub.f32 v35, v21;
	v20 =	vadd.f32 v20, v22  }
0x142: {  	v2 =	vmul.f32 $1.442695020e+00, v2  }
0x143: {  	v19 =	vsub.f32 v36, v21;
	v18 =	vmul.f32 $1.442695020e+00, v18;
	(erf) = vrcp.f32 v20  }
0x144: {  	(erf) = vpow2.f32 v2  }
0x145: {  	v38 =	vmul.f32 $1.442695020e+00, v19;
	(erf) = vpow2.f32 v18;
	_ =	sdelay $0x1  }
0x146: {  	(erf) = vpow2.f32 v38  }
0x147: {  	v40 =	vld [tilespmem:$0x3320]  }
0x148: {  	v39 =	vld [tilespmem:$0x32A0]  }
0x149: {  	v41 =	vld [tilespmem:$0x33A0];
	_ =	sdelay $0x1  }
0x14a: {  	v18 =	vpop (erf)  }
0x14b: {  	v42 =	vpop (erf)  }
0x14c: {  	v23 =	vmax.f32 v39, v40;
	v2 =	vpop (erf)  }
0x14d: {  	v23 =	vmax.f32 v23, v41;
	v22 =	vadd.f32 v2, v42  }
0x14e: {  	v19 =	vsub.f32 v39, v23;
	v24 =	vpop (erf)  }
0x14f: {  	v20 =	vsub.f32 v40, v23;
	v22 =	vadd.f32 v22, v24  }
0x150: {  	v19 =	vmul.f32 $1.442695020e+00, v19  }
0x151: {  	v21 =	vsub.f32 v41, v23;
	v20 =	vmul.f32 $1.442695020e+00, v20;
	(erf) = vrcp.f32 v22  }
0x152: {  	(erf) = vpow2.f32 v19  }
0x153: {  	v43 =	vmul.f32 $1.442695020e+00, v21;
	(erf) = vpow2.f32 v20;
	_ =	sdelay $0x1  }
0x154: {  	(erf) = vpow2.f32 v43  }
0x155: {  	v45 =	vld [tilespmem:$0x3330]  }
0x156: {  	v44 =	vld [tilespmem:$0x32B0]  }
0x157: {  	v46 =	vld [tilespmem:$0x33B0];
	_ =	sdelay $0x1  }
0x158: {  	v20 =	vpop (erf)  }
0x159: {  	v47 =	vpop (erf)  }
0x15a: {  	v25 =	vmax.f32 v44, v45;
	v19 =	vpop (erf)  }
0x15b: {  	v25 =	vmax.f32 v25, v46;
	v24 =	vadd.f32 v19, v47  }
0x15c: {  	v21 =	vsub.f32 v44, v25;
	v26 =	vpop (erf)  }
0x15d: {  	v22 =	vsub.f32 v45, v25;
	v24 =	vadd.f32 v24, v26  }
0x15e: {  	v21 =	vmul.f32 $1.442695020e+00, v21  }
0x15f: {  	v23 =	vsub.f32 v46, v25;
	v22 =	vmul.f32 $1.442695020e+00, v22;
	(erf) = vrcp.f32 v24  }
0x160: {  	(erf) = vpow2.f32 v21  }
0x161: {  	v48 =	vmul.f32 $1.442695020e+00, v23;
	(erf) = vpow2.f32 v22;
	_ =	sdelay $0x1  }
0x162: {  	(erf) = vpow2.f32 v48  }
0x163: {  	v50 =	vld [tilespmem:$0x3340]  }
0x164: {  	v49 =	vld [tilespmem:$0x32C0]  }
0x165: {  	v51 =	vld [tilespmem:$0x33C0];
	_ =	sdelay $0x1  }
0x166: {  	v24 =	vpop (erf)  }
0x167: {  	v52 =	vpop (erf)  }
0x168: {  	v27 =	vmax.f32 v49, v50;
	v26 =	vpop (erf)  }
0x169: {  	v27 =	vmax.f32 v27, v51;
	v25 =	vadd.f32 v26, v52  }
0x16a: {  	v21 =	vsub.f32 v49, v27;
	v28 =	vpop (erf)  }
0x16b: {  	v22 =	vsub.f32 v50, v27;
	v25 =	vadd.f32 v25, v28  }
0x16c: {  	v21 =	vmul.f32 $1.442695020e+00, v21  }
0x16d: {  	v23 =	vsub.f32 v51, v27;
	v22 =	vmul.f32 $1.442695020e+00, v22;
	(erf) = vrcp.f32 v25  }
0x16e: {  	(erf) = vpow2.f32 v21  }
0x16f: {  	v53 =	vmul.f32 $1.442695020e+00, v23;
	(erf) = vpow2.f32 v22;
	_ =	sdelay $0x1  }
0x170: {  	(erf) = vpow2.f32 v53  }
0x171: {  	v55 =	vld [tilespmem:$0x3350]  }
0x172: {  	v54 =	vld [tilespmem:$0x32D0]  }
0x173: {  	v56 =	vld [tilespmem:$0x33D0];
	_ =	sdelay $0x1  }
0x174: {  	v25 =	vpop (erf)  }
0x175: {  	v57 =	vpop (erf)  }
0x176: {  	v29 =	vmax.f32 v54, v55;
	v28 =	vpop (erf)  }
0x177: {  	v29 =	vmax.f32 v29, v56;
	v27 =	vadd.f32 v28, v57  }
0x178: {  	v21 =	vsub.f32 v54, v29;
	v30 =	vpop (erf)  }
0x179: {  	v22 =	vsub.f32 v55, v29;
	v27 =	vadd.f32 v27, v30  }
0x17a: {  	v21 =	vmul.f32 $1.442695020e+00, v21  }
0x17b: {  	v23 =	vsub.f32 v56, v29;
	v22 =	vmul.f32 $1.442695020e+00, v22;
	(erf) = vrcp.f32 v27  }
0x17c: {  	(erf) = vpow2.f32 v21  }
0x17d: {  	v58 =	vmul.f32 $1.442695020e+00, v23;
	(erf) = vpow2.f32 v22;
	_ =	sdelay $0x1  }
0x17e: {  	(erf) = vpow2.f32 v58  }
0x17f: {  	v60 =	vld [tilespmem:$0x3360]  }
0x180: {  	v59 =	vld [tilespmem:$0x32E0]  }
0x181: {  	v61 =	vld [tilespmem:$0x33E0];
	_ =	sdelay $0x1  }
0x182: {  	v27 =	vpop (erf)  }
0x183: {  	v62 =	vpop (erf)  }
0x184: {  	v31 =	vmax.f32 v59, v60;
	v63 =	vpop (erf)  }
0x185: {  	v31 =	vmax.f32 v31, v61;
	v29 =	vadd.f32 v63, v62  }
0x186: {  	v21 =	vsub.f32 v59, v31;
	v32 =	vpop (erf)  }
0x187: {  	v22 =	vsub.f32 v60, v31;
	v29 =	vadd.f32 v29, v32  }
0x188: {  	v21 =	vmul.f32 $1.442695020e+00, v21  }
0x189: {  	v23 =	vsub.f32 v61, v31;
	v22 =	vmul.f32 $1.442695020e+00, v22;
	(erf) = vrcp.f32 v29  }
0x18a: {  	(erf) = vpow2.f32 v21  }
0x18b: {  	v35 =	vmul.f32 $1.442695020e+00, v23;
	(erf) = vpow2.f32 v22;
	_ =	sdelay $0x1  }
0x18c: {  	(erf) = vpow2.f32 v35  }
0x18d: {  	v36 =	vld [tilespmem:$0x32F0]  }
0x18e: {  	v37 =	vld [tilespmem:$0x3370]  }
0x18f: {  	v38 =	vld [tilespmem:$0x33F0];
	_ =	sdelay $0x1  }
0x190: {  	v29 =	vpop (erf)  }
0x191: {  	v39 =	vpop (erf)  }
0x192: {  	v33 =	vmax.f32 v36, v37;
	v40 =	vpop (erf)  }
0x193: {  	v33 =	vmax.f32 v33, v38;
	v31 =	vadd.f32 v40, v39  }
0x194: {  	v21 =	vsub.f32 v36, v33;
	v34 =	vpop (erf)  }
0x195: {  	v22 =	vsub.f32 v37, v33;
	v31 =	vadd.f32 v31, v34  }
0x196: {  	v21 =	vmul.f32 $1.442695020e+00, v21  }
0x197: {  	v23 =	vsub.f32 v38, v33;
	v22 =	vmul.f32 $1.442695020e+00, v22;
	(erf) = vrcp.f32 v31  }
0x198: {  	(erf) = vpow2.f32 v21  }
0x199: {  	v41 =	vmul.f32 $1.442695020e+00, v23;
	(erf) = vpow2.f32 v22;
	_ =	sdelay $0x1  }
0x19a: {  	(erf) = vpow2.f32 v41;
	_ =	sdelay $0x4  }
0x19b: {  	v42 =	vpop (erf)  }
0x19c: {  	v3 =	vmul.f32 v4, v3;
	v43 =	vpop (erf)  }
0x19d: {  	v1 =	vmul.f32 v1, v16;
	v44 =	vpop (erf)  }
0x19e: {  	v3 =	vmul.f32 $1.562500000e-02, v3;
	v47 =	vadd.f32 v44, v43  }
0x19f: {  	v1 =	vmul.f32 $1.562500000e-02, v1;
	v51 =	vmul.f32 v15, v12;
	v49 =	vpop (erf)  }
0x1a0: {  	v0 =	vmul.f32 v18, v0;
	v45 =	vmul.f32 v6, v5;
	v6 =	vadd.f32 v47, v49  }
0x1a1: {  	[tilespmem:$0x3480] =	vst v3;
	v46 =	vmul.f32 v9, v7;
	v3 =	vmul.f32 $1.562500000e-02, v51  }
0x1a2: {  	[tilespmem:$0x34F0] =	vst v1;
	v0 =	vmul.f32 $1.562500000e-02, v0;
	(erf) = vrcp.f32 v6  }
0x1a3: {  	[tilespmem:$0x34D0] =	vst v3;
	v5 =	vmul.f32 $1.562500000e-02, v46;
	v2 =	vmul.f32 v20, v2  }
0x1a4: {  	[tilespmem:$0x3500] =	vst v0;
	v4 =	vmul.f32 $1.562500000e-02, v45;
	v48 =	vmul.f32 v10, v8  }
0x1a5: {  	[tilespmem:$0x34A0] =	vst v5;
	v2 =	vmul.f32 $1.562500000e-02, v2;
	v56 =	vmul.f32 v24, v19  }
0x1a6: {  	[tilespmem:$0x3490] =	vst v4;
	v50 =	vmul.f32 v13, v11;
	v52 =	vmul.f32 $1.562500000e-02, v48  }
0x1a7: {  	[tilespmem:$0x3510] =	vst v2;
	v3 =	vmul.f32 $1.562500000e-02, v56;
	v53 =	vmul.f32 v17, v14  }
0x1a8: {  	[tilespmem:$0x34B0] =	vst v52;
	v54 =	vmul.f32 $1.562500000e-02, v50;
	v57 =	vmul.f32 v25, v26  }
0x1a9: {  	[tilespmem:$0x3520] =	vst v3;
	v55 =	vmul.f32 $1.562500000e-02, v53;
	v58 =	vmul.f32 v27, v28  }
0x1aa: {  	[tilespmem:$0x34C0] =	vst v54;
	v1 =	vmul.f32 $1.562500000e-02, v57;
	v59 =	vmul.f32 v29, v63  }
0x1ab: {  	[tilespmem:$0x34E0] =	vst v55;
	v0 =	vmul.f32 $1.562500000e-02, v58;
	v60 =	vmul.f32 v42, v40;
	v61 =	vpop (erf)  }
0x1ac: {  	[tilespmem:$0x3530] =	vst v1;
	v2 =	vmul.f32 $1.562500000e-02, v59;
	v62 =	vmul.f32 v61, v44  }
0x1ad: {  	[tilespmem:$0x3540] =	vst v0;
	v63 =	vmul.f32 $1.562500000e-02, v60  }
0x1ae: {  	[tilespmem:$0x3550] =	vst v2;
	v1 =	vmul.f32 $1.562500000e-02, v62  }
0x1af: {  	[tilespmem:$0x3560] =	vst v63  }
0x1b0: {  	[tilespmem:$0x3570] =	vst v1  }
0x1b1: {  	_ =	swait.ge [sflag:s22], $0x2000  }
0x1b2: {  	[sflag:s22] =	ssyncset.done $0x0  }
0x1b3: {  	s29 =	simm.s32 $0x0;
	[sflag:s22] =	ssyncadd.s32 $0xFFFFE000  }
.LBB2_2:
0x1b4: {  	_ =	swait.ge [sflag:s23], $0x4000  }
0x1b5: {  	[sflag:s23] =	ssyncset.done $0x0  }
0x1b6: {  	s0 =	simm.s32 $0x0;
	[sflag:s23] =	ssyncadd.s32 $0xFFFFC000  }
0x1b7: {  	v23 =	vld [tilespmem:s0+$0x3900]  }
0x1b8: {  	v25 =	vld [tilespmem:s0+$0x3910]  }
0x1b9: {  	v28 =	vld [tilespmem:s0+$0x3920]  }
0x1ba: {  	v29 =	vld [tilespmem:s0+$0x3930]  }
0x1bb: {  	v13 =	vld [tilespmem:s0+$0x3940]  }
0x1bc: {  	v0 =	vld [tilespmem:s0+$0x3950]  }
0x1bd: {  	v53 =	vld [tilespmem:s0+$0x3960]  }
0x1be: {  	v54 =	vld [tilespmem:s0+$0x3970]  }
0x1bf: {  	v18 =	vld [tilespmem:s0+$0x3D00]  }
0x1c0: {  	v37 =	vld [tilespmem:s0+$0x3D10]  }
0x1c1: {  	v35 =	vld [tilespmem:s0+$0x3D20]  }
0x1c2: {  	v36 =	vld [tilespmem:s0+$0x3D30]  }
0x1c3: {  	v10 =	vld [tilespmem:s0+$0x3D40]  }
0x1c4: {  	v55 =	vld [tilespmem:s0+$0x3D50]  }
0x1c5: {  	v30 =	vld [tilespmem:s0+$0x3880]  }
0x1c6: {  	v31 =	vld [tilespmem:s0+$0x3890]  }
0x1c7: {  	v32 =	vld [tilespmem:s0+$0x38A0]  }
0x1c8: {  	v33 =	vld [tilespmem:s0+$0x38B0]  }
0x1c9: {  	v26 =	vld [tilespmem:s0+$0x38C0]  }
0x1ca: {  	v27 =	vld [tilespmem:s0+$0x38D0]  }
0x1cb: {  	v20 =	vld [tilespmem:s0+$0x38E0]  }
0x1cc: {  	v24 =	vld [tilespmem:s0+$0x38F0]  }
0x1cd: {  	v11 =	vld [tilespmem:s0+$0x3C80]  }
0x1ce: {  	v12 =	vld [tilespmem:s0+$0x3C90]  }
0x1cf: {  	v9 =	vld [tilespmem:s0+$0x3CA0]  }
0x1d0: {  	v56 =	vld [tilespmem:s0+$0x3CB0]  }
0x1d1: {  	v57 =	vld [tilespmem:s0+$0x3CC0]  }
0x1d2: {  	v58 =	vld [tilespmem:s0+$0x3CD0]  }
0x1d3: {  	v34 =	vld [tilespmem:s0+$0x3800]  }
0x1d4: {  	v41 =	vld [tilespmem:s0+$0x3810]  }
0x1d5: {  	v42 =	vld [tilespmem:s0+$0x3820]  }
0x1d6: {  	v43 =	vld [tilespmem:s0+$0x3830]  }
0x1d7: {  	v44 =	vld [tilespmem:s0+$0x3840]  }
0x1d8: {  	v45 =	vld [tilespmem:s0+$0x3850]  }
0x1d9: {  	v46 =	vld [tilespmem:s0+$0x3860]  }
0x1da: {  	v47 =	vld [tilespmem:s0+$0x3870]  }
0x1db: {  	v21 =	vld [tilespmem:s0+$0x3C00]  }
0x1dc: {  	v22 =	vld [tilespmem:s0+$0x3C10]  }
0x1dd: {  	v8 =	vld [tilespmem:s0+$0x3C20]  }
0x1de: {  	v17 =	vld [tilespmem:s0+$0x3C30]  }
0x1df: {  	v39 =	vld [tilespmem:s0+$0x3C40]  }
0x1e0: {  	v40 =	vld [tilespmem:s0+$0x3C50]  }
0x1e1: {  	v48 =	vld [tilespmem:s0+$0x3780]  }
0x1e2: {  	v49 =	vld [tilespmem:s0+$0x3790]  }
0x1e3: {  	v50 =	vld [tilespmem:s0+$0x37A0]  }
0x1e4: {  	v51 =	vld [tilespmem:s0+$0x37B0]  }
0x1e5: {  	v52 =	vld [tilespmem:s0+$0x37C0]  }
0x1e6: {  	v19 =	vld [tilespmem:s0+$0x3B80]  }
0x1e7: {  	v16 =	vld [tilespmem:s0+$0x3B90]  }
0x1e8: {  	v14 =	vld [tilespmem:s0+$0x3BA0]  }
0x1e9: {  	v15 =	vld [tilespmem:s0+$0x3BB0]  }
0x1ea: {  	v59 =	vld [tilespmem:s0+$0x3BC0]  }
0x1eb: {  	v60 =	vld [tilespmem:s0+$0x3600]  }
0x1ec: {  	v61 =	vld [tilespmem:s0+$0x3610]  }
0x1ed: {  	v62 =	vld [tilespmem:s0+$0x3580]  }
0x1ee: {  	v63 =	vld [tilespmem:s0+$0x3590]  }
0x1ef: {  	v1 =	vld [tilespmem:s0+$0x35B0]  }
0x1f0: {  	v2 =	vld [tilespmem:s0+$0x3620]  }
0x1f1: {  	v3 =	vld [tilespmem:s0+$0x3630]  }
0x1f2: {  	v7 =	vld [tilespmem:s0+$0x36A0]  }
0x1f3: {  	v5 =	vld [tilespmem:s0+$0x36B0]  }
0x1f4: {  	v4 =	vld [tilespmem:s0+$0x3720]  }
0x1f5: {  	[tilespmem:$0x1FF90] =	vst v53;
	v53 =	vld [tilespmem:s0+$0x37D0]  }
0x1f6: {  	[tilespmem:$0x1FFB0] =	vst v54;
	v54 =	vld [tilespmem:s0+$0x37E0]  }
0x1f7: {  	[tilespmem:$0x1FED0] =	vst v55;
	v55 =	vld [tilespmem:s0+$0x37F0]  }
0x1f8: {  	[tilespmem:$0x1FF00] =	vst v58;
	v58 =	vld [tilespmem:s0+$0x3680]  }
0x1f9: {  	v38 =	vimm.f32 $0.0e+00;
	[tilespmem:$0x1FF70] =	vst v0;
	v0 =	vld [tilespmem:s0+$0x35A0]  }
0x1fa: {  	[tilespmem:$0x1FF10] =	vst v59;
	v59 =	vld [tilespmem:s0+$0x3690];
	v1 =	vadd.f32 v1, v38  }
0x1fb: {  	[tilespmem:$0x1FEE0] =	vst v56;
	v56 =	vld [tilespmem:s0+$0x3700];
	v62 =	vadd.f32 v62, v38;
	v63 =	vadd.f32 v63, v38  }
0x1fc: {  	[tilespmem:$0x1FEF0] =	vst v57;
	v57 =	vld [tilespmem:s0+$0x3710];
	v1 =	vadd.f32 v3, v1  }
0x1fd: {  	v60 =	vadd.f32 v60, v62;
	v61 =	vadd.f32 v61, v63;
	v62 =	vld [tilespmem:s0+$0x3730]  }
0x1fe: {  	v1 =	vadd.f32 v5, v1;
	v5 =	vld [tilespmem:s0+$0x36C0];
	v0 =	vadd.f32 v0, v38  }
0x1ff: {  	v60 =	vadd.f32 v58, v60;
	v61 =	vadd.f32 v59, v61;
	v59 =	vld [tilespmem:s0+$0x3750]  }
0x200: {  	v0 =	vadd.f32 v2, v0;
	v2 =	vld [tilespmem:s0+$0x3740]  }
0x201: {  	v3 =	vadd.f32 v56, v60;
	v56 =	vld [tilespmem:s0+$0x36D0]  }
0x202: {  	v60 =	vld [tilespmem:s0+$0x35C0]  }
0x203: {  	v63 =	vadd.f32 v57, v61;
	v61 =	vld [tilespmem:s0+$0x35D0]  }
0x204: {  	v1 =	vadd.f32 v62, v1;
	v62 =	vld [tilespmem:s0+$0x35E0]  }
0x205: {  	v3 =	vadd.f32 v48, v3;
	v48 =	vld [tilespmem:s0+$0x3650]  }
0x206: {  	v0 =	vadd.f32 v7, v0;
	v7 =	vadd.f32 v49, v63;
	v63 =	vld [tilespmem:s0+$0x35F0]  }
0x207: {  	v1 =	vadd.f32 v51, v1;
	v51 =	vld [tilespmem:s0+$0x36E0]  }
0x208: {  	v49 =	vld [tilespmem:s0+$0x3980];
	v0 =	vadd.f32 v4, v0;
	v3 =	vadd.f32 v34, v3  }
0x209: {  	v4 =	vld [tilespmem:s0+$0x3640];
	v7 =	vadd.f32 v41, v7;
	v1 =	vadd.f32 v43, v1  }
0x20a: {  	v43 =	vld [tilespmem:s0+$0x3660];
	v58 =	vadd.f32 v60, v38;
	v60 =	vadd.f32 v61, v38  }
0x20b: {  	v41 =	vld [tilespmem:s0+$0x3B00];
	v62 =	vadd.f32 v62, v38;
	v0 =	vadd.f32 v50, v0  }
0x20c: {  	v34 =	vld [tilespmem:s0+$0x3A00];
	v3 =	vadd.f32 v30, v3;
	v7 =	vadd.f32 v31, v7  }
0x20d: {  	v1 =	vadd.f32 v33, v1;
	v50 =	vld [tilespmem:s0+$0x3670];
	v0 =	vadd.f32 v42, v0  }
0x20e: {  	v61 =	vld [tilespmem:s0+$0x36F0];
	v63 =	vadd.f32 v63, v38;
	v3 =	vadd.f32 v23, v3  }
0x20f: {  	v33 =	vld [tilespmem:s0+$0x3A90];
	v6 =	vadd.f32 v25, v7;
	v0 =	vadd.f32 v32, v0  }
0x210: {  	v57 =	vadd.f32 v29, v1;
	v23 =	vld [tilespmem:s0+$0x3760];
	v1 =	vadd.f32 v48, v60  }
0x211: {  	v25 =	vld [tilespmem:s0+$0x3770];
	v29 =	vadd.f32 v43, v62;
	v0 =	vadd.f32 v28, v0  }
0x212: {  	v48 =	vld [tilespmem:s0+$0x3A10];
	[tilespmem:$0x1FF20] =	vst v3;
	v1 =	vadd.f32 v56, v1;
	v3 =	vadd.f32 v50, v63  }
0x213: {  	v62 =	vld [tilespmem:s0+$0x3B20];
	v7 =	vadd.f32 v51, v29;
	[tilespmem:$0x1FF40] =	vst v0;
	v0 =	vadd.f32 v4, v58  }
0x214: {  	v32 =	vld [tilespmem:s0+$0x3A80];
	v1 =	vadd.f32 v59, v1;
	v59 =	vadd.f32 v49, v38  }
0x215: {  	v50 =	vld [tilespmem:s0+$0x3990];
	v3 =	vadd.f32 v61, v3;
	v0 =	vadd.f32 v5, v0  }
0x216: {  	v56 =	vld [tilespmem:s0+$0x3AA0];
	v7 =	vadd.f32 v23, v7;
	v1 =	vadd.f32 v53, v1  }
0x217: {  	v51 =	vld [tilespmem:s0+$0x39A0];
	v4 =	vadd.f32 v34, v59;
	v0 =	vadd.f32 v2, v0  }
0x218: {  	[tilespmem:$0x1FF50] =	vst v57;
	v57 =	vld [tilespmem:$0x1FF90];
	v3 =	vadd.f32 v25, v3;
	v7 =	vadd.f32 v54, v7  }
0x219: {  	v63 =	vld [tilespmem:s0+$0x3B30];
	v1 =	vadd.f32 v45, v1;
	v0 =	vadd.f32 v52, v0  }
0x21a: {  	v54 =	vld [tilespmem:s0+$0x3A30];
	v60 =	vadd.f32 v50, v38;
	v3 =	vadd.f32 v55, v3  }
0x21b: {  	v7 =	vadd.f32 v46, v7;
	v52 =	vld [tilespmem:s0+$0x39B0];
	v0 =	vadd.f32 v44, v0  }
0x21c: {  	v61 =	vadd.f32 v51, v38;
	v55 =	vld [tilespmem:$0x1FF70];
	v3 =	vadd.f32 v47, v3  }
0x21d: {  	v7 =	vadd.f32 v20, v7;
	v20 =	vld [tilespmem:s0+$0x3A20];
	v0 =	vadd.f32 v26, v0  }
0x21e: {  	v49 =	vld [tilespmem:s0+$0x3AD0];
	v4 =	vadd.f32 v32, v4;
	v1 =	vadd.f32 v27, v1  }
0x21f: {  	v53 =	vadd.f32 v24, v3;
	v0 =	vadd.f32 v13, v0;
	v13 =	vld [tilespmem:s0+$0x3AB0]  }
0x220: {  	v5 =	vld [tilespmem:s0+$0x3B10];
	v3 =	vadd.f32 v57, v7;
	v26 =	vadd.f32 v52, v38  }
0x221: {  	v58 =	vld [tilespmem:$0x1FFB0];
	v7 =	vadd.f32 v48, v60;
	v1 =	vadd.f32 v55, v1  }
0x222: {  	v59 =	vld [tilespmem:s0+$0x39C0];
	v20 =	vadd.f32 v20, v61;
	[tilespmem:$0x1FF60] =	vst v0;
	v0 =	vadd.f32 v54, v26  }
0x223: {  	v45 =	vld [tilespmem:s0+$0x3BD0];
	v4 =	vadd.f32 v41, v4;
	v2 =	vadd.f32 v33, v7  }
0x224: {  	v50 =	vld [tilespmem:s0+$0x3A50];
	[tilespmem:$0x1FF80] =	vst v1;
	v1 =	vadd.f32 v56, v20;
	v0 =	vadd.f32 v13, v0  }
0x225: {  	v46 =	vld [tilespmem:s0+$0x3B40];
	v4 =	vadd.f32 v19, v4;
	v2 =	vadd.f32 v5, v2  }
0x226: {  	v47 =	vld [tilespmem:s0+$0x3B50];
	v1 =	vadd.f32 v62, v1;
	v0 =	vadd.f32 v63, v0  }
0x227: {  	v48 =	vld [tilespmem:s0+$0x3AC0];
	[tilespmem:$0x1FFA0] =	vst v3;
	v3 =	vadd.f32 v58, v53;
	v2 =	vadd.f32 v16, v2  }
0x228: {  	v42 =	vimm.f32 $0.0e+00;
	v60 =	vld [tilespmem:s0+$0x39D0];
	v1 =	vadd.f32 v14, v1;
	v0 =	vadd.f32 v15, v0  }
0x229: {  	v43 =	vimm.f32 $0.0e+00;
	[tilespmem:$0x1FF30] =	vst v6;
	v44 =	vld [tilespmem:s0+$0x3A40];
	v55 =	vadd.f32 v21, v4;
	v57 =	vadd.f32 v22, v2  }
0x22a: {  	s30 =	simm.s32 $0x2000;
	v61 =	vld [tilespmem:s0+$0x39E0];
	[tilespmem:$0x1FFC0] =	vst v3;
	v16 =	vimm.f32 $0.0e+00;
	v58 =	vadd.f32 v8, v1;
	v62 =	vadd.f32 v17, v0  }
.LBB2_3:
0x22b: {  	v0 =	vld [tilespmem:s0+$0x39F0]  }
0x22c: {  	v13 =	vld [tilespmem:s0+$0x3A60]  }
0x22d: {  	v3 =	vld [tilespmem:$0x1FEE0]  }
0x22e: {  	v14 =	vld [tilespmem:s0+$0x3A70]  }
0x22f: {  	v5 =	vld [tilespmem:s0+$0x3AE0]  }
0x230: {  	v17 =	vld [tilespmem:s0+$0x3B70]  }
0x231: {  	v22 =	vld [tilespmem:$0x1FF10]  }
0x232: {  	v23 =	vld [tilespmem:$0x1FEF0]  }
0x233: {  	v24 =	vld [tilespmem:$0x1FF00]  }
0x234: {  	v25 =	vld [tilespmem:$0x1FED0];
	v1 =	vadd.f32 v11, v55  }
0x235: {  	v2 =	vadd.f32 v12, v57;
	v12 =	vld [tilespmem:s0+$0x3AF0];
	v15 =	vadd.f32 v61, v16  }
0x236: {  	v7 =	vadd.f32 v9, v58;
	v16 =	vld [tilespmem:s0+$0x3B60];
	v0 =	vadd.f32 v0, v42  }
0x237: {  	v8 =	vadd.f32 v3, v62;
	v13 =	vadd.f32 v13, v15;
	v15 =	vld [tilespmem:s0+$0x3BF0]  }
0x238: {  	v1 =	vadd.f32 v18, v1;
	v0 =	vadd.f32 v14, v0;
	v14 =	vld [tilespmem:s0+$0x3BE0]  }
0x239: {  	v6 =	vadd.f32 v35, v7;
	v7 =	vadd.f32 v36, v8;
	v8 =	vld [tilespmem:$0x1FF20]  }
0x23a: {  	v11 =	vadd.f32 v60, v43;
	[tilespmem:$0x1FE60] =	vst v1;
	v1 =	vadd.f32 v5, v13;
	v13 =	vld [tilespmem:s0+$0x3C70]  }
0x23b: {  	v4 =	vadd.f32 v37, v2;
	v0 =	vadd.f32 v12, v0;
	v12 =	vld [tilespmem:s0+$0x3C60]  }
0x23c: {  	v11 =	vadd.f32 v50, v11;
	v1 =	vadd.f32 v16, v1;
	v16 =	vld [tilespmem:s0+$0x3CE0]  }
0x23d: {  	v21 =	vadd.f32 v59, v38;
	v0 =	vadd.f32 v17, v0;
	v17 =	vld [tilespmem:s0+$0x3CF0]  }
0x23e: {  	v11 =	vadd.f32 v49, v11;
	v1 =	vadd.f32 v14, v1;
	v14 =	vld [tilespmem:s0+$0x3D60]  }
0x23f: {  	v2 =	vadd.f32 v44, v21;
	v0 =	vadd.f32 v15, v0;
	v15 =	vld [tilespmem:s0+$0x3D70];
	s0 =	sshra.s32 s30, $0x2  }
0x240: {  	v11 =	vadd.f32 v47, v11;
	v47 =	vld [tilespmem:s0+$0x3900]  }
0x241: {  	v2 =	vadd.f32 v48, v2;
	v48 =	vld [tilespmem:s0+$0x3910]  }
0x242: {  	v49 =	vld [tilespmem:s0+$0x3920]  }
0x243: {  	v50 =	vld [tilespmem:s0+$0x3930]  }
0x244: {  	v26 =	vld [tilespmem:s0+$0x3940]  }
0x245: {  	v27 =	vld [tilespmem:s0+$0x3950]  }
0x246: {  	v28 =	vld [tilespmem:s0+$0x3960]  }
0x247: {  	v37 =	vld [tilespmem:s0+$0x3970]  }
0x248: {  	v29 =	vld [tilespmem:s0+$0x3D00]  }
0x249: {  	v30 =	vld [tilespmem:s0+$0x3D10]  }
0x24a: {  	v38 =	vld [tilespmem:s0+$0x3D20]  }
0x24b: {  	v41 =	vld [tilespmem:s0+$0x3D30]  }
0x24c: {  	v31 =	vld [tilespmem:s0+$0x3D40]  }
0x24d: {  	v32 =	vld [tilespmem:s0+$0x3D50]  }
0x24e: {  	v59 =	vld [tilespmem:s0+$0x38B0]  }
0x24f: {  	v44 =	vld [tilespmem:s0+$0x38D0]  }
0x250: {  	v2 =	vadd.f32 v46, v2;
	v46 =	vld [tilespmem:s0+$0x38F0]  }
0x251: {  	v33 =	vld [tilespmem:s0+$0x3CB0]  }
0x252: {  	v34 =	vld [tilespmem:s0+$0x3CC0]  }
0x253: {  	v35 =	vld [tilespmem:s0+$0x3CD0]  }
0x254: {  	v5 =	vld [tilespmem:s0+$0x3800]  }
0x255: {  	[tilespmem:$0x1FE80] =	vst v6;
	v6 =	vld [tilespmem:s0+$0x3810]  }
0x256: {  	v55 =	vld [tilespmem:s0+$0x3840]  }
0x257: {  	v57 =	vld [tilespmem:s0+$0x3850]  }
0x258: {  	v56 =	vld [tilespmem:s0+$0x3860]  }
0x259: {  	v58 =	vld [tilespmem:s0+$0x3870]  }
0x25a: {  	v2 =	vadd.f32 v22, v2;
	v19 =	vld [tilespmem:s0+$0x3C00]  }
0x25b: {  	v11 =	vadd.f32 v45, v11;
	v20 =	vld [tilespmem:s0+$0x3C20]  }
0x25c: {  	v2 =	vadd.f32 v39, v2;
	v39 =	vld [tilespmem:s0+$0x3C40]  }
0x25d: {  	v11 =	vadd.f32 v40, v11;
	v40 =	vld [tilespmem:s0+$0x3C50]  }
0x25e: {  	[tilespmem:$0x1FE70] =	vst v4;
	v4 =	vld [tilespmem:s0+$0x3790]  }
0x25f: {  	v1 =	vadd.f32 v12, v1;
	v12 =	vld [tilespmem:s0+$0x37A0]  }
0x260: {  	v60 =	vld [tilespmem:s0+$0x37C0]  }
0x261: {  	v62 =	vld [tilespmem:s0+$0x37D0]  }
0x262: {  	v61 =	vld [tilespmem:s0+$0x37E0]  }
0x263: {  	v63 =	vld [tilespmem:s0+$0x37F0]  }
0x264: {  	v51 =	vld [tilespmem:s0+$0x3B80]  }
0x265: {  	v53 =	vld [tilespmem:s0+$0x3B90]  }
0x266: {  	v52 =	vld [tilespmem:s0+$0x3BA0]  }
0x267: {  	v54 =	vld [tilespmem:s0+$0x3BB0]  }
0x268: {  	v36 =	vld [tilespmem:s0+$0x3BC0]  }
0x269: {  	v45 =	vld [tilespmem:s0+$0x3BD0]  }
0x26a: {  	v18 =	vld [tilespmem:s0+$0x3700]  }
0x26b: {  	v21 =	vld [tilespmem:s0+$0x3710]  }
0x26c: {  	v22 =	vld [tilespmem:s0+$0x3680]  }
0x26d: {  	v3 =	vld [tilespmem:s0+$0x3610]  }
0x26e: {  	v0 =	vadd.f32 v13, v0;
	v13 =	vld [tilespmem:s0+$0x3C80]  }
0x26f: {  	v9 =	vadd.f32 v24, v11;
	v11 =	vld [tilespmem:s0+$0x3780]  }
0x270: {  	v2 =	vadd.f32 v23, v2;
	v23 =	vld [tilespmem:s0+$0x3690]  }
0x271: {  	v24 =	vld [tilespmem:s0+$0x3600]  }
0x272: {  	v1 =	vadd.f32 v16, v1;
	v0 =	vadd.f32 v17, v0;
	v17 =	vld [tilespmem:s0+$0x37B0]  }
0x273: {  	[tilespmem:$0x1FE90] =	vst v7;
	v7 =	vadd.f32 v10, v2;
	v2 =	vld [tilespmem:s0+$0x3890]  }
0x274: {  	v16 =	vadd.f32 v14, v1;
	v1 =	vld [tilespmem:s0+$0x38A0]  }
0x275: {  	v14 =	vld [tilespmem:s0+$0x3CA0]  }
0x276: {  	v43 =	vadd.f32 v25, v9;
	v9 =	vld [tilespmem:s0+$0x3820]  }
0x277: {  	v25 =	vld [tilespmem:s0+$0x3580]  }
0x278: {  	v10 =	vld [tilespmem:s0+$0x3830]  }
0x279: {  	v42 =	vadd.f32 v15, v0;
	v0 =	vld [tilespmem:s0+$0x3880]  }
0x27a: {  	[tilespmem:$0x1FE50] =	vst v28;
	v28 =	vld [tilespmem:s0+$0x38C0]  }
0x27b: {  	[tilespmem:$0x1FEC0] =	vst v30;
	v30 =	vld [tilespmem:s0+$0x3590]  }
0x27c: {  	v25 =	vadd.f32 v25, v8;
	v8 =	vld [tilespmem:$0x1FF30]  }
0x27d: {  	[tilespmem:$0x1FEA0] =	vst v29;
	v29 =	vld [tilespmem:s0+$0x38E0]  }
0x27e: {  	v15 =	vld [tilespmem:s0+$0x3C90]  }
0x27f: {  	[tilespmem:$0x1FE30] =	vst v26;
	v26 =	vld [tilespmem:s0+$0x3C10]  }
0x280: {  	[tilespmem:$0x1FEB0] =	vst v31;
	v31 =	vld [tilespmem:s0+$0x35A0]  }
0x281: {  	v30 =	vadd.f32 v30, v8;
	v8 =	vld [tilespmem:$0x1FF40]  }
0x282: {  	[tilespmem:$0x1FE40] =	vst v27;
	v27 =	vld [tilespmem:s0+$0x3C30]  }
0x283: {  	[tilespmem:$0x1FED0] =	vst v32;
	v32 =	vld [tilespmem:s0+$0x35B0]  }
0x284: {  	[tilespmem:$0x1FEE0] =	vst v33;
	v33 =	vld [tilespmem:s0+$0x3620]  }
0x285: {  	[tilespmem:$0x1FEF0] =	vst v34;
	v34 =	vld [tilespmem:s0+$0x3630];
	v24 =	vadd.f32 v24, v25  }
0x286: {  	v31 =	vadd.f32 v31, v8;
	v8 =	vld [tilespmem:$0x1FF50]  }
0x287: {  	[tilespmem:$0x1FF00] =	vst v35;
	v35 =	vld [tilespmem:s0+$0x36A0];
	v22 =	vadd.f32 v22, v24  }
0x288: {  	[tilespmem:$0x1FF10] =	vst v36;
	v36 =	vld [tilespmem:s0+$0x36B0];
	v3 =	vadd.f32 v3, v30  }
0x289: {  	v25 =	vld [tilespmem:s0+$0x3730];
	v18 =	vadd.f32 v18, v22  }
0x28a: {  	v22 =	vld [tilespmem:s0+$0x35E0];
	v3 =	vadd.f32 v23, v3  }
0x28b: {  	v11 =	vadd.f32 v11, v18;
	v18 =	vld [tilespmem:s0+$0x39B0];
	v32 =	vadd.f32 v32, v8  }
0x28c: {  	v3 =	vadd.f32 v21, v3;
	v8 =	vld [tilespmem:s0+$0x3720]  }
0x28d: {  	v23 =	vld [tilespmem:s0+$0x3750];
	v30 =	vadd.f32 v33, v31;
	v31 =	vadd.f32 v34, v32  }
0x28e: {  	v5 =	vadd.f32 v5, v11;
	v11 =	vld [tilespmem:s0+$0x3A00];
	v3 =	vadd.f32 v4, v3  }
0x28f: {  	v21 =	vld [tilespmem:s0+$0x3640];
	v24 =	vadd.f32 v35, v30;
	v30 =	vadd.f32 v36, v31  }
0x290: {  	v33 =	vld [tilespmem:s0+$0x36D0];
	v3 =	vadd.f32 v6, v3  }
0x291: {  	v4 =	vld [tilespmem:s0+$0x35C0];
	v36 =	vmov v41;
	v8 =	vadd.f32 v8, v24;
	v41 =	vadd.f32 v25, v30  }
0x292: {  	v32 =	vld [tilespmem:s0+$0x3740];
	v2 =	vadd.f32 v2, v3  }
0x293: {  	v31 =	vld [tilespmem:s0+$0x36C0];
	v8 =	vadd.f32 v12, v8;
	v12 =	vadd.f32 v17, v41  }
0x294: {  	v34 =	vadd.f32 v48, v2;
	v48 =	vld [tilespmem:$0x1FF60]  }
0x295: {  	v24 =	vld [tilespmem:s0+$0x3650];
	v8 =	vadd.f32 v9, v8;
	v9 =	vadd.f32 v10, v12  }
0x296: {  	v25 =	vld [tilespmem:s0+$0x3660]  }
0x297: {  	v30 =	vadd.f32 v59, v9;
	v59 =	vld [tilespmem:$0x1FFA0]  }
0x298: {  	v17 =	vld [tilespmem:s0+$0x35D0]  }
0x299: {  	v41 =	vld [tilespmem:s0+$0x36E0]  }
0x29a: {  	v10 =	vld [tilespmem:s0+$0x35F0]  }
0x29b: {  	v0 =	vadd.f32 v0, v5;
	v12 =	vld [tilespmem:s0+$0x3990]  }
0x29c: {  	v1 =	vadd.f32 v1, v8;
	v5 =	vadd.f32 v22, v59;
	v22 =	vld [tilespmem:$0x1FFC0]  }
0x29d: {  	v8 =	vld [tilespmem:s0+$0x3670]  }
0x29e: {  	v9 =	vld [tilespmem:s0+$0x3760];
	v1 =	vadd.f32 v49, v1  }
0x29f: {  	v0 =	vadd.f32 v47, v0;
	v49 =	vld [tilespmem:$0x1FF80]  }
0x2a0: {  	v47 =	vadd.f32 v50, v30;
	v50 =	vld [tilespmem:s0+$0x36F0];
	[tilespmem:$0x1FF40] =	vst v1;
	v1 =	vadd.f32 v4, v48  }
0x2a1: {  	v30 =	vld [tilespmem:s0+$0x3B00];
	v6 =	vadd.f32 v10, v22  }
0x2a2: {  	v1 =	vadd.f32 v21, v1;
	v10 =	vld [tilespmem:s0+$0x3770]  }
0x2a3: {  	v48 =	vld [tilespmem:s0+$0x3A90];
	v3 =	vadd.f32 v25, v5;
	v25 =	vadd.f32 v8, v6  }
0x2a4: {  	[tilespmem:$0x1FF50] =	vst v47;
	v47 =	vld [tilespmem:s0+$0x3B50];
	v2 =	vadd.f32 v17, v49  }
0x2a5: {  	[tilespmem:$0x1FF30] =	vst v34;
	v17 =	vld [tilespmem:s0+$0x39A0];
	v1 =	vadd.f32 v31, v1;
	v34 =	vadd.f32 v50, v25  }
0x2a6: {  	[tilespmem:$0x1FF20] =	vst v0;
	v49 =	vld [tilespmem:s0+$0x3A20];
	v0 =	vadd.f32 v41, v3  }
0x2a7: {  	v41 =	vld [tilespmem:s0+$0x3A80];
	v1 =	vadd.f32 v32, v1;
	v3 =	vadd.f32 v10, v34  }
0x2a8: {  	v2 =	vadd.f32 v24, v2;
	v0 =	vadd.f32 v9, v0;
	v9 =	vld [tilespmem:s0+$0x3A10]  }
0x2a9: {  	v1 =	vadd.f32 v60, v1;
	v60 =	vld [tilespmem:$0x1FE60];
	v3 =	vadd.f32 v63, v3  }
0x2aa: {  	v8 =	vld [tilespmem:s0+$0x3B10];
	v0 =	vadd.f32 v61, v0  }
0x2ab: {  	v2 =	vadd.f32 v33, v2;
	v3 =	vadd.f32 v58, v3;
	v58 =	vld [tilespmem:$0x1FE50]  }
0x2ac: {  	v1 =	vadd.f32 v55, v1;
	v55 =	vld [tilespmem:$0x1FE30];
	v0 =	vadd.f32 v56, v0  }
0x2ad: {  	v2 =	vadd.f32 v23, v2;
	v10 =	vld [tilespmem:s0+$0x3980]  }
0x2ae: {  	v61 =	vld [tilespmem:$0x1FE70];
	v0 =	vadd.f32 v29, v0  }
0x2af: {  	v2 =	vadd.f32 v62, v2;
	v50 =	vld [tilespmem:s0+$0x3A30]  }
0x2b0: {  	v56 =	vld [tilespmem:$0x1FE40];
	v0 =	vadd.f32 v58, v0  }
0x2b1: {  	v1 =	vadd.f32 v28, v1;
	v2 =	vadd.f32 v57, v2;
	v63 =	vld [tilespmem:$0x1FE80]  }
0x2b2: {  	[tilespmem:$0x1FFA0] =	vst v0;
	v0 =	vadd.f32 v10, v60;
	v10 =	vld [tilespmem:$0x1FE90]  }
0x2b3: {  	v62 =	vld [tilespmem:s0+$0x3AB0];
	v2 =	vadd.f32 v44, v2;
	v1 =	vadd.f32 v55, v1  }
0x2b4: {  	v57 =	vld [tilespmem:s0+$0x3AA0]  }
0x2b5: {  	v44 =	vld [tilespmem:s0+$0x3A40];
	[tilespmem:$0x1FF60] =	vst v1;
	v1 =	vadd.f32 v56, v2;
	v2 =	vadd.f32 v12, v61  }
0x2b6: {  	v35 =	vmovc v38;
	v38 =	vmov v7;
	v12 =	vld [tilespmem:s0+$0x3B20];
	v3 =	vadd.f32 v46, v3;
	v7 =	vadd.f32 v17, v63  }
0x2b7: {  	v61 =	vld [tilespmem:s0+$0x39E0];
	v2 =	vadd.f32 v9, v2;
	v10 =	vadd.f32 v18, v10  }
0x2b8: {  	v9 =	vld [tilespmem:s0+$0x3B30];
	v59 =	vadd.f32 v37, v3;
	v7 =	vadd.f32 v49, v7  }
0x2b9: {  	v46 =	vld [tilespmem:s0+$0x3B40];
	v0 =	vadd.f32 v11, v0;
	v10 =	vadd.f32 v50, v10  }
0x2ba: {  	[tilespmem:$0x1FF80] =	vst v1;
	v2 =	vadd.f32 v48, v2;
	v37 =	vld [tilespmem:$0x1FEC0];
	v1 =	vadd.f32 v57, v7  }
0x2bb: {  	v48 =	vld [tilespmem:s0+$0x3AC0];
	v0 =	vadd.f32 v41, v0;
	v3 =	vadd.f32 v62, v10  }
0x2bc: {  	p0 =	sne.s32 s30, $0xE000;
	v49 =	vld [tilespmem:s0+$0x3AD0];
	v2 =	vadd.f32 v8, v2;
	v1 =	vadd.f32 v12, v1  }
.Ltmp0:
0x2bd: {  	[tilespmem:$0x1FFC0] =	vst v59;
	v59 =	vld [tilespmem:s0+$0x39C0];
	v0 =	vadd.f32 v30, v0;
	v3 =	vadd.f32 v9, v3;
	(pc) =	sbr.rel @p0 .LBB2_3-.Ltmp0, $4  }
0x2be: {  	v60 =	vld [tilespmem:s0+$0x39D0];
	v2 =	vadd.f32 v53, v2;
	v1 =	vadd.f32 v52, v1  }
0x2bf: {  	v18 =	vld [tilespmem:$0x1FEA0];
	v0 =	vadd.f32 v51, v0;
	v3 =	vadd.f32 v54, v3  }
0x2c0: {  	v57 =	vadd.f32 v26, v2;
	v58 =	vadd.f32 v20, v1;
	v50 =	vld [tilespmem:s0+$0x3A50]  }
0x2c1: {  	s30 =	sadd.s32 $0x2000, s30;
	v11 =	vmovc v13;
	v12 =	vmovc v15;
	v10 =	vld [tilespmem:$0x1FEB0];
	v55 =	vadd.f32 v19, v0;
	v9 =	vmov v14;
	v62 =	vadd.f32 v27, v3  }
0x2c2: {  	v1 =	vld [tilespmem:s0+$0x3AF0]  }
0x2c3: {  	s30 =	sadd.s32 $0x1, s29;
	p0 =	seq.s32 s29, $0x1F  }
0x2c4: {  	s3 =	sshll.u32 @!p0 s30, $0x7  }
0x2c5: {  	s31 =	sand.u32 @!p0 $0x3FFFFF80, s3  }
0x2c6: {  	v0 =	vld @!p0 [tilespmem:s31+$0x80]  }
0x2c7: {  	[tilespmem:$0x1FC90] =	vst v1;
	v1 =	vld [tilespmem:s0+$0x3B60]  }
0x2c8: {  	v2 =	vld [tilespmem:s0+$0x3B70]  }
0x2c9: {  	v3 =	vld [tilespmem:s0+$0x3BE0]  }
0x2ca: {  	v4 =	vld [tilespmem:s0+$0x3BF0];
	_ =	sdelay $0x1  }
0x2cb: {  	v63 =	vld [tilespmem:s0+$0x39F0];
	[tilespmem:$0x1FCA0] =	vst v1;
	v1 =	vshll.u32 @!p0 v0, $0x1  }
0x2cc: {  	v32 =	vld [tilespmem:s0+$0x3A60];
	[tilespmem:$0x1FCB0] =	vst v2;
	v2 =	vlaneseq.u32 @!p0;
	v0 =	vand.u32 @!p0 $0x7, v0;
	v1 =	vand.u32 @!p0 $0xFFFFFFF0, v1  }
0x2cd: {  	v33 =	vld [tilespmem:s0+$0x3A70];
	[tilespmem:$0x1FCC0] =	vst v3;
	v3 =	vshrl.u32 @!p0 v2, $0x3;
	v0 =	vor.u32 @!p0 v0, v1;
	v1 =	vand.u32 @!p0 $0x7, v2  }
0x2ce: {  	v34 =	vld [tilespmem:s0+$0x3AE0];
	[tilespmem:$0x1FCD0] =	vst v4;
	v3 =	vmul.u32 @!p0 $0x8, v3;
	v4 =	vperm.xlane @!p0 v0, v1  }
0x2cf: {  	v5 =	vld [tilespmem:s0+$0x3C60];
	v2 =	vor.u32 @!p0 $0x8, v2  }
0x2d0: {  	v13 =	vld [tilespmem:s0+$0x3C70];
	v0 =	vperm.xlane @!p0 v0, v2;
	v4 =	vadd.s32 @!p0 v3, v4  }
0x2d1: {  	v14 =	vld [tilespmem:s0+$0x3CE0]  }
0x2d2: {  	v15 =	vld [tilespmem:s0+$0x3CF0];
	v0 =	vadd.s32 @!p0 v3, v0  }
0x2d3: {  	v41 =	vld [tilespmem:s0+$0x3D60]  }
0x2d4: {  	v17 =	vld [tilespmem:s0+$0x3D70];
	vm1 =	vmmov @!p0 $0xffff;
	s3 =	simm.s32 @!p0 $0x3580;
	s0 =	simm.s32 @!p0 $0x0  }
0x2d5: {  	[tilespmem:s3], [sflag:$0x1] =	stream.indirect_vreg.gather @!p0 [hbm4b:s1+s0], $0x80, v4, vm1, $0xb8;
	[tilespmem:$0x15580] =	vst v63  }
0x2d6: {  	s3 =	simm.s32 @!p0 $0x3D80  }
0x2d7: {  	[tilespmem:s3], [sflag:$0x1] =	stream.indirect_vreg.gather @!p0 [hbm4b:s1+s0], $0x80, v0, vm1, $0xb8;
	[tilespmem:$0x15580] =	vst v63  }
0x2d8: {  	v0 =	vld @!p0 [tilespmem:s31+$0x90];
	_ =	sdelay $0x4  }
0x2d9: {  	v4 =	vshll.u32 @!p0 v0, $0x1  }
0x2da: {  	v0 =	vand.u32 @!p0 $0x7, v0;
	v4 =	vand.u32 @!p0 $0xFFFFFFF0, v4  }
0x2db: {  	v0 =	vor.u32 @!p0 v0, v4  }
0x2dc: {  	v4 =	vperm.xlane @!p0 v0, v1;
	_ =	sdelay $0x1  }
0x2dd: {  	v0 =	vperm.xlane @!p0 v0, v2;
	v4 =	vadd.s32 @!p0 v3, v4;
	_ =	sdelay $0x1  }
0x2de: {  	v0 =	vadd.s32 @!p0 v3, v0;
	_ =	sdelay $0x1  }
0x2df: {  	s3 =	simm.s32 @!p0 $0x4580  }
0x2e0: {  	[tilespmem:s3], [sflag:$0x1] =	stream.indirect_vreg.gather @!p0 [hbm4b:s1+s0], $0x80, v4, vm1, $0xb8;
	[tilespmem:$0x15580] =	vst v63  }
0x2e1: {  	s3 =	simm.s32 @!p0 $0x4D80  }
0x2e2: {  	[tilespmem:s3], [sflag:$0x1] =	stream.indirect_vreg.gather @!p0 [hbm4b:s1+s0], $0x80, v0, vm1, $0xb8;
	[tilespmem:$0x15580] =	vst v63  }
0x2e3: {  	v0 =	vld @!p0 [tilespmem:s31+$0xA0];
	_ =	sdelay $0x4  }
0x2e4: {  	v4 =	vshll.u32 @!p0 v0, $0x1  }
0x2e5: {  	v0 =	vand.u32 @!p0 $0x7, v0;
	v4 =	vand.u32 @!p0 $0xFFFFFFF0, v4  }
0x2e6: {  	v0 =	vor.u32 @!p0 v0, v4  }
0x2e7: {  	v4 =	vperm.xlane @!p0 v0, v1;
	_ =	sdelay $0x1  }
0x2e8: {  	v0 =	vperm.xlane @!p0 v0, v2;
	v4 =	vadd.s32 @!p0 v3, v4;
	_ =	sdelay $0x1  }
0x2e9: {  	v0 =	vadd.s32 @!p0 v3, v0;
	_ =	sdelay $0x1  }
0x2ea: {  	s3 =	simm.s32 @!p0 $0x5580  }
0x2eb: {  	[tilespmem:s3], [sflag:$0x1] =	stream.indirect_vreg.gather @!p0 [hbm4b:s1+s0], $0x80, v4, vm1, $0xb8;
	[tilespmem:$0x15580] =	vst v63  }
0x2ec: {  	s3 =	simm.s32 @!p0 $0x5D80  }
0x2ed: {  	[tilespmem:s3], [sflag:$0x1] =	stream.indirect_vreg.gather @!p0 [hbm4b:s1+s0], $0x80, v0, vm1, $0xb8;
	[tilespmem:$0x15580] =	vst v63  }
0x2ee: {  	v0 =	vld @!p0 [tilespmem:s31+$0xB0];
	_ =	sdelay $0x4  }
0x2ef: {  	v4 =	vshll.u32 @!p0 v0, $0x1  }
0x2f0: {  	v0 =	vand.u32 @!p0 $0x7, v0;
	v4 =	vand.u32 @!p0 $0xFFFFFFF0, v4  }
0x2f1: {  	v0 =	vor.u32 @!p0 v0, v4  }
0x2f2: {  	v1 =	vperm.xlane @!p0 v0, v1;
	_ =	sdelay $0x1  }
0x2f3: {  	v0 =	vperm.xlane @!p0 v0, v2;
	v1 =	vadd.s32 @!p0 v3, v1  }
0x2f4: {  	[tilespmem:$0x1FCE0] =	vst v5  }
0x2f5: {  	[tilespmem:$0x1FCF0] =	vst v13;
	v0 =	vadd.s32 @!p0 v3, v0  }
0x2f6: {  	[tilespmem:$0x1FD00] =	vst v14  }
0x2f7: {  	[tilespmem:$0x1FD10] =	vst v15;
	s3 =	simm.s32 @!p0 $0x6580  }
0x2f8: {  	[tilespmem:s3], [sflag:$0x1] =	stream.indirect_vreg.gather @!p0 [hbm4b:s1+s0], $0x80, v1, vm1, $0xb8;
	[tilespmem:$0x15580] =	vst v63  }
0x2f9: {  	[tilespmem:$0x1FD20] =	vst v17;
	s3 =	simm.s32 @!p0 $0x6D80  }
0x2fa: {  	[tilespmem:s3], [sflag:$0x1] =	stream.indirect_vreg.gather @!p0 [hbm4b:s1+s0], $0x80, v0, vm1, $0xb8;
	[tilespmem:$0x15580] =	vst v63  }
0x2fb: {  	v25 =	vadd.f32 v60, v43;
	_ =	swait.ge [sflag:s24], $0x4000  }
0x2fc: {  	v7 =	vld [tilespmem:$0x1FEE0]  }
0x2fd: {  	v25 =	vadd.f32 v50, v25;
	v50 =	vld [tilespmem:$0x1FC90]  }
0x2fe: {  	v60 =	vld [tilespmem:$0x1FCB0]  }
0x2ff: {  	v17 =	vadd.f32 v9, v58;
	[sflag:s24] =	ssyncset.done $0x0;
	v9 =	vld [tilespmem:$0x1FCD0]  }
0x300: {  	v25 =	vadd.f32 v49, v25;
	s0 =	simm.s32 $0x0;
	v49 =	vld [tilespmem:$0x1FCF0];
	[sflag:s24] =	ssyncadd.s32 $0xFFFFC000  }
0x301: {  	v0 =	vld [tilespmem:s0+$0x7900]  }
0x302: {  	v28 =	vld [tilespmem:s0+$0x7940]  }
0x303: {  	v29 =	vld [tilespmem:s0+$0x7950]  }
0x304: {  	v20 =	vld [tilespmem:s0+$0x7960]  }
0x305: {  	v26 =	vld [tilespmem:s0+$0x7970]  }
0x306: {  	v1 =	vld [tilespmem:s0+$0x7890]  }
0x307: {  	v2 =	vld [tilespmem:s0+$0x78A0]  }
0x308: {  	v51 =	vld [tilespmem:s0+$0x78B0]  }
0x309: {  	v3 =	vld [tilespmem:s0+$0x78C0]  }
0x30a: {  	v27 =	vld [tilespmem:s0+$0x7C80]  }
0x30b: {  	v6 =	vld [tilespmem:s0+$0x7810]  }
0x30c: {  	v8 =	vld [tilespmem:s0+$0x7820]  }
0x30d: {  	v4 =	vld [tilespmem:s0+$0x7830]  }
0x30e: {  	v19 =	vld [tilespmem:s0+$0x7840]  }
0x30f: {  	v21 =	vld [tilespmem:s0+$0x7850]  }
0x310: {  	v22 =	vld [tilespmem:s0+$0x7860]  }
0x311: {  	v23 =	vld [tilespmem:s0+$0x7870]  }
0x312: {  	v15 =	vld [tilespmem:s0+$0x7C00]  }
0x313: {  	v13 =	vld [tilespmem:s0+$0x7C20]  }
0x314: {  	v14 =	vld [tilespmem:s0+$0x7C30]  }
0x315: {  	v30 =	vld [tilespmem:s0+$0x7C40]  }
0x316: {  	v31 =	vld [tilespmem:s0+$0x7C50]  }
0x317: {  	v5 =	vld [tilespmem:s0+$0x7780]  }
0x318: {  	v54 =	vld [tilespmem:s0+$0x77C0]  }
0x319: {  	v53 =	vld [tilespmem:s0+$0x77D0]  }
0x31a: {  	v56 =	vld [tilespmem:s0+$0x77E0]  }
0x31b: {  	v12 =	vadd.f32 v12, v57;
	v11 =	vadd.f32 v11, v55;
	v52 =	vld [tilespmem:s0+$0x77F0]  }
0x31c: {  	v55 =	vld [tilespmem:s0+$0x7B80]  }
0x31d: {  	v57 =	vadd.f32 v18, v11;
	v18 =	vadd.f32 v37, v12;
	v12 =	vld [tilespmem:s0+$0x7B90]  }
0x31e: {  	v11 =	vld [tilespmem:s0+$0x7BA0]  }
0x31f: {  	v58 =	vadd.f32 v35, v17;
	v17 =	vld [tilespmem:s0+$0x7BB0]  }
0x320: {  	v43 =	vld [tilespmem:s0+$0x7BC0]  }
0x321: {  	v25 =	vadd.f32 v47, v25;
	v35 =	vld [tilespmem:s0+$0x7690]  }
0x322: {  	v37 =	vld [tilespmem:s0+$0x7610]  }
0x323: {  	v25 =	vadd.f32 v45, v25;
	v45 =	vld [tilespmem:s0+$0x7590]  }
0x324: {  	v47 =	vld [tilespmem:s0+$0x75B0]  }
0x325: {  	[tilespmem:$0x1FD30] =	vst v0;
	v0 =	vld [tilespmem:s0+$0x7910]  }
0x326: {  	[tilespmem:$0x1FDC0] =	vst v3;
	v3 =	vld [tilespmem:s0+$0x78D0]  }
0x327: {  	[tilespmem:$0x1FD80] =	vst v19;
	v19 =	vld [tilespmem:s0+$0x7C10]  }
0x328: {  	[tilespmem:$0x1FD90] =	vst v21;
	v21 =	vld [tilespmem:s0+$0x7790]  }
0x329: {  	v24 =	vadd.f32 v7, v62;
	[tilespmem:$0x1FDA0] =	vst v22;
	v22 =	vld [tilespmem:s0+$0x77A0]  }
0x32a: {  	[tilespmem:$0x1FDB0] =	vst v23;
	v23 =	vld [tilespmem:s0+$0x77B0]  }
0x32b: {  	v62 =	vadd.f32 v36, v24;
	v24 =	vadd.f32 v59, v38;
	v59 =	vld [tilespmem:$0x1FCA0]  }
0x32c: {  	v36 =	vld [tilespmem:s0+$0x7600]  }
0x32d: {  	[tilespmem:$0x1FC70] =	vst v30;
	v30 =	vadd.f32 v61, v16;
	v61 =	vld [tilespmem:$0x1FF10]  }
0x32e: {  	[tilespmem:$0x1FC80] =	vst v31;
	v31 =	vadd.f32 v63, v42;
	v63 =	vld [tilespmem:$0x1FCC0]  }
0x32f: {  	v16 =	vld [tilespmem:s0+$0x7580]  }
0x330: {  	[tilespmem:$0x1FD40] =	vst v0;
	v0 =	vld [tilespmem:s0+$0x7920]  }
0x331: {  	v38 =	vld [tilespmem:s0+$0x76C0]  }
0x332: {  	v24 =	vadd.f32 v44, v24;
	v44 =	vld [tilespmem:s0+$0x7BD0]  }
0x333: {  	[tilespmem:$0x1FDD0] =	vst v3;
	v3 =	vld [tilespmem:s0+$0x78E0]  }
0x334: {  	v30 =	vadd.f32 v32, v30;
	v32 =	vld [tilespmem:s0+$0x7700]  }
0x335: {  	[tilespmem:$0x1FD50] =	vst v0;
	v0 =	vld [tilespmem:s0+$0x7930]  }
0x336: {  	v31 =	vadd.f32 v33, v31;
	v33 =	vld [tilespmem:s0+$0x7710]  }
0x337: {  	v30 =	vadd.f32 v34, v30;
	v34 =	vld [tilespmem:s0+$0x7680]  }
0x338: {  	[tilespmem:$0x1FDE0] =	vst v3;
	v3 =	vld [tilespmem:s0+$0x78F0]  }
0x339: {  	v24 =	vadd.f32 v48, v24;
	v48 =	vld [tilespmem:$0x1FCE0]  }
0x33a: {  	[tilespmem:$0x1FD60] =	vst v0;
	v0 =	vld [tilespmem:s0+$0x7D00]  }
0x33b: {  	v31 =	vadd.f32 v50, v31;
	v50 =	vld [tilespmem:$0x1FEF0]  }
0x33c: {  	v24 =	vadd.f32 v46, v24;
	v46 =	vld [tilespmem:s0+$0x75A0]  }
0x33d: {  	[tilespmem:$0x1FDF0] =	vst v3;
	v3 =	vld [tilespmem:s0+$0x7C90]  }
0x33e: {  	v30 =	vadd.f32 v59, v30;
	v59 =	vld [tilespmem:$0x1FF00]  }
0x33f: {  	[tilespmem:$0x1FBC0] =	vst v0;
	v0 =	vld [tilespmem:s0+$0x7D10]  }
0x340: {  	v31 =	vadd.f32 v60, v31;
	v60 =	vld [tilespmem:$0x1FD00]  }
0x341: {  	v24 =	vadd.f32 v61, v24;
	v61 =	vld [tilespmem:$0x1FD10]  }
0x342: {  	[tilespmem:$0x1FC20] =	vst v3;
	v3 =	vld [tilespmem:s0+$0x7CA0]  }
0x343: {  	v30 =	vadd.f32 v63, v30;
	v63 =	vld [tilespmem:$0x1FED0]  }
0x344: {  	[tilespmem:$0x1FBD0] =	vst v0;
	v0 =	vld [tilespmem:s0+$0x7D20]  }
0x345: {  	v31 =	vadd.f32 v9, v31;
	v9 =	vld [tilespmem:$0x1FD20]  }
0x346: {  	v30 =	vadd.f32 v48, v30;
	v48 =	vld [tilespmem:s0+$0x7620]  }
0x347: {  	v24 =	vadd.f32 v39, v24;
	[tilespmem:$0x1FC30] =	vst v3;
	v3 =	vld [tilespmem:s0+$0x7CB0]  }
0x348: {  	v25 =	vadd.f32 v40, v25;
	v31 =	vadd.f32 v49, v31;
	v49 =	vld [tilespmem:$0x1FF30]  }
0x349: {  	v24 =	vadd.f32 v50, v24;
	[tilespmem:$0x1FBE0] =	vst v0;
	v0 =	vld [tilespmem:s0+$0x7D30]  }
0x34a: {  	v25 =	vadd.f32 v59, v25;
	v59 =	vld [tilespmem:s0+$0x76B0]  }
0x34b: {  	v39 =	vadd.f32 v10, v24;
	v10 =	vld [tilespmem:$0x1FF20]  }
0x34c: {  	[tilespmem:$0x1FC40] =	vst v3;
	v3 =	vld [tilespmem:s0+$0x7CC0]  }
0x34d: {  	v30 =	vadd.f32 v60, v30;
	v60 =	vld [tilespmem:$0x1FF40]  }
0x34e: {  	[tilespmem:$0x1FBF0] =	vst v0;
	v0 =	vld [tilespmem:s0+$0x7D40]  }
0x34f: {  	v40 =	vadd.f32 v63, v25;
	v25 =	vld [tilespmem:s0+$0x76A0]  }
0x350: {  	v63 =	vld [tilespmem:$0x1FF50]  }
0x351: {  	v16 =	vadd.f32 v16, v10;
	[tilespmem:$0x1FC50] =	vst v3;
	v3 =	vld [tilespmem:s0+$0x7CD0]  }
0x352: {  	v31 =	vadd.f32 v61, v31;
	v24 =	vld [tilespmem:s0+$0x7630]  }
0x353: {  	v41 =	vadd.f32 v41, v30;
	v30 =	vadd.f32 v36, v16;
	[tilespmem:$0x1FC00] =	vst v0;
	v0 =	vld [tilespmem:s0+$0x7D50]  }
0x354: {  	v42 =	vadd.f32 v9, v31;
	v9 =	vld [tilespmem:s0+$0x7720]  }
0x355: {  	v50 =	vadd.f32 v45, v49;
	v45 =	vld [tilespmem:s0+$0x7740];
	v30 =	vadd.f32 v34, v30  }
0x356: {  	[tilespmem:$0x1FC60] =	vst v3;
	v3 =	vld [tilespmem:s0+$0x7800]  }
0x357: {  	v49 =	vld [tilespmem:s0+$0x7650];
	v30 =	vadd.f32 v32, v30  }
0x358: {  	v31 =	vadd.f32 v37, v50;
	[tilespmem:$0x1FC10] =	vst v0;
	v0 =	vld [tilespmem:s0+$0x7880]  }
0x359: {  	v61 =	vadd.f32 v46, v60;
	v46 =	vld [tilespmem:s0+$0x76D0];
	v5 =	vadd.f32 v5, v30  }
0x35a: {  	v7 =	vadd.f32 v47, v63;
	v63 =	vld [tilespmem:$0x1FD30];
	v31 =	vadd.f32 v35, v31  }
0x35b: {  	v50 =	vld [tilespmem:s0+$0x75D0];
	v3 =	vadd.f32 v3, v5  }
0x35c: {  	v10 =	vld [tilespmem:s0+$0x7730];
	v31 =	vadd.f32 v33, v31  }
0x35d: {  	v16 =	vadd.f32 v48, v61;
	v48 =	vld [tilespmem:s0+$0x7640];
	v0 =	vadd.f32 v0, v3  }
0x35e: {  	v24 =	vadd.f32 v24, v7;
	v61 =	vld [tilespmem:s0+$0x7660];
	v21 =	vadd.f32 v21, v31  }
0x35f: {  	v25 =	vadd.f32 v25, v16;
	v37 =	vadd.f32 v63, v0;
	v0 =	vld [tilespmem:$0x1FD40]  }
0x360: {  	v33 =	vld [tilespmem:s0+$0x7770];
	v6 =	vadd.f32 v6, v21  }
0x361: {  	v24 =	vadd.f32 v59, v24;
	v59 =	vld [tilespmem:s0+$0x75E0];
	v25 =	vadd.f32 v9, v25  }
0x362: {  	v34 =	vld [tilespmem:s0+$0x7750];
	v1 =	vadd.f32 v1, v6  }
0x363: {  	v16 =	vld [tilespmem:s0+$0x76F0];
	v24 =	vadd.f32 v10, v24;
	v22 =	vadd.f32 v22, v25  }
0x364: {  	v35 =	vadd.f32 v0, v1;
	v1 =	vld [tilespmem:$0x1FD50]  }
0x365: {  	v9 =	vld [tilespmem:$0x1FF80];
	v23 =	vadd.f32 v23, v24;
	v8 =	vadd.f32 v8, v22  }
0x366: {  	v24 =	vld [tilespmem:s0+$0x75C0]  }
0x367: {  	v4 =	vadd.f32 v4, v23;
	v23 =	vld [tilespmem:$0x1FFC0];
	v2 =	vadd.f32 v2, v8  }
0x368: {  	v22 =	vld [tilespmem:$0x1FFA0]  }
0x369: {  	v36 =	vadd.f32 v1, v2;
	v1 =	vld [tilespmem:$0x1FD60]  }
0x36a: {  	v3 =	vld [tilespmem:s0+$0x75F0]  }
0x36b: {  	v2 =	vld [tilespmem:$0x1FF60]  }
0x36c: {  	v60 =	vadd.f32 v51, v4;
	v10 =	vadd.f32 v50, v9;
	v0 =	vld [tilespmem:s0+$0x7670]  }
0x36d: {  	v31 =	vld [tilespmem:s0+$0x7760]  }
0x36e: {  	v25 =	vld [tilespmem:s0+$0x79A0];
	v6 =	vadd.f32 v49, v10;
	v1 =	vadd.f32 v1, v60  }
0x36f: {  	v4 =	vld [tilespmem:s0+$0x7A90];
	v3 =	vadd.f32 v3, v23  }
0x370: {  	v6 =	vadd.f32 v46, v6;
	v2 =	vadd.f32 v24, v2;
	[tilespmem:$0x1FD70] =	vst v1;
	v1 =	vld [tilespmem:s0+$0x76E0]  }
0x371: {  	v50 =	vld [tilespmem:$0x1FD80];
	v5 =	vadd.f32 v59, v22;
	v0 =	vadd.f32 v0, v3  }
0x372: {  	v51 =	vld [tilespmem:$0x1FD90];
	v6 =	vadd.f32 v34, v6;
	v2 =	vadd.f32 v48, v2  }
0x373: {  	v49 =	vld [tilespmem:s0+$0x7980];
	v8 =	vadd.f32 v61, v5;
	v0 =	vadd.f32 v16, v0  }
0x374: {  	v10 =	vld [tilespmem:s0+$0x7AB0];
	v6 =	vadd.f32 v53, v6;
	v2 =	vadd.f32 v38, v2  }
0x375: {  	v53 =	vld [tilespmem:$0x1FDB0];
	v0 =	vadd.f32 v33, v0;
	v1 =	vadd.f32 v1, v8  }
0x376: {  	v61 =	vld [tilespmem:$0x1FDF0];
	v2 =	vadd.f32 v45, v2  }
0x377: {  	v0 =	vadd.f32 v52, v0;
	v52 =	vld [tilespmem:$0x1FDA0];
	v1 =	vadd.f32 v31, v1  }
0x378: {  	v2 =	vadd.f32 v54, v2;
	v54 =	vld [tilespmem:$0x1FDC0]  }
0x379: {  	v1 =	vadd.f32 v56, v1;
	v56 =	vld [tilespmem:$0x1FDD0]  }
0x37a: {  	v60 =	vld [tilespmem:$0x1FDE0]  }
0x37b: {  	v34 =	vld [tilespmem:s0+$0x7A00];
	v0 =	vadd.f32 v53, v0  }
0x37c: {  	v6 =	vadd.f32 v51, v6;
	v59 =	vld [tilespmem:s0+$0x79B0];
	v2 =	vadd.f32 v50, v2  }
0x37d: {  	v5 =	vld [tilespmem:s0+$0x7B10];
	v0 =	vadd.f32 v61, v0;
	v1 =	vadd.f32 v52, v1  }
0x37e: {  	v63 =	vld [tilespmem:s0+$0x7A20];
	v2 =	vadd.f32 v54, v2;
	v7 =	vadd.f32 v56, v6  }
0x37f: {  	v24 =	vld [tilespmem:s0+$0x7990];
	v0 =	vadd.f32 v26, v0;
	v1 =	vadd.f32 v60, v1  }
0x380: {  	v48 =	vld [tilespmem:s0+$0x7A10];
	v38 =	vadd.f32 v28, v2;
	v2 =	vadd.f32 v29, v7  }
0x381: {  	[tilespmem:$0x1FE20] =	vst v0;
	v0 =	vld [tilespmem:s0+$0x7AA0]  }
0x382: {  	v1 =	vadd.f32 v20, v1;
	[tilespmem:$0x1FE00] =	vst v2;
	v2 =	vld [tilespmem:s0+$0x7A30]  }
0x383: {  	v8 =	vld [tilespmem:s0+$0x7A80];
	v31 =	vadd.f32 v25, v58  }
0x384: {  	v9 =	vadd.f32 v24, v18;
	v25 =	vld [tilespmem:s0+$0x7B20];
	[tilespmem:$0x1FE10] =	vst v1;
	v1 =	vadd.f32 v49, v57  }
0x385: {  	v3 =	vld [tilespmem:s0+$0x7B00];
	v24 =	vadd.f32 v59, v62;
	v33 =	vadd.f32 v63, v31  }
0x386: {  	v32 =	vld [tilespmem:s0+$0x7B30];
	v7 =	vadd.f32 v48, v9;
	v1 =	vadd.f32 v34, v1  }
0x387: {  	v47 =	vld [tilespmem:s0+$0x7AC0];
	v0 =	vadd.f32 v0, v33;
	v2 =	vadd.f32 v2, v24  }
0x388: {  	v46 =	vld [tilespmem:s0+$0x7B50];
	v4 =	vadd.f32 v4, v7;
	v1 =	vadd.f32 v8, v1  }
0x389: {  	v51 =	vld [tilespmem:s0+$0x79E0];
	v0 =	vadd.f32 v25, v0;
	v2 =	vadd.f32 v10, v2  }
0x38a: {  	v59 =	vld [tilespmem:s0+$0x79C0];
	v1 =	vadd.f32 v3, v1;
	v3 =	vadd.f32 v5, v4  }
0x38b: {  	v62 =	vld [tilespmem:s0+$0x79D0];
	v2 =	vadd.f32 v32, v2  }
0x38c: {  	v45 =	vld [tilespmem:s0+$0x7B40];
	v0 =	vadd.f32 v11, v0;
	v3 =	vadd.f32 v12, v3  }
0x38d: {  	v50 =	vld [tilespmem:s0+$0x7A50];
	v1 =	vadd.f32 v55, v1;
	v34 =	vadd.f32 v17, v2  }
0x38e: {  	v48 =	vld [tilespmem:s0+$0x7AD0];
	v54 =	vadd.f32 v13, v0;
	v52 =	vadd.f32 v19, v3  }
0x38f: {  	s3 =	simm.s32 $0x2000;
	v49 =	vld [tilespmem:s0+$0x7A40];
	v2 =	vadd.f32 v15, v1;
	v55 =	vadd.f32 v14, v34  }
.LBB2_5:
0x390: {  	v3 =	vld [tilespmem:$0x1FC30];
	_ =	sdelay $0x2  }
0x391: {  	v0 =	vld [tilespmem:s0+$0x79F0]  }
0x392: {  	v8 =	vld [tilespmem:s0+$0x7A60]  }
0x393: {  	v9 =	vadd.f32 v3, v54;
	v3 =	vld [tilespmem:$0x1FC40]  }
0x394: {  	v11 =	vld [tilespmem:s0+$0x7A70]  }
0x395: {  	v13 =	vld [tilespmem:s0+$0x7AF0]  }
0x396: {  	v15 =	vld [tilespmem:s0+$0x7B60]  }
0x397: {  	v16 =	vld [tilespmem:s0+$0x7B70]  }
0x398: {  	v10 =	vadd.f32 v3, v55;
	v3 =	vld [tilespmem:$0x1FBC0]  }
0x399: {  	v61 =	vld [tilespmem:s0+$0x7BE0]  }
0x39a: {  	v63 =	vld [tilespmem:s0+$0x7C60]  }
0x39b: {  	v20 =	vld [tilespmem:s0+$0x7C70];
	v1 =	vadd.f32 v27, v2  }
0x39c: {  	v21 =	vld [tilespmem:s0+$0x7CE0]  }
0x39d: {  	v2 =	vld [tilespmem:$0x1FC20];
	v1 =	vadd.f32 v3, v1  }
0x39e: {  	v22 =	vld [tilespmem:s0+$0x7CF0];
	v0 =	vadd.f32 v0, v42  }
0x39f: {  	[tilespmem:$0x1FB80] =	vst v1;
	v1 =	vld [tilespmem:$0x1FBD0]  }
0x3a0: {  	v23 =	vld [tilespmem:s0+$0x7D60];
	v0 =	vadd.f32 v11, v0  }
0x3a1: {  	v12 =	vadd.f32 v62, v40;
	v62 =	vld [tilespmem:s0+$0x7BF0]  }
0x3a2: {  	v31 =	vld [tilespmem:s0+$0x7D70];
	v2 =	vadd.f32 v2, v52;
	v0 =	vadd.f32 v13, v0  }
0x3a3: {  	v4 =	vld [tilespmem:$0x1FC00]  }
0x3a4: {  	v0 =	vadd.f32 v16, v0;
	v3 =	vld [tilespmem:$0x1FC70];
	v1 =	vadd.f32 v1, v2  }
0x3a5: {  	v12 =	vadd.f32 v50, v12;
	v2 =	vld [tilespmem:$0x1FBE0]  }
0x3a6: {  	v0 =	vadd.f32 v62, v0;
	[tilespmem:$0x1FB90] =	vst v1;
	v1 =	vld [tilespmem:s0+$0x7AE0];
	s0 =	sshra.s32 s3, $0x2  }
0x3a7: {  	v12 =	vadd.f32 v48, v12;
	v48 =	vld [tilespmem:s0+$0x7910]  }
0x3a8: {  	v0 =	vadd.f32 v20, v0;
	v50 =	vld [tilespmem:s0+$0x7930]  }
0x3a9: {  	v11 =	vld [tilespmem:s0+$0x7940]  }
0x3aa: {  	v0 =	vadd.f32 v22, v0;
	v17 =	vld [tilespmem:s0+$0x7950]  }
0x3ab: {  	v18 =	vld [tilespmem:s0+$0x7970]  }
0x3ac: {  	v42 =	vadd.f32 v31, v0;
	v0 =	vld [tilespmem:s0+$0x7D00]  }
0x3ad: {  	v25 =	vld [tilespmem:s0+$0x78C0]  }
0x3ae: {  	v12 =	vadd.f32 v46, v12;
	v46 =	vld [tilespmem:s0+$0x78F0]  }
0x3af: {  	v7 =	vld [tilespmem:s0+$0x7820]  }
0x3b0: {  	v55 =	vld [tilespmem:s0+$0x7840]  }
0x3b1: {  	v57 =	vld [tilespmem:s0+$0x7850]  }
0x3b2: {  	v56 =	vld [tilespmem:s0+$0x7860]  }
0x3b3: {  	v58 =	vld [tilespmem:s0+$0x7870]  }
0x3b4: {  	v22 =	vld [tilespmem:s0+$0x7C20]  }
0x3b5: {  	v24 =	vld [tilespmem:s0+$0x7C30]  }
0x3b6: {  	v5 =	vld [tilespmem:s0+$0x7C40]  }
0x3b7: {  	v14 =	vadd.f32 v51, v41;
	v33 =	vld [tilespmem:s0+$0x7C50]  }
0x3b8: {  	v13 =	vld [tilespmem:s0+$0x7780]  }
0x3b9: {  	v8 =	vadd.f32 v8, v14;
	v14 =	vld [tilespmem:s0+$0x77A0]  }
0x3ba: {  	v60 =	vld [tilespmem:s0+$0x77C0]  }
0x3bb: {  	v62 =	vld [tilespmem:s0+$0x77D0]  }
0x3bc: {  	v51 =	vld [tilespmem:s0+$0x7B80];
	v2 =	vadd.f32 v2, v9  }
0x3bd: {  	v53 =	vld [tilespmem:s0+$0x7B90]  }
0x3be: {  	[tilespmem:$0x1FBA0] =	vst v2;
	v2 =	vld [tilespmem:$0x1FBF0]  }
0x3bf: {  	v52 =	vld [tilespmem:s0+$0x7BA0]  }
0x3c0: {  	v54 =	vld [tilespmem:s0+$0x7BB0]  }
0x3c1: {  	v12 =	vadd.f32 v44, v12;
	v44 =	vld [tilespmem:s0+$0x7BD0]  }
0x3c2: {  	v16 =	vld [tilespmem:s0+$0x7700]  }
0x3c3: {  	v19 =	vld [tilespmem:s0+$0x7710];
	v2 =	vadd.f32 v2, v10  }
0x3c4: {  	v20 =	vld [tilespmem:s0+$0x7680]  }
0x3c5: {  	v26 =	vld [tilespmem:s0+$0x7690];
	[tilespmem:$0x1FBB0] =	vst v2;
	v2 =	vadd.f32 v59, v39  }
0x3c6: {  	v27 =	vld [tilespmem:s0+$0x7580]  }
0x3c7: {  	v28 =	vld [tilespmem:s0+$0x7590];
	v2 =	vadd.f32 v49, v2  }
0x3c8: {  	v29 =	vld [tilespmem:s0+$0x75A0]  }
0x3c9: {  	v31 =	vld [tilespmem:s0+$0x75B0];
	v2 =	vadd.f32 v47, v2  }
0x3ca: {  	v32 =	vld [tilespmem:s0+$0x7620]  }
0x3cb: {  	v6 =	vld [tilespmem:s0+$0x7630];
	v2 =	vadd.f32 v45, v2  }
0x3cc: {  	v9 =	vld [tilespmem:s0+$0x7600]  }
0x3cd: {  	v1 =	vadd.f32 v1, v8;
	v8 =	vld [tilespmem:s0+$0x7800];
	v2 =	vadd.f32 v43, v2  }
0x3ce: {  	[tilespmem:$0x1FBC0] =	vst v0;
	v0 =	vld [tilespmem:s0+$0x7D10]  }
0x3cf: {  	v2 =	vadd.f32 v3, v2;
	v3 =	vld [tilespmem:$0x1FC80]  }
0x3d0: {  	[tilespmem:$0x1FC70] =	vst v5;
	v5 =	vld [tilespmem:s0+$0x7790]  }
0x3d1: {  	v28 =	vadd.f32 v28, v35;
	v35 =	vld [tilespmem:s0+$0x76B0]  }
0x3d2: {  	v29 =	vadd.f32 v29, v36;
	v36 =	vld [tilespmem:$0x1FD70]  }
0x3d3: {  	v27 =	vadd.f32 v27, v37;
	v1 =	vadd.f32 v15, v1;
	v15 =	vld [tilespmem:s0+$0x77B0]  }
0x3d4: {  	v30 =	vadd.f32 v3, v12;
	v3 =	vld [tilespmem:$0x1FC50]  }
0x3d5: {  	v9 =	vadd.f32 v9, v27;
	v27 =	vld [tilespmem:s0+$0x7730]  }
0x3d6: {  	v1 =	vadd.f32 v61, v1;
	v61 =	vld [tilespmem:s0+$0x77E0]  }
0x3d7: {  	v10 =	vld [tilespmem:s0+$0x7610]  }
0x3d8: {  	v9 =	vadd.f32 v20, v9;
	v20 =	vld [tilespmem:s0+$0x7750]  }
0x3d9: {  	v2 =	vadd.f32 v3, v2;
	v3 =	vld [tilespmem:$0x1FC60]  }
0x3da: {  	[tilespmem:$0x1FBD0] =	vst v0;
	v0 =	vld [tilespmem:s0+$0x7D20]  }
0x3db: {  	v34 =	vadd.f32 v4, v2;
	v2 =	vld [tilespmem:$0x1FC10]  }
0x3dc: {  	v1 =	vadd.f32 v63, v1;
	v63 =	vld [tilespmem:s0+$0x77F0]  }
0x3dd: {  	v31 =	vadd.f32 v31, v36;
	v36 =	vld [tilespmem:s0+$0x7720]  }
0x3de: {  	v59 =	vld [tilespmem:s0+$0x78B0];
	v3 =	vadd.f32 v3, v30  }
0x3df: {  	v39 =	vmov v38;
	v38 =	vld [tilespmem:s0+$0x7C80]  }
0x3e0: {  	v40 =	vadd.f32 v2, v3;
	v3 =	vld [tilespmem:s0+$0x7C90]  }
0x3e1: {  	v9 =	vadd.f32 v16, v9;
	v16 =	vld [tilespmem:s0+$0x7640]  }
0x3e2: {  	v1 =	vadd.f32 v21, v1;
	v21 =	vld [tilespmem:s0+$0x7C00]  }
0x3e3: {  	v6 =	vadd.f32 v6, v31;
	v31 =	vld [tilespmem:s0+$0x76D0]  }
0x3e4: {  	v49 =	vld [tilespmem:s0+$0x7920]  }
0x3e5: {  	[tilespmem:$0x1FC20] =	vst v3;
	v3 =	vld [tilespmem:s0+$0x7CA0]  }
0x3e6: {  	v9 =	vadd.f32 v13, v9;
	v13 =	vld [tilespmem:s0+$0x75F0]  }
0x3e7: {  	v41 =	vadd.f32 v23, v1;
	v1 =	vld [tilespmem:s0+$0x78A0]  }
0x3e8: {  	v23 =	vld [tilespmem:s0+$0x7C10]  }
0x3e9: {  	v10 =	vadd.f32 v10, v28;
	v28 =	vadd.f32 v32, v29;
	v29 =	vld [tilespmem:s0+$0x7740]  }
0x3ea: {  	[tilespmem:$0x1FC30] =	vst v3;
	v3 =	vld [tilespmem:s0+$0x7CB0]  }
0x3eb: {  	v32 =	vld [tilespmem:$0x1FE10]  }
0x3ec: {  	v6 =	vadd.f32 v35, v6;
	[tilespmem:$0x1FBE0] =	vst v0;
	v0 =	vld [tilespmem:s0+$0x7D30]  }
0x3ed: {  	v47 =	vld [tilespmem:s0+$0x7900]  }
0x3ee: {  	v6 =	vadd.f32 v27, v6;
	v45 =	vld [tilespmem:s0+$0x78D0]  }
0x3ef: {  	[tilespmem:$0x1FC40] =	vst v3;
	v3 =	vld [tilespmem:s0+$0x7CC0]  }
0x3f0: {  	v6 =	vadd.f32 v15, v6;
	v15 =	vld [tilespmem:s0+$0x7660]  }
0x3f1: {  	v10 =	vadd.f32 v26, v10;
	[tilespmem:$0x1FBF0] =	vst v0;
	v0 =	vld [tilespmem:s0+$0x7D40]  }
0x3f2: {  	[tilespmem:$0x1FC80] =	vst v33;
	v33 =	vld [tilespmem:s0+$0x76A0]  }
0x3f3: {  	v10 =	vadd.f32 v19, v10;
	v19 =	vld [tilespmem:s0+$0x7670]  }
0x3f4: {  	[tilespmem:$0x1FC50] =	vst v3;
	v3 =	vld [tilespmem:s0+$0x7CD0]  }
0x3f5: {  	v43 =	vld [tilespmem:s0+$0x7BC0]  }
0x3f6: {  	[tilespmem:$0x1FC00] =	vst v0;
	v0 =	vld [tilespmem:s0+$0x7D50]  }
0x3f7: {  	v5 =	vadd.f32 v5, v10;
	v10 =	vld [tilespmem:s0+$0x75C0];
	v26 =	vadd.f32 v33, v28  }
0x3f8: {  	v4 =	vld [tilespmem:s0+$0x7810]  }
0x3f9: {  	v37 =	vadd.f32 v36, v26;
	[tilespmem:$0x1FC60] =	vst v3;
	v3 =	vld [tilespmem:s0+$0x7830]  }
0x3fa: {  	v2 =	vld [tilespmem:s0+$0x7890]  }
0x3fb: {  	v27 =	vmov v38;
	v38 =	vadd.f32 v14, v37;
	[tilespmem:$0x1FC10] =	vst v0;
	v0 =	vld [tilespmem:s0+$0x7880]  }
0x3fc: {  	v12 =	vld [tilespmem:s0+$0x7960]  }
0x3fd: {  	v33 =	vld [tilespmem:$0x1FE20];
	v7 =	vadd.f32 v7, v38;
	v4 =	vadd.f32 v4, v5  }
0x3fe: {  	v8 =	vadd.f32 v8, v9;
	v5 =	vld [tilespmem:s0+$0x75E0];
	v3 =	vadd.f32 v3, v6  }
0x3ff: {  	v26 =	vld [tilespmem:s0+$0x7650];
	v1 =	vadd.f32 v1, v7;
	v2 =	vadd.f32 v2, v4  }
0x400: {  	v14 =	vld [tilespmem:s0+$0x75D0];
	v0 =	vadd.f32 v0, v8;
	v3 =	vadd.f32 v59, v3  }
0x401: {  	v36 =	vadd.f32 v49, v1;
	v35 =	vadd.f32 v48, v2;
	v2 =	vld [tilespmem:$0x1FE00]  }
0x402: {  	v37 =	vadd.f32 v47, v0;
	v0 =	vld [tilespmem:s0+$0x76E0];
	v1 =	vadd.f32 v50, v3  }
0x403: {  	v5 =	vadd.f32 v5, v32;
	v3 =	vld [tilespmem:s0+$0x76F0]  }
0x404: {  	[tilespmem:$0x1FD70] =	vst v1;
	v1 =	vadd.f32 v10, v39;
	v39 =	vmov v34;
	v34 =	vld [tilespmem:s0+$0x7760]  }
0x405: {  	v28 =	vld [tilespmem:s0+$0x76C0];
	v4 =	vadd.f32 v15, v5;
	v6 =	vadd.f32 v13, v33  }
0x406: {  	v38 =	vld [tilespmem:s0+$0x7770];
	v2 =	vadd.f32 v14, v2  }
0x407: {  	v7 =	vld [tilespmem:s0+$0x7B10];
	v0 =	vadd.f32 v0, v4;
	v47 =	vadd.f32 v19, v6  }
0x408: {  	v30 =	vld [tilespmem:s0+$0x78E0];
	v2 =	vadd.f32 v26, v2;
	v1 =	vadd.f32 v16, v1  }
0x409: {  	v49 =	vld [tilespmem:s0+$0x7A00];
	v3 =	vadd.f32 v3, v47;
	v0 =	vadd.f32 v34, v0  }
0x40a: {  	v32 =	vld [tilespmem:$0x1FBB0];
	v2 =	vadd.f32 v31, v2;
	v1 =	vadd.f32 v28, v1  }
0x40b: {  	v48 =	vld [tilespmem:s0+$0x7A90];
	v3 =	vadd.f32 v38, v3;
	v0 =	vadd.f32 v61, v0  }
0x40c: {  	v4 =	vld [tilespmem:s0+$0x7A80];
	v2 =	vadd.f32 v20, v2;
	v1 =	vadd.f32 v29, v1  }
0x40d: {  	v31 =	vld [tilespmem:$0x1FBA0];
	v3 =	vadd.f32 v63, v3;
	v0 =	vadd.f32 v56, v0  }
0x40e: {  	v2 =	vadd.f32 v62, v2;
	v62 =	vld [tilespmem:s0+$0x79B0];
	v1 =	vadd.f32 v60, v1  }
0x40f: {  	v33 =	vld [tilespmem:s0+$0x7B20];
	v3 =	vadd.f32 v58, v3;
	v0 =	vadd.f32 v30, v0  }
0x410: {  	v2 =	vadd.f32 v57, v2;
	v59 =	vld [tilespmem:s0+$0x7980];
	v1 =	vadd.f32 v55, v1  }
0x411: {  	v50 =	vld [tilespmem:s0+$0x7A10];
	v3 =	vadd.f32 v46, v3;
	v0 =	vadd.f32 v12, v0  }
0x412: {  	v2 =	vadd.f32 v45, v2;
	v61 =	vld [tilespmem:s0+$0x79A0];
	v1 =	vadd.f32 v25, v1  }
0x413: {  	v60 =	vld [tilespmem:s0+$0x7990];
	[tilespmem:$0x1FE10] =	vst v0;
	v0 =	vadd.f32 v18, v3  }
0x414: {  	v38 =	vadd.f32 v11, v1;
	v1 =	vadd.f32 v17, v2;
	v2 =	vld [tilespmem:$0x1FB90]  }
0x415: {  	[tilespmem:$0x1FE20] =	vst v0;
	v0 =	vld [tilespmem:$0x1FB80]  }
0x416: {  	v63 =	vld [tilespmem:s0+$0x7A20]  }
0x417: {  	v30 =	vld [tilespmem:s0+$0x7A30]  }
0x418: {  	[tilespmem:$0x1FE00] =	vst v1;
	v1 =	vld [tilespmem:s0+$0x7AA0]  }
0x419: {  	v9 =	vadd.f32 v61, v31;
	v3 =	vld [tilespmem:s0+$0x7AB0];
	v2 =	vadd.f32 v60, v2  }
0x41a: {  	v6 =	vld [tilespmem:s0+$0x7B00];
	v11 =	vadd.f32 v62, v32;
	v0 =	vadd.f32 v59, v0  }
0x41b: {  	v34 =	vld [tilespmem:s0+$0x7B30];
	v9 =	vadd.f32 v63, v9;
	v2 =	vadd.f32 v50, v2  }
0x41c: {  	v45 =	vld [tilespmem:s0+$0x7B40];
	v50 =	vadd.f32 v30, v11;
	v0 =	vadd.f32 v49, v0  }
0x41d: {  	v47 =	vld [tilespmem:s0+$0x7AC0];
	v1 =	vadd.f32 v1, v9;
	v2 =	vadd.f32 v48, v2  }
0x41e: {  	v46 =	vld [tilespmem:s0+$0x7B50];
	v3 =	vadd.f32 v3, v50;
	v0 =	vadd.f32 v4, v0  }
0x41f: {  	p1 =	sne.s32 s3, $0xE000;
	v62 =	vld [tilespmem:s0+$0x79D0];
	v1 =	vadd.f32 v33, v1;
	v2 =	vadd.f32 v7, v2  }
.Ltmp1:
0x420: {  	v59 =	vld [tilespmem:s0+$0x79C0];
	v3 =	vadd.f32 v34, v3;
	v0 =	vadd.f32 v6, v0;
	(pc) =	sbr.rel @p1 .LBB2_5-.Ltmp1, $4  }
0x421: {  	v48 =	vld [tilespmem:s0+$0x7AD0];
	v1 =	vadd.f32 v52, v1;
	v55 =	vadd.f32 v53, v2  }
0x422: {  	v50 =	vld [tilespmem:s0+$0x7A50];
	v3 =	vadd.f32 v54, v3;
	v0 =	vadd.f32 v51, v0  }
0x423: {  	v49 =	vld [tilespmem:s0+$0x7A40];
	v54 =	vadd.f32 v22, v1;
	v52 =	vadd.f32 v23, v55  }
0x424: {  	s3 =	sadd.s32 $0x2000, s3;
	v55 =	vadd.f32 v24, v3;
	v51 =	vld [tilespmem:s0+$0x79E0];
	v2 =	vadd.f32 v21, v0  }
0x425: {  	v0 =	vld @!p0 [tilespmem:s31+$0x1080]  }
0x426: {  	v1 =	vld [tilespmem:s0+$0x7AF0]  }
0x427: {  	v3 =	vld [tilespmem:s0+$0x7B70]  }
0x428: {  	v61 =	vld [tilespmem:s0+$0x79F0]  }
0x429: {  	v5 =	vld [tilespmem:s0+$0x7BF0]  }
0x42a: {  	v63 =	vld [tilespmem:s0+$0x7A60]  }
0x42b: {  	v9 =	vld [tilespmem:s0+$0x7A70];
	[tilespmem:$0x1F9C0] =	vst v1;
	v1 =	vshll.u32 @!p0 v0, $0x1  }
0x42c: {  	v10 =	vld [tilespmem:s0+$0x7AE0];
	[tilespmem:$0x1F9D0] =	vst v3;
	v0 =	vand.u32 @!p0 $0x7, v0;
	v3 =	vlaneseq.u32 @!p0;
	v1 =	vand.u32 @!p0 $0xFFFFFFF0, v1  }
0x42d: {  	v11 =	vld [tilespmem:s0+$0x7B60];
	v4 =	vshrl.u32 @!p0 v3, $0x3;
	v0 =	vor.u32 @!p0 v0, v1;
	v1 =	vand.u32 @!p0 $0x7, v3  }
0x42e: {  	v34 =	vld [tilespmem:s0+$0x7BE0];
	[tilespmem:$0x1F9E0] =	vst v5;
	v4 =	vmul.u32 @!p0 $0x8, v4;
	v5 =	vperm.xlane @!p0 v0, v1  }
0x42f: {  	v32 =	vld [tilespmem:s0+$0x7CE0];
	v3 =	vor.u32 @!p0 $0x8, v3  }
0x430: {  	v6 =	vld [tilespmem:s0+$0x7C60];
	v0 =	vperm.xlane @!p0 v0, v3;
	v5 =	vadd.s32 @!p0 v4, v5  }
0x431: {  	v60 =	vld [tilespmem:s0+$0x7C70]  }
0x432: {  	v33 =	vld [tilespmem:s0+$0x7CF0];
	v0 =	vadd.s32 @!p0 v4, v0  }
0x433: {  	v53 =	vld [tilespmem:s0+$0x7D70]  }
0x434: {  	s3 =	simm.s32 @!p0 $0x7580;
	[tilespmem:$0x1FA10] =	vst v32;
	v32 =	vld [tilespmem:s0+$0x7D60];
	s0 =	simm.s32 @!p0 $0x0  }
0x435: {  	[tilespmem:s3], [sflag:$0x2] =	stream.indirect_vreg.gather @!p0 [hbm4b:s1+s0], $0x80, v5, vm1, $0xb8;
	[tilespmem:$0x15580] =	vst v63  }
0x436: {  	s3 =	simm.s32 @!p0 $0x7D80  }
0x437: {  	[tilespmem:s3], [sflag:$0x2] =	stream.indirect_vreg.gather @!p0 [hbm4b:s1+s0], $0x80, v0, vm1, $0xb8;
	[tilespmem:$0x15580] =	vst v63  }
0x438: {  	v0 =	vld @!p0 [tilespmem:s31+$0x1090];
	_ =	sdelay $0x4  }
0x439: {  	v5 =	vshll.u32 @!p0 v0, $0x1  }
0x43a: {  	v0 =	vand.u32 @!p0 $0x7, v0;
	v5 =	vand.u32 @!p0 $0xFFFFFFF0, v5  }
0x43b: {  	v0 =	vor.u32 @!p0 v0, v5  }
0x43c: {  	v5 =	vperm.xlane @!p0 v0, v1;
	_ =	sdelay $0x1  }
0x43d: {  	v0 =	vperm.xlane @!p0 v0, v3;
	v5 =	vadd.s32 @!p0 v4, v5;
	_ =	sdelay $0x1  }
0x43e: {  	v0 =	vadd.s32 @!p0 v4, v0;
	_ =	sdelay $0x1  }
0x43f: {  	s3 =	simm.s32 @!p0 $0x8580  }
0x440: {  	[tilespmem:s3], [sflag:$0x2] =	stream.indirect_vreg.gather @!p0 [hbm4b:s1+s0], $0x80, v5, vm1, $0xb8;
	[tilespmem:$0x15580] =	vst v63  }
0x441: {  	s3 =	simm.s32 @!p0 $0x8D80  }
0x442: {  	[tilespmem:s3], [sflag:$0x2] =	stream.indirect_vreg.gather @!p0 [hbm4b:s1+s0], $0x80, v0, vm1, $0xb8;
	[tilespmem:$0x15580] =	vst v63  }
0x443: {  	v0 =	vld @!p0 [tilespmem:s31+$0x10A0];
	_ =	sdelay $0x4  }
0x444: {  	v5 =	vshll.u32 @!p0 v0, $0x1  }
0x445: {  	v0 =	vand.u32 @!p0 $0x7, v0;
	v5 =	vand.u32 @!p0 $0xFFFFFFF0, v5  }
0x446: {  	v0 =	vor.u32 @!p0 v0, v5  }
0x447: {  	v5 =	vperm.xlane @!p0 v0, v1;
	_ =	sdelay $0x1  }
0x448: {  	v0 =	vperm.xlane @!p0 v0, v3;
	v5 =	vadd.s32 @!p0 v4, v5;
	_ =	sdelay $0x1  }
0x449: {  	v0 =	vadd.s32 @!p0 v4, v0;
	_ =	sdelay $0x1  }
0x44a: {  	s3 =	simm.s32 @!p0 $0x9580  }
0x44b: {  	[tilespmem:s3], [sflag:$0x2] =	stream.indirect_vreg.gather @!p0 [hbm4b:s1+s0], $0x80, v5, vm1, $0xb8;
	[tilespmem:$0x15580] =	vst v63  }
0x44c: {  	s3 =	simm.s32 @!p0 $0x9D80  }
0x44d: {  	[tilespmem:s3], [sflag:$0x2] =	stream.indirect_vreg.gather @!p0 [hbm4b:s1+s0], $0x80, v0, vm1, $0xb8;
	[tilespmem:$0x15580] =	vst v63  }
0x44e: {  	v0 =	vld @!p0 [tilespmem:s31+$0x10B0];
	_ =	sdelay $0x4  }
0x44f: {  	v5 =	vshll.u32 @!p0 v0, $0x1  }
0x450: {  	v0 =	vand.u32 @!p0 $0x7, v0;
	v5 =	vand.u32 @!p0 $0xFFFFFFF0, v5  }
0x451: {  	v0 =	vor.u32 @!p0 v0, v5  }
0x452: {  	v1 =	vperm.xlane @!p0 v0, v1;
	_ =	sdelay $0x1  }
0x453: {  	v0 =	vperm.xlane @!p0 v0, v3;
	v1 =	vadd.s32 @!p0 v4, v1;
	_ =	sdelay $0x1  }
0x454: {  	[tilespmem:$0x1F9F0] =	vst v6;
	v0 =	vadd.s32 @!p0 v4, v0  }
0x455: {  	[tilespmem:$0x1FA00] =	vst v60  }
0x456: {  	[tilespmem:$0x1FA20] =	vst v33;
	s3 =	simm.s32 @!p0 $0xA580  }
0x457: {  	[tilespmem:s3], [sflag:$0x2] =	stream.indirect_vreg.gather @!p0 [hbm4b:s1+s0], $0x80, v1, vm1, $0xb8;
	[tilespmem:$0x15580] =	vst v63  }
0x458: {  	[tilespmem:$0x1FA30] =	vst v53;
	s3 =	simm.s32 @!p0 $0xAD80  }
0x459: {  	[tilespmem:s3], [sflag:$0x2] =	stream.indirect_vreg.gather @!p0 [hbm4b:s1+s0], $0x80, v0, vm1, $0xb8;
	[tilespmem:$0x15580] =	vst v63  }
0x45a: {  	_ =	swait.ge [sflag:s25], $0x4000  }
0x45b: {  	[sflag:s25] =	ssyncset.done $0x0  }
0x45c: {  	v62 =	vadd.f32 v62, v40;
	v40 =	vadd.f32 v51, v41;
	s0 =	simm.s32 $0x0;
	v51 =	vld [tilespmem:$0x1FA00];
	[sflag:s25] =	ssyncadd.s32 $0xFFFFC000  }
0x45d: {  	v56 =	vld [tilespmem:s0+$0xB900]  }
0x45e: {  	v57 =	vld [tilespmem:s0+$0xB910]  }
0x45f: {  	v58 =	vld [tilespmem:s0+$0xB920]  }
0x460: {  	v60 =	vld [tilespmem:s0+$0xB930]  }
0x461: {  	v4 =	vld [tilespmem:s0+$0xB940]  }
0x462: {  	v5 =	vld [tilespmem:s0+$0xB950]  }
0x463: {  	v6 =	vld [tilespmem:s0+$0xB960]  }
0x464: {  	v7 =	vld [tilespmem:s0+$0xB970]  }
0x465: {  	v30 =	vld [tilespmem:s0+$0xBD00]  }
0x466: {  	v21 =	vld [tilespmem:s0+$0xBD10]  }
0x467: {  	v13 =	vld [tilespmem:s0+$0xBD20]  }
0x468: {  	v12 =	vld [tilespmem:s0+$0xBD30]  }
0x469: {  	v22 =	vld [tilespmem:s0+$0xBD40]  }
0x46a: {  	v17 =	vld [tilespmem:s0+$0xBD50]  }
0x46b: {  	v0 =	vld [tilespmem:s0+$0xB880]  }
0x46c: {  	v1 =	vld [tilespmem:s0+$0xB890]  }
0x46d: {  	v53 =	vld [tilespmem:s0+$0xB8A0]  }
0x46e: {  	v8 =	vld [tilespmem:s0+$0xB8C0]  }
0x46f: {  	v33 =	vld [tilespmem:s0+$0xB8D0]  }
0x470: {  	v14 =	vld [tilespmem:s0+$0xBCC0]  }
0x471: {  	v18 =	vld [tilespmem:s0+$0xBCD0]  }
0x472: {  	v15 =	vld [tilespmem:s0+$0xB810]  }
0x473: {  	v16 =	vld [tilespmem:s0+$0xB820]  }
0x474: {  	v19 =	vld [tilespmem:s0+$0xB830]  }
0x475: {  	v25 =	vld [tilespmem:s0+$0xBC00]  }
0x476: {  	v23 =	vld [tilespmem:s0+$0xBC20]  }
0x477: {  	v24 =	vld [tilespmem:s0+$0xBC30]  }
0x478: {  	v31 =	vld [tilespmem:s0+$0xBC50]  }
0x479: {  	v20 =	vld [tilespmem:s0+$0xB780]  }
0x47a: {  	v26 =	vld [tilespmem:s0+$0xB790]  }
0x47b: {  	v28 =	vld [tilespmem:s0+$0xB7A0]  }
0x47c: {  	v29 =	vld [tilespmem:s0+$0xB7B0]  }
0x47d: {  	v2 =	vadd.f32 v27, v2;
	v27 =	vld [tilespmem:s0+$0xB7F0]  }
0x47e: {  	v59 =	vadd.f32 v59, v39;
	v39 =	vld [tilespmem:s0+$0xBBB0]  }
0x47f: {  	v41 =	vld [tilespmem:s0+$0xBBC0]  }
0x480: {  	[tilespmem:$0x1FA40] =	vst v56;
	v56 =	vld [tilespmem:s0+$0xB8B0]  }
0x481: {  	[tilespmem:$0x1FA50] =	vst v57;
	v57 =	vld [tilespmem:s0+$0xB8E0]  }
0x482: {  	[tilespmem:$0x1FA60] =	vst v58;
	v58 =	vld [tilespmem:s0+$0xB8F0]  }
0x483: {  	[tilespmem:$0x1FA70] =	vst v60;
	v60 =	vld [tilespmem:s0+$0xBC80]  }
0x484: {  	[tilespmem:$0x1FB20] =	vst v6;
	v6 =	vld [tilespmem:s0+$0xBC90]  }
0x485: {  	[tilespmem:$0x1FB30] =	vst v7;
	v7 =	vld [tilespmem:s0+$0xBCA0]  }
0x486: {  	[tilespmem:$0x1FAC0] =	vst v8;
	v8 =	vld [tilespmem:s0+$0xBCB0]  }
0x487: {  	[tilespmem:$0x1FAD0] =	vst v33;
	v33 =	vld [tilespmem:s0+$0xB840]  }
0x488: {  	[tilespmem:$0x1FB10] =	vst v5;
	v5 =	vld [tilespmem:s0+$0xBB90]  }
0x489: {  	[tilespmem:$0x1F9B0] =	vst v41;
	v41 =	vld [tilespmem:s0+$0xB600]  }
0x48a: {  	[tilespmem:$0x1F980] =	vst v6;
	v6 =	vld [tilespmem:s0+$0xB800]  }
0x48b: {  	[tilespmem:$0x1F9A0] =	vst v8;
	v8 =	vld [tilespmem:$0x1FC20]  }
0x48c: {  	[tilespmem:$0x1FAE0] =	vst v57;
	v57 =	vld [tilespmem:s0+$0xB850]  }
0x48d: {  	[tilespmem:$0x1FAF0] =	vst v58;
	v58 =	vld [tilespmem:s0+$0xB860]  }
0x48e: {  	[tilespmem:$0x1F970] =	vst v60;
	v60 =	vld [tilespmem:s0+$0xB870]  }
0x48f: {  	[tilespmem:$0x1F990] =	vst v7;
	v7 =	vld [tilespmem:s0+$0xBC10]  }
0x490: {  	v3 =	vadd.f32 v8, v52;
	v52 =	vld [tilespmem:$0x1FC30]  }
0x491: {  	[tilespmem:$0x1FA80] =	vst v33;
	v33 =	vld [tilespmem:s0+$0xBC40]  }
0x492: {  	v8 =	vld [tilespmem:$0x1FC40]  }
0x493: {  	[tilespmem:$0x1FB50] =	vst v5;
	v5 =	vld [tilespmem:s0+$0xB700]  }
0x494: {  	[tilespmem:$0x1FA90] =	vst v57;
	v57 =	vld [tilespmem:s0+$0xB7C0]  }
0x495: {  	[tilespmem:$0x1FB00] =	vst v4;
	v4 =	vadd.f32 v52, v54;
	v52 =	vld [tilespmem:s0+$0xBB80]  }
0x496: {  	v54 =	vld [tilespmem:$0x1FBC0]  }
0x497: {  	[tilespmem:$0x1FB70] =	vst v7;
	v7 =	vadd.f32 v8, v55;
	v8 =	vld [tilespmem:$0x1FBE0]  }
0x498: {  	[tilespmem:$0x1FAA0] =	vst v58;
	v58 =	vld [tilespmem:s0+$0xB7D0]  }
0x499: {  	v55 =	vld [tilespmem:$0x1FBD0]  }
0x49a: {  	[tilespmem:$0x1FAB0] =	vst v60;
	v60 =	vld [tilespmem:s0+$0xB7E0]  }
0x49b: {  	[tilespmem:$0x1FB40] =	vst v52;
	v52 =	vld [tilespmem:$0x1FBF0]  }
0x49c: {  	v54 =	vadd.f32 v54, v2;
	v2 =	vadd.f32 v8, v4;
	v8 =	vld [tilespmem:s0+$0xBBA0]  }
0x49d: {  	v4 =	vadd.f32 v50, v62;
	v62 =	vld [tilespmem:s0+$0xBBD0]  }
0x49e: {  	v55 =	vadd.f32 v55, v3;
	v3 =	vadd.f32 v49, v59;
	v49 =	vld [tilespmem:$0x1FC80]  }
0x49f: {  	v50 =	vld [tilespmem:$0x1F9F0]  }
0x4a0: {  	v59 =	vld [tilespmem:$0x1FC50]  }
0x4a1: {  	v3 =	vadd.f32 v47, v3;
	v4 =	vadd.f32 v48, v4;
	v47 =	vld [tilespmem:$0x1F9E0]  }
0x4a2: {  	v48 =	vld [tilespmem:$0x1FC70]  }
0x4a3: {  	v4 =	vadd.f32 v46, v4;
	v46 =	vld [tilespmem:$0x1F9D0]  }
0x4a4: {  	v3 =	vadd.f32 v45, v3;
	v45 =	vld [tilespmem:s0+$0xB5A0]  }
0x4a5: {  	[tilespmem:$0x1FB60] =	vst v8;
	v8 =	vadd.f32 v61, v42;
	v42 =	vld [tilespmem:$0x1F9C0]  }
0x4a6: {  	v52 =	vadd.f32 v52, v7;
	v7 =	vadd.f32 v63, v40;
	v40 =	vld [tilespmem:s0+$0xB690]  }
0x4a7: {  	v61 =	vld [tilespmem:$0x1FC60]  }
0x4a8: {  	v63 =	vld [tilespmem:$0x1FA10]  }
0x4a9: {  	v3 =	vadd.f32 v43, v3;
	v43 =	vld [tilespmem:s0+$0xB580]  }
0x4aa: {  	v4 =	vadd.f32 v44, v4;
	v44 =	vld [tilespmem:s0+$0xB590]  }
0x4ab: {  	v8 =	vadd.f32 v9, v8;
	v9 =	vld [tilespmem:s0+$0xB710]  }
0x4ac: {  	v7 =	vadd.f32 v10, v7;
	v10 =	vld [tilespmem:s0+$0xB680]  }
0x4ad: {  	v4 =	vadd.f32 v49, v4;
	v49 =	vld [tilespmem:s0+$0xB620]  }
0x4ae: {  	v7 =	vadd.f32 v11, v7;
	v11 =	vld [tilespmem:s0+$0xB630]  }
0x4af: {  	v36 =	vadd.f32 v45, v36;
	v45 =	vld [tilespmem:$0x1FD70]  }
0x4b0: {  	v8 =	vadd.f32 v42, v8;
	v42 =	vld [tilespmem:s0+$0xB610]  }
0x4b1: {  	v4 =	vadd.f32 v61, v4;
	v61 =	vld [tilespmem:$0x1FA20]  }
0x4b2: {  	v43 =	vadd.f32 v43, v37;
	v35 =	vadd.f32 v44, v35;
	v44 =	vld [tilespmem:$0x1FE10]  }
0x4b3: {  	v8 =	vadd.f32 v46, v8;
	v46 =	vld [tilespmem:s0+$0xB5B0]  }
0x4b4: {  	v7 =	vadd.f32 v34, v7;
	v41 =	vadd.f32 v41, v43;
	v43 =	vld [tilespmem:s0+$0xB740]  }
0x4b5: {  	v36 =	vadd.f32 v49, v36;
	v49 =	vld [tilespmem:s0+$0xB5C0]  }
0x4b6: {  	v7 =	vadd.f32 v50, v7;
	v50 =	vld [tilespmem:s0+$0xB5F0]  }
0x4b7: {  	v8 =	vadd.f32 v47, v8;
	v47 =	vld [tilespmem:s0+$0xB6A0]  }
0x4b8: {  	v34 =	vadd.f32 v63, v7;
	v63 =	vld [tilespmem:$0x1FC00]  }
0x4b9: {  	v7 =	vld [tilespmem:s0+$0xB6B0]  }
0x4ba: {  	v10 =	vadd.f32 v10, v41;
	v41 =	vld [tilespmem:s0+$0xB6C0]  }
0x4bb: {  	v35 =	vadd.f32 v42, v35;
	v42 =	vld [tilespmem:s0+$0xB6F0]  }
0x4bc: {  	v8 =	vadd.f32 v51, v8;
	v51 =	vld [tilespmem:s0+$0xB720]  }
0x4bd: {  	v35 =	vadd.f32 v40, v35;
	v40 =	vld [tilespmem:s0+$0xB750]  }
0x4be: {  	v5 =	vadd.f32 v5, v10;
	v10 =	vld [tilespmem:s0+$0xB6D0]  }
0x4bf: {  	v3 =	vadd.f32 v48, v3;
	v48 =	vadd.f32 v61, v8;
	v8 =	vld [tilespmem:$0x1FC10]  }
0x4c0: {  	v36 =	vadd.f32 v47, v36;
	v47 =	vld [tilespmem:s0+$0xB640]  }
0x4c1: {  	v3 =	vadd.f32 v59, v3;
	v9 =	vadd.f32 v9, v35;
	v35 =	vld [tilespmem:s0+$0xBA90]  }
0x4c2: {  	v20 =	vadd.f32 v20, v5;
	v5 =	vld [tilespmem:s0+$0xBA00]  }
0x4c3: {  	v61 =	vadd.f32 v63, v3;
	v63 =	vld [tilespmem:$0x1FA30]  }
0x4c4: {  	v3 =	vld [tilespmem:s0+$0xBA10];
	v26 =	vadd.f32 v26, v9  }
0x4c5: {  	v9 =	vld [tilespmem:s0+$0xBA80]  }
0x4c6: {  	v15 =	vadd.f32 v15, v26;
	v26 =	vld [tilespmem:s0+$0xB5D0]  }
0x4c7: {  	v59 =	vadd.f32 v8, v4;
	v8 =	vld [tilespmem:$0x1FA60]  }
0x4c8: {  	v34 =	vadd.f32 v32, v34;
	v32 =	vadd.f32 v63, v48;
	v63 =	vld [tilespmem:s0+$0xB730]  }
0x4c9: {  	v48 =	vadd.f32 v46, v45;
	v45 =	vadd.f32 v51, v36;
	v51 =	vld [tilespmem:s0+$0xB660]  }
0x4ca: {  	v36 =	vld [tilespmem:s0+$0xB6E0]  }
0x4cb: {  	v37 =	vadd.f32 v11, v48;
	v48 =	vld [tilespmem:s0+$0xB650];
	v28 =	vadd.f32 v28, v45  }
0x4cc: {  	v11 =	vld [tilespmem:$0x1FA70]  }
0x4cd: {  	v45 =	vld [tilespmem:$0x1FE20];
	v16 =	vadd.f32 v16, v28  }
0x4ce: {  	v37 =	vadd.f32 v7, v37;
	v28 =	vld [tilespmem:s0+$0xB5E0]  }
0x4cf: {  	v1 =	vadd.f32 v1, v15;
	v15 =	vadd.f32 v53, v16;
	v53 =	vld [tilespmem:$0x1FA40]  }
0x4d0: {  	v6 =	vadd.f32 v6, v20;
	v46 =	vadd.f32 v63, v37;
	v63 =	vld [tilespmem:s0+$0xB670]  }
0x4d1: {  	v37 =	vld [tilespmem:s0+$0xBAD0]  }
0x4d2: {  	v0 =	vadd.f32 v0, v6;
	v6 =	vadd.f32 v50, v45;
	v50 =	vld [tilespmem:$0x1FA90]  }
0x4d3: {  	v45 =	vld [tilespmem:$0x1FB20]  }
0x4d4: {  	v29 =	vadd.f32 v29, v46;
	v46 =	vld [tilespmem:s0+$0xB760]  }
0x4d5: {  	v28 =	vadd.f32 v28, v44;
	v44 =	vld [tilespmem:s0+$0xBA30]  }
0x4d6: {  	v20 =	vadd.f32 v53, v0;
	v0 =	vadd.f32 v63, v6;
	v6 =	vld [tilespmem:s0+$0xBB00]  }
0x4d7: {  	v28 =	vadd.f32 v51, v28;
	v51 =	vld [tilespmem:s0+$0xB990]  }
0x4d8: {  	v19 =	vadd.f32 v19, v29;
	v53 =	vld [tilespmem:$0x1FAA0]  }
0x4d9: {  	v63 =	vld [tilespmem:s0+$0xB9B0]  }
0x4da: {  	v29 =	vadd.f32 v56, v19;
	v56 =	vld [tilespmem:$0x1FA50]  }
0x4db: {  	v16 =	vadd.f32 v8, v15;
	v0 =	vadd.f32 v42, v0;
	v42 =	vld [tilespmem:$0x1FB00]  }
0x4dc: {  	v15 =	vadd.f32 v11, v29;
	v29 =	vadd.f32 v49, v38;
	v38 =	vld [tilespmem:$0x1FE00]  }
0x4dd: {  	v49 =	vld [tilespmem:$0x1FA80]  }
0x4de: {  	v11 =	vld [tilespmem:$0x1FAE0]  }
0x4df: {  	v29 =	vadd.f32 v47, v29;
	v47 =	vld [tilespmem:s0+$0xB770]  }
0x4e0: {  	v19 =	vadd.f32 v56, v1;
	v56 =	vld [tilespmem:$0x1FAB0]  }
0x4e1: {  	v1 =	vadd.f32 v36, v28;
	v36 =	vld [tilespmem:s0+$0xBB40];
	v26 =	vadd.f32 v26, v38  }
0x4e2: {  	v29 =	vadd.f32 v41, v29;
	v41 =	vld [tilespmem:s0+$0xBA20]  }
0x4e3: {  	v1 =	vadd.f32 v46, v1;
	v46 =	vld [tilespmem:$0x1FB30];
	v26 =	vadd.f32 v48, v26  }
0x4e4: {  	v28 =	vadd.f32 v43, v29;
	v43 =	vld [tilespmem:$0x1FB10];
	v0 =	vadd.f32 v47, v0  }
0x4e5: {  	v1 =	vadd.f32 v60, v1;
	v48 =	vld [tilespmem:s0+$0xB980];
	v26 =	vadd.f32 v10, v26  }
0x4e6: {  	v60 =	vld [tilespmem:$0x1FAD0];
	v28 =	vadd.f32 v57, v28;
	v0 =	vadd.f32 v27, v0  }
0x4e7: {  	v57 =	vld [tilespmem:s0+$0xB9A0];
	v1 =	vadd.f32 v53, v1;
	v26 =	vadd.f32 v40, v26  }
0x4e8: {  	v27 =	vadd.f32 v49, v28;
	v49 =	vadd.f32 v51, v55;
	v40 =	vld [tilespmem:$0x1FAF0]  }
0x4e9: {  	v51 =	vadd.f32 v63, v52;
	v26 =	vadd.f32 v58, v26;
	v58 =	vld [tilespmem:$0x1FAC0]  }
0x4ea: {  	v47 =	vld [tilespmem:s0+$0xBAA0];
	v0 =	vadd.f32 v56, v0;
	v1 =	vadd.f32 v11, v1  }
0x4eb: {  	v10 =	vld [tilespmem:s0+$0xBB10];
	v48 =	vadd.f32 v48, v54;
	v26 =	vadd.f32 v50, v26  }
0x4ec: {  	v52 =	vld [tilespmem:s0+$0xBB20];
	v53 =	vadd.f32 v3, v49;
	v38 =	vadd.f32 v44, v51  }
0x4ed: {  	v63 =	vld [tilespmem:$0x1FB70];
	v2 =	vadd.f32 v57, v2;
	v26 =	vadd.f32 v60, v26  }
0x4ee: {  	v50 =	vld [tilespmem:s0+$0xBAB0];
	v0 =	vadd.f32 v40, v0;
	v27 =	vadd.f32 v58, v27  }
0x4ef: {  	v54 =	vld [tilespmem:s0+$0xBB30];
	v2 =	vadd.f32 v41, v2;
	v28 =	vadd.f32 v43, v26  }
0x4f0: {  	v60 =	vld [tilespmem:$0x1FB60];
	v26 =	vadd.f32 v46, v0;
	v29 =	vadd.f32 v42, v27  }
0x4f1: {  	v58 =	vld [tilespmem:$0x1FB50];
	v27 =	vadd.f32 v45, v1;
	v1 =	vadd.f32 v5, v48  }
0x4f2: {  	v57 =	vld [tilespmem:$0x1FB40];
	v0 =	vadd.f32 v47, v2;
	v5 =	vadd.f32 v35, v53  }
0x4f3: {  	v44 =	vld [tilespmem:s0+$0xBA40];
	v55 =	vadd.f32 v50, v38;
	v1 =	vadd.f32 v9, v1  }
0x4f4: {  	v43 =	vld [tilespmem:s0+$0xBA50];
	v0 =	vadd.f32 v52, v0;
	v56 =	vadd.f32 v10, v5  }
0x4f5: {  	v46 =	vld [tilespmem:s0+$0xB9C0];
	v2 =	vadd.f32 v54, v55;
	v1 =	vadd.f32 v6, v1  }
0x4f6: {  	v35 =	vld [tilespmem:s0+$0xBB50];
	v0 =	vadd.f32 v60, v0;
	v6 =	vadd.f32 v58, v56  }
0x4f7: {  	v38 =	vld [tilespmem:s0+$0xBAC0];
	v2 =	vadd.f32 v39, v2;
	v1 =	vadd.f32 v57, v1  }
0x4f8: {  	v45 =	vld [tilespmem:s0+$0xB9D0];
	v53 =	vadd.f32 v23, v0;
	v54 =	vadd.f32 v63, v6  }
0x4f9: {  	s3 =	simm.s32 $0x2000;
	v39 =	vld [tilespmem:s0+$0xB9E0];
	v50 =	vadd.f32 v24, v2;
	v55 =	vadd.f32 v25, v1  }
.LBB2_7:
0x4fa: {  	v0 =	vld [tilespmem:s0+$0xB9F0]  }
0x4fb: {  	v1 =	vld [tilespmem:$0x1F970]  }
0x4fc: {  	v2 =	vld [tilespmem:$0x1F980]  }
0x4fd: {  	v6 =	vld [tilespmem:s0+$0xBA60]  }
0x4fe: {  	v3 =	vld [tilespmem:$0x1F990]  }
0x4ff: {  	v25 =	vld [tilespmem:s0+$0xBA70]  }
0x500: {  	v57 =	vld [tilespmem:s0+$0xBAE0]  }
0x501: {  	v1 =	vadd.f32 v1, v55;
	v55 =	vld [tilespmem:$0x1F9A0]  }
0x502: {  	v8 =	vld [tilespmem:s0+$0xBAF0]  }
0x503: {  	v11 =	vld [tilespmem:s0+$0xBB70]  }
0x504: {  	v40 =	vld [tilespmem:s0+$0xBC70]  }
0x505: {  	v41 =	vld [tilespmem:s0+$0xBCE0];
	v0 =	vadd.f32 v0, v32  }
0x506: {  	v5 =	vld [tilespmem:$0x1F9B0];
	v23 =	vadd.f32 v55, v50  }
0x507: {  	v42 =	vld [tilespmem:s0+$0xBCF0];
	v0 =	vadd.f32 v25, v0  }
0x508: {  	v7 =	vadd.f32 v45, v59;
	v60 =	vadd.f32 v12, v23;
	v12 =	vld [tilespmem:s0+$0xBBF0]  }
0x509: {  	v4 =	vadd.f32 v39, v34;
	v34 =	vld [tilespmem:s0+$0xBBE0];
	v0 =	vadd.f32 v8, v0  }
0x50a: {  	v63 =	vadd.f32 v46, v61;
	v39 =	vld [tilespmem:s0+$0xBC60];
	v2 =	vadd.f32 v2, v54  }
0x50b: {  	v32 =	vld [tilespmem:s0+$0xBB60];
	v7 =	vadd.f32 v43, v7;
	v0 =	vadd.f32 v11, v0  }
0x50c: {  	v43 =	vld [tilespmem:s0+$0xBD60];
	v56 =	vadd.f32 v21, v2;
	v2 =	vadd.f32 v44, v63  }
0x50d: {  	v0 =	vadd.f32 v12, v0;
	v12 =	vld [tilespmem:s0+$0xBD70];
	s0 =	sshra.s32 s3, $0x2  }
0x50e: {  	v2 =	vadd.f32 v38, v2;
	v47 =	vld [tilespmem:s0+$0xB900]  }
0x50f: {  	v48 =	vld [tilespmem:s0+$0xB910]  }
0x510: {  	v2 =	vadd.f32 v36, v2;
	v49 =	vld [tilespmem:s0+$0xB920]  }
0x511: {  	v54 =	vld [tilespmem:s0+$0xB930]  }
0x512: {  	v2 =	vadd.f32 v5, v2;
	v52 =	vld [tilespmem:s0+$0xB940]  }
0x513: {  	v24 =	vadd.f32 v3, v53;
	v4 =	vadd.f32 v6, v4;
	v53 =	vld [tilespmem:s0+$0xB950]  }
0x514: {  	v7 =	vadd.f32 v37, v7;
	v2 =	vadd.f32 v33, v2;
	v55 =	vld [tilespmem:s0+$0xB960]  }
0x515: {  	v1 =	vadd.f32 v30, v1;
	v58 =	vadd.f32 v13, v24;
	[tilespmem:$0x1F8C0] =	vst v56;
	v56 =	vld [tilespmem:s0+$0xB970]  }
0x516: {  	v7 =	vadd.f32 v35, v7;
	v2 =	vadd.f32 v14, v2;
	v14 =	vmov v26;
	v26 =	vld [tilespmem:s0+$0xBD00]  }
0x517: {  	[tilespmem:$0x1F8B0] =	vst v1;
	v1 =	vadd.f32 v57, v4;
	v57 =	vld [tilespmem:s0+$0xBD10]  }
0x518: {  	[tilespmem:$0x1F8D0] =	vst v58;
	v7 =	vadd.f32 v62, v7;
	v58 =	vld [tilespmem:s0+$0xBD20]  }
0x519: {  	v59 =	vld [tilespmem:s0+$0xBD30]  }
0x51a: {  	[tilespmem:$0x1F8E0] =	vst v60;
	v7 =	vadd.f32 v31, v7;
	v60 =	vld [tilespmem:s0+$0xBD40]  }
0x51b: {  	v61 =	vld [tilespmem:s0+$0xBD50]  }
0x51c: {  	v46 =	vadd.f32 v18, v7;
	v45 =	vld [tilespmem:s0+$0xB8D0]  }
0x51d: {  	v44 =	vld [tilespmem:s0+$0xB8E0]  }
0x51e: {  	v35 =	vmov v27;
	v27 =	vadd.f32 v17, v46;
	v46 =	vld [tilespmem:s0+$0xB8F0]  }
0x51f: {  	v62 =	vld [tilespmem:s0+$0xBC80]  }
0x520: {  	v63 =	vld [tilespmem:s0+$0xBC90]  }
0x521: {  	v6 =	vld [tilespmem:s0+$0xBCA0]  }
0x522: {  	v7 =	vld [tilespmem:s0+$0xBCB0]  }
0x523: {  	v37 =	vld [tilespmem:s0+$0xBCC0]  }
0x524: {  	v36 =	vld [tilespmem:s0+$0xBCD0]  }
0x525: {  	v1 =	vadd.f32 v32, v1;
	v10 =	vld [tilespmem:s0+$0xB810]  }
0x526: {  	v5 =	vld [tilespmem:s0+$0xB820]  }
0x527: {  	v1 =	vadd.f32 v34, v1;
	v9 =	vld [tilespmem:s0+$0xB830]  }
0x528: {  	v8 =	vld [tilespmem:s0+$0xBC00]  }
0x529: {  	v1 =	vadd.f32 v39, v1;
	v39 =	vld [tilespmem:s0+$0xBC10]  }
0x52a: {  	v11 =	vld [tilespmem:s0+$0xBC20]  }
0x52b: {  	v32 =	vld [tilespmem:s0+$0xBC30]  }
0x52c: {  	v1 =	vadd.f32 v41, v1;
	v41 =	vld [tilespmem:s0+$0xBC40]  }
0x52d: {  	v34 =	vld [tilespmem:s0+$0xBC50]  }
0x52e: {  	v17 =	vld [tilespmem:s0+$0xB7A0]  }
0x52f: {  	v31 =	vld [tilespmem:s0+$0xB7B0]  }
0x530: {  	v13 =	vld [tilespmem:s0+$0xB7D0]  }
0x531: {  	v50 =	vld [tilespmem:s0+$0xBB80]  }
0x532: {  	v51 =	vld [tilespmem:s0+$0xBBA0]  }
0x533: {  	v33 =	vld [tilespmem:s0+$0xBBC0]  }
0x534: {  	v18 =	vld [tilespmem:s0+$0xB680]  }
0x535: {  	v21 =	vld [tilespmem:s0+$0xB690]  }
0x536: {  	v3 =	vld [tilespmem:s0+$0xB600]  }
0x537: {  	v4 =	vld [tilespmem:s0+$0xB580]  }
0x538: {  	v23 =	vld [tilespmem:s0+$0xB590]  }
0x539: {  	v24 =	vld [tilespmem:s0+$0xB5A0]  }
0x53a: {  	v25 =	vld [tilespmem:s0+$0xB620]  }
0x53b: {  	v30 =	vld [tilespmem:s0+$0xB630]  }
0x53c: {  	v0 =	vadd.f32 v40, v0;
	v38 =	vadd.f32 v22, v2;
	v2 =	vld [tilespmem:s0+$0xB890]  }
0x53d: {  	v22 =	vld [tilespmem:s0+$0xB610]  }
0x53e: {  	v0 =	vadd.f32 v42, v0;
	v42 =	vadd.f32 v43, v1;
	v1 =	vld [tilespmem:s0+$0xB8A0]  }
0x53f: {  	v43 =	vld [tilespmem:s0+$0xB8C0]  }
0x540: {  	v40 =	vadd.f32 v12, v0;
	v0 =	vld [tilespmem:s0+$0xB880]  }
0x541: {  	[tilespmem:$0x1F930] =	vst v59;
	v59 =	vld [tilespmem:s0+$0xB8B0]  }
0x542: {  	[tilespmem:$0x1F990] =	vst v6;
	v6 =	vld [tilespmem:s0+$0xB800]  }
0x543: {  	[tilespmem:$0x1F890] =	vst v55;
	v55 =	vld [tilespmem:s0+$0xB840]  }
0x544: {  	[tilespmem:$0x1F920] =	vst v57;
	v57 =	vld [tilespmem:s0+$0xB850]  }
0x545: {  	[tilespmem:$0x1F8A0] =	vst v56;
	v56 =	vld [tilespmem:s0+$0xB860]  }
0x546: {  	[tilespmem:$0x1F910] =	vst v58;
	v58 =	vld [tilespmem:s0+$0xB870]  }
0x547: {  	[tilespmem:$0x1F950] =	vst v11;
	v11 =	vld [tilespmem:s0+$0xB780]  }
0x548: {  	v12 =	vld [tilespmem:s0+$0xB790]  }
0x549: {  	[tilespmem:$0x1F900] =	vst v60;
	v60 =	vld [tilespmem:s0+$0xB7C0]  }
0x54a: {  	[tilespmem:$0x1F8F0] =	vst v61;
	v61 =	vld [tilespmem:s0+$0xB7E0]  }
0x54b: {  	[tilespmem:$0x1F980] =	vst v63;
	v63 =	vld [tilespmem:s0+$0xB7F0]  }
0x54c: {  	[tilespmem:$0x1F870] =	vst v52;
	v52 =	vld [tilespmem:s0+$0xBB90]  }
0x54d: {  	[tilespmem:$0x1F880] =	vst v53;
	v53 =	vld [tilespmem:s0+$0xBBB0]  }
0x54e: {  	[tilespmem:$0x1F970] =	vst v62;
	v62 =	vld [tilespmem:s0+$0xBBD0]  }
0x54f: {  	[tilespmem:$0x1F960] =	vst v32;
	v32 =	vld [tilespmem:s0+$0xB700]  }
0x550: {  	[tilespmem:$0x1F9B0] =	vst v33;
	v33 =	vld [tilespmem:s0+$0xB710]  }
0x551: {  	[tilespmem:$0x1F9A0] =	vst v7;
	v7 =	vld [tilespmem:s0+$0xB5B0]  }
0x552: {  	[tilespmem:$0x1F940] =	vst v8;
	v8 =	vld [tilespmem:s0+$0xB6A0]  }
0x553: {  	v4 =	vadd.f32 v4, v20;
	v20 =	vld [tilespmem:s0+$0xB6B0]  }
0x554: {  	v19 =	vadd.f32 v23, v19;
	v23 =	vld [tilespmem:s0+$0xB6D0]  }
0x555: {  	v16 =	vadd.f32 v24, v16;
	v24 =	vld [tilespmem:s0+$0xB640];
	v3 =	vadd.f32 v3, v4  }
0x556: {  	v4 =	vadd.f32 v22, v19;
	v19 =	vld [tilespmem:s0+$0xB730]  }
0x557: {  	v22 =	vld [tilespmem:s0+$0xB740];
	v3 =	vadd.f32 v18, v3  }
0x558: {  	v16 =	vadd.f32 v25, v16;
	v25 =	vld [tilespmem:s0+$0xB650];
	v4 =	vadd.f32 v21, v4  }
0x559: {  	v18 =	vld [tilespmem:s0+$0xB750];
	v3 =	vadd.f32 v32, v3  }
0x55a: {  	v7 =	vadd.f32 v7, v15;
	v15 =	vld [tilespmem:s0+$0xB720];
	v4 =	vadd.f32 v33, v4  }
0x55b: {  	v21 =	vld [tilespmem:s0+$0xB6C0];
	v3 =	vadd.f32 v11, v3  }
0x55c: {  	v33 =	vmov v41;
	v41 =	vld [tilespmem:s0+$0xB5C0];
	v7 =	vadd.f32 v30, v7;
	v4 =	vadd.f32 v12, v4  }
0x55d: {  	v8 =	vadd.f32 v8, v16;
	v12 =	vld [tilespmem:s0+$0xB5D0];
	v3 =	vadd.f32 v6, v3  }
0x55e: {  	v7 =	vadd.f32 v20, v7;
	v4 =	vadd.f32 v10, v4;
	v6 =	vld [tilespmem:s0+$0xB5E0]  }
0x55f: {  	v8 =	vadd.f32 v15, v8;
	v0 =	vadd.f32 v0, v3;
	v3 =	vld [tilespmem:s0+$0xB660]  }
0x560: {  	v7 =	vadd.f32 v19, v7;
	v2 =	vadd.f32 v2, v4;
	v4 =	vld [tilespmem:s0+$0xBA80]  }
0x561: {  	v8 =	vadd.f32 v17, v8;
	v17 =	vld [tilespmem:s0+$0xB9B0]  }
0x562: {  	v7 =	vadd.f32 v31, v7;
	v31 =	vmov v34;
	v34 =	vmov v42;
	v42 =	vld [tilespmem:s0+$0xB6F0]  }
0x563: {  	v32 =	vmov v40;
	v40 =	vadd.f32 v41, v29;
	v41 =	vadd.f32 v12, v28;
	v12 =	vld [tilespmem:s0+$0xB9A0]  }
0x564: {  	v5 =	vadd.f32 v5, v8;
	v8 =	vld [tilespmem:s0+$0xB5F0]  }
0x565: {  	v20 =	vadd.f32 v47, v0;
	v0 =	vld [tilespmem:s0+$0xB6E0]  }
0x566: {  	v19 =	vadd.f32 v48, v2;
	v48 =	vld [tilespmem:s0+$0xB760]  }
0x567: {  	v6 =	vadd.f32 v6, v35;
	v35 =	vld [tilespmem:s0+$0xBA00]  }
0x568: {  	v2 =	vadd.f32 v25, v41;
	v41 =	vld [tilespmem:s0+$0xB980]  }
0x569: {  	v7 =	vadd.f32 v9, v7;
	v1 =	vadd.f32 v1, v5;
	v5 =	vld [tilespmem:s0+$0xB670]  }
0x56a: {  	v3 =	vadd.f32 v3, v6;
	v6 =	vld [tilespmem:s0+$0xBB00]  }
0x56b: {  	v10 =	vadd.f32 v59, v7;
	v7 =	vld [tilespmem:s0+$0xBB10]  }
0x56c: {  	v2 =	vadd.f32 v23, v2;
	v16 =	vadd.f32 v49, v1;
	v49 =	vld [tilespmem:s0+$0xB770]  }
0x56d: {  	v1 =	vadd.f32 v24, v40;
	v40 =	vld [tilespmem:s0+$0xBA10]  }
0x56e: {  	v2 =	vadd.f32 v18, v2;
	v18 =	vld [tilespmem:s0+$0xBA20]  }
0x56f: {  	v47 =	vadd.f32 v8, v14;
	v14 =	vmov v37;
	v37 =	vld [tilespmem:s0+$0xBAD0]  }
0x570: {  	v1 =	vadd.f32 v21, v1;
	v21 =	vld [tilespmem:s0+$0xBA30]  }
0x571: {  	v0 =	vadd.f32 v0, v3;
	v2 =	vadd.f32 v13, v2;
	v13 =	vld [tilespmem:$0x1F870]  }
0x572: {  	v5 =	vadd.f32 v5, v47;
	v47 =	vld [tilespmem:$0x1F8B0]  }
0x573: {  	v0 =	vadd.f32 v48, v0;
	v48 =	vld [tilespmem:$0x1F8C0]  }
0x574: {  	v1 =	vadd.f32 v22, v1;
	v22 =	vld [tilespmem:$0x1F900]  }
0x575: {  	v15 =	vadd.f32 v54, v10;
	v54 =	vadd.f32 v42, v5;
	v5 =	vld [tilespmem:s0+$0xBA90]  }
0x576: {  	v42 =	vld [tilespmem:s0+$0xB990]  }
0x577: {  	v0 =	vadd.f32 v61, v0;
	v61 =	vmov v38;
	v2 =	vadd.f32 v57, v2;
	v38 =	vld [tilespmem:s0+$0xBAC0]  }
0x578: {  	v1 =	vadd.f32 v60, v1;
	v60 =	vld [tilespmem:$0x1F950]  }
0x579: {  	v2 =	vadd.f32 v45, v2;
	v45 =	vld [tilespmem:$0x1F890]  }
0x57a: {  	v3 =	vadd.f32 v49, v54;
	v49 =	vld [tilespmem:s0+$0xBAB0]  }
0x57b: {  	v54 =	vld [tilespmem:$0x1F8D0]  }
0x57c: {  	v0 =	vadd.f32 v56, v0;
	v56 =	vld [tilespmem:s0+$0xBB30];
	v1 =	vadd.f32 v55, v1  }
0x57d: {  	v55 =	vld [tilespmem:$0x1F8E0];
	v3 =	vadd.f32 v63, v3  }
0x57e: {  	v0 =	vadd.f32 v44, v0;
	v44 =	vld [tilespmem:s0+$0xBAA0];
	v1 =	vadd.f32 v43, v1  }
0x57f: {  	v43 =	vld [tilespmem:$0x1F880]  }
0x580: {  	v63 =	vld [tilespmem:$0x1F960];
	v3 =	vadd.f32 v58, v3;
	v29 =	vadd.f32 v13, v1  }
0x581: {  	v59 =	vmov v27;
	v58 =	vld [tilespmem:$0x1F940];
	v27 =	vadd.f32 v45, v0;
	v0 =	vadd.f32 v41, v47  }
0x582: {  	v9 =	vadd.f32 v12, v54;
	v3 =	vadd.f32 v46, v3;
	v46 =	vld [tilespmem:$0x1F8A0]  }
0x583: {  	v12 =	vld [tilespmem:s0+$0xBB20];
	v11 =	vadd.f32 v17, v55;
	v0 =	vadd.f32 v35, v0  }
0x584: {  	v13 =	vld [tilespmem:$0x1F910];
	v28 =	vadd.f32 v43, v2;
	v2 =	vadd.f32 v42, v48  }
0x585: {  	v45 =	vld [tilespmem:s0+$0xB9D0];
	v9 =	vadd.f32 v18, v9;
	v57 =	vadd.f32 v21, v11  }
0x586: {  	v17 =	vld [tilespmem:$0x1F8F0];
	v0 =	vadd.f32 v4, v0;
	v2 =	vadd.f32 v40, v2  }
0x587: {  	v30 =	vmovc v26;
	v18 =	vmov v36;
	v36 =	vld [tilespmem:s0+$0xBB40];
	v1 =	vadd.f32 v44, v9;
	v26 =	vadd.f32 v46, v3  }
0x588: {  	v35 =	vld [tilespmem:s0+$0xBB50];
	v3 =	vadd.f32 v49, v57;
	v2 =	vadd.f32 v5, v2  }
0x589: {  	p1 =	sne.s32 s3, $0xE000;
	v21 =	vld [tilespmem:$0x1F920];
	v0 =	vadd.f32 v6, v0;
	v1 =	vadd.f32 v12, v1  }
.Ltmp2:
0x58a: {  	v43 =	vld [tilespmem:s0+$0xBA50];
	v3 =	vadd.f32 v56, v3;
	v2 =	vadd.f32 v7, v2;
	(pc) =	sbr.rel @p1 .LBB2_7-.Ltmp2, $4  }
0x58b: {  	v44 =	vld [tilespmem:s0+$0xBA40];
	v0 =	vadd.f32 v50, v0;
	v1 =	vadd.f32 v51, v1  }
0x58c: {  	v12 =	vld [tilespmem:$0x1F930];
	v3 =	vadd.f32 v53, v3;
	v2 =	vadd.f32 v52, v2  }
0x58d: {  	v46 =	vld [tilespmem:s0+$0xB9C0];
	v55 =	vadd.f32 v58, v0;
	v53 =	vadd.f32 v60, v1  }
0x58e: {  	s3 =	sadd.s32 $0x2000, s3;
	v50 =	vadd.f32 v63, v3;
	v54 =	vadd.f32 v39, v2;
	v39 =	vld [tilespmem:s0+$0xB9E0]  }
0x58f: {  	v5 =	vld [tilespmem:s0+$0xB9F0]  }
0x590: {  	v1 =	vld @!p0 [tilespmem:s31+$0x2080]  }
0x591: {  	v2 =	vld [tilespmem:s0+$0xBA60]  }
0x592: {  	v6 =	vld [tilespmem:s0+$0xBA70]  }
0x593: {  	v24 =	vld [tilespmem:s0+$0xBAE0]  }
0x594: {  	v9 =	vld [tilespmem:s0+$0xBAF0]  }
0x595: {  	v0 =	vld [tilespmem:s0+$0xBB60];
	v3 =	vshll.u32 @!p0 v1, $0x1  }
0x596: {  	v11 =	vld [tilespmem:s0+$0xBB70];
	v4 =	vlaneseq.u32 @!p0;
	v1 =	vand.u32 @!p0 $0x7, v1;
	v3 =	vand.u32 @!p0 $0xFFFFFFF0, v3  }
0x597: {  	v48 =	vld [tilespmem:s0+$0xBBE0];
	v7 =	vand.u32 @!p0 $0x7, v4;
	v3 =	vor.u32 @!p0 v1, v3;
	v1 =	vshrl.u32 @!p0 v4, $0x3  }
0x598: {  	v23 =	vld [tilespmem:s0+$0xBBF0];
	v8 =	vperm.xlane @!p0 v3, v7;
	v10 =	vmul.u32 @!p0 $0x8, v1  }
0x599: {  	v49 =	vld [tilespmem:s0+$0xBC60];
	v4 =	vor.u32 @!p0 $0x8, v4  }
0x59a: {  	v51 =	vld [tilespmem:s0+$0xBCE0];
	v3 =	vperm.xlane @!p0 v3, v4;
	v8 =	vadd.s32 @!p0 v10, v8  }
0x59b: {  	v25 =	vld [tilespmem:s0+$0xBCF0]  }
0x59c: {  	v52 =	vld [tilespmem:s0+$0xBD60];
	v3 =	vadd.s32 @!p0 v10, v3  }
0x59d: {  	v47 =	vld [tilespmem:s0+$0xBD70]  }
0x59e: {  	s3 =	simm.s32 @!p0 $0xB580;
	v1 =	vld [tilespmem:s0+$0xBC70];
	s0 =	simm.s32 @!p0 $0x0  }
0x59f: {  	[tilespmem:s3], [sflag:$0x3] =	stream.indirect_vreg.gather @!p0 [hbm4b:s1+s0], $0x80, v8, vm1, $0xb8;
	[tilespmem:$0x15580] =	vst v63  }
0x5a0: {  	s3 =	simm.s32 @!p0 $0xBD80  }
0x5a1: {  	[tilespmem:s3], [sflag:$0x3] =	stream.indirect_vreg.gather @!p0 [hbm4b:s1+s0], $0x80, v3, vm1, $0xb8;
	[tilespmem:$0x15580] =	vst v63  }
0x5a2: {  	v3 =	vld @!p0 [tilespmem:s31+$0x2090];
	_ =	sdelay $0x4  }
0x5a3: {  	v8 =	vshll.u32 @!p0 v3, $0x1  }
0x5a4: {  	v3 =	vand.u32 @!p0 $0x7, v3;
	v8 =	vand.u32 @!p0 $0xFFFFFFF0, v8  }
0x5a5: {  	v3 =	vor.u32 @!p0 v3, v8  }
0x5a6: {  	v8 =	vperm.xlane @!p0 v3, v7;
	_ =	sdelay $0x1  }
0x5a7: {  	v3 =	vperm.xlane @!p0 v3, v4;
	v8 =	vadd.s32 @!p0 v10, v8;
	_ =	sdelay $0x1  }
0x5a8: {  	v3 =	vadd.s32 @!p0 v10, v3;
	_ =	sdelay $0x1  }
0x5a9: {  	s3 =	simm.s32 @!p0 $0xC580  }
0x5aa: {  	[tilespmem:s3], [sflag:$0x3] =	stream.indirect_vreg.gather @!p0 [hbm4b:s1+s0], $0x80, v8, vm1, $0xb8;
	[tilespmem:$0x15580] =	vst v63  }
0x5ab: {  	s3 =	simm.s32 @!p0 $0xCD80  }
0x5ac: {  	[tilespmem:s3], [sflag:$0x3] =	stream.indirect_vreg.gather @!p0 [hbm4b:s1+s0], $0x80, v3, vm1, $0xb8;
	[tilespmem:$0x15580] =	vst v63  }
0x5ad: {  	v3 =	vld @!p0 [tilespmem:s31+$0x20A0];
	_ =	sdelay $0x4  }
0x5ae: {  	v8 =	vshll.u32 @!p0 v3, $0x1  }
0x5af: {  	v3 =	vand.u32 @!p0 $0x7, v3;
	v8 =	vand.u32 @!p0 $0xFFFFFFF0, v8  }
0x5b0: {  	v3 =	vor.u32 @!p0 v3, v8  }
0x5b1: {  	v8 =	vperm.xlane @!p0 v3, v7;
	_ =	sdelay $0x1  }
0x5b2: {  	v3 =	vperm.xlane @!p0 v3, v4;
	v8 =	vadd.s32 @!p0 v10, v8;
	_ =	sdelay $0x1  }
0x5b3: {  	v3 =	vadd.s32 @!p0 v10, v3;
	_ =	sdelay $0x1  }
0x5b4: {  	s3 =	simm.s32 @!p0 $0xD580  }
0x5b5: {  	[tilespmem:s3], [sflag:$0x3] =	stream.indirect_vreg.gather @!p0 [hbm4b:s1+s0], $0x80, v8, vm1, $0xb8;
	[tilespmem:$0x15580] =	vst v63  }
0x5b6: {  	s3 =	simm.s32 @!p0 $0xDD80  }
0x5b7: {  	[tilespmem:s3], [sflag:$0x3] =	stream.indirect_vreg.gather @!p0 [hbm4b:s1+s0], $0x80, v3, vm1, $0xb8;
	[tilespmem:$0x15580] =	vst v63  }
0x5b8: {  	v3 =	vld @!p0 [tilespmem:s31+$0x20B0];
	_ =	sdelay $0x4  }
0x5b9: {  	v8 =	vshll.u32 @!p0 v3, $0x1  }
0x5ba: {  	v3 =	vand.u32 @!p0 $0x7, v3;
	v8 =	vand.u32 @!p0 $0xFFFFFFF0, v8  }
0x5bb: {  	v3 =	vor.u32 @!p0 v3, v8  }
0x5bc: {  	v7 =	vperm.xlane @!p0 v3, v7;
	_ =	sdelay $0x1  }
0x5bd: {  	v3 =	vperm.xlane @!p0 v3, v4;
	v4 =	vadd.s32 @!p0 v10, v7;
	_ =	sdelay $0x1  }
0x5be: {  	v3 =	vadd.s32 @!p0 v10, v3;
	_ =	sdelay $0x1  }
0x5bf: {  	s3 =	simm.s32 @!p0 $0xE580  }
0x5c0: {  	[tilespmem:s3], [sflag:$0x3] =	stream.indirect_vreg.gather @!p0 [hbm4b:s1+s0], $0x80, v4, vm1, $0xb8;
	[tilespmem:$0x15580] =	vst v63  }
0x5c1: {  	s3 =	simm.s32 @!p0 $0xED80  }
0x5c2: {  	[tilespmem:s3], [sflag:$0x3] =	stream.indirect_vreg.gather @!p0 [hbm4b:s1+s0], $0x80, v3, vm1, $0xb8;
	[tilespmem:$0x15580] =	vst v63  }
0x5c3: {  	s31 =	sshll.u32 s29, $0x8;
	s3 =	sshll.u32 s29, $0x7  }
0x5c4: {  	s0 =	sand.u32 $0x380, s3;
	s3 =	sand.u32 $0x3FFFF800, s31  }
0x5c5: {  	s3 =	sor.u32 s0, s3  }
0x5c6: {  	v3 =	vld [tilespmem:s3+$0xF580];
	_ =	sdelay $0x1  }
0x5c7: {  	s29 =	sshll.u32 s29, $0x9  }
0x5c8: {  	s29 =	sand.u32 $0x3FFFF000, s29  }
0x5c9: {  	s0 =	sor.u32 s0, s29  }
0x5ca: {  	[tilespmem:s0+$0x11580] =	vst v3  }
0x5cb: {  	v3 =	vld [tilespmem:$0x3480];
	_ =	sdelay $0x4  }
0x5cc: {  	v3 =	vmul.f32 v3, v20  }
0x5cd: {  	s0 =	sadd.s32 $0x11580, s0  }
0x5ce: {  	[tilespmem:s0+$0x800] =	vst v3  }
0x5cf: {  	v3 =	vld [tilespmem:s3+$0xF590];
	_ =	sdelay $0x4  }
0x5d0: {  	[tilespmem:s0+$0x10] =	vst v3  }
0x5d1: {  	v3 =	vld [tilespmem:$0x3490];
	_ =	sdelay $0x4  }
0x5d2: {  	v3 =	vmul.f32 v3, v19;
	_ =	sdelay $0x1  }
0x5d3: {  	[tilespmem:s0+$0x810] =	vst v3  }
0x5d4: {  	v3 =	vld [tilespmem:s3+$0xF5A0];
	_ =	sdelay $0x4  }
0x5d5: {  	[tilespmem:s0+$0x20] =	vst v3  }
0x5d6: {  	v3 =	vld [tilespmem:$0x34A0];
	_ =	sdelay $0x4  }
0x5d7: {  	v3 =	vmul.f32 v3, v16;
	_ =	sdelay $0x1  }
0x5d8: {  	[tilespmem:s0+$0x820] =	vst v3  }
0x5d9: {  	v3 =	vld [tilespmem:s3+$0xF5B0];
	_ =	sdelay $0x4  }
0x5da: {  	[tilespmem:s0+$0x30] =	vst v3  }
0x5db: {  	v3 =	vld [tilespmem:$0x34B0];
	_ =	sdelay $0x4  }
0x5dc: {  	v3 =	vmul.f32 v3, v15;
	_ =	sdelay $0x1  }
0x5dd: {  	[tilespmem:s0+$0x830] =	vst v3  }
0x5de: {  	v3 =	vld [tilespmem:s3+$0xF5C0];
	_ =	sdelay $0x4  }
0x5df: {  	[tilespmem:s0+$0x40] =	vst v3  }
0x5e0: {  	v3 =	vld [tilespmem:$0x34C0];
	_ =	sdelay $0x4  }
0x5e1: {  	v3 =	vmul.f32 v3, v29;
	_ =	sdelay $0x1  }
0x5e2: {  	[tilespmem:s0+$0x840] =	vst v3  }
0x5e3: {  	v3 =	vld [tilespmem:s3+$0xF5D0];
	_ =	sdelay $0x4  }
0x5e4: {  	[tilespmem:s0+$0x50] =	vst v3  }
0x5e5: {  	v3 =	vld [tilespmem:$0x34D0];
	_ =	sdelay $0x4  }
0x5e6: {  	v3 =	vmul.f32 v3, v28;
	_ =	sdelay $0x1  }
0x5e7: {  	[tilespmem:s0+$0x850] =	vst v3  }
0x5e8: {  	v3 =	vld [tilespmem:s3+$0xF5E0];
	_ =	sdelay $0x4  }
0x5e9: {  	[tilespmem:s0+$0x60] =	vst v3  }
0x5ea: {  	v3 =	vld [tilespmem:$0x34E0];
	_ =	sdelay $0x4  }
0x5eb: {  	v3 =	vmul.f32 v3, v27;
	_ =	sdelay $0x1  }
0x5ec: {  	[tilespmem:s0+$0x860] =	vst v3  }
0x5ed: {  	v3 =	vld [tilespmem:s3+$0xF5F0];
	_ =	sdelay $0x4  }
0x5ee: {  	[tilespmem:s0+$0x70] =	vst v3  }
0x5ef: {  	v3 =	vld [tilespmem:$0x34F0];
	_ =	sdelay $0x4  }
0x5f0: {  	v3 =	vmul.f32 v3, v26;
	_ =	sdelay $0x1  }
0x5f1: {  	[tilespmem:s0+$0x870] =	vst v3  }
0x5f2: {  	v3 =	vld [tilespmem:s3+$0xF980];
	_ =	sdelay $0x1  }
0x5f3: {  	v40 =	vld [tilespmem:$0x1F970];
	_ =	sdelay $0x2  }
0x5f4: {  	[tilespmem:s0+$0x400] =	vst v3  }
0x5f5: {  	v3 =	vld [tilespmem:$0x3500]  }
0x5f6: {  	v4 =	vadd.f32 v40, v55;
	_ =	sdelay $0x1  }
0x5f7: {  	v4 =	vadd.f32 v30, v4;
	_ =	sdelay $0x1  }
0x5f8: {  	v3 =	vmul.f32 v3, v4;
	_ =	sdelay $0x1  }
0x5f9: {  	[tilespmem:s0+$0xC00] =	vst v3  }
0x5fa: {  	v3 =	vld [tilespmem:s3+$0xF990];
	_ =	sdelay $0x1  }
0x5fb: {  	v41 =	vld [tilespmem:$0x1F980];
	_ =	sdelay $0x2  }
0x5fc: {  	[tilespmem:s0+$0x410] =	vst v3  }
0x5fd: {  	v3 =	vld [tilespmem:$0x3510]  }
0x5fe: {  	v4 =	vadd.f32 v41, v54;
	_ =	sdelay $0x1  }
0x5ff: {  	v4 =	vadd.f32 v21, v4;
	_ =	sdelay $0x1  }
0x600: {  	v3 =	vmul.f32 v3, v4;
	_ =	sdelay $0x1  }
0x601: {  	[tilespmem:s0+$0xC10] =	vst v3  }
0x602: {  	v3 =	vld [tilespmem:s3+$0xF9A0];
	_ =	sdelay $0x1  }
0x603: {  	v42 =	vld [tilespmem:$0x1F990];
	_ =	sdelay $0x2  }
0x604: {  	[tilespmem:s0+$0x420] =	vst v3  }
0x605: {  	v3 =	vld [tilespmem:$0x3520]  }
0x606: {  	v4 =	vadd.f32 v42, v53;
	_ =	sdelay $0x1  }
0x607: {  	v4 =	vadd.f32 v13, v4;
	_ =	sdelay $0x1  }
0x608: {  	v3 =	vmul.f32 v3, v4;
	_ =	sdelay $0x1  }
0x609: {  	[tilespmem:s0+$0xC20] =	vst v3  }
0x60a: {  	v3 =	vld [tilespmem:s3+$0xF9B0];
	_ =	sdelay $0x1  }
0x60b: {  	v54 =	vld [tilespmem:$0x1F9A0];
	_ =	sdelay $0x2  }
0x60c: {  	[tilespmem:s0+$0x430] =	vst v3  }
0x60d: {  	v3 =	vld [tilespmem:$0x3530]  }
0x60e: {  	v4 =	vadd.f32 v54, v50;
	_ =	sdelay $0x1  }
0x60f: {  	v55 =	vadd.f32 v46, v61;
	v4 =	vadd.f32 v12, v4;
	_ =	sdelay $0x1  }
0x610: {  	v7 =	vadd.f32 v44, v55;
	v3 =	vmul.f32 v3, v4  }
0x611: {  	v57 =	vld [tilespmem:$0x1F9B0]  }
0x612: {  	v56 =	vadd.f32 v38, v7;
	[tilespmem:s0+$0xC30] =	vst v3  }
0x613: {  	v3 =	vld [tilespmem:s3+$0xF9C0]  }
0x614: {  	v4 =	vadd.f32 v36, v56;
	_ =	sdelay $0x1  }
0x615: {  	v4 =	vadd.f32 v57, v4;
	_ =	sdelay $0x1  }
0x616: {  	v4 =	vadd.f32 v33, v4;
	[tilespmem:s0+$0x440] =	vst v3  }
0x617: {  	v3 =	vld [tilespmem:$0x3540]  }
0x618: {  	v4 =	vadd.f32 v14, v4;
	_ =	sdelay $0x1  }
0x619: {  	v58 =	vadd.f32 v45, v59;
	v4 =	vadd.f32 v22, v4;
	_ =	sdelay $0x1  }
0x61a: {  	v7 =	vadd.f32 v43, v58;
	v3 =	vmul.f32 v3, v4;
	_ =	sdelay $0x1  }
0x61b: {  	v59 =	vadd.f32 v37, v7;
	[tilespmem:s0+$0xC40] =	vst v3  }
0x61c: {  	v3 =	vld [tilespmem:s3+$0xF9D0]  }
0x61d: {  	v4 =	vadd.f32 v35, v59;
	_ =	sdelay $0x1  }
0x61e: {  	v4 =	vadd.f32 v62, v4;
	_ =	sdelay $0x1  }
0x61f: {  	v4 =	vadd.f32 v31, v4;
	[tilespmem:s0+$0x450] =	vst v3  }
0x620: {  	v3 =	vld [tilespmem:$0x3550]  }
0x621: {  	v4 =	vadd.f32 v18, v4;
	_ =	sdelay $0x1  }
0x622: {  	v60 =	vadd.f32 v39, v34;
	v4 =	vadd.f32 v17, v4;
	_ =	sdelay $0x1  }
0x623: {  	v2 =	vadd.f32 v2, v60;
	v3 =	vmul.f32 v3, v4;
	_ =	sdelay $0x1  }
0x624: {  	v2 =	vadd.f32 v24, v2;
	[tilespmem:s0+$0xC50] =	vst v3  }
0x625: {  	v3 =	vld [tilespmem:s3+$0xF9E0]  }
0x626: {  	v0 =	vadd.f32 v0, v2;
	_ =	sdelay $0x1  }
0x627: {  	v0 =	vadd.f32 v48, v0;
	_ =	sdelay $0x1  }
0x628: {  	v0 =	vadd.f32 v49, v0;
	[tilespmem:s0+$0x460] =	vst v3  }
0x629: {  	v61 =	vld [tilespmem:$0x3560]  }
0x62a: {  	v0 =	vadd.f32 v51, v0;
	_ =	sdelay $0x1  }
0x62b: {  	v0 =	vadd.f32 v52, v0;
	v62 =	vadd.f32 v5, v32;
	_ =	sdelay $0x1  }
0x62c: {  	v3 =	vadd.f32 v6, v62;
	v0 =	vmul.f32 v61, v0;
	_ =	sdelay $0x1  }
0x62d: {  	v63 =	vadd.f32 v9, v3;
	[tilespmem:s0+$0xC60] =	vst v0  }
0x62e: {  	v0 =	vld [tilespmem:s3+$0xF9F0]  }
0x62f: {  	v2 =	vadd.f32 v11, v63;
	_ =	sdelay $0x1  }
0x630: {  	v2 =	vadd.f32 v23, v2;
	_ =	sdelay $0x1  }
0x631: {  	v1 =	vadd.f32 v1, v2;
	[tilespmem:s0+$0x470] =	vst v0  }
0x632: {  	v0 =	vld [tilespmem:$0x3570]  }
0x633: {  	v1 =	vadd.f32 v25, v1  }
0x634: {  	p0 =	sne.s32 s30, $0x20  }
.Ltmp3:
0x635: {  	v1 =	vadd.f32 v47, v1;
	(pc) =	sbr.rel @p0 .LBB2_2-.Ltmp3, $3  }
0x636: {  	_ = 	snop  }
0x637: {  	v0 =	vmul.f32 v0, v1;
	_ =	sdelay $0x1  }
0x638: {  	s29 =	smov.u32 s30;
	[tilespmem:s0+$0xC70] =	vst v0  }
0x639: {  	s28 =	sadd.s32 $0x1, s28  }
0x63a: {  	p0 =	sne.s32 s28, s10  }
.Ltmp4:
0x63b: {  	_ = 	snop;
	(pc) =	sbr.rel @p0 .LBB2_1-.Ltmp4, $4  }
0x63c: {  	[hbm4b:s9+s4] =	stream.linear.scatter [tilespmem:s26], [sflag:$0x5], $0x4000, $0x38;
	[tilespmem:$0x15580] =	vst v63  }
0x63d: {  	_ =	swait.ge [sflag:s11], $0x4000  }
0x63e: {  	[sflag:s11] =	ssyncset.done $0x0  }
0x63f: {  	[sflag:s11] =	ssyncadd.s32 $0xFFFFC000  }
0x640: {  	_ =	sfence.sel $0x180000  }
0x641: {  	[bflag:$0x0] =	sbarrier.arrive $0xFFFF  }
0x642: {  	_ =	strace $0x90000047  }
0x643: {  	s0 =	stileid.u32;
	[bflag:$0x2] =	sbarrier.arrive $0xFFFF  }
0x644: {  	p0 =	sne.s32 s0, $0x0;
	s0 =	rddreg [dreg:$0x5]  }
0x645: {  	s0 =	sadd.s32 @!p0 $0x100000, s0  }
0x646: {  	[sflag:s0] =	ssyncadd.tile.s32 @!p0 $0x1;
	_ =	shalt  }
.Lfunc_end2:
_tile_overlayer_lowered:
.L_overlay_start_2:
0x647: {  	(tag) =	ssettag $0x2  }
0x648: {  	s0 =	rddreg [dreg:$0x0];
	s2 =	stileid.u32  }
0x649: {  	s1 =	rddreg [dreg:$0x1];
	p0 =	sne.s32 s2, $0x0  }
0x64a: {  	s3 =	rddreg [dreg:$0x2];
	[bflag:$0x3] =	sbarrier.arrive $0xFFFF;
	s2 =	simm.s32 @!p0 $0x1C05  }
0x64b: {  	[timem:s3], [sflag:s2] =	dma.local @!p0 [hbm:s0], s1  }
0x64c: {  	s0 =	simm.s32 @!p0 $0x5  }
0x64d: {  	_ =	swait.ge @!p0 [sflag:s0], s1  }
0x64e: {  	s1 =	ssub.s32 @!p0 $0x0, s1;
	[sflag:s0] =	ssyncset.done @!p0 $0x0  }
0x64f: {  	[sflag:s0] =	ssyncadd.s32 @!p0 s1  }
0x650: {  	[bflag:$0x3] =	sbarrier.arrive $0xFFFF  }
0x651: {  	_ =	shalt  }

</sc_bundles>
